<compile_context>
chip_gen: v7x
topology: tpu7x:2x2x1
jax: 0.10.2.dev20260603
libtpu: 0.0.44.dev20260713+nightly
codegen_flags: <defaults>
</compile_context>

<pallas_src>
import functools

import jax
import jax.numpy as jnp
from jax import lax
from jax.experimental import pallas as pl
from jax.experimental.pallas import tpu as pltpu
from jax.experimental.pallas import tpu_sc as plsc

B = 16
P1 = 6890
P2 = 4096
L = 16
P1PAD = 6912
BIG = 3.0e38
PAD_COORD = 1.0e6

NSC = 4
NTC = B - NSC
W = 32 // NSC
BPS = NSC // 2
ROWS = P1PAD // W
NBLK = ROWS // L
U = 6 if NBLK % 6 == 0 else (4 if NBLK % 4 == 0 else 3)
NG = NBLK // U
JW = P2 // W

_mesh = plsc.VectorSubcoreMesh(core_axis_name="c", subcore_axis_name="s")


def _rne_bf16(x):
    u = plsc.bitcast(x, jnp.uint32)
    r = (u + jnp.uint32(0x7FFF) + ((u >> jnp.uint32(16)) & jnp.uint32(1)))
    r = r & jnp.uint32(0xFFFF0000)
    return plsc.bitcast(r, jnp.float32)


@functools.partial(
    pl.kernel,
    mesh=_mesh,
    compiler_params=pltpu.CompilerParams(needs_layout_passes=False),
    out_type=jax.ShapeDtypeStruct((32, 4, L), jnp.float32),
    scratch_types=[
        pltpu.VMEM((4, ROWS), jnp.float32),
        pltpu.VMEM((P2,), jnp.float32),
        pltpu.VMEM((P2,), jnp.float32),
        pltpu.VMEM((P2,), jnp.float32),
        pltpu.VMEM((P2,), jnp.float32),
        pltpu.VMEM((ROWS,), jnp.float32),
        pltpu.VMEM((P2,), jnp.float32),
        pltpu.VMEM((P2 * L,), jnp.float32),
        pltpu.VMEM((P2,), jnp.float32),
        pltpu.VMEM((JW,), jnp.float32),
        pltpu.VMEM_SHARED((L, P2), jnp.float32),
        pltpu.VMEM((4, L), jnp.float32),
    ],
)
def _sc_loss(smpl_hbm, obj_hbm, out_hbm,
             s_buf, oa, ob, oc, ocmv, sn, on, cml, cpart, pbuf, shared, outv):
    c = lax.axis_index("c")
    s = lax.axis_index("s")
    w = c * 16 + s
    batch = c * BPS + s // W
    sl_id = s % W

    pltpu.sync_copy(smpl_hbm.at[w], s_buf)
    pltpu.sync_copy(obj_hbm.at[batch, 0], oa)
    pltpu.sync_copy(obj_hbm.at[batch, 1], ob)
    pltpu.sync_copy(obj_hbm.at[batch, 2], oc)
    pltpu.sync_copy(obj_hbm.at[batch, 3], ocmv)

    def sn_body(i, _):
        sl = pl.ds(i * L, L)
        x = s_buf[0, sl]
        y = s_buf[1, sl]
        z = s_buf[2, sl]
        sn[sl] = x * x + y * y + z * z
        s_buf[0, sl] = _rne_bf16(x)
        s_buf[1, sl] = _rne_bf16(y)
        s_buf[2, sl] = _rne_bf16(z)
        return 0

    lax.fori_loop(0, NBLK, sn_body, 0)

    def on_body(j, _):
        sl = pl.ds(j * L, L)
        x = oa[sl]
        y = ob[sl]
        z = oc[sl]
        on[sl] = x * x + y * y + z * z
        oa[sl] = -2.0 * _rne_bf16(x)
        ob[sl] = -2.0 * _rne_bf16(y)
        oc[sl] = -2.0 * _rne_bf16(z)
        return 0

    lax.fori_loop(0, P2 // L, on_body, 0)

    big = jnp.full((L,), BIG, jnp.float32)

    def cml_init(j, _):
        cml[pl.ds(j * L, L)] = big
        return 0

    lax.fori_loop(0, P2, cml_init, 0)

    def group_body(g, accs):
        row_acc, den_acc = accs
        base = g * (U * L)
        xs, ys, zs, sns = [], [], [], []
        for u in range(U):
            sl = pl.ds(base + u * L, L)
            xs.append(s_buf[0, sl])
            ys.append(s_buf[1, sl])
            zs.append(s_buf[2, sl])
            sns.append(sn[sl])

        def jc_body(jc, rms):
            sl = pl.ds(jc * L, L)
            avec = oa[sl]
            bvec = ob[sl]
            cvec = oc[sl]
            svec = on[sl]
            for l in range(L):
                a = avec[l]
                b = bvec[l]
                cc = cvec[l]
                sj = svec[l]
                d = [None] * U
                for u in range(U):
                    d[u] = (sns[u] + sj) + xs[u] * a + ys[u] * b + zs[u] * cc
                m = d[0]
                for u in range(1, U):
                    m = jnp.minimum(m, d[u])
                csl = pl.ds(jc * (L * L) + l * L, L)
                cml[csl] = jnp.minimum(cml[csl], m)
                rms = tuple(jnp.minimum(rms[u], d[u]) for u in range(U))
            return rms

        rms = plsc.parallel_loop(0, P2 // L, carry=(big,) * U, unroll=4)(jc_body)
        for u in range(U):
            sl = pl.ds(base + u * L, L)
            scm = s_buf[3, sl]
            row_acc = row_acc + scm * jnp.maximum(rms[u], 0.0)
            den_acc = den_acc + scm
        return row_acc, den_acc

    zero = jnp.zeros((L,), jnp.float32)
    row_acc, rowden_acc = lax.fori_loop(0, NG, group_body, (zero, zero))

    lanes = lax.iota(jnp.int32, L)

    def red_body(jg):
        acc = zero
        for l in range(L):
            row = cml[pl.ds((jg * L + l) * L, L)]
            acc = jnp.where(lanes == l, jnp.min(row), acc)
        cpart[pl.ds(jg * L, L)] = acc

    plsc.parallel_loop(0, P2 // L, unroll=2)(red_body)

    pltpu.sync_copy(cpart, shared.at[s])
    plsc.subcore_barrier()
    jbase = sl_id * JW
    grp = (s // W) * W

    for p in range(W):
        peer = grp + p

        @pl.when(peer != s)
        def _():
            pltpu.sync_copy(shared.at[peer, pl.ds(jbase, JW)], pbuf)

            def min_body(k, _):
                sl = pl.ds(jbase + k * L, L)
                cpart[sl] = jnp.minimum(cpart[sl], pbuf[pl.ds(k * L, L)])
                return 0

            lax.fori_loop(0, JW // L, min_body, 0)

    def comb_body(k, accs):
        obj_acc, oden_acc = accs
        sl = pl.ds(jbase + k * L, L)
        v = jnp.maximum(cpart[sl], 0.0)
        ocm_vec = ocmv[sl]
        return obj_acc + ocm_vec * v, oden_acc + ocm_vec

    obj_acc, objden_acc = lax.fori_loop(0, JW // L, comb_body, (zero, zero))

    outv[0, :] = row_acc
    outv[1, :] = rowden_acc
    outv[2, :] = obj_acc
    outv[3, :] = objden_acc
    pltpu.sync_copy(outv, out_hbm.at[w])


TI = 768
NI = P1PAD // TI


def _tc_body(x_ref, y_ref, scm_ref, ocm_ref, out_ref, colmin_ref):
    ni = pl.program_id(1)

    x = x_ref[0]
    y = y_ref[0]
    x2 = jnp.sum(x * x, axis=0)[:, None]
    y2 = jnp.sum(y * y, axis=0)[None, :]
    xy = jax.lax.dot_general(
        x, y, (((0,), (0,)), ((), ())), preferred_element_type=jnp.float32
    )
    d = x2 + y2 - 2.0 * xy

    @pl.when(ni == 0)
    def _init():
        colmin_ref[...] = jnp.full_like(colmin_ref, jnp.inf)
        out_ref[0, 0, 0] = 0.0
        out_ref[0, 0, 1] = 0.0
        out_ref[0, 0, 2] = 0.0
        out_ref[0, 0, 3] = 0.0

    scm = scm_ref[0, 0]
    rowmin = jnp.maximum(jnp.min(d, axis=1), 0.0)
    out_ref[0, 0, 0] += jnp.sum(scm * rowmin)
    out_ref[0, 0, 1] += jnp.sum(scm)

    colmin_ref[...] = jnp.minimum(colmin_ref[...], jnp.min(d, axis=0, keepdims=True))

    @pl.when(ni == NI - 1)
    def _fini():
        ocm = ocm_ref[0, 0]
        colmin = jnp.maximum(colmin_ref[0], 0.0)
        out_ref[0, 0, 2] = jnp.sum(ocm * colmin)
        out_ref[0, 0, 3] = jnp.sum(ocm)


def _tc_loss(xpad, object_v, scm, ocm, nb):
    parts = pl.pallas_call(
        _tc_body,
        grid=(nb, NI),
        in_specs=[
            pl.BlockSpec((1, 3, TI), lambda b, i: (b, 0, i)),
            pl.BlockSpec((1, 3, P2), lambda b, i: (b, 0, 0)),
            pl.BlockSpec((1, 1, TI), lambda b, i: (b, 0, i)),
            pl.BlockSpec((1, 1, P2), lambda b, i: (b, 0, 0)),
        ],
        out_specs=pl.BlockSpec((1, 1, 4), lambda b, i: (b, 0, 0),
                               memory_space=pltpu.SMEM),
        out_shape=jax.ShapeDtypeStruct((nb, 1, 4), jnp.float32),
        scratch_shapes=[pltpu.VMEM((1, P2), jnp.float32)],
    )(xpad, object_v, scm, ocm)
    parts = parts[:, 0]
    return jnp.sum(parts[:, 0] / (parts[:, 1] + 1e-6)
                   + parts[:, 2] / (parts[:, 3] + 1e-6))


@jax.jit
def kernel(smpl_v, object_v, smpl_contact_maps, object_contact_maps):
    xt = smpl_v.transpose(0, 2, 1)
    xT = jnp.pad(xt, ((0, 0), (0, 0), (0, P1PAD - P1)),
                 constant_values=PAD_COORD)
    yT = object_v.transpose(0, 2, 1)
    scm = jnp.pad(smpl_contact_maps[..., 0], ((0, 0), (0, P1PAD - P1)))
    ocm = object_contact_maps[..., 0]

    smpl4 = jnp.concatenate([xT[NTC:], scm[NTC:, None, :]], axis=1)
    smpl4 = smpl4.reshape(NSC, 4, W, ROWS).transpose(0, 2, 1, 3)
    smpl4 = smpl4.reshape(2, 16, 4, ROWS).reshape(32, 4, ROWS)

    obj4 = jnp.concatenate([yT[NTC:], ocm[NTC:, None, :]], axis=1)

    parts = _sc_loss(smpl4, obj4)
    parts = parts.sum(axis=2).reshape(NSC, W, 4).sum(axis=1)
    loss_sc = jnp.sum(parts[:, 0] / (parts[:, 1] + 1e-6)
                      + parts[:, 2] / (parts[:, 3] + 1e-6))

    loss_tc = _tc_loss(xT[:NTC], yT[:NTC],
                       scm[:NTC, None, :], ocm[:NTC, None, :], NTC)

    return (loss_tc + loss_sc) / B

# --- scband reference (transcript-rebuilt; emitter-appended) ---
"""Pipeline reference for scband-hoicontact-loss-84963043049837 (READ-ONLY COPY).

The authoritative reference and input builder live on the scoring server;
editing this copy changes nothing except your own understanding.
"""

import jax, jax.numpy as jnp
import numpy as np

B = 16
P1 = 6890  # SMPL vertex count
P2 = 4096  # object vertex count (object_verts_n[i] == P2 for all i, homogeneous)


def setup_inputs(seed: int = 0) -> dict:
    key = jax.random.key(seed)
    k1, k2, k3, k4 = jax.random.split(key, 4)
    smpl_v = jax.random.normal(k1, (B, P1, 3), dtype=jnp.float32)
    object_v = jax.random.normal(k2, (B, P2, 3), dtype=jnp.float32)
    # learned/buffer parameters from __init__
    smpl_contact_maps = jax.random.uniform(k3, (B, P1, 1), dtype=jnp.float32)
    object_contact_maps = jax.random.uniform(k4, (B, P2, 1), dtype=jnp.float32)
    return {
        "smpl_v": smpl_v,
        "object_v": object_v,
        "smpl_contact_maps": smpl_contact_maps,
        "object_contact_maps": object_contact_maps,
    }


def _chamfer_min(x, y):
    # x: [P1, 3], y: [P2, 3]; brute-force KNN with K=1 (squared euclidean),
    # matching pytorch3d knn_points dists semantics.
    x2 = jnp.sum(x * x, axis=-1)[:, None]
    y2 = jnp.sum(y * y, axis=-1)[None, :]
    d = x2 + y2 - 2.0 * (x @ y.T)
    d = jnp.maximum(d, 0.0)
    cham_x = jnp.min(d, axis=1)  # [P1] nearest object point for each smpl vert
    cham_y = jnp.min(d, axis=0)  # [P2] nearest smpl point for each object vert
    return cham_x, cham_y


def reference(smpl_v, object_v, smpl_contact_maps, object_contact_maps):
    batch_size = smpl_v.shape[0]
    contact_loss = 0.0
    for i in range(batch_size):
        smpl_d, object_d = _chamfer_min(smpl_v[i], object_v[i])  # object_verts_n[i] == P2
        scm = smpl_contact_maps[i][:, 0]
        ocm = object_contact_maps[i][:, 0]
        smpl_contact_loss = scm * smpl_d
        object_contact_loss = ocm * object_d
        contact_loss = contact_loss + (
            jnp.sum(smpl_contact_loss) / (jnp.sum(smpl_contact_maps[i]) + 1e-6)
            + jnp.sum(object_contact_loss) / (jnp.sum(object_contact_maps[i]) + 1e-6)
        )
    return contact_loss / batch_size

if __name__ == "__main__":
    import jax
    _d = setup_inputs()
    print(jax.jit(kernel)(*tuple(_d.values())))

</pallas_src>

<mosaic_0001>
#map = affine_map<(d0, d1) -> (0, 0, 0)>
module attributes {stable_mosaic.version = 14 : i64} {
  func.func @_sc_loss(%arg0: i32, %arg1: i32, %arg2: memref<32x4x864xf32, #tpu.memory_space<hbm>>, %arg3: memref<4x4x4096xf32, #tpu.memory_space<hbm>>, %arg4: memref<32x4x16xf32, #tpu.memory_space<hbm>>, %arg5: memref<4x864xf32, #tpu.memory_space<vmem>>, %arg6: memref<4096xf32, #tpu.memory_space<vmem>>, %arg7: memref<4096xf32, #tpu.memory_space<vmem>>, %arg8: memref<4096xf32, #tpu.memory_space<vmem>>, %arg9: memref<4096xf32, #tpu.memory_space<vmem>>, %arg10: memref<864xf32, #tpu.memory_space<vmem>>, %arg11: memref<4096xf32, #tpu.memory_space<vmem>>, %arg12: memref<65536xf32, #tpu.memory_space<vmem>>, %arg13: memref<4096xf32, #tpu.memory_space<vmem>>, %arg14: memref<512xf32, #tpu.memory_space<vmem>>, %arg15: memref<16x4096xf32, #tpu.memory_space<vmem_shared>>, %arg16: memref<4x16xf32, #tpu.memory_space<vmem>>) attributes {dimension_semantics = [#tpu.dimension_semantics<core_parallel>, #tpu.dimension_semantics<subcore_parallel>], iteration_bounds = array<i64: 2, 16>, scalar_prefetch = 0 : i64, scratch_operands = 12 : i64, tpu.core_type = #tpu.core_type<sc_vector_subcore>, window_params = [{transform_indices = #map}, {transform_indices = #map}, {transform_indices = #map}]} {
    %mul3A = arith.constant 16 : i32
    %mul3A_0 = arith.muli %arg0, %mul3A : i32
    %add3A = arith.addi %mul3A_0, %arg1 : i32
    %mul3A_1 = arith.constant 2 : i32
    %mul3A_2 = arith.muli %arg0, %mul3A_1 : i32
    %jit3A = arith.constant 8 : i32
    %div3A = arith.divsi %arg1, %jit3A : i32
    %sign3A = arith.constant 0 : i32
    %sign3A_3 = arith.cmpi sgt, %arg1, %sign3A : i32
    %sign3A_4 = arith.extui %sign3A_3 : i1 to i32
    %sign3A_5 = arith.constant 0 : i32
    %sign3A_6 = arith.cmpi slt, %arg1, %sign3A_5 : i32
    %sign3A_7 = arith.extui %sign3A_6 : i1 to i32
    %sign3A_8 = arith.subi %sign3A_4, %sign3A_7 : i32
    %sign3A_9 = arith.constant 0 : i32
    %sign3A_10 = arith.cmpi sgt, %jit3A, %sign3A_9 : i32
    %sign3A_11 = arith.extui %sign3A_10 : i1 to i32
    %sign3A_12 = arith.constant 0 : i32
    %sign3A_13 = arith.cmpi slt, %jit3A, %sign3A_12 : i32
    %sign3A_14 = arith.extui %sign3A_13 : i1 to i32
    %sign3A_15 = arith.subi %sign3A_11, %sign3A_14 : i32
    %ne3A = arith.cmpi ne, %sign3A_8, %sign3A_15 : i32
    %rem3A = arith.remsi %arg1, %jit3A : i32
    %ne3A_16 = arith.constant 0 : i32
    %ne3A_17 = arith.cmpi ne, %rem3A, %ne3A_16 : i32
    %and3A = arith.andi %ne3A, %ne3A_17 : i1
    %sub3A = arith.constant 1 : i32
    %sub3A_18 = arith.subi %div3A, %sub3A : i32
    %select_n3A = arith.select %and3A, %sub3A_18, %div3A : i32
    %add3A_19 = arith.addi %mul3A_2, %select_n3A : i32
    %jit3A_20 = arith.constant 8 : i32
    %eq3A = arith.constant 0 : i32
    %eq3A_21 = arith.cmpi eq, %jit3A_20, %eq3A : i32
    %jit3A_22 = arith.constant 1 : i32
    %select_n3A_23 = arith.select %eq3A_21, %jit3A_22, %jit3A_20 : i32
    %rem3A_24 = arith.remsi %arg1, %select_n3A_23 : i32
    %ne3A_25 = arith.constant 0 : i32
    %ne3A_26 = arith.cmpi ne, %rem3A_24, %ne3A_25 : i32
    %lt3A = arith.constant 0 : i32
    %lt3A_27 = arith.cmpi slt, %rem3A_24, %lt3A : i32
    %lt3A_28 = arith.constant 0 : i32
    %lt3A_29 = arith.cmpi slt, %select_n3A_23, %lt3A_28 : i32
    %ne3A_30 = arith.xori %lt3A_27, %lt3A_29 : i1
    %and3A_31 = arith.andi %ne3A_30, %ne3A_26 : i1
    %add3A_32 = arith.addi %rem3A_24, %select_n3A_23 : i32
    %select_n3A_33 = arith.select %and3A_31, %add3A_32, %rem3A_24 : i32
    "tpu.region"() ({
      %run_scoped3A_163 = tpu.sem_alloc : memref<!tpu.dma_semaphore, #tpu.memory_space<semaphore_mem>>
      %dma_start3A = arith.constant 0 : i32
      %dma_start3A_164 = arith.constant 0 : i32
      %dma_start3A_165 = tpu.memref_slice %arg2[%add3A, %dma_start3A, %dma_start3A_164] : memref<32x4x864xf32, #tpu.memory_space<hbm>> -> memref<1x4x864xf32, #tpu.memory_space<hbm>>
      %dma_start3A_166 = tpu.memref_squeeze %dma_start3A_165 : memref<1x4x864xf32, #tpu.memory_space<hbm>> -> memref<4x864xf32, #tpu.memory_space<hbm>>
      %dma_start3A_167 = arith.constant 0 : i32
      %dma_start3A_168 = arith.constant 0 : i32
      %dma_start3A_169 = tpu.memref_slice %arg2[%add3A, %dma_start3A_167, %dma_start3A_168] : memref<32x4x864xf32, #tpu.memory_space<hbm>> -> memref<1x4x864xf32, #tpu.memory_space<hbm>>
      %dma_start3A_170 = tpu.memref_squeeze %dma_start3A_169 : memref<1x4x864xf32, #tpu.memory_space<hbm>> -> memref<4x864xf32, #tpu.memory_space<hbm>>
      tpu.enqueue_dma source(%dma_start3A_170 : memref<4x864xf32, #tpu.memory_space<hbm>>) target(%arg5 : memref<4x864xf32, #tpu.memory_space<vmem>>) target_semaphore(%run_scoped3A_163 : memref<!tpu.dma_semaphore, #tpu.memory_space<semaphore_mem>>)
      %dma_wait3A = arith.constant 0 : i32
      %dma_wait3A_171 = arith.constant 0 : i32
      %dma_wait3A_172 = tpu.memref_slice %arg2[%add3A, %dma_wait3A, %dma_wait3A_171] : memref<32x4x864xf32, #tpu.memory_space<hbm>> -> memref<1x4x864xf32, #tpu.memory_space<hbm>>
      %dma_wait3A_173 = tpu.memref_squeeze %dma_wait3A_172 : memref<1x4x864xf32, #tpu.memory_space<hbm>> -> memref<4x864xf32, #tpu.memory_space<hbm>>
      %dma_wait3A_174 = arith.constant 0 : i32
      %dma_wait3A_175 = arith.constant 0 : i32
      %dma_wait3A_176 = tpu.memref_slice %arg2[%add3A, %dma_wait3A_174, %dma_wait3A_175] : memref<32x4x864xf32, #tpu.memory_space<hbm>> -> memref<1x4x864xf32, #tpu.memory_space<hbm>>
      %dma_wait3A_177 = tpu.memref_squeeze %dma_wait3A_176 : memref<1x4x864xf32, #tpu.memory_space<hbm>> -> memref<4x864xf32, #tpu.memory_space<hbm>>
      tpu.wait_dma2 semaphore(%run_scoped3A_163 : memref<!tpu.dma_semaphore, #tpu.memory_space<semaphore_mem>>) src(%dma_wait3A_177 : memref<4x864xf32, #tpu.memory_space<hbm>>) dst(%arg5 : memref<4x864xf32, #tpu.memory_space<vmem>>)
      tpu.yield
    }) : () -> ()
    %run_scoped3A = arith.constant 0 : i32
    "tpu.region"() ({
      %run_scoped3A_163 = tpu.sem_alloc : memref<!tpu.dma_semaphore, #tpu.memory_space<semaphore_mem>>
      %dma_start3A = arith.constant 0 : i32
      %dma_start3A_164 = tpu.memref_slice %arg3[%add3A_19, %run_scoped3A, %dma_start3A] : memref<4x4x4096xf32, #tpu.memory_space<hbm>> -> memref<1x1x4096xf32, #tpu.memory_space<hbm>>
      %dma_start3A_165 = tpu.memref_squeeze %dma_start3A_164 : memref<1x1x4096xf32, #tpu.memory_space<hbm>> -> memref<4096xf32, #tpu.memory_space<hbm>>
      %dma_start3A_166 = arith.constant 0 : i32
      %dma_start3A_167 = tpu.memref_slice %arg3[%add3A_19, %run_scoped3A, %dma_start3A_166] : memref<4x4x4096xf32, #tpu.memory_space<hbm>> -> memref<1x1x4096xf32, #tpu.memory_space<hbm>>
      %dma_start3A_168 = tpu.memref_squeeze %dma_start3A_167 : memref<1x1x4096xf32, #tpu.memory_space<hbm>> -> memref<4096xf32, #tpu.memory_space<hbm>>
      tpu.enqueue_dma source(%dma_start3A_168 : memref<4096xf32, #tpu.memory_space<hbm>>) target(%arg6 : memref<4096xf32, #tpu.memory_space<vmem>>) target_semaphore(%run_scoped3A_163 : memref<!tpu.dma_semaphore, #tpu.memory_space<semaphore_mem>>)
      %dma_wait3A = arith.constant 0 : i32
      %dma_wait3A_169 = tpu.memref_slice %arg3[%add3A_19, %run_scoped3A, %dma_wait3A] : memref<4x4x4096xf32, #tpu.memory_space<hbm>> -> memref<1x1x4096xf32, #tpu.memory_space<hbm>>
      %dma_wait3A_170 = tpu.memref_squeeze %dma_wait3A_169 : memref<1x1x4096xf32, #tpu.memory_space<hbm>> -> memref<4096xf32, #tpu.memory_space<hbm>>
      %dma_wait3A_171 = arith.constant 0 : i32
      %dma_wait3A_172 = tpu.memref_slice %arg3[%add3A_19, %run_scoped3A, %dma_wait3A_171] : memref<4x4x4096xf32, #tpu.memory_space<hbm>> -> memref<1x1x4096xf32, #tpu.memory_space<hbm>>
      %dma_wait3A_173 = tpu.memref_squeeze %dma_wait3A_172 : memref<1x1x4096xf32, #tpu.memory_space<hbm>> -> memref<4096xf32, #tpu.memory_space<hbm>>
      tpu.wait_dma2 semaphore(%run_scoped3A_163 : memref<!tpu.dma_semaphore, #tpu.memory_space<semaphore_mem>>) src(%dma_wait3A_173 : memref<4096xf32, #tpu.memory_space<hbm>>) dst(%arg6 : memref<4096xf32, #tpu.memory_space<vmem>>)
      tpu.yield
    }) : () -> ()
    %run_scoped3A_34 = arith.constant 1 : i32
    "tpu.region"() ({
      %run_scoped3A_163 = tpu.sem_alloc : memref<!tpu.dma_semaphore, #tpu.memory_space<semaphore_mem>>
      %dma_start3A = arith.constant 0 : i32
      %dma_start3A_164 = tpu.memref_slice %arg3[%add3A_19, %run_scoped3A_34, %dma_start3A] : memref<4x4x4096xf32, #tpu.memory_space<hbm>> -> memref<1x1x4096xf32, #tpu.memory_space<hbm>>
      %dma_start3A_165 = tpu.memref_squeeze %dma_start3A_164 : memref<1x1x4096xf32, #tpu.memory_space<hbm>> -> memref<4096xf32, #tpu.memory_space<hbm>>
      %dma_start3A_166 = arith.constant 0 : i32
      %dma_start3A_167 = tpu.memref_slice %arg3[%add3A_19, %run_scoped3A_34, %dma_start3A_166] : memref<4x4x4096xf32, #tpu.memory_space<hbm>> -> memref<1x1x4096xf32, #tpu.memory_space<hbm>>
      %dma_start3A_168 = tpu.memref_squeeze %dma_start3A_167 : memref<1x1x4096xf32, #tpu.memory_space<hbm>> -> memref<4096xf32, #tpu.memory_space<hbm>>
      tpu.enqueue_dma source(%dma_start3A_168 : memref<4096xf32, #tpu.memory_space<hbm>>) target(%arg7 : memref<4096xf32, #tpu.memory_space<vmem>>) target_semaphore(%run_scoped3A_163 : memref<!tpu.dma_semaphore, #tpu.memory_space<semaphore_mem>>)
      %dma_wait3A = arith.constant 0 : i32
      %dma_wait3A_169 = tpu.memref_slice %arg3[%add3A_19, %run_scoped3A_34, %dma_wait3A] : memref<4x4x4096xf32, #tpu.memory_space<hbm>> -> memref<1x1x4096xf32, #tpu.memory_space<hbm>>
      %dma_wait3A_170 = tpu.memref_squeeze %dma_wait3A_169 : memref<1x1x4096xf32, #tpu.memory_space<hbm>> -> memref<4096xf32, #tpu.memory_space<hbm>>
      %dma_wait3A_171 = arith.constant 0 : i32
      %dma_wait3A_172 = tpu.memref_slice %arg3[%add3A_19, %run_scoped3A_34, %dma_wait3A_171] : memref<4x4x4096xf32, #tpu.memory_space<hbm>> -> memref<1x1x4096xf32, #tpu.memory_space<hbm>>
      %dma_wait3A_173 = tpu.memref_squeeze %dma_wait3A_172 : memref<1x1x4096xf32, #tpu.memory_space<hbm>> -> memref<4096xf32, #tpu.memory_space<hbm>>
      tpu.wait_dma2 semaphore(%run_scoped3A_163 : memref<!tpu.dma_semaphore, #tpu.memory_space<semaphore_mem>>) src(%dma_wait3A_173 : memref<4096xf32, #tpu.memory_space<hbm>>) dst(%arg7 : memref<4096xf32, #tpu.memory_space<vmem>>)
      tpu.yield
    }) : () -> ()
    %run_scoped3A_35 = arith.constant 2 : i32
    "tpu.region"() ({
      %run_scoped3A_163 = tpu.sem_alloc : memref<!tpu.dma_semaphore, #tpu.memory_space<semaphore_mem>>
      %dma_start3A = arith.constant 0 : i32
      %dma_start3A_164 = tpu.memref_slice %arg3[%add3A_19, %run_scoped3A_35, %dma_start3A] : memref<4x4x4096xf32, #tpu.memory_space<hbm>> -> memref<1x1x4096xf32, #tpu.memory_space<hbm>>
      %dma_start3A_165 = tpu.memref_squeeze %dma_start3A_164 : memref<1x1x4096xf32, #tpu.memory_space<hbm>> -> memref<4096xf32, #tpu.memory_space<hbm>>
      %dma_start3A_166 = arith.constant 0 : i32
      %dma_start3A_167 = tpu.memref_slice %arg3[%add3A_19, %run_scoped3A_35, %dma_start3A_166] : memref<4x4x4096xf32, #tpu.memory_space<hbm>> -> memref<1x1x4096xf32, #tpu.memory_space<hbm>>
      %dma_start3A_168 = tpu.memref_squeeze %dma_start3A_167 : memref<1x1x4096xf32, #tpu.memory_space<hbm>> -> memref<4096xf32, #tpu.memory_space<hbm>>
      tpu.enqueue_dma source(%dma_start3A_168 : memref<4096xf32, #tpu.memory_space<hbm>>) target(%arg8 : memref<4096xf32, #tpu.memory_space<vmem>>) target_semaphore(%run_scoped3A_163 : memref<!tpu.dma_semaphore, #tpu.memory_space<semaphore_mem>>)
      %dma_wait3A = arith.constant 0 : i32
      %dma_wait3A_169 = tpu.memref_slice %arg3[%add3A_19, %run_scoped3A_35, %dma_wait3A] : memref<4x4x4096xf32, #tpu.memory_space<hbm>> -> memref<1x1x4096xf32, #tpu.memory_space<hbm>>
      %dma_wait3A_170 = tpu.memref_squeeze %dma_wait3A_169 : memref<1x1x4096xf32, #tpu.memory_space<hbm>> -> memref<4096xf32, #tpu.memory_space<hbm>>
      %dma_wait3A_171 = arith.constant 0 : i32
      %dma_wait3A_172 = tpu.memref_slice %arg3[%add3A_19, %run_scoped3A_35, %dma_wait3A_171] : memref<4x4x4096xf32, #tpu.memory_space<hbm>> -> memref<1x1x4096xf32, #tpu.memory_space<hbm>>
      %dma_wait3A_173 = tpu.memref_squeeze %dma_wait3A_172 : memref<1x1x4096xf32, #tpu.memory_space<hbm>> -> memref<4096xf32, #tpu.memory_space<hbm>>
      tpu.wait_dma2 semaphore(%run_scoped3A_163 : memref<!tpu.dma_semaphore, #tpu.memory_space<semaphore_mem>>) src(%dma_wait3A_173 : memref<4096xf32, #tpu.memory_space<hbm>>) dst(%arg8 : memref<4096xf32, #tpu.memory_space<vmem>>)
      tpu.yield
    }) : () -> ()
    %run_scoped3A_36 = arith.constant 3 : i32
    "tpu.region"() ({
      %run_scoped3A_163 = tpu.sem_alloc : memref<!tpu.dma_semaphore, #tpu.memory_space<semaphore_mem>>
      %dma_start3A = arith.constant 0 : i32
      %dma_start3A_164 = tpu.memref_slice %arg3[%add3A_19, %run_scoped3A_36, %dma_start3A] : memref<4x4x4096xf32, #tpu.memory_space<hbm>> -> memref<1x1x4096xf32, #tpu.memory_space<hbm>>
      %dma_start3A_165 = tpu.memref_squeeze %dma_start3A_164 : memref<1x1x4096xf32, #tpu.memory_space<hbm>> -> memref<4096xf32, #tpu.memory_space<hbm>>
      %dma_start3A_166 = arith.constant 0 : i32
      %dma_start3A_167 = tpu.memref_slice %arg3[%add3A_19, %run_scoped3A_36, %dma_start3A_166] : memref<4x4x4096xf32, #tpu.memory_space<hbm>> -> memref<1x1x4096xf32, #tpu.memory_space<hbm>>
      %dma_start3A_168 = tpu.memref_squeeze %dma_start3A_167 : memref<1x1x4096xf32, #tpu.memory_space<hbm>> -> memref<4096xf32, #tpu.memory_space<hbm>>
      tpu.enqueue_dma source(%dma_start3A_168 : memref<4096xf32, #tpu.memory_space<hbm>>) target(%arg9 : memref<4096xf32, #tpu.memory_space<vmem>>) target_semaphore(%run_scoped3A_163 : memref<!tpu.dma_semaphore, #tpu.memory_space<semaphore_mem>>)
      %dma_wait3A = arith.constant 0 : i32
      %dma_wait3A_169 = tpu.memref_slice %arg3[%add3A_19, %run_scoped3A_36, %dma_wait3A] : memref<4x4x4096xf32, #tpu.memory_space<hbm>> -> memref<1x1x4096xf32, #tpu.memory_space<hbm>>
      %dma_wait3A_170 = tpu.memref_squeeze %dma_wait3A_169 : memref<1x1x4096xf32, #tpu.memory_space<hbm>> -> memref<4096xf32, #tpu.memory_space<hbm>>
      %dma_wait3A_171 = arith.constant 0 : i32
      %dma_wait3A_172 = tpu.memref_slice %arg3[%add3A_19, %run_scoped3A_36, %dma_wait3A_171] : memref<4x4x4096xf32, #tpu.memory_space<hbm>> -> memref<1x1x4096xf32, #tpu.memory_space<hbm>>
      %dma_wait3A_173 = tpu.memref_squeeze %dma_wait3A_172 : memref<1x1x4096xf32, #tpu.memory_space<hbm>> -> memref<4096xf32, #tpu.memory_space<hbm>>
      tpu.wait_dma2 semaphore(%run_scoped3A_163 : memref<!tpu.dma_semaphore, #tpu.memory_space<semaphore_mem>>) src(%dma_wait3A_173 : memref<4096xf32, #tpu.memory_space<hbm>>) dst(%arg9 : memref<4096xf32, #tpu.memory_space<vmem>>)
      tpu.yield
    }) : () -> ()
    %scan3A = arith.constant 0 : i32
    %scan3A_37 = arith.constant 0 : i32
    %scan3A_38 = arith.constant 54 : i32
    %scan3A_39 = arith.addi %scan3A_37, %scan3A_38 : i32
    %scan3A_40 = arith.constant 1 : i32
    %scan3A_41 = scf.for %scan3A_163 = %scan3A_37 to %scan3A_39 step %scan3A_40 iter_args(%scan3A_164 = %scan3A) -> (i32)  : i32 {
      %mul3A_165 = arith.constant 16 : i32
      %mul3A_166 = arith.muli %scan3A_163, %mul3A_165 : i32
      %get3A = arith.constant 0 : i32
      %get3A_167 = arith.index_cast %get3A : i32 to index
      %get3A_168 = arith.index_cast %mul3A_166 : i32 to index
      %get3A_169 = tpu.vector_load %arg5[%get3A_167, %get3A_168] {strides = array<i32>} : memref<4x864xf32, #tpu.memory_space<vmem>>, vector<16xf32>,
      %get3A_170 = arith.constant 1 : i32
      %get3A_171 = arith.index_cast %get3A_170 : i32 to index
      %get3A_172 = arith.index_cast %mul3A_166 : i32 to index
      %get3A_173 = tpu.vector_load %arg5[%get3A_171, %get3A_172] {strides = array<i32>} : memref<4x864xf32, #tpu.memory_space<vmem>>, vector<16xf32>,
      %get3A_174 = arith.constant 2 : i32
      %get3A_175 = arith.index_cast %get3A_174 : i32 to index
      %get3A_176 = arith.index_cast %mul3A_166 : i32 to index
      %get3A_177 = tpu.vector_load %arg5[%get3A_175, %get3A_176] {strides = array<i32>} : memref<4x864xf32, #tpu.memory_space<vmem>>, vector<16xf32>,
      %mul3A_178 = arith.mulf %get3A_169, %get3A_169 : vector<16xf32>
      %mul3A_179 = arith.mulf %get3A_173, %get3A_173 : vector<16xf32>
      %add3A_180 = arith.addf %mul3A_178, %mul3A_179 : vector<16xf32>
      %mul3A_181 = arith.mulf %get3A_177, %get3A_177 : vector<16xf32>
      %add3A_182 = arith.addf %add3A_180, %mul3A_181 : vector<16xf32>
      %swap3A_183 = arith.index_cast %mul3A_166 : i32 to index
      %swap3A_184 = tpu.vector_load %arg10[%swap3A_183] {strides = array<i32>} : memref<864xf32, #tpu.memory_space<vmem>>, vector<16xf32>,
      tpu.vector_store %arg10[%swap3A_183], %add3A_182 {strides = array<i32>} : memref<864xf32, #tpu.memory_space<vmem>>, vector<16xf32>,
      %bitcast3A = vector.bitcast %get3A_169 : vector<16xf32> to vector<16xi32>
      %add3A_185 = arith.constant 32767 : i32
      %add3A_186 = vector.broadcast %add3A_185 : i32 to vector<16xi32>
      %add3A_187 = arith.addi %bitcast3A, %add3A_186 : vector<16xi32>
      %shift_right_logical3A = arith.constant 16 : i32
      %shift_right_logical3A_188 = vector.broadcast %shift_right_logical3A : i32 to vector<16xi32>
      %shift_right_logical3A_189 = arith.shrui %bitcast3A, %shift_right_logical3A_188 : vector<16xi32>
      %and3A_190 = arith.constant 1 : i32
      %and3A_191 = vector.broadcast %and3A_190 : i32 to vector<16xi32>
      %and3A_192 = arith.andi %shift_right_logical3A_189, %and3A_191 : vector<16xi32>
      %add3A_193 = arith.addi %add3A_187, %and3A_192 : vector<16xi32>
      %and3A_194 = arith.constant -65536 : i32
      %and3A_195 = vector.broadcast %and3A_194 : i32 to vector<16xi32>
      %and3A_196 = arith.andi %add3A_193, %and3A_195 : vector<16xi32>
      %bitcast3A_197 = vector.bitcast %and3A_196 : vector<16xi32> to vector<16xf32>
      %swap3A_198 = arith.constant 0 : i32
      %swap3A_199 = arith.index_cast %swap3A_198 : i32 to index
      %swap3A_200 = arith.index_cast %mul3A_166 : i32 to index
      %swap3A_201 = tpu.vector_load %arg5[%swap3A_199, %swap3A_200] {strides = array<i32>} : memref<4x864xf32, #tpu.memory_space<vmem>>, vector<16xf32>,
      tpu.vector_store %arg5[%swap3A_199, %swap3A_200], %bitcast3A_197 {strides = array<i32>} : memref<4x864xf32, #tpu.memory_space<vmem>>, vector<16xf32>,
      %bitcast3A_202 = vector.bitcast %get3A_173 : vector<16xf32> to vector<16xi32>
      %add3A_203 = arith.constant 32767 : i32
      %add3A_204 = vector.broadcast %add3A_203 : i32 to vector<16xi32>
      %add3A_205 = arith.addi %bitcast3A_202, %add3A_204 : vector<16xi32>
      %shift_right_logical3A_206 = arith.constant 16 : i32
      %shift_right_logical3A_207 = vector.broadcast %shift_right_logical3A_206 : i32 to vector<16xi32>
      %shift_right_logical3A_208 = arith.shrui %bitcast3A_202, %shift_right_logical3A_207 : vector<16xi32>
      %and3A_209 = arith.constant 1 : i32
      %and3A_210 = vector.broadcast %and3A_209 : i32 to vector<16xi32>
      %and3A_211 = arith.andi %shift_right_logical3A_208, %and3A_210 : vector<16xi32>
      %add3A_212 = arith.addi %add3A_205, %and3A_211 : vector<16xi32>
      %and3A_213 = arith.constant -65536 : i32
      %and3A_214 = vector.broadcast %and3A_213 : i32 to vector<16xi32>
      %and3A_215 = arith.andi %add3A_212, %and3A_214 : vector<16xi32>
      %bitcast3A_216 = vector.bitcast %and3A_215 : vector<16xi32> to vector<16xf32>
      %swap3A_217 = arith.constant 1 : i32
      %swap3A_218 = arith.index_cast %swap3A_217 : i32 to index
      %swap3A_219 = arith.index_cast %mul3A_166 : i32 to index
      %swap3A_220 = tpu.vector_load %arg5[%swap3A_218, %swap3A_219] {strides = array<i32>} : memref<4x864xf32, #tpu.memory_space<vmem>>, vector<16xf32>,
      tpu.vector_store %arg5[%swap3A_218, %swap3A_219], %bitcast3A_216 {strides = array<i32>} : memref<4x864xf32, #tpu.memory_space<vmem>>, vector<16xf32>,
      %bitcast3A_221 = vector.bitcast %get3A_177 : vector<16xf32> to vector<16xi32>
      %add3A_222 = arith.constant 32767 : i32
      %add3A_223 = vector.broadcast %add3A_222 : i32 to vector<16xi32>
      %add3A_224 = arith.addi %bitcast3A_221, %add3A_223 : vector<16xi32>
      %shift_right_logical3A_225 = arith.constant 16 : i32
      %shift_right_logical3A_226 = vector.broadcast %shift_right_logical3A_225 : i32 to vector<16xi32>
      %shift_right_logical3A_227 = arith.shrui %bitcast3A_221, %shift_right_logical3A_226 : vector<16xi32>
      %and3A_228 = arith.constant 1 : i32
      %and3A_229 = vector.broadcast %and3A_228 : i32 to vector<16xi32>
      %and3A_230 = arith.andi %shift_right_logical3A_227, %and3A_229 : vector<16xi32>
      %add3A_231 = arith.addi %add3A_224, %and3A_230 : vector<16xi32>
      %and3A_232 = arith.constant -65536 : i32
      %and3A_233 = vector.broadcast %and3A_232 : i32 to vector<16xi32>
      %and3A_234 = arith.andi %add3A_231, %and3A_233 : vector<16xi32>
      %bitcast3A_235 = vector.bitcast %and3A_234 : vector<16xi32> to vector<16xf32>
      %swap3A_236 = arith.constant 2 : i32
      %swap3A_237 = arith.index_cast %swap3A_236 : i32 to index
      %swap3A_238 = arith.index_cast %mul3A_166 : i32 to index
      %swap3A_239 = tpu.vector_load %arg5[%swap3A_237, %swap3A_238] {strides = array<i32>} : memref<4x864xf32, #tpu.memory_space<vmem>>, vector<16xf32>,
      tpu.vector_store %arg5[%swap3A_237, %swap3A_238], %bitcast3A_235 {strides = array<i32>} : memref<4x864xf32, #tpu.memory_space<vmem>>, vector<16xf32>,
      %scan3A_240 = arith.constant 0 : i32
      scf.yield %scan3A_240 : i32
    }
    %scan3A_42 = arith.constant 54 : i32
    %scan3A_43 = arith.constant 0 : i32
    %scan3A_44 = arith.constant 0 : i32
    %scan3A_45 = arith.constant 256 : i32
    %scan3A_46 = arith.addi %scan3A_44, %scan3A_45 : i32
    %scan3A_47 = arith.constant 1 : i32
    %scan3A_48 = scf.for %scan3A_163 = %scan3A_44 to %scan3A_46 step %scan3A_47 iter_args(%scan3A_164 = %scan3A_43) -> (i32)  : i32 {
      %mul3A_165 = arith.constant 16 : i32
      %mul3A_166 = arith.muli %scan3A_163, %mul3A_165 : i32
      %get3A = arith.index_cast %mul3A_166 : i32 to index
      %get3A_167 = tpu.vector_load %arg6[%get3A] {strides = array<i32>} : memref<4096xf32, #tpu.memory_space<vmem>>, vector<16xf32>,
      %get3A_168 = arith.index_cast %mul3A_166 : i32 to index
      %get3A_169 = tpu.vector_load %arg7[%get3A_168] {strides = array<i32>} : memref<4096xf32, #tpu.memory_space<vmem>>, vector<16xf32>,
      %get3A_170 = arith.index_cast %mul3A_166 : i32 to index
      %get3A_171 = tpu.vector_load %arg8[%get3A_170] {strides = array<i32>} : memref<4096xf32, #tpu.memory_space<vmem>>, vector<16xf32>,
      %mul3A_172 = arith.mulf %get3A_167, %get3A_167 : vector<16xf32>
      %mul3A_173 = arith.mulf %get3A_169, %get3A_169 : vector<16xf32>
      %add3A_174 = arith.addf %mul3A_172, %mul3A_173 : vector<16xf32>
      %mul3A_175 = arith.mulf %get3A_171, %get3A_171 : vector<16xf32>
      %add3A_176 = arith.addf %add3A_174, %mul3A_175 : vector<16xf32>
      %swap3A_177 = arith.index_cast %mul3A_166 : i32 to index
      %swap3A_178 = tpu.vector_load %arg11[%swap3A_177] {strides = array<i32>} : memref<4096xf32, #tpu.memory_space<vmem>>, vector<16xf32>,
      tpu.vector_store %arg11[%swap3A_177], %add3A_176 {strides = array<i32>} : memref<4096xf32, #tpu.memory_space<vmem>>, vector<16xf32>,
      %bitcast3A = vector.bitcast %get3A_167 : vector<16xf32> to vector<16xi32>
      %add3A_179 = arith.constant 32767 : i32
      %add3A_180 = vector.broadcast %add3A_179 : i32 to vector<16xi32>
      %add3A_181 = arith.addi %bitcast3A, %add3A_180 : vector<16xi32>
      %shift_right_logical3A = arith.constant 16 : i32
      %shift_right_logical3A_182 = vector.broadcast %shift_right_logical3A : i32 to vector<16xi32>
      %shift_right_logical3A_183 = arith.shrui %bitcast3A, %shift_right_logical3A_182 : vector<16xi32>
      %and3A_184 = arith.constant 1 : i32
      %and3A_185 = vector.broadcast %and3A_184 : i32 to vector<16xi32>
      %and3A_186 = arith.andi %shift_right_logical3A_183, %and3A_185 : vector<16xi32>
      %add3A_187 = arith.addi %add3A_181, %and3A_186 : vector<16xi32>
      %and3A_188 = arith.constant -65536 : i32
      %and3A_189 = vector.broadcast %and3A_188 : i32 to vector<16xi32>
      %and3A_190 = arith.andi %add3A_187, %and3A_189 : vector<16xi32>
      %bitcast3A_191 = vector.bitcast %and3A_190 : vector<16xi32> to vector<16xf32>
      %mul3A_192 = arith.constant -2.000000e+00 : f32
      %mul3A_193 = vector.broadcast %mul3A_192 : f32 to vector<16xf32>
      %mul3A_194 = arith.mulf %mul3A_193, %bitcast3A_191 : vector<16xf32>
      %swap3A_195 = arith.index_cast %mul3A_166 : i32 to index
      %swap3A_196 = tpu.vector_load %arg6[%swap3A_195] {strides = array<i32>} : memref<4096xf32, #tpu.memory_space<vmem>>, vector<16xf32>,
      tpu.vector_store %arg6[%swap3A_195], %mul3A_194 {strides = array<i32>} : memref<4096xf32, #tpu.memory_space<vmem>>, vector<16xf32>,
      %bitcast3A_197 = vector.bitcast %get3A_169 : vector<16xf32> to vector<16xi32>
      %add3A_198 = arith.constant 32767 : i32
      %add3A_199 = vector.broadcast %add3A_198 : i32 to vector<16xi32>
      %add3A_200 = arith.addi %bitcast3A_197, %add3A_199 : vector<16xi32>
      %shift_right_logical3A_201 = arith.constant 16 : i32
      %shift_right_logical3A_202 = vector.broadcast %shift_right_logical3A_201 : i32 to vector<16xi32>
      %shift_right_logical3A_203 = arith.shrui %bitcast3A_197, %shift_right_logical3A_202 : vector<16xi32>
      %and3A_204 = arith.constant 1 : i32
      %and3A_205 = vector.broadcast %and3A_204 : i32 to vector<16xi32>
      %and3A_206 = arith.andi %shift_right_logical3A_203, %and3A_205 : vector<16xi32>
      %add3A_207 = arith.addi %add3A_200, %and3A_206 : vector<16xi32>
      %and3A_208 = arith.constant -65536 : i32
      %and3A_209 = vector.broadcast %and3A_208 : i32 to vector<16xi32>
      %and3A_210 = arith.andi %add3A_207, %and3A_209 : vector<16xi32>
      %bitcast3A_211 = vector.bitcast %and3A_210 : vector<16xi32> to vector<16xf32>
      %mul3A_212 = arith.constant -2.000000e+00 : f32
      %mul3A_213 = vector.broadcast %mul3A_212 : f32 to vector<16xf32>
      %mul3A_214 = arith.mulf %mul3A_213, %bitcast3A_211 : vector<16xf32>
      %swap3A_215 = arith.index_cast %mul3A_166 : i32 to index
      %swap3A_216 = tpu.vector_load %arg7[%swap3A_215] {strides = array<i32>} : memref<4096xf32, #tpu.memory_space<vmem>>, vector<16xf32>,
      tpu.vector_store %arg7[%swap3A_215], %mul3A_214 {strides = array<i32>} : memref<4096xf32, #tpu.memory_space<vmem>>, vector<16xf32>,
      %bitcast3A_217 = vector.bitcast %get3A_171 : vector<16xf32> to vector<16xi32>
      %add3A_218 = arith.constant 32767 : i32
      %add3A_219 = vector.broadcast %add3A_218 : i32 to vector<16xi32>
      %add3A_220 = arith.addi %bitcast3A_217, %add3A_219 : vector<16xi32>
      %shift_right_logical3A_221 = arith.constant 16 : i32
      %shift_right_logical3A_222 = vector.broadcast %shift_right_logical3A_221 : i32 to vector<16xi32>
      %shift_right_logical3A_223 = arith.shrui %bitcast3A_217, %shift_right_logical3A_222 : vector<16xi32>
      %and3A_224 = arith.constant 1 : i32
      %and3A_225 = vector.broadcast %and3A_224 : i32 to vector<16xi32>
      %and3A_226 = arith.andi %shift_right_logical3A_223, %and3A_225 : vector<16xi32>
      %add3A_227 = arith.addi %add3A_220, %and3A_226 : vector<16xi32>
      %and3A_228 = arith.constant -65536 : i32
      %and3A_229 = vector.broadcast %and3A_228 : i32 to vector<16xi32>
      %and3A_230 = arith.andi %add3A_227, %and3A_229 : vector<16xi32>
      %bitcast3A_231 = vector.bitcast %and3A_230 : vector<16xi32> to vector<16xf32>
      %mul3A_232 = arith.constant -2.000000e+00 : f32
      %mul3A_233 = vector.broadcast %mul3A_232 : f32 to vector<16xf32>
      %mul3A_234 = arith.mulf %mul3A_233, %bitcast3A_231 : vector<16xf32>
      %swap3A_235 = arith.index_cast %mul3A_166 : i32 to index
      %swap3A_236 = tpu.vector_load %arg8[%swap3A_235] {strides = array<i32>} : memref<4096xf32, #tpu.memory_space<vmem>>, vector<16xf32>,
      tpu.vector_store %arg8[%swap3A_235], %mul3A_234 {strides = array<i32>} : memref<4096xf32, #tpu.memory_space<vmem>>, vector<16xf32>,
      %scan3A_237 = arith.constant 0 : i32
      scf.yield %scan3A_237 : i32
    }
    %scan3A_49 = arith.constant 256 : i32
    %broadcast_in_dim3A = arith.constant 3.000000e+38 : f32
    %broadcast_in_dim3A_50 = vector.broadcast %broadcast_in_dim3A : f32 to vector<16xf32>
    %scan3A_51 = arith.constant 0 : i32
    %scan3A_52 = arith.constant 0 : i32
    %scan3A_53 = arith.constant 4096 : i32
    %scan3A_54 = arith.addi %scan3A_52, %scan3A_53 : i32
    %scan3A_55 = arith.constant 1 : i32
    %scan3A_56 = scf.for %scan3A_163 = %scan3A_52 to %scan3A_54 step %scan3A_55 iter_args(%scan3A_164 = %scan3A_51) -> (i32)  : i32 {
      %mul3A_165 = arith.constant 16 : i32
      %mul3A_166 = arith.muli %scan3A_163, %mul3A_165 : i32
      %swap3A_167 = arith.index_cast %mul3A_166 : i32 to index
      %swap3A_168 = tpu.vector_load %arg12[%swap3A_167] {strides = array<i32>} : memref<65536xf32, #tpu.memory_space<vmem>>, vector<16xf32>,
      tpu.vector_store %arg12[%swap3A_167], %broadcast_in_dim3A_50 {strides = array<i32>} : memref<65536xf32, #tpu.memory_space<vmem>>, vector<16xf32>,
      %scan3A_169 = arith.constant 0 : i32
      scf.yield %scan3A_169 : i32
    }
    %scan3A_57 = arith.constant 4096 : i32
    %broadcast_in_dim3A_58 = arith.constant 0.000000e+00 : f32
    %broadcast_in_dim3A_59 = vector.broadcast %broadcast_in_dim3A_58 : f32 to vector<16xf32>
    %scan3A_60 = arith.constant 0 : i32
    %scan3A_61 = arith.constant 9 : i32
    %scan3A_62 = arith.addi %scan3A_60, %scan3A_61 : i32
    %scan3A_63 = arith.constant 1 : i32
    %scan3A_64:2 = scf.for %scan3A_163 = %scan3A_60 to %scan3A_62 step %scan3A_63 iter_args(%scan3A_164 = %broadcast_in_dim3A_59, %scan3A_165 = %broadcast_in_dim3A_59) -> (vector<16xf32>, vector<16xf32>)  : i32 {
      %mul3A_166 = arith.constant 96 : i32
      %mul3A_167 = arith.muli %scan3A_163, %mul3A_166 : i32
      %add3A_168 = arith.constant 0 : i32
      %add3A_169 = arith.addi %mul3A_167, %add3A_168 : i32
      %get3A = arith.constant 0 : i32
      %get3A_170 = arith.index_cast %get3A : i32 to index
      %get3A_171 = arith.index_cast %add3A_169 : i32 to index
      %get3A_172 = tpu.vector_load %arg5[%get3A_170, %get3A_171] {strides = array<i32>} : memref<4x864xf32, #tpu.memory_space<vmem>>, vector<16xf32>,
      %get3A_173 = arith.constant 1 : i32
      %get3A_174 = arith.index_cast %get3A_173 : i32 to index
      %get3A_175 = arith.index_cast %add3A_169 : i32 to index
      %get3A_176 = tpu.vector_load %arg5[%get3A_174, %get3A_175] {strides = array<i32>} : memref<4x864xf32, #tpu.memory_space<vmem>>, vector<16xf32>,
      %get3A_177 = arith.constant 2 : i32
      %get3A_178 = arith.index_cast %get3A_177 : i32 to index
      %get3A_179 = arith.index_cast %add3A_169 : i32 to index
      %get3A_180 = tpu.vector_load %arg5[%get3A_178, %get3A_179] {strides = array<i32>} : memref<4x864xf32, #tpu.memory_space<vmem>>, vector<16xf32>,
      %get3A_181 = arith.index_cast %add3A_169 : i32 to index
      %get3A_182 = tpu.vector_load %arg10[%get3A_181] {strides = array<i32>} : memref<864xf32, #tpu.memory_space<vmem>>, vector<16xf32>,
      %add3A_183 = arith.constant 16 : i32
      %add3A_184 = arith.addi %mul3A_167, %add3A_183 : i32
      %get3A_185 = arith.constant 0 : i32
      %get3A_186 = arith.index_cast %get3A_185 : i32 to index
      %get3A_187 = arith.index_cast %add3A_184 : i32 to index
      %get3A_188 = tpu.vector_load %arg5[%get3A_186, %get3A_187] {strides = array<i32>} : memref<4x864xf32, #tpu.memory_space<vmem>>, vector<16xf32>,
      %get3A_189 = arith.constant 1 : i32
      %get3A_190 = arith.index_cast %get3A_189 : i32 to index
      %get3A_191 = arith.index_cast %add3A_184 : i32 to index
      %get3A_192 = tpu.vector_load %arg5[%get3A_190, %get3A_191] {strides = array<i32>} : memref<4x864xf32, #tpu.memory_space<vmem>>, vector<16xf32>,
      %get3A_193 = arith.constant 2 : i32
      %get3A_194 = arith.index_cast %get3A_193 : i32 to index
      %get3A_195 = arith.index_cast %add3A_184 : i32 to index
      %get3A_196 = tpu.vector_load %arg5[%get3A_194, %get3A_195] {strides = array<i32>} : memref<4x864xf32, #tpu.memory_space<vmem>>, vector<16xf32>,
      %get3A_197 = arith.index_cast %add3A_184 : i32 to index
      %get3A_198 = tpu.vector_load %arg10[%get3A_197] {strides = array<i32>} : memref<864xf32, #tpu.memory_space<vmem>>, vector<16xf32>,
      %add3A_199 = arith.constant 32 : i32
      %add3A_200 = arith.addi %mul3A_167, %add3A_199 : i32
      %get3A_201 = arith.constant 0 : i32
      %get3A_202 = arith.index_cast %get3A_201 : i32 to index
      %get3A_203 = arith.index_cast %add3A_200 : i32 to index
      %get3A_204 = tpu.vector_load %arg5[%get3A_202, %get3A_203] {strides = array<i32>} : memref<4x864xf32, #tpu.memory_space<vmem>>, vector<16xf32>,
      %get3A_205 = arith.constant 1 : i32
      %get3A_206 = arith.index_cast %get3A_205 : i32 to index
      %get3A_207 = arith.index_cast %add3A_200 : i32 to index
      %get3A_208 = tpu.vector_load %arg5[%get3A_206, %get3A_207] {strides = array<i32>} : memref<4x864xf32, #tpu.memory_space<vmem>>, vector<16xf32>,
      %get3A_209 = arith.constant 2 : i32
      %get3A_210 = arith.index_cast %get3A_209 : i32 to index
      %get3A_211 = arith.index_cast %add3A_200 : i32 to index
      %get3A_212 = tpu.vector_load %arg5[%get3A_210, %get3A_211] {strides = array<i32>} : memref<4x864xf32, #tpu.memory_space<vmem>>, vector<16xf32>,
      %get3A_213 = arith.index_cast %add3A_200 : i32 to index
      %get3A_214 = tpu.vector_load %arg10[%get3A_213] {strides = array<i32>} : memref<864xf32, #tpu.memory_space<vmem>>, vector<16xf32>,
      %add3A_215 = arith.constant 48 : i32
      %add3A_216 = arith.addi %mul3A_167, %add3A_215 : i32
      %get3A_217 = arith.constant 0 : i32
      %get3A_218 = arith.index_cast %get3A_217 : i32 to index
      %get3A_219 = arith.index_cast %add3A_216 : i32 to index
      %get3A_220 = tpu.vector_load %arg5[%get3A_218, %get3A_219] {strides = array<i32>} : memref<4x864xf32, #tpu.memory_space<vmem>>, vector<16xf32>,
      %get3A_221 = arith.constant 1 : i32
      %get3A_222 = arith.index_cast %get3A_221 : i32 to index
      %get3A_223 = arith.index_cast %add3A_216 : i32 to index
      %get3A_224 = tpu.vector_load %arg5[%get3A_222, %get3A_223] {strides = array<i32>} : memref<4x864xf32, #tpu.memory_space<vmem>>, vector<16xf32>,
      %get3A_225 = arith.constant 2 : i32
      %get3A_226 = arith.index_cast %get3A_225 : i32 to index
      %get3A_227 = arith.index_cast %add3A_216 : i32 to index
      %get3A_228 = tpu.vector_load %arg5[%get3A_226, %get3A_227] {strides = array<i32>} : memref<4x864xf32, #tpu.memory_space<vmem>>, vector<16xf32>,
      %get3A_229 = arith.index_cast %add3A_216 : i32 to index
      %get3A_230 = tpu.vector_load %arg10[%get3A_229] {strides = array<i32>} : memref<864xf32, #tpu.memory_space<vmem>>, vector<16xf32>,
      %add3A_231 = arith.constant 64 : i32
      %add3A_232 = arith.addi %mul3A_167, %add3A_231 : i32
      %get3A_233 = arith.constant 0 : i32
      %get3A_234 = arith.index_cast %get3A_233 : i32 to index
      %get3A_235 = arith.index_cast %add3A_232 : i32 to index
      %get3A_236 = tpu.vector_load %arg5[%get3A_234, %get3A_235] {strides = array<i32>} : memref<4x864xf32, #tpu.memory_space<vmem>>, vector<16xf32>,
      %get3A_237 = arith.constant 1 : i32
      %get3A_238 = arith.index_cast %get3A_237 : i32 to index
      %get3A_239 = arith.index_cast %add3A_232 : i32 to index
      %get3A_240 = tpu.vector_load %arg5[%get3A_238, %get3A_239] {strides = array<i32>} : memref<4x864xf32, #tpu.memory_space<vmem>>, vector<16xf32>,
      %get3A_241 = arith.constant 2 : i32
      %get3A_242 = arith.index_cast %get3A_241 : i32 to index
      %get3A_243 = arith.index_cast %add3A_232 : i32 to index
      %get3A_244 = tpu.vector_load %arg5[%get3A_242, %get3A_243] {strides = array<i32>} : memref<4x864xf32, #tpu.memory_space<vmem>>, vector<16xf32>,
      %get3A_245 = arith.index_cast %add3A_232 : i32 to index
      %get3A_246 = tpu.vector_load %arg10[%get3A_245] {strides = array<i32>} : memref<864xf32, #tpu.memory_space<vmem>>, vector<16xf32>,
      %add3A_247 = arith.constant 80 : i32
      %add3A_248 = arith.addi %mul3A_167, %add3A_247 : i32
      %get3A_249 = arith.constant 0 : i32
      %get3A_250 = arith.index_cast %get3A_249 : i32 to index
      %get3A_251 = arith.index_cast %add3A_248 : i32 to index
      %get3A_252 = tpu.vector_load %arg5[%get3A_250, %get3A_251] {strides = array<i32>} : memref<4x864xf32, #tpu.memory_space<vmem>>, vector<16xf32>,
      %get3A_253 = arith.constant 1 : i32
      %get3A_254 = arith.index_cast %get3A_253 : i32 to index
      %get3A_255 = arith.index_cast %add3A_248 : i32 to index
      %get3A_256 = tpu.vector_load %arg5[%get3A_254, %get3A_255] {strides = array<i32>} : memref<4x864xf32, #tpu.memory_space<vmem>>, vector<16xf32>,
      %get3A_257 = arith.constant 2 : i32
      %get3A_258 = arith.index_cast %get3A_257 : i32 to index
      %get3A_259 = arith.index_cast %add3A_248 : i32 to index
      %get3A_260 = tpu.vector_load %arg5[%get3A_258, %get3A_259] {strides = array<i32>} : memref<4x864xf32, #tpu.memory_space<vmem>>, vector<16xf32>,
      %get3A_261 = arith.index_cast %add3A_248 : i32 to index
      %get3A_262 = tpu.vector_load %arg10[%get3A_261] {strides = array<i32>} : memref<864xf32, #tpu.memory_space<vmem>>, vector<16xf32>,
      %parallel_loop3A_263 = arith.constant 0 : i32
      %parallel_loop3A_264 = arith.constant 256 : i32
      %parallel_loop3A_265 = arith.constant 1 : i32
      %parallel_loop3A_266:6 = scf.for %parallel_loop3A_338 = %parallel_loop3A_263 to %parallel_loop3A_264 step %parallel_loop3A_265 iter_args(%parallel_loop3A_339 = %broadcast_in_dim3A_50, %parallel_loop3A_340 = %broadcast_in_dim3A_50, %parallel_loop3A_341 = %broadcast_in_dim3A_50, %parallel_loop3A_342 = %broadcast_in_dim3A_50, %parallel_loop3A_343 = %broadcast_in_dim3A_50, %parallel_loop3A_344 = %broadcast_in_dim3A_50) -> (vector<16xf32>, vector<16xf32>, vector<16xf32>, vector<16xf32>, vector<16xf32>, vector<16xf32>)  : i32 {
        %parallel_loop3A_345 = arith.constant 16 : i32
        %parallel_loop3A_346 = arith.muli %parallel_loop3A_338, %parallel_loop3A_345 : i32
        %parallel_loop3A_347 = arith.index_cast %parallel_loop3A_346 : i32 to index
        %parallel_loop3A_348 = tpu.vector_load %arg6[%parallel_loop3A_347] {strides = array<i32>} : memref<4096xf32, #tpu.memory_space<vmem>>, vector<16xf32>,
        %parallel_loop3A_349 = arith.index_cast %parallel_loop3A_346 : i32 to index
        %parallel_loop3A_350 = tpu.vector_load %arg7[%parallel_loop3A_349] {strides = array<i32>} : memref<4096xf32, #tpu.memory_space<vmem>>, vector<16xf32>,
        %parallel_loop3A_351 = arith.index_cast %parallel_loop3A_346 : i32 to index
        %parallel_loop3A_352 = tpu.vector_load %arg8[%parallel_loop3A_351] {strides = array<i32>} : memref<4096xf32, #tpu.memory_space<vmem>>, vector<16xf32>,
        %parallel_loop3A_353 = arith.index_cast %parallel_loop3A_346 : i32 to index
        %parallel_loop3A_354 = tpu.vector_load %arg11[%parallel_loop3A_353] {strides = array<i32>} : memref<4096xf32, #tpu.memory_space<vmem>>, vector<16xf32>,
        %parallel_loop3A_355 = vector.extract_strided_slice %parallel_loop3A_348 {offsets = [0], sizes = [1], strides = [1]} : vector<16xf32> to vector<1xf32>
        %parallel_loop3A_356 = vector.extract %parallel_loop3A_355[0] : f32 from vector<1xf32>
        %parallel_loop3A_357 = vector.extract_strided_slice %parallel_loop3A_350 {offsets = [0], sizes = [1], strides = [1]} : vector<16xf32> to vector<1xf32>
        %parallel_loop3A_358 = vector.extract %parallel_loop3A_357[0] : f32 from vector<1xf32>
        %parallel_loop3A_359 = vector.extract_strided_slice %parallel_loop3A_352 {offsets = [0], sizes = [1], strides = [1]} : vector<16xf32> to vector<1xf32>
        %parallel_loop3A_360 = vector.extract %parallel_loop3A_359[0] : f32 from vector<1xf32>
        %parallel_loop3A_361 = vector.extract_strided_slice %parallel_loop3A_354 {offsets = [0], sizes = [1], strides = [1]} : vector<16xf32> to vector<1xf32>
        %parallel_loop3A_362 = vector.extract %parallel_loop3A_361[0] : f32 from vector<1xf32>
        %parallel_loop3A_363 = vector.broadcast %parallel_loop3A_362 : f32 to vector<16xf32>
        %parallel_loop3A_364 = arith.addf %get3A_182, %parallel_loop3A_363 : vector<16xf32>
        %parallel_loop3A_365 = vector.broadcast %parallel_loop3A_356 : f32 to vector<16xf32>
        %parallel_loop3A_366 = arith.mulf %get3A_172, %parallel_loop3A_365 : vector<16xf32>
        %parallel_loop3A_367 = arith.addf %parallel_loop3A_364, %parallel_loop3A_366 : vector<16xf32>
        %parallel_loop3A_368 = vector.broadcast %parallel_loop3A_358 : f32 to vector<16xf32>
        %parallel_loop3A_369 = arith.mulf %get3A_176, %parallel_loop3A_368 : vector<16xf32>
        %parallel_loop3A_370 = arith.addf %parallel_loop3A_367, %parallel_loop3A_369 : vector<16xf32>
        %parallel_loop3A_371 = vector.broadcast %parallel_loop3A_360 : f32 to vector<16xf32>
        %parallel_loop3A_372 = arith.mulf %get3A_180, %parallel_loop3A_371 : vector<16xf32>
        %parallel_loop3A_373 = arith.addf %parallel_loop3A_370, %parallel_loop3A_372 : vector<16xf32>
        %parallel_loop3A_374 = vector.broadcast %parallel_loop3A_362 : f32 to vector<16xf32>
        %parallel_loop3A_375 = arith.addf %get3A_198, %parallel_loop3A_374 : vector<16xf32>
        %parallel_loop3A_376 = vector.broadcast %parallel_loop3A_356 : f32 to vector<16xf32>
        %parallel_loop3A_377 = arith.mulf %get3A_188, %parallel_loop3A_376 : vector<16xf32>
        %parallel_loop3A_378 = arith.addf %parallel_loop3A_375, %parallel_loop3A_377 : vector<16xf32>
        %parallel_loop3A_379 = vector.broadcast %parallel_loop3A_358 : f32 to vector<16xf32>
        %parallel_loop3A_380 = arith.mulf %get3A_192, %parallel_loop3A_379 : vector<16xf32>
        %parallel_loop3A_381 = arith.addf %parallel_loop3A_378, %parallel_loop3A_380 : vector<16xf32>
        %parallel_loop3A_382 = vector.broadcast %parallel_loop3A_360 : f32 to vector<16xf32>
        %parallel_loop3A_383 = arith.mulf %get3A_196, %parallel_loop3A_382 : vector<16xf32>
        %parallel_loop3A_384 = arith.addf %parallel_loop3A_381, %parallel_loop3A_383 : vector<16xf32>
        %parallel_loop3A_385 = vector.broadcast %parallel_loop3A_362 : f32 to vector<16xf32>
        %parallel_loop3A_386 = arith.addf %get3A_214, %parallel_loop3A_385 : vector<16xf32>
        %parallel_loop3A_387 = vector.broadcast %parallel_loop3A_356 : f32 to vector<16xf32>
        %parallel_loop3A_388 = arith.mulf %get3A_204, %parallel_loop3A_387 : vector<16xf32>
        %parallel_loop3A_389 = arith.addf %parallel_loop3A_386, %parallel_loop3A_388 : vector<16xf32>
        %parallel_loop3A_390 = vector.broadcast %parallel_loop3A_358 : f32 to vector<16xf32>
        %parallel_loop3A_391 = arith.mulf %get3A_208, %parallel_loop3A_390 : vector<16xf32>
        %parallel_loop3A_392 = arith.addf %parallel_loop3A_389, %parallel_loop3A_391 : vector<16xf32>
        %parallel_loop3A_393 = vector.broadcast %parallel_loop3A_360 : f32 to vector<16xf32>
        %parallel_loop3A_394 = arith.mulf %get3A_212, %parallel_loop3A_393 : vector<16xf32>
        %parallel_loop3A_395 = arith.addf %parallel_loop3A_392, %parallel_loop3A_394 : vector<16xf32>
        %parallel_loop3A_396 = vector.broadcast %parallel_loop3A_362 : f32 to vector<16xf32>
        %parallel_loop3A_397 = arith.addf %get3A_230, %parallel_loop3A_396 : vector<16xf32>
        %parallel_loop3A_398 = vector.broadcast %parallel_loop3A_356 : f32 to vector<16xf32>
        %parallel_loop3A_399 = arith.mulf %get3A_220, %parallel_loop3A_398 : vector<16xf32>
        %parallel_loop3A_400 = arith.addf %parallel_loop3A_397, %parallel_loop3A_399 : vector<16xf32>
        %parallel_loop3A_401 = vector.broadcast %parallel_loop3A_358 : f32 to vector<16xf32>
        %parallel_loop3A_402 = arith.mulf %get3A_224, %parallel_loop3A_401 : vector<16xf32>
        %parallel_loop3A_403 = arith.addf %parallel_loop3A_400, %parallel_loop3A_402 : vector<16xf32>
        %parallel_loop3A_404 = vector.broadcast %parallel_loop3A_360 : f32 to vector<16xf32>
        %parallel_loop3A_405 = arith.mulf %get3A_228, %parallel_loop3A_404 : vector<16xf32>
        %parallel_loop3A_406 = arith.addf %parallel_loop3A_403, %parallel_loop3A_405 : vector<16xf32>
        %parallel_loop3A_407 = vector.broadcast %parallel_loop3A_362 : f32 to vector<16xf32>
        %parallel_loop3A_408 = arith.addf %get3A_246, %parallel_loop3A_407 : vector<16xf32>
        %parallel_loop3A_409 = vector.broadcast %parallel_loop3A_356 : f32 to vector<16xf32>
        %parallel_loop3A_410 = arith.mulf %get3A_236, %parallel_loop3A_409 : vector<16xf32>
        %parallel_loop3A_411 = arith.addf %parallel_loop3A_408, %parallel_loop3A_410 : vector<16xf32>
        %parallel_loop3A_412 = vector.broadcast %parallel_loop3A_358 : f32 to vector<16xf32>
        %parallel_loop3A_413 = arith.mulf %get3A_240, %parallel_loop3A_412 : vector<16xf32>
        %parallel_loop3A_414 = arith.addf %parallel_loop3A_411, %parallel_loop3A_413 : vector<16xf32>
        %parallel_loop3A_415 = vector.broadcast %parallel_loop3A_360 : f32 to vector<16xf32>
        %parallel_loop3A_416 = arith.mulf %get3A_244, %parallel_loop3A_415 : vector<16xf32>
        %parallel_loop3A_417 = arith.addf %parallel_loop3A_414, %parallel_loop3A_416 : vector<16xf32>
        %parallel_loop3A_418 = vector.broadcast %parallel_loop3A_362 : f32 to vector<16xf32>
        %parallel_loop3A_419 = arith.addf %get3A_262, %parallel_loop3A_418 : vector<16xf32>
        %parallel_loop3A_420 = vector.broadcast %parallel_loop3A_356 : f32 to vector<16xf32>
        %parallel_loop3A_421 = arith.mulf %get3A_252, %parallel_loop3A_420 : vector<16xf32>
        %parallel_loop3A_422 = arith.addf %parallel_loop3A_419, %parallel_loop3A_421 : vector<16xf32>
        %parallel_loop3A_423 = vector.broadcast %parallel_loop3A_358 : f32 to vector<16xf32>
        %parallel_loop3A_424 = arith.mulf %get3A_256, %parallel_loop3A_423 : vector<16xf32>
        %parallel_loop3A_425 = arith.addf %parallel_loop3A_422, %parallel_loop3A_424 : vector<16xf32>
        %parallel_loop3A_426 = vector.broadcast %parallel_loop3A_360 : f32 to vector<16xf32>
        %parallel_loop3A_427 = arith.mulf %get3A_260, %parallel_loop3A_426 : vector<16xf32>
        %parallel_loop3A_428 = arith.addf %parallel_loop3A_425, %parallel_loop3A_427 : vector<16xf32>
        %parallel_loop3A_429 = arith.minimumf %parallel_loop3A_373, %parallel_loop3A_384 : vector<16xf32>
        %parallel_loop3A_430 = arith.minimumf %parallel_loop3A_429, %parallel_loop3A_395 : vector<16xf32>
        %parallel_loop3A_431 = arith.minimumf %parallel_loop3A_430, %parallel_loop3A_406 : vector<16xf32>
        %parallel_loop3A_432 = arith.minimumf %parallel_loop3A_431, %parallel_loop3A_417 : vector<16xf32>
        %parallel_loop3A_433 = arith.minimumf %parallel_loop3A_432, %parallel_loop3A_428 : vector<16xf32>
        %parallel_loop3A_434 = arith.constant 256 : i32
        %parallel_loop3A_435 = arith.muli %parallel_loop3A_338, %parallel_loop3A_434 : i32
        %parallel_loop3A_436 = arith.constant 0 : i32
        %parallel_loop3A_437 = arith.addi %parallel_loop3A_435, %parallel_loop3A_436 : i32
        %parallel_loop3A_438 = arith.index_cast %parallel_loop3A_437 : i32 to index
        %parallel_loop3A_439 = tpu.vector_load %arg12[%parallel_loop3A_438] {strides = array<i32>} : memref<65536xf32, #tpu.memory_space<vmem>>, vector<16xf32>,
        %parallel_loop3A_440 = arith.minimumf %parallel_loop3A_439, %parallel_loop3A_433 : vector<16xf32>
        %parallel_loop3A_441 = arith.index_cast %parallel_loop3A_437 : i32 to index
        %parallel_loop3A_442 = tpu.vector_load %arg12[%parallel_loop3A_441] {strides = array<i32>} : memref<65536xf32, #tpu.memory_space<vmem>>, vector<16xf32>,
        tpu.vector_store %arg12[%parallel_loop3A_441], %parallel_loop3A_440 {strides = array<i32>} : memref<65536xf32, #tpu.memory_space<vmem>>, vector<16xf32>,
        %parallel_loop3A_443 = arith.minimumf %parallel_loop3A_339, %parallel_loop3A_373 : vector<16xf32>
        %parallel_loop3A_444 = arith.minimumf %parallel_loop3A_340, %parallel_loop3A_384 : vector<16xf32>
        %parallel_loop3A_445 = arith.minimumf %parallel_loop3A_341, %parallel_loop3A_395 : vector<16xf32>
        %parallel_loop3A_446 = arith.minimumf %parallel_loop3A_342, %parallel_loop3A_406 : vector<16xf32>
        %parallel_loop3A_447 = arith.minimumf %parallel_loop3A_343, %parallel_loop3A_417 : vector<16xf32>
        %parallel_loop3A_448 = arith.minimumf %parallel_loop3A_344, %parallel_loop3A_428 : vector<16xf32>
        %parallel_loop3A_449 = vector.extract_strided_slice %parallel_loop3A_348 {offsets = [1], sizes = [1], strides = [1]} : vector<16xf32> to vector<1xf32>
        %parallel_loop3A_450 = vector.extract %parallel_loop3A_449[0] : f32 from vector<1xf32>
        %parallel_loop3A_451 = vector.extract_strided_slice %parallel_loop3A_350 {offsets = [1], sizes = [1], strides = [1]} : vector<16xf32> to vector<1xf32>
        %parallel_loop3A_452 = vector.extract %parallel_loop3A_451[0] : f32 from vector<1xf32>
        %parallel_loop3A_453 = vector.extract_strided_slice %parallel_loop3A_352 {offsets = [1], sizes = [1], strides = [1]} : vector<16xf32> to vector<1xf32>
        %parallel_loop3A_454 = vector.extract %parallel_loop3A_453[0] : f32 from vector<1xf32>
        %parallel_loop3A_455 = vector.extract_strided_slice %parallel_loop3A_354 {offsets = [1], sizes = [1], strides = [1]} : vector<16xf32> to vector<1xf32>
        %parallel_loop3A_456 = vector.extract %parallel_loop3A_455[0] : f32 from vector<1xf32>
        %parallel_loop3A_457 = vector.broadcast %parallel_loop3A_456 : f32 to vector<16xf32>
        %parallel_loop3A_458 = arith.addf %get3A_182, %parallel_loop3A_457 : vector<16xf32>
        %parallel_loop3A_459 = vector.broadcast %parallel_loop3A_450 : f32 to vector<16xf32>
        %parallel_loop3A_460 = arith.mulf %get3A_172, %parallel_loop3A_459 : vector<16xf32>
        %parallel_loop3A_461 = arith.addf %parallel_loop3A_458, %parallel_loop3A_460 : vector<16xf32>
        %parallel_loop3A_462 = vector.broadcast %parallel_loop3A_452 : f32 to vector<16xf32>
        %parallel_loop3A_463 = arith.mulf %get3A_176, %parallel_loop3A_462 : vector<16xf32>
        %parallel_loop3A_464 = arith.addf %parallel_loop3A_461, %parallel_loop3A_463 : vector<16xf32>
        %parallel_loop3A_465 = vector.broadcast %parallel_loop3A_454 : f32 to vector<16xf32>
        %parallel_loop3A_466 = arith.mulf %get3A_180, %parallel_loop3A_465 : vector<16xf32>
        %parallel_loop3A_467 = arith.addf %parallel_loop3A_464, %parallel_loop3A_466 : vector<16xf32>
        %parallel_loop3A_468 = vector.broadcast %parallel_loop3A_456 : f32 to vector<16xf32>
        %parallel_loop3A_469 = arith.addf %get3A_198, %parallel_loop3A_468 : vector<16xf32>
        %parallel_loop3A_470 = vector.broadcast %parallel_loop3A_450 : f32 to vector<16xf32>
        %parallel_loop3A_471 = arith.mulf %get3A_188, %parallel_loop3A_470 : vector<16xf32>
        %parallel_loop3A_472 = arith.addf %parallel_loop3A_469, %parallel_loop3A_471 : vector<16xf32>
        %parallel_loop3A_473 = vector.broadcast %parallel_loop3A_452 : f32 to vector<16xf32>
        %parallel_loop3A_474 = arith.mulf %get3A_192, %parallel_loop3A_473 : vector<16xf32>
        %parallel_loop3A_475 = arith.addf %parallel_loop3A_472, %parallel_loop3A_474 : vector<16xf32>
        %parallel_loop3A_476 = vector.broadcast %parallel_loop3A_454 : f32 to vector<16xf32>
        %parallel_loop3A_477 = arith.mulf %get3A_196, %parallel_loop3A_476 : vector<16xf32>
        %parallel_loop3A_478 = arith.addf %parallel_loop3A_475, %parallel_loop3A_477 : vector<16xf32>
        %parallel_loop3A_479 = vector.broadcast %parallel_loop3A_456 : f32 to vector<16xf32>
        %parallel_loop3A_480 = arith.addf %get3A_214, %parallel_loop3A_479 : vector<16xf32>
        %parallel_loop3A_481 = vector.broadcast %parallel_loop3A_450 : f32 to vector<16xf32>
        %parallel_loop3A_482 = arith.mulf %get3A_204, %parallel_loop3A_481 : vector<16xf32>
        %parallel_loop3A_483 = arith.addf %parallel_loop3A_480, %parallel_loop3A_482 : vector<16xf32>
        %parallel_loop3A_484 = vector.broadcast %parallel_loop3A_452 : f32 to vector<16xf32>
        %parallel_loop3A_485 = arith.mulf %get3A_208, %parallel_loop3A_484 : vector<16xf32>
        %parallel_loop3A_486 = arith.addf %parallel_loop3A_483, %parallel_loop3A_485 : vector<16xf32>
        %parallel_loop3A_487 = vector.broadcast %parallel_loop3A_454 : f32 to vector<16xf32>
        %parallel_loop3A_488 = arith.mulf %get3A_212, %parallel_loop3A_487 : vector<16xf32>
        %parallel_loop3A_489 = arith.addf %parallel_loop3A_486, %parallel_loop3A_488 : vector<16xf32>
        %parallel_loop3A_490 = vector.broadcast %parallel_loop3A_456 : f32 to vector<16xf32>
        %parallel_loop3A_491 = arith.addf %get3A_230, %parallel_loop3A_490 : vector<16xf32>
        %parallel_loop3A_492 = vector.broadcast %parallel_loop3A_450 : f32 to vector<16xf32>
        %parallel_loop3A_493 = arith.mulf %get3A_220, %parallel_loop3A_492 : vector<16xf32>
        %parallel_loop3A_494 = arith.addf %parallel_loop3A_491, %parallel_loop3A_493 : vector<16xf32>
        %parallel_loop3A_495 = vector.broadcast %parallel_loop3A_452 : f32 to vector<16xf32>
        %parallel_loop3A_496 = arith.mulf %get3A_224, %parallel_loop3A_495 : vector<16xf32>
        %parallel_loop3A_497 = arith.addf %parallel_loop3A_494, %parallel_loop3A_496 : vector<16xf32>
        %parallel_loop3A_498 = vector.broadcast %parallel_loop3A_454 : f32 to vector<16xf32>
        %parallel_loop3A_499 = arith.mulf %get3A_228, %parallel_loop3A_498 : vector<16xf32>
        %parallel_loop3A_500 = arith.addf %parallel_loop3A_497, %parallel_loop3A_499 : vector<16xf32>
        %parallel_loop3A_501 = vector.broadcast %parallel_loop3A_456 : f32 to vector<16xf32>
        %parallel_loop3A_502 = arith.addf %get3A_246, %parallel_loop3A_501 : vector<16xf32>
        %parallel_loop3A_503 = vector.broadcast %parallel_loop3A_450 : f32 to vector<16xf32>
        %parallel_loop3A_504 = arith.mulf %get3A_236, %parallel_loop3A_503 : vector<16xf32>
        %parallel_loop3A_505 = arith.addf %parallel_loop3A_502, %parallel_loop3A_504 : vector<16xf32>
        %parallel_loop3A_506 = vector.broadcast %parallel_loop3A_452 : f32 to vector<16xf32>
        %parallel_loop3A_507 = arith.mulf %get3A_240, %parallel_loop3A_506 : vector<16xf32>
        %parallel_loop3A_508 = arith.addf %parallel_loop3A_505, %parallel_loop3A_507 : vector<16xf32>
        %parallel_loop3A_509 = vector.broadcast %parallel_loop3A_454 : f32 to vector<16xf32>
        %parallel_loop3A_510 = arith.mulf %get3A_244, %parallel_loop3A_509 : vector<16xf32>
        %parallel_loop3A_511 = arith.addf %parallel_loop3A_508, %parallel_loop3A_510 : vector<16xf32>
        %parallel_loop3A_512 = vector.broadcast %parallel_loop3A_456 : f32 to vector<16xf32>
        %parallel_loop3A_513 = arith.addf %get3A_262, %parallel_loop3A_512 : vector<16xf32>
        %parallel_loop3A_514 = vector.broadcast %parallel_loop3A_450 : f32 to vector<16xf32>
        %parallel_loop3A_515 = arith.mulf %get3A_252, %parallel_loop3A_514 : vector<16xf32>
        %parallel_loop3A_516 = arith.addf %parallel_loop3A_513, %parallel_loop3A_515 : vector<16xf32>
        %parallel_loop3A_517 = vector.broadcast %parallel_loop3A_452 : f32 to vector<16xf32>
        %parallel_loop3A_518 = arith.mulf %get3A_256, %parallel_loop3A_517 : vector<16xf32>
        %parallel_loop3A_519 = arith.addf %parallel_loop3A_516, %parallel_loop3A_518 : vector<16xf32>
        %parallel_loop3A_520 = vector.broadcast %parallel_loop3A_454 : f32 to vector<16xf32>
        %parallel_loop3A_521 = arith.mulf %get3A_260, %parallel_loop3A_520 : vector<16xf32>
        %parallel_loop3A_522 = arith.addf %parallel_loop3A_519, %parallel_loop3A_521 : vector<16xf32>
        %parallel_loop3A_523 = arith.minimumf %parallel_loop3A_467, %parallel_loop3A_478 : vector<16xf32>
        %parallel_loop3A_524 = arith.minimumf %parallel_loop3A_523, %parallel_loop3A_489 : vector<16xf32>
        %parallel_loop3A_525 = arith.minimumf %parallel_loop3A_524, %parallel_loop3A_500 : vector<16xf32>
        %parallel_loop3A_526 = arith.minimumf %parallel_loop3A_525, %parallel_loop3A_511 : vector<16xf32>
        %parallel_loop3A_527 = arith.minimumf %parallel_loop3A_526, %parallel_loop3A_522 : vector<16xf32>
        %parallel_loop3A_528 = arith.constant 256 : i32
        %parallel_loop3A_529 = arith.muli %parallel_loop3A_338, %parallel_loop3A_528 : i32
        %parallel_loop3A_530 = arith.constant 16 : i32
        %parallel_loop3A_531 = arith.addi %parallel_loop3A_529, %parallel_loop3A_530 : i32
        %parallel_loop3A_532 = arith.index_cast %parallel_loop3A_531 : i32 to index
        %parallel_loop3A_533 = tpu.vector_load %arg12[%parallel_loop3A_532] {strides = array<i32>} : memref<65536xf32, #tpu.memory_space<vmem>>, vector<16xf32>,
        %parallel_loop3A_534 = arith.minimumf %parallel_loop3A_533, %parallel_loop3A_527 : vector<16xf32>
        %parallel_loop3A_535 = arith.index_cast %parallel_loop3A_531 : i32 to index
        %parallel_loop3A_536 = tpu.vector_load %arg12[%parallel_loop3A_535] {strides = array<i32>} : memref<65536xf32, #tpu.memory_space<vmem>>, vector<16xf32>,
        tpu.vector_store %arg12[%parallel_loop3A_535], %parallel_loop3A_534 {strides = array<i32>} : memref<65536xf32, #tpu.memory_space<vmem>>, vector<16xf32>,
        %parallel_loop3A_537 = arith.minimumf %parallel_loop3A_443, %parallel_loop3A_467 : vector<16xf32>
        %parallel_loop3A_538 = arith.minimumf %parallel_loop3A_444, %parallel_loop3A_478 : vector<16xf32>
        %parallel_loop3A_539 = arith.minimumf %parallel_loop3A_445, %parallel_loop3A_489 : vector<16xf32>
        %parallel_loop3A_540 = arith.minimumf %parallel_loop3A_446, %parallel_loop3A_500 : vector<16xf32>
        %parallel_loop3A_541 = arith.minimumf %parallel_loop3A_447, %parallel_loop3A_511 : vector<16xf32>
        %parallel_loop3A_542 = arith.minimumf %parallel_loop3A_448, %parallel_loop3A_522 : vector<16xf32>
        %parallel_loop3A_543 = vector.extract_strided_slice %parallel_loop3A_348 {offsets = [2], sizes = [1], strides = [1]} : vector<16xf32> to vector<1xf32>
        %parallel_loop3A_544 = vector.extract %parallel_loop3A_543[0] : f32 from vector<1xf32>
        %parallel_loop3A_545 = vector.extract_strided_slice %parallel_loop3A_350 {offsets = [2], sizes = [1], strides = [1]} : vector<16xf32> to vector<1xf32>
        %parallel_loop3A_546 = vector.extract %parallel_loop3A_545[0] : f32 from vector<1xf32>
        %parallel_loop3A_547 = vector.extract_strided_slice %parallel_loop3A_352 {offsets = [2], sizes = [1], strides = [1]} : vector<16xf32> to vector<1xf32>
        %parallel_loop3A_548 = vector.extract %parallel_loop3A_547[0] : f32 from vector<1xf32>
        %parallel_loop3A_549 = vector.extract_strided_slice %parallel_loop3A_354 {offsets = [2], sizes = [1], strides = [1]} : vector<16xf32> to vector<1xf32>
        %parallel_loop3A_550 = vector.extract %parallel_loop3A_549[0] : f32 from vector<1xf32>
        %parallel_loop3A_551 = vector.broadcast %parallel_loop3A_550 : f32 to vector<16xf32>
        %parallel_loop3A_552 = arith.addf %get3A_182, %parallel_loop3A_551 : vector<16xf32>
        %parallel_loop3A_553 = vector.broadcast %parallel_loop3A_544 : f32 to vector<16xf32>
        %parallel_loop3A_554 = arith.mulf %get3A_172, %parallel_loop3A_553 : vector<16xf32>
        %parallel_loop3A_555 = arith.addf %parallel_loop3A_552, %parallel_loop3A_554 : vector<16xf32>
        %parallel_loop3A_556 = vector.broadcast %parallel_loop3A_546 : f32 to vector<16xf32>
        %parallel_loop3A_557 = arith.mulf %get3A_176, %parallel_loop3A_556 : vector<16xf32>
        %parallel_loop3A_558 = arith.addf %parallel_loop3A_555, %parallel_loop3A_557 : vector<16xf32>
        %parallel_loop3A_559 = vector.broadcast %parallel_loop3A_548 : f32 to vector<16xf32>
        %parallel_loop3A_560 = arith.mulf %get3A_180, %parallel_loop3A_559 : vector<16xf32>
        %parallel_loop3A_561 = arith.addf %parallel_loop3A_558, %parallel_loop3A_560 : vector<16xf32>
        %parallel_loop3A_562 = vector.broadcast %parallel_loop3A_550 : f32 to vector<16xf32>
        %parallel_loop3A_563 = arith.addf %get3A_198, %parallel_loop3A_562 : vector<16xf32>
        %parallel_loop3A_564 = vector.broadcast %parallel_loop3A_544 : f32 to vector<16xf32>
        %parallel_loop3A_565 = arith.mulf %get3A_188, %parallel_loop3A_564 : vector<16xf32>
        %parallel_loop3A_566 = arith.addf %parallel_loop3A_563, %parallel_loop3A_565 : vector<16xf32>
        %parallel_loop3A_567 = vector.broadcast %parallel_loop3A_546 : f32 to vector<16xf32>
        %parallel_loop3A_568 = arith.mulf %get3A_192, %parallel_loop3A_567 : vector<16xf32>
        %parallel_loop3A_569 = arith.addf %parallel_loop3A_566, %parallel_loop3A_568 : vector<16xf32>
        %parallel_loop3A_570 = vector.broadcast %parallel_loop3A_548 : f32 to vector<16xf32>
        %parallel_loop3A_571 = arith.mulf %get3A_196, %parallel_loop3A_570 : vector<16xf32>
        %parallel_loop3A_572 = arith.addf %parallel_loop3A_569, %parallel_loop3A_571 : vector<16xf32>
        %parallel_loop3A_573 = vector.broadcast %parallel_loop3A_550 : f32 to vector<16xf32>
        %parallel_loop3A_574 = arith.addf %get3A_214, %parallel_loop3A_573 : vector<16xf32>
        %parallel_loop3A_575 = vector.broadcast %parallel_loop3A_544 : f32 to vector<16xf32>
        %parallel_loop3A_576 = arith.mulf %get3A_204, %parallel_loop3A_575 : vector<16xf32>
        %parallel_loop3A_577 = arith.addf %parallel_loop3A_574, %parallel_loop3A_576 : vector<16xf32>
        %parallel_loop3A_578 = vector.broadcast %parallel_loop3A_546 : f32 to vector<16xf32>
        %parallel_loop3A_579 = arith.mulf %get3A_208, %parallel_loop3A_578 : vector<16xf32>
        %parallel_loop3A_580 = arith.addf %parallel_loop3A_577, %parallel_loop3A_579 : vector<16xf32>
        %parallel_loop3A_581 = vector.broadcast %parallel_loop3A_548 : f32 to vector<16xf32>
        %parallel_loop3A_582 = arith.mulf %get3A_212, %parallel_loop3A_581 : vector<16xf32>
        %parallel_loop3A_583 = arith.addf %parallel_loop3A_580, %parallel_loop3A_582 : vector<16xf32>
        %parallel_loop3A_584 = vector.broadcast %parallel_loop3A_550 : f32 to vector<16xf32>
        %parallel_loop3A_585 = arith.addf %get3A_230, %parallel_loop3A_584 : vector<16xf32>
        %parallel_loop3A_586 = vector.broadcast %parallel_loop3A_544 : f32 to vector<16xf32>
        %parallel_loop3A_587 = arith.mulf %get3A_220, %parallel_loop3A_586 : vector<16xf32>
        %parallel_loop3A_588 = arith.addf %parallel_loop3A_585, %parallel_loop3A_587 : vector<16xf32>
        %parallel_loop3A_589 = vector.broadcast %parallel_loop3A_546 : f32 to vector<16xf32>
        %parallel_loop3A_590 = arith.mulf %get3A_224, %parallel_loop3A_589 : vector<16xf32>
        %parallel_loop3A_591 = arith.addf %parallel_loop3A_588, %parallel_loop3A_590 : vector<16xf32>
        %parallel_loop3A_592 = vector.broadcast %parallel_loop3A_548 : f32 to vector<16xf32>
        %parallel_loop3A_593 = arith.mulf %get3A_228, %parallel_loop3A_592 : vector<16xf32>
        %parallel_loop3A_594 = arith.addf %parallel_loop3A_591, %parallel_loop3A_593 : vector<16xf32>
        %parallel_loop3A_595 = vector.broadcast %parallel_loop3A_550 : f32 to vector<16xf32>
        %parallel_loop3A_596 = arith.addf %get3A_246, %parallel_loop3A_595 : vector<16xf32>
        %parallel_loop3A_597 = vector.broadcast %parallel_loop3A_544 : f32 to vector<16xf32>
        %parallel_loop3A_598 = arith.mulf %get3A_236, %parallel_loop3A_597 : vector<16xf32>
        %parallel_loop3A_599 = arith.addf %parallel_loop3A_596, %parallel_loop3A_598 : vector<16xf32>
        %parallel_loop3A_600 = vector.broadcast %parallel_loop3A_546 : f32 to vector<16xf32>
        %parallel_loop3A_601 = arith.mulf %get3A_240, %parallel_loop3A_600 : vector<16xf32>
        %parallel_loop3A_602 = arith.addf %parallel_loop3A_599, %parallel_loop3A_601 : vector<16xf32>
        %parallel_loop3A_603 = vector.broadcast %parallel_loop3A_548 : f32 to vector<16xf32>
        %parallel_loop3A_604 = arith.mulf %get3A_244, %parallel_loop3A_603 : vector<16xf32>
        %parallel_loop3A_605 = arith.addf %parallel_loop3A_602, %parallel_loop3A_604 : vector<16xf32>
        %parallel_loop3A_606 = vector.broadcast %parallel_loop3A_550 : f32 to vector<16xf32>
        %parallel_loop3A_607 = arith.addf %get3A_262, %parallel_loop3A_606 : vector<16xf32>
        %parallel_loop3A_608 = vector.broadcast %parallel_loop3A_544 : f32 to vector<16xf32>
        %parallel_loop3A_609 = arith.mulf %get3A_252, %parallel_loop3A_608 : vector<16xf32>
        %parallel_loop3A_610 = arith.addf %parallel_loop3A_607, %parallel_loop3A_609 : vector<16xf32>
        %parallel_loop3A_611 = vector.broadcast %parallel_loop3A_546 : f32 to vector<16xf32>
        %parallel_loop3A_612 = arith.mulf %get3A_256, %parallel_loop3A_611 : vector<16xf32>
        %parallel_loop3A_613 = arith.addf %parallel_loop3A_610, %parallel_loop3A_612 : vector<16xf32>
        %parallel_loop3A_614 = vector.broadcast %parallel_loop3A_548 : f32 to vector<16xf32>
        %parallel_loop3A_615 = arith.mulf %get3A_260, %parallel_loop3A_614 : vector<16xf32>
        %parallel_loop3A_616 = arith.addf %parallel_loop3A_613, %parallel_loop3A_615 : vector<16xf32>
        %parallel_loop3A_617 = arith.minimumf %parallel_loop3A_561, %parallel_loop3A_572 : vector<16xf32>
        %parallel_loop3A_618 = arith.minimumf %parallel_loop3A_617, %parallel_loop3A_583 : vector<16xf32>
        %parallel_loop3A_619 = arith.minimumf %parallel_loop3A_618, %parallel_loop3A_594 : vector<16xf32>
        %parallel_loop3A_620 = arith.minimumf %parallel_loop3A_619, %parallel_loop3A_605 : vector<16xf32>
        %parallel_loop3A_621 = arith.minimumf %parallel_loop3A_620, %parallel_loop3A_616 : vector<16xf32>
        %parallel_loop3A_622 = arith.constant 256 : i32
        %parallel_loop3A_623 = arith.muli %parallel_loop3A_338, %parallel_loop3A_622 : i32
        %parallel_loop3A_624 = arith.constant 32 : i32
        %parallel_loop3A_625 = arith.addi %parallel_loop3A_623, %parallel_loop3A_624 : i32
        %parallel_loop3A_626 = arith.index_cast %parallel_loop3A_625 : i32 to index
        %parallel_loop3A_627 = tpu.vector_load %arg12[%parallel_loop3A_626] {strides = array<i32>} : memref<65536xf32, #tpu.memory_space<vmem>>, vector<16xf32>,
        %parallel_loop3A_628 = arith.minimumf %parallel_loop3A_627, %parallel_loop3A_621 : vector<16xf32>
        %parallel_loop3A_629 = arith.index_cast %parallel_loop3A_625 : i32 to index
        %parallel_loop3A_630 = tpu.vector_load %arg12[%parallel_loop3A_629] {strides = array<i32>} : memref<65536xf32, #tpu.memory_space<vmem>>, vector<16xf32>,
        tpu.vector_store %arg12[%parallel_loop3A_629], %parallel_loop3A_628 {strides = array<i32>} : memref<65536xf32, #tpu.memory_space<vmem>>, vector<16xf32>,
        %parallel_loop3A_631 = arith.minimumf %parallel_loop3A_537, %parallel_loop3A_561 : vector<16xf32>
        %parallel_loop3A_632 = arith.minimumf %parallel_loop3A_538, %parallel_loop3A_572 : vector<16xf32>
        %parallel_loop3A_633 = arith.minimumf %parallel_loop3A_539, %parallel_loop3A_583 : vector<16xf32>
        %parallel_loop3A_634 = arith.minimumf %parallel_loop3A_540, %parallel_loop3A_594 : vector<16xf32>
        %parallel_loop3A_635 = arith.minimumf %parallel_loop3A_541, %parallel_loop3A_605 : vector<16xf32>
        %parallel_loop3A_636 = arith.minimumf %parallel_loop3A_542, %parallel_loop3A_616 : vector<16xf32>
        %parallel_loop3A_637 = vector.extract_strided_slice %parallel_loop3A_348 {offsets = [3], sizes = [1], strides = [1]} : vector<16xf32> to vector<1xf32>
        %parallel_loop3A_638 = vector.extract %parallel_loop3A_637[0] : f32 from vector<1xf32>
        %parallel_loop3A_639 = vector.extract_strided_slice %parallel_loop3A_350 {offsets = [3], sizes = [1], strides = [1]} : vector<16xf32> to vector<1xf32>
        %parallel_loop3A_640 = vector.extract %parallel_loop3A_639[0] : f32 from vector<1xf32>
        %parallel_loop3A_641 = vector.extract_strided_slice %parallel_loop3A_352 {offsets = [3], sizes = [1], strides = [1]} : vector<16xf32> to vector<1xf32>
        %parallel_loop3A_642 = vector.extract %parallel_loop3A_641[0] : f32 from vector<1xf32>
        %parallel_loop3A_643 = vector.extract_strided_slice %parallel_loop3A_354 {offsets = [3], sizes = [1], strides = [1]} : vector<16xf32> to vector<1xf32>
        %parallel_loop3A_644 = vector.extract %parallel_loop3A_643[0] : f32 from vector<1xf32>
        %parallel_loop3A_645 = vector.broadcast %parallel_loop3A_644 : f32 to vector<16xf32>
        %parallel_loop3A_646 = arith.addf %get3A_182, %parallel_loop3A_645 : vector<16xf32>
        %parallel_loop3A_647 = vector.broadcast %parallel_loop3A_638 : f32 to vector<16xf32>
        %parallel_loop3A_648 = arith.mulf %get3A_172, %parallel_loop3A_647 : vector<16xf32>
        %parallel_loop3A_649 = arith.addf %parallel_loop3A_646, %parallel_loop3A_648 : vector<16xf32>
        %parallel_loop3A_650 = vector.broadcast %parallel_loop3A_640 : f32 to vector<16xf32>
        %parallel_loop3A_651 = arith.mulf %get3A_176, %parallel_loop3A_650 : vector<16xf32>
        %parallel_loop3A_652 = arith.addf %parallel_loop3A_649, %parallel_loop3A_651 : vector<16xf32>
        %parallel_loop3A_653 = vector.broadcast %parallel_loop3A_642 : f32 to vector<16xf32>
        %parallel_loop3A_654 = arith.mulf %get3A_180, %parallel_loop3A_653 : vector<16xf32>
        %parallel_loop3A_655 = arith.addf %parallel_loop3A_652, %parallel_loop3A_654 : vector<16xf32>
        %parallel_loop3A_656 = vector.broadcast %parallel_loop3A_644 : f32 to vector<16xf32>
        %parallel_loop3A_657 = arith.addf %get3A_198, %parallel_loop3A_656 : vector<16xf32>
        %parallel_loop3A_658 = vector.broadcast %parallel_loop3A_638 : f32 to vector<16xf32>
        %parallel_loop3A_659 = arith.mulf %get3A_188, %parallel_loop3A_658 : vector<16xf32>
        %parallel_loop3A_660 = arith.addf %parallel_loop3A_657, %parallel_loop3A_659 : vector<16xf32>
        %parallel_loop3A_661 = vector.broadcast %parallel_loop3A_640 : f32 to vector<16xf32>
        %parallel_loop3A_662 = arith.mulf %get3A_192, %parallel_loop3A_661 : vector<16xf32>
        %parallel_loop3A_663 = arith.addf %parallel_loop3A_660, %parallel_loop3A_662 : vector<16xf32>
        %parallel_loop3A_664 = vector.broadcast %parallel_loop3A_642 : f32 to vector<16xf32>
        %parallel_loop3A_665 = arith.mulf %get3A_196, %parallel_loop3A_664 : vector<16xf32>
        %parallel_loop3A_666 = arith.addf %parallel_loop3A_663, %parallel_loop3A_665 : vector<16xf32>
        %parallel_loop3A_667 = vector.broadcast %parallel_loop3A_644 : f32 to vector<16xf32>
        %parallel_loop3A_668 = arith.addf %get3A_214, %parallel_loop3A_667 : vector<16xf32>
        %parallel_loop3A_669 = vector.broadcast %parallel_loop3A_638 : f32 to vector<16xf32>
        %parallel_loop3A_670 = arith.mulf %get3A_204, %parallel_loop3A_669 : vector<16xf32>
        %parallel_loop3A_671 = arith.addf %parallel_loop3A_668, %parallel_loop3A_670 : vector<16xf32>
        %parallel_loop3A_672 = vector.broadcast %parallel_loop3A_640 : f32 to vector<16xf32>
        %parallel_loop3A_673 = arith.mulf %get3A_208, %parallel_loop3A_672 : vector<16xf32>
        %parallel_loop3A_674 = arith.addf %parallel_loop3A_671, %parallel_loop3A_673 : vector<16xf32>
        %parallel_loop3A_675 = vector.broadcast %parallel_loop3A_642 : f32 to vector<16xf32>
        %parallel_loop3A_676 = arith.mulf %get3A_212, %parallel_loop3A_675 : vector<16xf32>
        %parallel_loop3A_677 = arith.addf %parallel_loop3A_674, %parallel_loop3A_676 : vector<16xf32>
        %parallel_loop3A_678 = vector.broadcast %parallel_loop3A_644 : f32 to vector<16xf32>
        %parallel_loop3A_679 = arith.addf %get3A_230, %parallel_loop3A_678 : vector<16xf32>
        %parallel_loop3A_680 = vector.broadcast %parallel_loop3A_638 : f32 to vector<16xf32>
        %parallel_loop3A_681 = arith.mulf %get3A_220, %parallel_loop3A_680 : vector<16xf32>
        %parallel_loop3A_682 = arith.addf %parallel_loop3A_679, %parallel_loop3A_681 : vector<16xf32>
        %parallel_loop3A_683 = vector.broadcast %parallel_loop3A_640 : f32 to vector<16xf32>
        %parallel_loop3A_684 = arith.mulf %get3A_224, %parallel_loop3A_683 : vector<16xf32>
        %parallel_loop3A_685 = arith.addf %parallel_loop3A_682, %parallel_loop3A_684 : vector<16xf32>
        %parallel_loop3A_686 = vector.broadcast %parallel_loop3A_642 : f32 to vector<16xf32>
        %parallel_loop3A_687 = arith.mulf %get3A_228, %parallel_loop3A_686 : vector<16xf32>
        %parallel_loop3A_688 = arith.addf %parallel_loop3A_685, %parallel_loop3A_687 : vector<16xf32>
        %parallel_loop3A_689 = vector.broadcast %parallel_loop3A_644 : f32 to vector<16xf32>
        %parallel_loop3A_690 = arith.addf %get3A_246, %parallel_loop3A_689 : vector<16xf32>
        %parallel_loop3A_691 = vector.broadcast %parallel_loop3A_638 : f32 to vector<16xf32>
        %parallel_loop3A_692 = arith.mulf %get3A_236, %parallel_loop3A_691 : vector<16xf32>
        %parallel_loop3A_693 = arith.addf %parallel_loop3A_690, %parallel_loop3A_692 : vector<16xf32>
        %parallel_loop3A_694 = vector.broadcast %parallel_loop3A_640 : f32 to vector<16xf32>
        %parallel_loop3A_695 = arith.mulf %get3A_240, %parallel_loop3A_694 : vector<16xf32>
        %parallel_loop3A_696 = arith.addf %parallel_loop3A_693, %parallel_loop3A_695 : vector<16xf32>
        %parallel_loop3A_697 = vector.broadcast %parallel_loop3A_642 : f32 to vector<16xf32>
        %parallel_loop3A_698 = arith.mulf %get3A_244, %parallel_loop3A_697 : vector<16xf32>
        %parallel_loop3A_699 = arith.addf %parallel_loop3A_696, %parallel_loop3A_698 : vector<16xf32>
        %parallel_loop3A_700 = vector.broadcast %parallel_loop3A_644 : f32 to vector<16xf32>
        %parallel_loop3A_701 = arith.addf %get3A_262, %parallel_loop3A_700 : vector<16xf32>
        %parallel_loop3A_702 = vector.broadcast %parallel_loop3A_638 : f32 to vector<16xf32>
        %parallel_loop3A_703 = arith.mulf %get3A_252, %parallel_loop3A_702 : vector<16xf32>
        %parallel_loop3A_704 = arith.addf %parallel_loop3A_701, %parallel_loop3A_703 : vector<16xf32>
        %parallel_loop3A_705 = vector.broadcast %parallel_loop3A_640 : f32 to vector<16xf32>
        %parallel_loop3A_706 = arith.mulf %get3A_256, %parallel_loop3A_705 : vector<16xf32>
        %parallel_loop3A_707 = arith.addf %parallel_loop3A_704, %parallel_loop3A_706 : vector<16xf32>
        %parallel_loop3A_708 = vector.broadcast %parallel_loop3A_642 : f32 to vector<16xf32>
        %parallel_loop3A_709 = arith.mulf %get3A_260, %parallel_loop3A_708 : vector<16xf32>
        %parallel_loop3A_710 = arith.addf %parallel_loop3A_707, %parallel_loop3A_709 : vector<16xf32>
        %parallel_loop3A_711 = arith.minimumf %parallel_loop3A_655, %parallel_loop3A_666 : vector<16xf32>
        %parallel_loop3A_712 = arith.minimumf %parallel_loop3A_711, %parallel_loop3A_677 : vector<16xf32>
        %parallel_loop3A_713 = arith.minimumf %parallel_loop3A_712, %parallel_loop3A_688 : vector<16xf32>
        %parallel_loop3A_714 = arith.minimumf %parallel_loop3A_713, %parallel_loop3A_699 : vector<16xf32>
        %parallel_loop3A_715 = arith.minimumf %parallel_loop3A_714, %parallel_loop3A_710 : vector<16xf32>
        %parallel_loop3A_716 = arith.constant 256 : i32
        %parallel_loop3A_717 = arith.muli %parallel_loop3A_338, %parallel_loop3A_716 : i32
        %parallel_loop3A_718 = arith.constant 48 : i32
        %parallel_loop3A_719 = arith.addi %parallel_loop3A_717, %parallel_loop3A_718 : i32
        %parallel_loop3A_720 = arith.index_cast %parallel_loop3A_719 : i32 to index
        %parallel_loop3A_721 = tpu.vector_load %arg12[%parallel_loop3A_720] {strides = array<i32>} : memref<65536xf32, #tpu.memory_space<vmem>>, vector<16xf32>,
        %parallel_loop3A_722 = arith.minimumf %parallel_loop3A_721, %parallel_loop3A_715 : vector<16xf32>
        %parallel_loop3A_723 = arith.index_cast %parallel_loop3A_719 : i32 to index
        %parallel_loop3A_724 = tpu.vector_load %arg12[%parallel_loop3A_723] {strides = array<i32>} : memref<65536xf32, #tpu.memory_space<vmem>>, vector<16xf32>,
        tpu.vector_store %arg12[%parallel_loop3A_723], %parallel_loop3A_722 {strides = array<i32>} : memref<65536xf32, #tpu.memory_space<vmem>>, vector<16xf32>,
        %parallel_loop3A_725 = arith.minimumf %parallel_loop3A_631, %parallel_loop3A_655 : vector<16xf32>
        %parallel_loop3A_726 = arith.minimumf %parallel_loop3A_632, %parallel_loop3A_666 : vector<16xf32>
        %parallel_loop3A_727 = arith.minimumf %parallel_loop3A_633, %parallel_loop3A_677 : vector<16xf32>
        %parallel_loop3A_728 = arith.minimumf %parallel_loop3A_634, %parallel_loop3A_688 : vector<16xf32>
        %parallel_loop3A_729 = arith.minimumf %parallel_loop3A_635, %parallel_loop3A_699 : vector<16xf32>
        %parallel_loop3A_730 = arith.minimumf %parallel_loop3A_636, %parallel_loop3A_710 : vector<16xf32>
        %parallel_loop3A_731 = vector.extract_strided_slice %parallel_loop3A_348 {offsets = [4], sizes = [1], strides = [1]} : vector<16xf32> to vector<1xf32>
        %parallel_loop3A_732 = vector.extract %parallel_loop3A_731[0] : f32 from vector<1xf32>
        %parallel_loop3A_733 = vector.extract_strided_slice %parallel_loop3A_350 {offsets = [4], sizes = [1], strides = [1]} : vector<16xf32> to vector<1xf32>
        %parallel_loop3A_734 = vector.extract %parallel_loop3A_733[0] : f32 from vector<1xf32>
        %parallel_loop3A_735 = vector.extract_strided_slice %parallel_loop3A_352 {offsets = [4], sizes = [1], strides = [1]} : vector<16xf32> to vector<1xf32>
        %parallel_loop3A_736 = vector.extract %parallel_loop3A_735[0] : f32 from vector<1xf32>
        %parallel_loop3A_737 = vector.extract_strided_slice %parallel_loop3A_354 {offsets = [4], sizes = [1], strides = [1]} : vector<16xf32> to vector<1xf32>
        %parallel_loop3A_738 = vector.extract %parallel_loop3A_737[0] : f32 from vector<1xf32>
        %parallel_loop3A_739 = vector.broadcast %parallel_loop3A_738 : f32 to vector<16xf32>
        %parallel_loop3A_740 = arith.addf %get3A_182, %parallel_loop3A_739 : vector<16xf32>
        %parallel_loop3A_741 = vector.broadcast %parallel_loop3A_732 : f32 to vector<16xf32>
        %parallel_loop3A_742 = arith.mulf %get3A_172, %parallel_loop3A_741 : vector<16xf32>
        %parallel_loop3A_743 = arith.addf %parallel_loop3A_740, %parallel_loop3A_742 : vector<16xf32>
        %parallel_loop3A_744 = vector.broadcast %parallel_loop3A_734 : f32 to vector<16xf32>
        %parallel_loop3A_745 = arith.mulf %get3A_176, %parallel_loop3A_744 : vector<16xf32>
        %parallel_loop3A_746 = arith.addf %parallel_loop3A_743, %parallel_loop3A_745 : vector<16xf32>
        %parallel_loop3A_747 = vector.broadcast %parallel_loop3A_736 : f32 to vector<16xf32>
        %parallel_loop3A_748 = arith.mulf %get3A_180, %parallel_loop3A_747 : vector<16xf32>
        %parallel_loop3A_749 = arith.addf %parallel_loop3A_746, %parallel_loop3A_748 : vector<16xf32>
        %parallel_loop3A_750 = vector.broadcast %parallel_loop3A_738 : f32 to vector<16xf32>
        %parallel_loop3A_751 = arith.addf %get3A_198, %parallel_loop3A_750 : vector<16xf32>
        %parallel_loop3A_752 = vector.broadcast %parallel_loop3A_732 : f32 to vector<16xf32>
        %parallel_loop3A_753 = arith.mulf %get3A_188, %parallel_loop3A_752 : vector<16xf32>
        %parallel_loop3A_754 = arith.addf %parallel_loop3A_751, %parallel_loop3A_753 : vector<16xf32>
        %parallel_loop3A_755 = vector.broadcast %parallel_loop3A_734 : f32 to vector<16xf32>
        %parallel_loop3A_756 = arith.mulf %get3A_192, %parallel_loop3A_755 : vector<16xf32>
        %parallel_loop3A_757 = arith.addf %parallel_loop3A_754, %parallel_loop3A_756 : vector<16xf32>
        %parallel_loop3A_758 = vector.broadcast %parallel_loop3A_736 : f32 to vector<16xf32>
        %parallel_loop3A_759 = arith.mulf %get3A_196, %parallel_loop3A_758 : vector<16xf32>
        %parallel_loop3A_760 = arith.addf %parallel_loop3A_757, %parallel_loop3A_759 : vector<16xf32>
        %parallel_loop3A_761 = vector.broadcast %parallel_loop3A_738 : f32 to vector<16xf32>
        %parallel_loop3A_762 = arith.addf %get3A_214, %parallel_loop3A_761 : vector<16xf32>
        %parallel_loop3A_763 = vector.broadcast %parallel_loop3A_732 : f32 to vector<16xf32>
        %parallel_loop3A_764 = arith.mulf %get3A_204, %parallel_loop3A_763 : vector<16xf32>
        %parallel_loop3A_765 = arith.addf %parallel_loop3A_762, %parallel_loop3A_764 : vector<16xf32>
        %parallel_loop3A_766 = vector.broadcast %parallel_loop3A_734 : f32 to vector<16xf32>
        %parallel_loop3A_767 = arith.mulf %get3A_208, %parallel_loop3A_766 : vector<16xf32>
        %parallel_loop3A_768 = arith.addf %parallel_loop3A_765, %parallel_loop3A_767 : vector<16xf32>
        %parallel_loop3A_769 = vector.broadcast %parallel_loop3A_736 : f32 to vector<16xf32>
        %parallel_loop3A_770 = arith.mulf %get3A_212, %parallel_loop3A_769 : vector<16xf32>
        %parallel_loop3A_771 = arith.addf %parallel_loop3A_768, %parallel_loop3A_770 : vector<16xf32>
        %parallel_loop3A_772 = vector.broadcast %parallel_loop3A_738 : f32 to vector<16xf32>
        %parallel_loop3A_773 = arith.addf %get3A_230, %parallel_loop3A_772 : vector<16xf32>
        %parallel_loop3A_774 = vector.broadcast %parallel_loop3A_732 : f32 to vector<16xf32>
        %parallel_loop3A_775 = arith.mulf %get3A_220, %parallel_loop3A_774 : vector<16xf32>
        %parallel_loop3A_776 = arith.addf %parallel_loop3A_773, %parallel_loop3A_775 : vector<16xf32>
        %parallel_loop3A_777 = vector.broadcast %parallel_loop3A_734 : f32 to vector<16xf32>
        %parallel_loop3A_778 = arith.mulf %get3A_224, %parallel_loop3A_777 : vector<16xf32>
        %parallel_loop3A_779 = arith.addf %parallel_loop3A_776, %parallel_loop3A_778 : vector<16xf32>
        %parallel_loop3A_780 = vector.broadcast %parallel_loop3A_736 : f32 to vector<16xf32>
        %parallel_loop3A_781 = arith.mulf %get3A_228, %parallel_loop3A_780 : vector<16xf32>
        %parallel_loop3A_782 = arith.addf %parallel_loop3A_779, %parallel_loop3A_781 : vector<16xf32>
        %parallel_loop3A_783 = vector.broadcast %parallel_loop3A_738 : f32 to vector<16xf32>
        %parallel_loop3A_784 = arith.addf %get3A_246, %parallel_loop3A_783 : vector<16xf32>
        %parallel_loop3A_785 = vector.broadcast %parallel_loop3A_732 : f32 to vector<16xf32>
        %parallel_loop3A_786 = arith.mulf %get3A_236, %parallel_loop3A_785 : vector<16xf32>
        %parallel_loop3A_787 = arith.addf %parallel_loop3A_784, %parallel_loop3A_786 : vector<16xf32>
        %parallel_loop3A_788 = vector.broadcast %parallel_loop3A_734 : f32 to vector<16xf32>
        %parallel_loop3A_789 = arith.mulf %get3A_240, %parallel_loop3A_788 : vector<16xf32>
        %parallel_loop3A_790 = arith.addf %parallel_loop3A_787, %parallel_loop3A_789 : vector<16xf32>
        %parallel_loop3A_791 = vector.broadcast %parallel_loop3A_736 : f32 to vector<16xf32>
        %parallel_loop3A_792 = arith.mulf %get3A_244, %parallel_loop3A_791 : vector<16xf32>
        %parallel_loop3A_793 = arith.addf %parallel_loop3A_790, %parallel_loop3A_792 : vector<16xf32>
        %parallel_loop3A_794 = vector.broadcast %parallel_loop3A_738 : f32 to vector<16xf32>
        %parallel_loop3A_795 = arith.addf %get3A_262, %parallel_loop3A_794 : vector<16xf32>
        %parallel_loop3A_796 = vector.broadcast %parallel_loop3A_732 : f32 to vector<16xf32>
        %parallel_loop3A_797 = arith.mulf %get3A_252, %parallel_loop3A_796 : vector<16xf32>
        %parallel_loop3A_798 = arith.addf %parallel_loop3A_795, %parallel_loop3A_797 : vector<16xf32>
        %parallel_loop3A_799 = vector.broadcast %parallel_loop3A_734 : f32 to vector<16xf32>
        %parallel_loop3A_800 = arith.mulf %get3A_256, %parallel_loop3A_799 : vector<16xf32>
        %parallel_loop3A_801 = arith.addf %parallel_loop3A_798, %parallel_loop3A_800 : vector<16xf32>
        %parallel_loop3A_802 = vector.broadcast %parallel_loop3A_736 : f32 to vector<16xf32>
        %parallel_loop3A_803 = arith.mulf %get3A_260, %parallel_loop3A_802 : vector<16xf32>
        %parallel_loop3A_804 = arith.addf %parallel_loop3A_801, %parallel_loop3A_803 : vector<16xf32>
        %parallel_loop3A_805 = arith.minimumf %parallel_loop3A_749, %parallel_loop3A_760 : vector<16xf32>
        %parallel_loop3A_806 = arith.minimumf %parallel_loop3A_805, %parallel_loop3A_771 : vector<16xf32>
        %parallel_loop3A_807 = arith.minimumf %parallel_loop3A_806, %parallel_loop3A_782 : vector<16xf32>
        %parallel_loop3A_808 = arith.minimumf %parallel_loop3A_807, %parallel_loop3A_793 : vector<16xf32>
        %parallel_loop3A_809 = arith.minimumf %parallel_loop3A_808, %parallel_loop3A_804 : vector<16xf32>
        %parallel_loop3A_810 = arith.constant 256 : i32
        %parallel_loop3A_811 = arith.muli %parallel_loop3A_338, %parallel_loop3A_810 : i32
        %parallel_loop3A_812 = arith.constant 64 : i32
        %parallel_loop3A_813 = arith.addi %parallel_loop3A_811, %parallel_loop3A_812 : i32
        %parallel_loop3A_814 = arith.index_cast %parallel_loop3A_813 : i32 to index
        %parallel_loop3A_815 = tpu.vector_load %arg12[%parallel_loop3A_814] {strides = array<i32>} : memref<65536xf32, #tpu.memory_space<vmem>>, vector<16xf32>,
        %parallel_loop3A_816 = arith.minimumf %parallel_loop3A_815, %parallel_loop3A_809 : vector<16xf32>
        %parallel_loop3A_817 = arith.index_cast %parallel_loop3A_813 : i32 to index
        %parallel_loop3A_818 = tpu.vector_load %arg12[%parallel_loop3A_817] {strides = array<i32>} : memref<65536xf32, #tpu.memory_space<vmem>>, vector<16xf32>,
        tpu.vector_store %arg12[%parallel_loop3A_817], %parallel_loop3A_816 {strides = array<i32>} : memref<65536xf32, #tpu.memory_space<vmem>>, vector<16xf32>,
        %parallel_loop3A_819 = arith.minimumf %parallel_loop3A_725, %parallel_loop3A_749 : vector<16xf32>
        %parallel_loop3A_820 = arith.minimumf %parallel_loop3A_726, %parallel_loop3A_760 : vector<16xf32>
        %parallel_loop3A_821 = arith.minimumf %parallel_loop3A_727, %parallel_loop3A_771 : vector<16xf32>
        %parallel_loop3A_822 = arith.minimumf %parallel_loop3A_728, %parallel_loop3A_782 : vector<16xf32>
        %parallel_loop3A_823 = arith.minimumf %parallel_loop3A_729, %parallel_loop3A_793 : vector<16xf32>
        %parallel_loop3A_824 = arith.minimumf %parallel_loop3A_730, %parallel_loop3A_804 : vector<16xf32>
        %parallel_loop3A_825 = vector.extract_strided_slice %parallel_loop3A_348 {offsets = [5], sizes = [1], strides = [1]} : vector<16xf32> to vector<1xf32>
        %parallel_loop3A_826 = vector.extract %parallel_loop3A_825[0] : f32 from vector<1xf32>
        %parallel_loop3A_827 = vector.extract_strided_slice %parallel_loop3A_350 {offsets = [5], sizes = [1], strides = [1]} : vector<16xf32> to vector<1xf32>
        %parallel_loop3A_828 = vector.extract %parallel_loop3A_827[0] : f32 from vector<1xf32>
        %parallel_loop3A_829 = vector.extract_strided_slice %parallel_loop3A_352 {offsets = [5], sizes = [1], strides = [1]} : vector<16xf32> to vector<1xf32>
        %parallel_loop3A_830 = vector.extract %parallel_loop3A_829[0] : f32 from vector<1xf32>
        %parallel_loop3A_831 = vector.extract_strided_slice %parallel_loop3A_354 {offsets = [5], sizes = [1], strides = [1]} : vector<16xf32> to vector<1xf32>
        %parallel_loop3A_832 = vector.extract %parallel_loop3A_831[0] : f32 from vector<1xf32>
        %parallel_loop3A_833 = vector.broadcast %parallel_loop3A_832 : f32 to vector<16xf32>
        %parallel_loop3A_834 = arith.addf %get3A_182, %parallel_loop3A_833 : vector<16xf32>
        %parallel_loop3A_835 = vector.broadcast %parallel_loop3A_826 : f32 to vector<16xf32>
        %parallel_loop3A_836 = arith.mulf %get3A_172, %parallel_loop3A_835 : vector<16xf32>
        %parallel_loop3A_837 = arith.addf %parallel_loop3A_834, %parallel_loop3A_836 : vector<16xf32>
        %parallel_loop3A_838 = vector.broadcast %parallel_loop3A_828 : f32 to vector<16xf32>
        %parallel_loop3A_839 = arith.mulf %get3A_176, %parallel_loop3A_838 : vector<16xf32>
        %parallel_loop3A_840 = arith.addf %parallel_loop3A_837, %parallel_loop3A_839 : vector<16xf32>
        %parallel_loop3A_841 = vector.broadcast %parallel_loop3A_830 : f32 to vector<16xf32>
        %parallel_loop3A_842 = arith.mulf %get3A_180, %parallel_loop3A_841 : vector<16xf32>
        %parallel_loop3A_843 = arith.addf %parallel_loop3A_840, %parallel_loop3A_842 : vector<16xf32>
        %parallel_loop3A_844 = vector.broadcast %parallel_loop3A_832 : f32 to vector<16xf32>
        %parallel_loop3A_845 = arith.addf %get3A_198, %parallel_loop3A_844 : vector<16xf32>
        %parallel_loop3A_846 = vector.broadcast %parallel_loop3A_826 : f32 to vector<16xf32>
        %parallel_loop3A_847 = arith.mulf %get3A_188, %parallel_loop3A_846 : vector<16xf32>
        %parallel_loop3A_848 = arith.addf %parallel_loop3A_845, %parallel_loop3A_847 : vector<16xf32>
        %parallel_loop3A_849 = vector.broadcast %parallel_loop3A_828 : f32 to vector<16xf32>
        %parallel_loop3A_850 = arith.mulf %get3A_192, %parallel_loop3A_849 : vector<16xf32>
        %parallel_loop3A_851 = arith.addf %parallel_loop3A_848, %parallel_loop3A_850 : vector<16xf32>
        %parallel_loop3A_852 = vector.broadcast %parallel_loop3A_830 : f32 to vector<16xf32>
        %parallel_loop3A_853 = arith.mulf %get3A_196, %parallel_loop3A_852 : vector<16xf32>
        %parallel_loop3A_854 = arith.addf %parallel_loop3A_851, %parallel_loop3A_853 : vector<16xf32>
        %parallel_loop3A_855 = vector.broadcast %parallel_loop3A_832 : f32 to vector<16xf32>
        %parallel_loop3A_856 = arith.addf %get3A_214, %parallel_loop3A_855 : vector<16xf32>
        %parallel_loop3A_857 = vector.broadcast %parallel_loop3A_826 : f32 to vector<16xf32>
        %parallel_loop3A_858 = arith.mulf %get3A_204, %parallel_loop3A_857 : vector<16xf32>
        %parallel_loop3A_859 = arith.addf %parallel_loop3A_856, %parallel_loop3A_858 : vector<16xf32>
        %parallel_loop3A_860 = vector.broadcast %parallel_loop3A_828 : f32 to vector<16xf32>
        %parallel_loop3A_861 = arith.mulf %get3A_208, %parallel_loop3A_860 : vector<16xf32>
        %parallel_loop3A_862 = arith.addf %parallel_loop3A_859, %parallel_loop3A_861 : vector<16xf32>
        %parallel_loop3A_863 = vector.broadcast %parallel_loop3A_830 : f32 to vector<16xf32>
        %parallel_loop3A_864 = arith.mulf %get3A_212, %parallel_loop3A_863 : vector<16xf32>
        %parallel_loop3A_865 = arith.addf %parallel_loop3A_862, %parallel_loop3A_864 : vector<16xf32>
        %parallel_loop3A_866 = vector.broadcast %parallel_loop3A_832 : f32 to vector<16xf32>
        %parallel_loop3A_867 = arith.addf %get3A_230, %parallel_loop3A_866 : vector<16xf32>
        %parallel_loop3A_868 = vector.broadcast %parallel_loop3A_826 : f32 to vector<16xf32>
        %parallel_loop3A_869 = arith.mulf %get3A_220, %parallel_loop3A_868 : vector<16xf32>
        %parallel_loop3A_870 = arith.addf %parallel_loop3A_867, %parallel_loop3A_869 : vector<16xf32>
        %parallel_loop3A_871 = vector.broadcast %parallel_loop3A_828 : f32 to vector<16xf32>
        %parallel_loop3A_872 = arith.mulf %get3A_224, %parallel_loop3A_871 : vector<16xf32>
        %parallel_loop3A_873 = arith.addf %parallel_loop3A_870, %parallel_loop3A_872 : vector<16xf32>
        %parallel_loop3A_874 = vector.broadcast %parallel_loop3A_830 : f32 to vector<16xf32>
        %parallel_loop3A_875 = arith.mulf %get3A_228, %parallel_loop3A_874 : vector<16xf32>
        %parallel_loop3A_876 = arith.addf %parallel_loop3A_873, %parallel_loop3A_875 : vector<16xf32>
        %parallel_loop3A_877 = vector.broadcast %parallel_loop3A_832 : f32 to vector<16xf32>
        %parallel_loop3A_878 = arith.addf %get3A_246, %parallel_loop3A_877 : vector<16xf32>
        %parallel_loop3A_879 = vector.broadcast %parallel_loop3A_826 : f32 to vector<16xf32>
        %parallel_loop3A_880 = arith.mulf %get3A_236, %parallel_loop3A_879 : vector<16xf32>
        %parallel_loop3A_881 = arith.addf %parallel_loop3A_878, %parallel_loop3A_880 : vector<16xf32>
        %parallel_loop3A_882 = vector.broadcast %parallel_loop3A_828 : f32 to vector<16xf32>
        %parallel_loop3A_883 = arith.mulf %get3A_240, %parallel_loop3A_882 : vector<16xf32>
        %parallel_loop3A_884 = arith.addf %parallel_loop3A_881, %parallel_loop3A_883 : vector<16xf32>
        %parallel_loop3A_885 = vector.broadcast %parallel_loop3A_830 : f32 to vector<16xf32>
        %parallel_loop3A_886 = arith.mulf %get3A_244, %parallel_loop3A_885 : vector<16xf32>
        %parallel_loop3A_887 = arith.addf %parallel_loop3A_884, %parallel_loop3A_886 : vector<16xf32>
        %parallel_loop3A_888 = vector.broadcast %parallel_loop3A_832 : f32 to vector<16xf32>
        %parallel_loop3A_889 = arith.addf %get3A_262, %parallel_loop3A_888 : vector<16xf32>
        %parallel_loop3A_890 = vector.broadcast %parallel_loop3A_826 : f32 to vector<16xf32>
        %parallel_loop3A_891 = arith.mulf %get3A_252, %parallel_loop3A_890 : vector<16xf32>
        %parallel_loop3A_892 = arith.addf %parallel_loop3A_889, %parallel_loop3A_891 : vector<16xf32>
        %parallel_loop3A_893 = vector.broadcast %parallel_loop3A_828 : f32 to vector<16xf32>
        %parallel_loop3A_894 = arith.mulf %get3A_256, %parallel_loop3A_893 : vector<16xf32>
        %parallel_loop3A_895 = arith.addf %parallel_loop3A_892, %parallel_loop3A_894 : vector<16xf32>
        %parallel_loop3A_896 = vector.broadcast %parallel_loop3A_830 : f32 to vector<16xf32>
        %parallel_loop3A_897 = arith.mulf %get3A_260, %parallel_loop3A_896 : vector<16xf32>
        %parallel_loop3A_898 = arith.addf %parallel_loop3A_895, %parallel_loop3A_897 : vector<16xf32>
        %parallel_loop3A_899 = arith.minimumf %parallel_loop3A_843, %parallel_loop3A_854 : vector<16xf32>
        %parallel_loop3A_900 = arith.minimumf %parallel_loop3A_899, %parallel_loop3A_865 : vector<16xf32>
        %parallel_loop3A_901 = arith.minimumf %parallel_loop3A_900, %parallel_loop3A_876 : vector<16xf32>
        %parallel_loop3A_902 = arith.minimumf %parallel_loop3A_901, %parallel_loop3A_887 : vector<16xf32>
        %parallel_loop3A_903 = arith.minimumf %parallel_loop3A_902, %parallel_loop3A_898 : vector<16xf32>
        %parallel_loop3A_904 = arith.constant 256 : i32
        %parallel_loop3A_905 = arith.muli %parallel_loop3A_338, %parallel_loop3A_904 : i32
        %parallel_loop3A_906 = arith.constant 80 : i32
        %parallel_loop3A_907 = arith.addi %parallel_loop3A_905, %parallel_loop3A_906 : i32
        %parallel_loop3A_908 = arith.index_cast %parallel_loop3A_907 : i32 to index
        %parallel_loop3A_909 = tpu.vector_load %arg12[%parallel_loop3A_908] {strides = array<i32>} : memref<65536xf32, #tpu.memory_space<vmem>>, vector<16xf32>,
        %parallel_loop3A_910 = arith.minimumf %parallel_loop3A_909, %parallel_loop3A_903 : vector<16xf32>
        %parallel_loop3A_911 = arith.index_cast %parallel_loop3A_907 : i32 to index
        %parallel_loop3A_912 = tpu.vector_load %arg12[%parallel_loop3A_911] {strides = array<i32>} : memref<65536xf32, #tpu.memory_space<vmem>>, vector<16xf32>,
        tpu.vector_store %arg12[%parallel_loop3A_911], %parallel_loop3A_910 {strides = array<i32>} : memref<65536xf32, #tpu.memory_space<vmem>>, vector<16xf32>,
        %parallel_loop3A_913 = arith.minimumf %parallel_loop3A_819, %parallel_loop3A_843 : vector<16xf32>
        %parallel_loop3A_914 = arith.minimumf %parallel_loop3A_820, %parallel_loop3A_854 : vector<16xf32>
        %parallel_loop3A_915 = arith.minimumf %parallel_loop3A_821, %parallel_loop3A_865 : vector<16xf32>
        %parallel_loop3A_916 = arith.minimumf %parallel_loop3A_822, %parallel_loop3A_876 : vector<16xf32>
        %parallel_loop3A_917 = arith.minimumf %parallel_loop3A_823, %parallel_loop3A_887 : vector<16xf32>
        %parallel_loop3A_918 = arith.minimumf %parallel_loop3A_824, %parallel_loop3A_898 : vector<16xf32>
        %parallel_loop3A_919 = vector.extract_strided_slice %parallel_loop3A_348 {offsets = [6], sizes = [1], strides = [1]} : vector<16xf32> to vector<1xf32>
        %parallel_loop3A_920 = vector.extract %parallel_loop3A_919[0] : f32 from vector<1xf32>
        %parallel_loop3A_921 = vector.extract_strided_slice %parallel_loop3A_350 {offsets = [6], sizes = [1], strides = [1]} : vector<16xf32> to vector<1xf32>
        %parallel_loop3A_922 = vector.extract %parallel_loop3A_921[0] : f32 from vector<1xf32>
        %parallel_loop3A_923 = vector.extract_strided_slice %parallel_loop3A_352 {offsets = [6], sizes = [1], strides = [1]} : vector<16xf32> to vector<1xf32>
        %parallel_loop3A_924 = vector.extract %parallel_loop3A_923[0] : f32 from vector<1xf32>
        %parallel_loop3A_925 = vector.extract_strided_slice %parallel_loop3A_354 {offsets = [6], sizes = [1], strides = [1]} : vector<16xf32> to vector<1xf32>
        %parallel_loop3A_926 = vector.extract %parallel_loop3A_925[0] : f32 from vector<1xf32>
        %parallel_loop3A_927 = vector.broadcast %parallel_loop3A_926 : f32 to vector<16xf32>
        %parallel_loop3A_928 = arith.addf %get3A_182, %parallel_loop3A_927 : vector<16xf32>
        %parallel_loop3A_929 = vector.broadcast %parallel_loop3A_920 : f32 to vector<16xf32>
        %parallel_loop3A_930 = arith.mulf %get3A_172, %parallel_loop3A_929 : vector<16xf32>
        %parallel_loop3A_931 = arith.addf %parallel_loop3A_928, %parallel_loop3A_930 : vector<16xf32>
        %parallel_loop3A_932 = vector.broadcast %parallel_loop3A_922 : f32 to vector<16xf32>
        %parallel_loop3A_933 = arith.mulf %get3A_176, %parallel_loop3A_932 : vector<16xf32>
        %parallel_loop3A_934 = arith.addf %parallel_loop3A_931, %parallel_loop3A_933 : vector<16xf32>
        %parallel_loop3A_935 = vector.broadcast %parallel_loop3A_924 : f32 to vector<16xf32>
        %parallel_loop3A_936 = arith.mulf %get3A_180, %parallel_loop3A_935 : vector<16xf32>
        %parallel_loop3A_937 = arith.addf %parallel_loop3A_934, %parallel_loop3A_936 : vector<16xf32>
        %parallel_loop3A_938 = vector.broadcast %parallel_loop3A_926 : f32 to vector<16xf32>
        %parallel_loop3A_939 = arith.addf %get3A_198, %parallel_loop3A_938 : vector<16xf32>
        %parallel_loop3A_940 = vector.broadcast %parallel_loop3A_920 : f32 to vector<16xf32>
        %parallel_loop3A_941 = arith.mulf %get3A_188, %parallel_loop3A_940 : vector<16xf32>
        %parallel_loop3A_942 = arith.addf %parallel_loop3A_939, %parallel_loop3A_941 : vector<16xf32>
        %parallel_loop3A_943 = vector.broadcast %parallel_loop3A_922 : f32 to vector<16xf32>
        %parallel_loop3A_944 = arith.mulf %get3A_192, %parallel_loop3A_943 : vector<16xf32>
        %parallel_loop3A_945 = arith.addf %parallel_loop3A_942, %parallel_loop3A_944 : vector<16xf32>
        %parallel_loop3A_946 = vector.broadcast %parallel_loop3A_924 : f32 to vector<16xf32>
        %parallel_loop3A_947 = arith.mulf %get3A_196, %parallel_loop3A_946 : vector<16xf32>
        %parallel_loop3A_948 = arith.addf %parallel_loop3A_945, %parallel_loop3A_947 : vector<16xf32>
        %parallel_loop3A_949 = vector.broadcast %parallel_loop3A_926 : f32 to vector<16xf32>
        %parallel_loop3A_950 = arith.addf %get3A_214, %parallel_loop3A_949 : vector<16xf32>
        %parallel_loop3A_951 = vector.broadcast %parallel_loop3A_920 : f32 to vector<16xf32>
        %parallel_loop3A_952 = arith.mulf %get3A_204, %parallel_loop3A_951 : vector<16xf32>
        %parallel_loop3A_953 = arith.addf %parallel_loop3A_950, %parallel_loop3A_952 : vector<16xf32>
        %parallel_loop3A_954 = vector.broadcast %parallel_loop3A_922 : f32 to vector<16xf32>
        %parallel_loop3A_955 = arith.mulf %get3A_208, %parallel_loop3A_954 : vector<16xf32>
        %parallel_loop3A_956 = arith.addf %parallel_loop3A_953, %parallel_loop3A_955 : vector<16xf32>
        %parallel_loop3A_957 = vector.broadcast %parallel_loop3A_924 : f32 to vector<16xf32>
        %parallel_loop3A_958 = arith.mulf %get3A_212, %parallel_loop3A_957 : vector<16xf32>
        %parallel_loop3A_959 = arith.addf %parallel_loop3A_956, %parallel_loop3A_958 : vector<16xf32>
        %parallel_loop3A_960 = vector.broadcast %parallel_loop3A_926 : f32 to vector<16xf32>
        %parallel_loop3A_961 = arith.addf %get3A_230, %parallel_loop3A_960 : vector<16xf32>
        %parallel_loop3A_962 = vector.broadcast %parallel_loop3A_920 : f32 to vector<16xf32>
        %parallel_loop3A_963 = arith.mulf %get3A_220, %parallel_loop3A_962 : vector<16xf32>
        %parallel_loop3A_964 = arith.addf %parallel_loop3A_961, %parallel_loop3A_963 : vector<16xf32>
        %parallel_loop3A_965 = vector.broadcast %parallel_loop3A_922 : f32 to vector<16xf32>
        %parallel_loop3A_966 = arith.mulf %get3A_224, %parallel_loop3A_965 : vector<16xf32>
        %parallel_loop3A_967 = arith.addf %parallel_loop3A_964, %parallel_loop3A_966 : vector<16xf32>
        %parallel_loop3A_968 = vector.broadcast %parallel_loop3A_924 : f32 to vector<16xf32>
        %parallel_loop3A_969 = arith.mulf %get3A_228, %parallel_loop3A_968 : vector<16xf32>
        %parallel_loop3A_970 = arith.addf %parallel_loop3A_967, %parallel_loop3A_969 : vector<16xf32>
        %parallel_loop3A_971 = vector.broadcast %parallel_loop3A_926 : f32 to vector<16xf32>
        %parallel_loop3A_972 = arith.addf %get3A_246, %parallel_loop3A_971 : vector<16xf32>
        %parallel_loop3A_973 = vector.broadcast %parallel_loop3A_920 : f32 to vector<16xf32>
        %parallel_loop3A_974 = arith.mulf %get3A_236, %parallel_loop3A_973 : vector<16xf32>
        %parallel_loop3A_975 = arith.addf %parallel_loop3A_972, %parallel_loop3A_974 : vector<16xf32>
        %parallel_loop3A_976 = vector.broadcast %parallel_loop3A_922 : f32 to vector<16xf32>
        %parallel_loop3A_977 = arith.mulf %get3A_240, %parallel_loop3A_976 : vector<16xf32>
        %parallel_loop3A_978 = arith.addf %parallel_loop3A_975, %parallel_loop3A_977 : vector<16xf32>
        %parallel_loop3A_979 = vector.broadcast %parallel_loop3A_924 : f32 to vector<16xf32>
        %parallel_loop3A_980 = arith.mulf %get3A_244, %parallel_loop3A_979 : vector<16xf32>
        %parallel_loop3A_981 = arith.addf %parallel_loop3A_978, %parallel_loop3A_980 : vector<16xf32>
        %parallel_loop3A_982 = vector.broadcast %parallel_loop3A_926 : f32 to vector<16xf32>
        %parallel_loop3A_983 = arith.addf %get3A_262, %parallel_loop3A_982 : vector<16xf32>
        %parallel_loop3A_984 = vector.broadcast %parallel_loop3A_920 : f32 to vector<16xf32>
        %parallel_loop3A_985 = arith.mulf %get3A_252, %parallel_loop3A_984 : vector<16xf32>
        %parallel_loop3A_986 = arith.addf %parallel_loop3A_983, %parallel_loop3A_985 : vector<16xf32>
        %parallel_loop3A_987 = vector.broadcast %parallel_loop3A_922 : f32 to vector<16xf32>
        %parallel_loop3A_988 = arith.mulf %get3A_256, %parallel_loop3A_987 : vector<16xf32>
        %parallel_loop3A_989 = arith.addf %parallel_loop3A_986, %parallel_loop3A_988 : vector<16xf32>
        %parallel_loop3A_990 = vector.broadcast %parallel_loop3A_924 : f32 to vector<16xf32>
        %parallel_loop3A_991 = arith.mulf %get3A_260, %parallel_loop3A_990 : vector<16xf32>
        %parallel_loop3A_992 = arith.addf %parallel_loop3A_989, %parallel_loop3A_991 : vector<16xf32>
        %parallel_loop3A_993 = arith.minimumf %parallel_loop3A_937, %parallel_loop3A_948 : vector<16xf32>
        %parallel_loop3A_994 = arith.minimumf %parallel_loop3A_993, %parallel_loop3A_959 : vector<16xf32>
        %parallel_loop3A_995 = arith.minimumf %parallel_loop3A_994, %parallel_loop3A_970 : vector<16xf32>
        %parallel_loop3A_996 = arith.minimumf %parallel_loop3A_995, %parallel_loop3A_981 : vector<16xf32>
        %parallel_loop3A_997 = arith.minimumf %parallel_loop3A_996, %parallel_loop3A_992 : vector<16xf32>
        %parallel_loop3A_998 = arith.constant 256 : i32
        %parallel_loop3A_999 = arith.muli %parallel_loop3A_338, %parallel_loop3A_998 : i32
        %parallel_loop3A_1000 = arith.constant 96 : i32
        %parallel_loop3A_1001 = arith.addi %parallel_loop3A_999, %parallel_loop3A_1000 : i32
        %parallel_loop3A_1002 = arith.index_cast %parallel_loop3A_1001 : i32 to index
        %parallel_loop3A_1003 = tpu.vector_load %arg12[%parallel_loop3A_1002] {strides = array<i32>} : memref<65536xf32, #tpu.memory_space<vmem>>, vector<16xf32>,
        %parallel_loop3A_1004 = arith.minimumf %parallel_loop3A_1003, %parallel_loop3A_997 : vector<16xf32>
        %parallel_loop3A_1005 = arith.index_cast %parallel_loop3A_1001 : i32 to index
        %parallel_loop3A_1006 = tpu.vector_load %arg12[%parallel_loop3A_1005] {strides = array<i32>} : memref<65536xf32, #tpu.memory_space<vmem>>, vector<16xf32>,
        tpu.vector_store %arg12[%parallel_loop3A_1005], %parallel_loop3A_1004 {strides = array<i32>} : memref<65536xf32, #tpu.memory_space<vmem>>, vector<16xf32>,
        %parallel_loop3A_1007 = arith.minimumf %parallel_loop3A_913, %parallel_loop3A_937 : vector<16xf32>
        %parallel_loop3A_1008 = arith.minimumf %parallel_loop3A_914, %parallel_loop3A_948 : vector<16xf32>
        %parallel_loop3A_1009 = arith.minimumf %parallel_loop3A_915, %parallel_loop3A_959 : vector<16xf32>
        %parallel_loop3A_1010 = arith.minimumf %parallel_loop3A_916, %parallel_loop3A_970 : vector<16xf32>
        %parallel_loop3A_1011 = arith.minimumf %parallel_loop3A_917, %parallel_loop3A_981 : vector<16xf32>
        %parallel_loop3A_1012 = arith.minimumf %parallel_loop3A_918, %parallel_loop3A_992 : vector<16xf32>
        %parallel_loop3A_1013 = vector.extract_strided_slice %parallel_loop3A_348 {offsets = [7], sizes = [1], strides = [1]} : vector<16xf32> to vector<1xf32>
        %parallel_loop3A_1014 = vector.extract %parallel_loop3A_1013[0] : f32 from vector<1xf32>
        %parallel_loop3A_1015 = vector.extract_strided_slice %parallel_loop3A_350 {offsets = [7], sizes = [1], strides = [1]} : vector<16xf32> to vector<1xf32>
        %parallel_loop3A_1016 = vector.extract %parallel_loop3A_1015[0] : f32 from vector<1xf32>
        %parallel_loop3A_1017 = vector.extract_strided_slice %parallel_loop3A_352 {offsets = [7], sizes = [1], strides = [1]} : vector<16xf32> to vector<1xf32>
        %parallel_loop3A_1018 = vector.extract %parallel_loop3A_1017[0] : f32 from vector<1xf32>
        %parallel_loop3A_1019 = vector.extract_strided_slice %parallel_loop3A_354 {offsets = [7], sizes = [1], strides = [1]} : vector<16xf32> to vector<1xf32>
        %parallel_loop3A_1020 = vector.extract %parallel_loop3A_1019[0] : f32 from vector<1xf32>
        %parallel_loop3A_1021 = vector.broadcast %parallel_loop3A_1020 : f32 to vector<16xf32>
        %parallel_loop3A_1022 = arith.addf %get3A_182, %parallel_loop3A_1021 : vector<16xf32>
        %parallel_loop3A_1023 = vector.broadcast %parallel_loop3A_1014 : f32 to vector<16xf32>
        %parallel_loop3A_1024 = arith.mulf %get3A_172, %parallel_loop3A_1023 : vector<16xf32>
        %parallel_loop3A_1025 = arith.addf %parallel_loop3A_1022, %parallel_loop3A_1024 : vector<16xf32>
        %parallel_loop3A_1026 = vector.broadcast %parallel_loop3A_1016 : f32 to vector<16xf32>
        %parallel_loop3A_1027 = arith.mulf %get3A_176, %parallel_loop3A_1026 : vector<16xf32>
        %parallel_loop3A_1028 = arith.addf %parallel_loop3A_1025, %parallel_loop3A_1027 : vector<16xf32>
        %parallel_loop3A_1029 = vector.broadcast %parallel_loop3A_1018 : f32 to vector<16xf32>
        %parallel_loop3A_1030 = arith.mulf %get3A_180, %parallel_loop3A_1029 : vector<16xf32>
        %parallel_loop3A_1031 = arith.addf %parallel_loop3A_1028, %parallel_loop3A_1030 : vector<16xf32>
        %parallel_loop3A_1032 = vector.broadcast %parallel_loop3A_1020 : f32 to vector<16xf32>
        %parallel_loop3A_1033 = arith.addf %get3A_198, %parallel_loop3A_1032 : vector<16xf32>
        %parallel_loop3A_1034 = vector.broadcast %parallel_loop3A_1014 : f32 to vector<16xf32>
        %parallel_loop3A_1035 = arith.mulf %get3A_188, %parallel_loop3A_1034 : vector<16xf32>
        %parallel_loop3A_1036 = arith.addf %parallel_loop3A_1033, %parallel_loop3A_1035 : vector<16xf32>
        %parallel_loop3A_1037 = vector.broadcast %parallel_loop3A_1016 : f32 to vector<16xf32>
        %parallel_loop3A_1038 = arith.mulf %get3A_192, %parallel_loop3A_1037 : vector<16xf32>
        %parallel_loop3A_1039 = arith.addf %parallel_loop3A_1036, %parallel_loop3A_1038 : vector<16xf32>
        %parallel_loop3A_1040 = vector.broadcast %parallel_loop3A_1018 : f32 to vector<16xf32>
        %parallel_loop3A_1041 = arith.mulf %get3A_196, %parallel_loop3A_1040 : vector<16xf32>
        %parallel_loop3A_1042 = arith.addf %parallel_loop3A_1039, %parallel_loop3A_1041 : vector<16xf32>
        %parallel_loop3A_1043 = vector.broadcast %parallel_loop3A_1020 : f32 to vector<16xf32>
        %parallel_loop3A_1044 = arith.addf %get3A_214, %parallel_loop3A_1043 : vector<16xf32>
        %parallel_loop3A_1045 = vector.broadcast %parallel_loop3A_1014 : f32 to vector<16xf32>
        %parallel_loop3A_1046 = arith.mulf %get3A_204, %parallel_loop3A_1045 : vector<16xf32>
        %parallel_loop3A_1047 = arith.addf %parallel_loop3A_1044, %parallel_loop3A_1046 : vector<16xf32>
        %parallel_loop3A_1048 = vector.broadcast %parallel_loop3A_1016 : f32 to vector<16xf32>
        %parallel_loop3A_1049 = arith.mulf %get3A_208, %parallel_loop3A_1048 : vector<16xf32>
        %parallel_loop3A_1050 = arith.addf %parallel_loop3A_1047, %parallel_loop3A_1049 : vector<16xf32>
        %parallel_loop3A_1051 = vector.broadcast %parallel_loop3A_1018 : f32 to vector<16xf32>
        %parallel_loop3A_1052 = arith.mulf %get3A_212, %parallel_loop3A_1051 : vector<16xf32>
        %parallel_loop3A_1053 = arith.addf %parallel_loop3A_1050, %parallel_loop3A_1052 : vector<16xf32>
        %parallel_loop3A_1054 = vector.broadcast %parallel_loop3A_1020 : f32 to vector<16xf32>
        %parallel_loop3A_1055 = arith.addf %get3A_230, %parallel_loop3A_1054 : vector<16xf32>
        %parallel_loop3A_1056 = vector.broadcast %parallel_loop3A_1014 : f32 to vector<16xf32>
        %parallel_loop3A_1057 = arith.mulf %get3A_220, %parallel_loop3A_1056 : vector<16xf32>
        %parallel_loop3A_1058 = arith.addf %parallel_loop3A_1055, %parallel_loop3A_1057 : vector<16xf32>
        %parallel_loop3A_1059 = vector.broadcast %parallel_loop3A_1016 : f32 to vector<16xf32>
        %parallel_loop3A_1060 = arith.mulf %get3A_224, %parallel_loop3A_1059 : vector<16xf32>
        %parallel_loop3A_1061 = arith.addf %parallel_loop3A_1058, %parallel_loop3A_1060 : vector<16xf32>
        %parallel_loop3A_1062 = vector.broadcast %parallel_loop3A_1018 : f32 to vector<16xf32>
        %parallel_loop3A_1063 = arith.mulf %get3A_228, %parallel_loop3A_1062 : vector<16xf32>
        %parallel_loop3A_1064 = arith.addf %parallel_loop3A_1061, %parallel_loop3A_1063 : vector<16xf32>
        %parallel_loop3A_1065 = vector.broadcast %parallel_loop3A_1020 : f32 to vector<16xf32>
        %parallel_loop3A_1066 = arith.addf %get3A_246, %parallel_loop3A_1065 : vector<16xf32>
        %parallel_loop3A_1067 = vector.broadcast %parallel_loop3A_1014 : f32 to vector<16xf32>
        %parallel_loop3A_1068 = arith.mulf %get3A_236, %parallel_loop3A_1067 : vector<16xf32>
        %parallel_loop3A_1069 = arith.addf %parallel_loop3A_1066, %parallel_loop3A_1068 : vector<16xf32>
        %parallel_loop3A_1070 = vector.broadcast %parallel_loop3A_1016 : f32 to vector<16xf32>
        %parallel_loop3A_1071 = arith.mulf %get3A_240, %parallel_loop3A_1070 : vector<16xf32>
        %parallel_loop3A_1072 = arith.addf %parallel_loop3A_1069, %parallel_loop3A_1071 : vector<16xf32>
        %parallel_loop3A_1073 = vector.broadcast %parallel_loop3A_1018 : f32 to vector<16xf32>
        %parallel_loop3A_1074 = arith.mulf %get3A_244, %parallel_loop3A_1073 : vector<16xf32>
        %parallel_loop3A_1075 = arith.addf %parallel_loop3A_1072, %parallel_loop3A_1074 : vector<16xf32>
        %parallel_loop3A_1076 = vector.broadcast %parallel_loop3A_1020 : f32 to vector<16xf32>
        %parallel_loop3A_1077 = arith.addf %get3A_262, %parallel_loop3A_1076 : vector<16xf32>
        %parallel_loop3A_1078 = vector.broadcast %parallel_loop3A_1014 : f32 to vector<16xf32>
        %parallel_loop3A_1079 = arith.mulf %get3A_252, %parallel_loop3A_1078 : vector<16xf32>
        %parallel_loop3A_1080 = arith.addf %parallel_loop3A_1077, %parallel_loop3A_1079 : vector<16xf32>
        %parallel_loop3A_1081 = vector.broadcast %parallel_loop3A_1016 : f32 to vector<16xf32>
        %parallel_loop3A_1082 = arith.mulf %get3A_256, %parallel_loop3A_1081 : vector<16xf32>
        %parallel_loop3A_1083 = arith.addf %parallel_loop3A_1080, %parallel_loop3A_1082 : vector<16xf32>
        %parallel_loop3A_1084 = vector.broadcast %parallel_loop3A_1018 : f32 to vector<16xf32>
        %parallel_loop3A_1085 = arith.mulf %get3A_260, %parallel_loop3A_1084 : vector<16xf32>
        %parallel_loop3A_1086 = arith.addf %parallel_loop3A_1083, %parallel_loop3A_1085 : vector<16xf32>
        %parallel_loop3A_1087 = arith.minimumf %parallel_loop3A_1031, %parallel_loop3A_1042 : vector<16xf32>
        %parallel_loop3A_1088 = arith.minimumf %parallel_loop3A_1087, %parallel_loop3A_1053 : vector<16xf32>
        %parallel_loop3A_1089 = arith.minimumf %parallel_loop3A_1088, %parallel_loop3A_1064 : vector<16xf32>
        %parallel_loop3A_1090 = arith.minimumf %parallel_loop3A_1089, %parallel_loop3A_1075 : vector<16xf32>
        %parallel_loop3A_1091 = arith.minimumf %parallel_loop3A_1090, %parallel_loop3A_1086 : vector<16xf32>
        %parallel_loop3A_1092 = arith.constant 256 : i32
        %parallel_loop3A_1093 = arith.muli %parallel_loop3A_338, %parallel_loop3A_1092 : i32
        %parallel_loop3A_1094 = arith.constant 112 : i32
        %parallel_loop3A_1095 = arith.addi %parallel_loop3A_1093, %parallel_loop3A_1094 : i32
        %parallel_loop3A_1096 = arith.index_cast %parallel_loop3A_1095 : i32 to index
        %parallel_loop3A_1097 = tpu.vector_load %arg12[%parallel_loop3A_1096] {strides = array<i32>} : memref<65536xf32, #tpu.memory_space<vmem>>, vector<16xf32>,
        %parallel_loop3A_1098 = arith.minimumf %parallel_loop3A_1097, %parallel_loop3A_1091 : vector<16xf32>
        %parallel_loop3A_1099 = arith.index_cast %parallel_loop3A_1095 : i32 to index
        %parallel_loop3A_1100 = tpu.vector_load %arg12[%parallel_loop3A_1099] {strides = array<i32>} : memref<65536xf32, #tpu.memory_space<vmem>>, vector<16xf32>,
        tpu.vector_store %arg12[%parallel_loop3A_1099], %parallel_loop3A_1098 {strides = array<i32>} : memref<65536xf32, #tpu.memory_space<vmem>>, vector<16xf32>,
        %parallel_loop3A_1101 = arith.minimumf %parallel_loop3A_1007, %parallel_loop3A_1031 : vector<16xf32>
        %parallel_loop3A_1102 = arith.minimumf %parallel_loop3A_1008, %parallel_loop3A_1042 : vector<16xf32>
        %parallel_loop3A_1103 = arith.minimumf %parallel_loop3A_1009, %parallel_loop3A_1053 : vector<16xf32>
        %parallel_loop3A_1104 = arith.minimumf %parallel_loop3A_1010, %parallel_loop3A_1064 : vector<16xf32>
        %parallel_loop3A_1105 = arith.minimumf %parallel_loop3A_1011, %parallel_loop3A_1075 : vector<16xf32>
        %parallel_loop3A_1106 = arith.minimumf %parallel_loop3A_1012, %parallel_loop3A_1086 : vector<16xf32>
        %parallel_loop3A_1107 = vector.extract_strided_slice %parallel_loop3A_348 {offsets = [8], sizes = [1], strides = [1]} : vector<16xf32> to vector<1xf32>
        %parallel_loop3A_1108 = vector.extract %parallel_loop3A_1107[0] : f32 from vector<1xf32>
        %parallel_loop3A_1109 = vector.extract_strided_slice %parallel_loop3A_350 {offsets = [8], sizes = [1], strides = [1]} : vector<16xf32> to vector<1xf32>
        %parallel_loop3A_1110 = vector.extract %parallel_loop3A_1109[0] : f32 from vector<1xf32>
        %parallel_loop3A_1111 = vector.extract_strided_slice %parallel_loop3A_352 {offsets = [8], sizes = [1], strides = [1]} : vector<16xf32> to vector<1xf32>
        %parallel_loop3A_1112 = vector.extract %parallel_loop3A_1111[0] : f32 from vector<1xf32>
        %parallel_loop3A_1113 = vector.extract_strided_slice %parallel_loop3A_354 {offsets = [8], sizes = [1], strides = [1]} : vector<16xf32> to vector<1xf32>
        %parallel_loop3A_1114 = vector.extract %parallel_loop3A_1113[0] : f32 from vector<1xf32>
        %parallel_loop3A_1115 = vector.broadcast %parallel_loop3A_1114 : f32 to vector<16xf32>
        %parallel_loop3A_1116 = arith.addf %get3A_182, %parallel_loop3A_1115 : vector<16xf32>
        %parallel_loop3A_1117 = vector.broadcast %parallel_loop3A_1108 : f32 to vector<16xf32>
        %parallel_loop3A_1118 = arith.mulf %get3A_172, %parallel_loop3A_1117 : vector<16xf32>
        %parallel_loop3A_1119 = arith.addf %parallel_loop3A_1116, %parallel_loop3A_1118 : vector<16xf32>
        %parallel_loop3A_1120 = vector.broadcast %parallel_loop3A_1110 : f32 to vector<16xf32>
        %parallel_loop3A_1121 = arith.mulf %get3A_176, %parallel_loop3A_1120 : vector<16xf32>
        %parallel_loop3A_1122 = arith.addf %parallel_loop3A_1119, %parallel_loop3A_1121 : vector<16xf32>
        %parallel_loop3A_1123 = vector.broadcast %parallel_loop3A_1112 : f32 to vector<16xf32>
        %parallel_loop3A_1124 = arith.mulf %get3A_180, %parallel_loop3A_1123 : vector<16xf32>
        %parallel_loop3A_1125 = arith.addf %parallel_loop3A_1122, %parallel_loop3A_1124 : vector<16xf32>
        %parallel_loop3A_1126 = vector.broadcast %parallel_loop3A_1114 : f32 to vector<16xf32>
        %parallel_loop3A_1127 = arith.addf %get3A_198, %parallel_loop3A_1126 : vector<16xf32>
        %parallel_loop3A_1128 = vector.broadcast %parallel_loop3A_1108 : f32 to vector<16xf32>
        %parallel_loop3A_1129 = arith.mulf %get3A_188, %parallel_loop3A_1128 : vector<16xf32>
        %parallel_loop3A_1130 = arith.addf %parallel_loop3A_1127, %parallel_loop3A_1129 : vector<16xf32>
        %parallel_loop3A_1131 = vector.broadcast %parallel_loop3A_1110 : f32 to vector<16xf32>
        %parallel_loop3A_1132 = arith.mulf %get3A_192, %parallel_loop3A_1131 : vector<16xf32>
        %parallel_loop3A_1133 = arith.addf %parallel_loop3A_1130, %parallel_loop3A_1132 : vector<16xf32>
        %parallel_loop3A_1134 = vector.broadcast %parallel_loop3A_1112 : f32 to vector<16xf32>
        %parallel_loop3A_1135 = arith.mulf %get3A_196, %parallel_loop3A_1134 : vector<16xf32>
        %parallel_loop3A_1136 = arith.addf %parallel_loop3A_1133, %parallel_loop3A_1135 : vector<16xf32>
        %parallel_loop3A_1137 = vector.broadcast %parallel_loop3A_1114 : f32 to vector<16xf32>
        %parallel_loop3A_1138 = arith.addf %get3A_214, %parallel_loop3A_1137 : vector<16xf32>
        %parallel_loop3A_1139 = vector.broadcast %parallel_loop3A_1108 : f32 to vector<16xf32>
        %parallel_loop3A_1140 = arith.mulf %get3A_204, %parallel_loop3A_1139 : vector<16xf32>
        %parallel_loop3A_1141 = arith.addf %parallel_loop3A_1138, %parallel_loop3A_1140 : vector<16xf32>
        %parallel_loop3A_1142 = vector.broadcast %parallel_loop3A_1110 : f32 to vector<16xf32>
        %parallel_loop3A_1143 = arith.mulf %get3A_208, %parallel_loop3A_1142 : vector<16xf32>
        %parallel_loop3A_1144 = arith.addf %parallel_loop3A_1141, %parallel_loop3A_1143 : vector<16xf32>
        %parallel_loop3A_1145 = vector.broadcast %parallel_loop3A_1112 : f32 to vector<16xf32>
        %parallel_loop3A_1146 = arith.mulf %get3A_212, %parallel_loop3A_1145 : vector<16xf32>
        %parallel_loop3A_1147 = arith.addf %parallel_loop3A_1144, %parallel_loop3A_1146 : vector<16xf32>
        %parallel_loop3A_1148 = vector.broadcast %parallel_loop3A_1114 : f32 to vector<16xf32>
        %parallel_loop3A_1149 = arith.addf %get3A_230, %parallel_loop3A_1148 : vector<16xf32>
        %parallel_loop3A_1150 = vector.broadcast %parallel_loop3A_1108 : f32 to vector<16xf32>
        %parallel_loop3A_1151 = arith.mulf %get3A_220, %parallel_loop3A_1150 : vector<16xf32>
        %parallel_loop3A_1152 = arith.addf %parallel_loop3A_1149, %parallel_loop3A_1151 : vector<16xf32>
        %parallel_loop3A_1153 = vector.broadcast %parallel_loop3A_1110 : f32 to vector<16xf32>
        %parallel_loop3A_1154 = arith.mulf %get3A_224, %parallel_loop3A_1153 : vector<16xf32>
        %parallel_loop3A_1155 = arith.addf %parallel_loop3A_1152, %parallel_loop3A_1154 : vector<16xf32>
        %parallel_loop3A_1156 = vector.broadcast %parallel_loop3A_1112 : f32 to vector<16xf32>
        %parallel_loop3A_1157 = arith.mulf %get3A_228, %parallel_loop3A_1156 : vector<16xf32>
        %parallel_loop3A_1158 = arith.addf %parallel_loop3A_1155, %parallel_loop3A_1157 : vector<16xf32>
        %parallel_loop3A_1159 = vector.broadcast %parallel_loop3A_1114 : f32 to vector<16xf32>
        %parallel_loop3A_1160 = arith.addf %get3A_246, %parallel_loop3A_1159 : vector<16xf32>
        %parallel_loop3A_1161 = vector.broadcast %parallel_loop3A_1108 : f32 to vector<16xf32>
        %parallel_loop3A_1162 = arith.mulf %get3A_236, %parallel_loop3A_1161 : vector<16xf32>
        %parallel_loop3A_1163 = arith.addf %parallel_loop3A_1160, %parallel_loop3A_1162 : vector<16xf32>
        %parallel_loop3A_1164 = vector.broadcast %parallel_loop3A_1110 : f32 to vector<16xf32>
        %parallel_loop3A_1165 = arith.mulf %get3A_240, %parallel_loop3A_1164 : vector<16xf32>
        %parallel_loop3A_1166 = arith.addf %parallel_loop3A_1163, %parallel_loop3A_1165 : vector<16xf32>
        %parallel_loop3A_1167 = vector.broadcast %parallel_loop3A_1112 : f32 to vector<16xf32>
        %parallel_loop3A_1168 = arith.mulf %get3A_244, %parallel_loop3A_1167 : vector<16xf32>
        %parallel_loop3A_1169 = arith.addf %parallel_loop3A_1166, %parallel_loop3A_1168 : vector<16xf32>
        %parallel_loop3A_1170 = vector.broadcast %parallel_loop3A_1114 : f32 to vector<16xf32>
        %parallel_loop3A_1171 = arith.addf %get3A_262, %parallel_loop3A_1170 : vector<16xf32>
        %parallel_loop3A_1172 = vector.broadcast %parallel_loop3A_1108 : f32 to vector<16xf32>
        %parallel_loop3A_1173 = arith.mulf %get3A_252, %parallel_loop3A_1172 : vector<16xf32>
        %parallel_loop3A_1174 = arith.addf %parallel_loop3A_1171, %parallel_loop3A_1173 : vector<16xf32>
        %parallel_loop3A_1175 = vector.broadcast %parallel_loop3A_1110 : f32 to vector<16xf32>
        %parallel_loop3A_1176 = arith.mulf %get3A_256, %parallel_loop3A_1175 : vector<16xf32>
        %parallel_loop3A_1177 = arith.addf %parallel_loop3A_1174, %parallel_loop3A_1176 : vector<16xf32>
        %parallel_loop3A_1178 = vector.broadcast %parallel_loop3A_1112 : f32 to vector<16xf32>
        %parallel_loop3A_1179 = arith.mulf %get3A_260, %parallel_loop3A_1178 : vector<16xf32>
        %parallel_loop3A_1180 = arith.addf %parallel_loop3A_1177, %parallel_loop3A_1179 : vector<16xf32>
        %parallel_loop3A_1181 = arith.minimumf %parallel_loop3A_1125, %parallel_loop3A_1136 : vector<16xf32>
        %parallel_loop3A_1182 = arith.minimumf %parallel_loop3A_1181, %parallel_loop3A_1147 : vector<16xf32>
        %parallel_loop3A_1183 = arith.minimumf %parallel_loop3A_1182, %parallel_loop3A_1158 : vector<16xf32>
        %parallel_loop3A_1184 = arith.minimumf %parallel_loop3A_1183, %parallel_loop3A_1169 : vector<16xf32>
        %parallel_loop3A_1185 = arith.minimumf %parallel_loop3A_1184, %parallel_loop3A_1180 : vector<16xf32>
        %parallel_loop3A_1186 = arith.constant 256 : i32
        %parallel_loop3A_1187 = arith.muli %parallel_loop3A_338, %parallel_loop3A_1186 : i32
        %parallel_loop3A_1188 = arith.constant 128 : i32
        %parallel_loop3A_1189 = arith.addi %parallel_loop3A_1187, %parallel_loop3A_1188 : i32
        %parallel_loop3A_1190 = arith.index_cast %parallel_loop3A_1189 : i32 to index
        %parallel_loop3A_1191 = tpu.vector_load %arg12[%parallel_loop3A_1190] {strides = array<i32>} : memref<65536xf32, #tpu.memory_space<vmem>>, vector<16xf32>,
        %parallel_loop3A_1192 = arith.minimumf %parallel_loop3A_1191, %parallel_loop3A_1185 : vector<16xf32>
        %parallel_loop3A_1193 = arith.index_cast %parallel_loop3A_1189 : i32 to index
        %parallel_loop3A_1194 = tpu.vector_load %arg12[%parallel_loop3A_1193] {strides = array<i32>} : memref<65536xf32, #tpu.memory_space<vmem>>, vector<16xf32>,
        tpu.vector_store %arg12[%parallel_loop3A_1193], %parallel_loop3A_1192 {strides = array<i32>} : memref<65536xf32, #tpu.memory_space<vmem>>, vector<16xf32>,
        %parallel_loop3A_1195 = arith.minimumf %parallel_loop3A_1101, %parallel_loop3A_1125 : vector<16xf32>
        %parallel_loop3A_1196 = arith.minimumf %parallel_loop3A_1102, %parallel_loop3A_1136 : vector<16xf32>
        %parallel_loop3A_1197 = arith.minimumf %parallel_loop3A_1103, %parallel_loop3A_1147 : vector<16xf32>
        %parallel_loop3A_1198 = arith.minimumf %parallel_loop3A_1104, %parallel_loop3A_1158 : vector<16xf32>
        %parallel_loop3A_1199 = arith.minimumf %parallel_loop3A_1105, %parallel_loop3A_1169 : vector<16xf32>
        %parallel_loop3A_1200 = arith.minimumf %parallel_loop3A_1106, %parallel_loop3A_1180 : vector<16xf32>
        %parallel_loop3A_1201 = vector.extract_strided_slice %parallel_loop3A_348 {offsets = [9], sizes = [1], strides = [1]} : vector<16xf32> to vector<1xf32>
        %parallel_loop3A_1202 = vector.extract %parallel_loop3A_1201[0] : f32 from vector<1xf32>
        %parallel_loop3A_1203 = vector.extract_strided_slice %parallel_loop3A_350 {offsets = [9], sizes = [1], strides = [1]} : vector<16xf32> to vector<1xf32>
        %parallel_loop3A_1204 = vector.extract %parallel_loop3A_1203[0] : f32 from vector<1xf32>
        %parallel_loop3A_1205 = vector.extract_strided_slice %parallel_loop3A_352 {offsets = [9], sizes = [1], strides = [1]} : vector<16xf32> to vector<1xf32>
        %parallel_loop3A_1206 = vector.extract %parallel_loop3A_1205[0] : f32 from vector<1xf32>
        %parallel_loop3A_1207 = vector.extract_strided_slice %parallel_loop3A_354 {offsets = [9], sizes = [1], strides = [1]} : vector<16xf32> to vector<1xf32>
        %parallel_loop3A_1208 = vector.extract %parallel_loop3A_1207[0] : f32 from vector<1xf32>
        %parallel_loop3A_1209 = vector.broadcast %parallel_loop3A_1208 : f32 to vector<16xf32>
        %parallel_loop3A_1210 = arith.addf %get3A_182, %parallel_loop3A_1209 : vector<16xf32>
        %parallel_loop3A_1211 = vector.broadcast %parallel_loop3A_1202 : f32 to vector<16xf32>
        %parallel_loop3A_1212 = arith.mulf %get3A_172, %parallel_loop3A_1211 : vector<16xf32>
        %parallel_loop3A_1213 = arith.addf %parallel_loop3A_1210, %parallel_loop3A_1212 : vector<16xf32>
        %parallel_loop3A_1214 = vector.broadcast %parallel_loop3A_1204 : f32 to vector<16xf32>
        %parallel_loop3A_1215 = arith.mulf %get3A_176, %parallel_loop3A_1214 : vector<16xf32>
        %parallel_loop3A_1216 = arith.addf %parallel_loop3A_1213, %parallel_loop3A_1215 : vector<16xf32>
        %parallel_loop3A_1217 = vector.broadcast %parallel_loop3A_1206 : f32 to vector<16xf32>
        %parallel_loop3A_1218 = arith.mulf %get3A_180, %parallel_loop3A_1217 : vector<16xf32>
        %parallel_loop3A_1219 = arith.addf %parallel_loop3A_1216, %parallel_loop3A_1218 : vector<16xf32>
        %parallel_loop3A_1220 = vector.broadcast %parallel_loop3A_1208 : f32 to vector<16xf32>
        %parallel_loop3A_1221 = arith.addf %get3A_198, %parallel_loop3A_1220 : vector<16xf32>
        %parallel_loop3A_1222 = vector.broadcast %parallel_loop3A_1202 : f32 to vector<16xf32>
        %parallel_loop3A_1223 = arith.mulf %get3A_188, %parallel_loop3A_1222 : vector<16xf32>
        %parallel_loop3A_1224 = arith.addf %parallel_loop3A_1221, %parallel_loop3A_1223 : vector<16xf32>
        %parallel_loop3A_1225 = vector.broadcast %parallel_loop3A_1204 : f32 to vector<16xf32>
        %parallel_loop3A_1226 = arith.mulf %get3A_192, %parallel_loop3A_1225 : vector<16xf32>
        %parallel_loop3A_1227 = arith.addf %parallel_loop3A_1224, %parallel_loop3A_1226 : vector<16xf32>
        %parallel_loop3A_1228 = vector.broadcast %parallel_loop3A_1206 : f32 to vector<16xf32>
        %parallel_loop3A_1229 = arith.mulf %get3A_196, %parallel_loop3A_1228 : vector<16xf32>
        %parallel_loop3A_1230 = arith.addf %parallel_loop3A_1227, %parallel_loop3A_1229 : vector<16xf32>
        %parallel_loop3A_1231 = vector.broadcast %parallel_loop3A_1208 : f32 to vector<16xf32>
        %parallel_loop3A_1232 = arith.addf %get3A_214, %parallel_loop3A_1231 : vector<16xf32>
        %parallel_loop3A_1233 = vector.broadcast %parallel_loop3A_1202 : f32 to vector<16xf32>
        %parallel_loop3A_1234 = arith.mulf %get3A_204, %parallel_loop3A_1233 : vector<16xf32>
        %parallel_loop3A_1235 = arith.addf %parallel_loop3A_1232, %parallel_loop3A_1234 : vector<16xf32>
        %parallel_loop3A_1236 = vector.broadcast %parallel_loop3A_1204 : f32 to vector<16xf32>
        %parallel_loop3A_1237 = arith.mulf %get3A_208, %parallel_loop3A_1236 : vector<16xf32>
        %parallel_loop3A_1238 = arith.addf %parallel_loop3A_1235, %parallel_loop3A_1237 : vector<16xf32>
        %parallel_loop3A_1239 = vector.broadcast %parallel_loop3A_1206 : f32 to vector<16xf32>
        %parallel_loop3A_1240 = arith.mulf %get3A_212, %parallel_loop3A_1239 : vector<16xf32>
        %parallel_loop3A_1241 = arith.addf %parallel_loop3A_1238, %parallel_loop3A_1240 : vector<16xf32>
        %parallel_loop3A_1242 = vector.broadcast %parallel_loop3A_1208 : f32 to vector<16xf32>
        %parallel_loop3A_1243 = arith.addf %get3A_230, %parallel_loop3A_1242 : vector<16xf32>
        %parallel_loop3A_1244 = vector.broadcast %parallel_loop3A_1202 : f32 to vector<16xf32>
        %parallel_loop3A_1245 = arith.mulf %get3A_220, %parallel_loop3A_1244 : vector<16xf32>
        %parallel_loop3A_1246 = arith.addf %parallel_loop3A_1243, %parallel_loop3A_1245 : vector<16xf32>
        %parallel_loop3A_1247 = vector.broadcast %parallel_loop3A_1204 : f32 to vector<16xf32>
        %parallel_loop3A_1248 = arith.mulf %get3A_224, %parallel_loop3A_1247 : vector<16xf32>
        %parallel_loop3A_1249 = arith.addf %parallel_loop3A_1246, %parallel_loop3A_1248 : vector<16xf32>
        %parallel_loop3A_1250 = vector.broadcast %parallel_loop3A_1206 : f32 to vector<16xf32>
        %parallel_loop3A_1251 = arith.mulf %get3A_228, %parallel_loop3A_1250 : vector<16xf32>
        %parallel_loop3A_1252 = arith.addf %parallel_loop3A_1249, %parallel_loop3A_1251 : vector<16xf32>
        %parallel_loop3A_1253 = vector.broadcast %parallel_loop3A_1208 : f32 to vector<16xf32>
        %parallel_loop3A_1254 = arith.addf %get3A_246, %parallel_loop3A_1253 : vector<16xf32>
        %parallel_loop3A_1255 = vector.broadcast %parallel_loop3A_1202 : f32 to vector<16xf32>
        %parallel_loop3A_1256 = arith.mulf %get3A_236, %parallel_loop3A_1255 : vector<16xf32>
        %parallel_loop3A_1257 = arith.addf %parallel_loop3A_1254, %parallel_loop3A_1256 : vector<16xf32>
        %parallel_loop3A_1258 = vector.broadcast %parallel_loop3A_1204 : f32 to vector<16xf32>
        %parallel_loop3A_1259 = arith.mulf %get3A_240, %parallel_loop3A_1258 : vector<16xf32>
        %parallel_loop3A_1260 = arith.addf %parallel_loop3A_1257, %parallel_loop3A_1259 : vector<16xf32>
        %parallel_loop3A_1261 = vector.broadcast %parallel_loop3A_1206 : f32 to vector<16xf32>
        %parallel_loop3A_1262 = arith.mulf %get3A_244, %parallel_loop3A_1261 : vector<16xf32>
        %parallel_loop3A_1263 = arith.addf %parallel_loop3A_1260, %parallel_loop3A_1262 : vector<16xf32>
        %parallel_loop3A_1264 = vector.broadcast %parallel_loop3A_1208 : f32 to vector<16xf32>
        %parallel_loop3A_1265 = arith.addf %get3A_262, %parallel_loop3A_1264 : vector<16xf32>
        %parallel_loop3A_1266 = vector.broadcast %parallel_loop3A_1202 : f32 to vector<16xf32>
        %parallel_loop3A_1267 = arith.mulf %get3A_252, %parallel_loop3A_1266 : vector<16xf32>
        %parallel_loop3A_1268 = arith.addf %parallel_loop3A_1265, %parallel_loop3A_1267 : vector<16xf32>
        %parallel_loop3A_1269 = vector.broadcast %parallel_loop3A_1204 : f32 to vector<16xf32>
        %parallel_loop3A_1270 = arith.mulf %get3A_256, %parallel_loop3A_1269 : vector<16xf32>
        %parallel_loop3A_1271 = arith.addf %parallel_loop3A_1268, %parallel_loop3A_1270 : vector<16xf32>
        %parallel_loop3A_1272 = vector.broadcast %parallel_loop3A_1206 : f32 to vector<16xf32>
        %parallel_loop3A_1273 = arith.mulf %get3A_260, %parallel_loop3A_1272 : vector<16xf32>
        %parallel_loop3A_1274 = arith.addf %parallel_loop3A_1271, %parallel_loop3A_1273 : vector<16xf32>
        %parallel_loop3A_1275 = arith.minimumf %parallel_loop3A_1219, %parallel_loop3A_1230 : vector<16xf32>
        %parallel_loop3A_1276 = arith.minimumf %parallel_loop3A_1275, %parallel_loop3A_1241 : vector<16xf32>
        %parallel_loop3A_1277 = arith.minimumf %parallel_loop3A_1276, %parallel_loop3A_1252 : vector<16xf32>
        %parallel_loop3A_1278 = arith.minimumf %parallel_loop3A_1277, %parallel_loop3A_1263 : vector<16xf32>
        %parallel_loop3A_1279 = arith.minimumf %parallel_loop3A_1278, %parallel_loop3A_1274 : vector<16xf32>
        %parallel_loop3A_1280 = arith.constant 256 : i32
        %parallel_loop3A_1281 = arith.muli %parallel_loop3A_338, %parallel_loop3A_1280 : i32
        %parallel_loop3A_1282 = arith.constant 144 : i32
        %parallel_loop3A_1283 = arith.addi %parallel_loop3A_1281, %parallel_loop3A_1282 : i32
        %parallel_loop3A_1284 = arith.index_cast %parallel_loop3A_1283 : i32 to index
        %parallel_loop3A_1285 = tpu.vector_load %arg12[%parallel_loop3A_1284] {strides = array<i32>} : memref<65536xf32, #tpu.memory_space<vmem>>, vector<16xf32>,
        %parallel_loop3A_1286 = arith.minimumf %parallel_loop3A_1285, %parallel_loop3A_1279 : vector<16xf32>
        %parallel_loop3A_1287 = arith.index_cast %parallel_loop3A_1283 : i32 to index
        %parallel_loop3A_1288 = tpu.vector_load %arg12[%parallel_loop3A_1287] {strides = array<i32>} : memref<65536xf32, #tpu.memory_space<vmem>>, vector<16xf32>,
        tpu.vector_store %arg12[%parallel_loop3A_1287], %parallel_loop3A_1286 {strides = array<i32>} : memref<65536xf32, #tpu.memory_space<vmem>>, vector<16xf32>,
        %parallel_loop3A_1289 = arith.minimumf %parallel_loop3A_1195, %parallel_loop3A_1219 : vector<16xf32>
        %parallel_loop3A_1290 = arith.minimumf %parallel_loop3A_1196, %parallel_loop3A_1230 : vector<16xf32>
        %parallel_loop3A_1291 = arith.minimumf %parallel_loop3A_1197, %parallel_loop3A_1241 : vector<16xf32>
        %parallel_loop3A_1292 = arith.minimumf %parallel_loop3A_1198, %parallel_loop3A_1252 : vector<16xf32>
        %parallel_loop3A_1293 = arith.minimumf %parallel_loop3A_1199, %parallel_loop3A_1263 : vector<16xf32>
        %parallel_loop3A_1294 = arith.minimumf %parallel_loop3A_1200, %parallel_loop3A_1274 : vector<16xf32>
        %parallel_loop3A_1295 = vector.extract_strided_slice %parallel_loop3A_348 {offsets = [10], sizes = [1], strides = [1]} : vector<16xf32> to vector<1xf32>
        %parallel_loop3A_1296 = vector.extract %parallel_loop3A_1295[0] : f32 from vector<1xf32>
        %parallel_loop3A_1297 = vector.extract_strided_slice %parallel_loop3A_350 {offsets = [10], sizes = [1], strides = [1]} : vector<16xf32> to vector<1xf32>
        %parallel_loop3A_1298 = vector.extract %parallel_loop3A_1297[0] : f32 from vector<1xf32>
        %parallel_loop3A_1299 = vector.extract_strided_slice %parallel_loop3A_352 {offsets = [10], sizes = [1], strides = [1]} : vector<16xf32> to vector<1xf32>
        %parallel_loop3A_1300 = vector.extract %parallel_loop3A_1299[0] : f32 from vector<1xf32>
        %parallel_loop3A_1301 = vector.extract_strided_slice %parallel_loop3A_354 {offsets = [10], sizes = [1], strides = [1]} : vector<16xf32> to vector<1xf32>
        %parallel_loop3A_1302 = vector.extract %parallel_loop3A_1301[0] : f32 from vector<1xf32>
        %parallel_loop3A_1303 = vector.broadcast %parallel_loop3A_1302 : f32 to vector<16xf32>
        %parallel_loop3A_1304 = arith.addf %get3A_182, %parallel_loop3A_1303 : vector<16xf32>
        %parallel_loop3A_1305 = vector.broadcast %parallel_loop3A_1296 : f32 to vector<16xf32>
        %parallel_loop3A_1306 = arith.mulf %get3A_172, %parallel_loop3A_1305 : vector<16xf32>
        %parallel_loop3A_1307 = arith.addf %parallel_loop3A_1304, %parallel_loop3A_1306 : vector<16xf32>
        %parallel_loop3A_1308 = vector.broadcast %parallel_loop3A_1298 : f32 to vector<16xf32>
        %parallel_loop3A_1309 = arith.mulf %get3A_176, %parallel_loop3A_1308 : vector<16xf32>
        %parallel_loop3A_1310 = arith.addf %parallel_loop3A_1307, %parallel_loop3A_1309 : vector<16xf32>
        %parallel_loop3A_1311 = vector.broadcast %parallel_loop3A_1300 : f32 to vector<16xf32>
        %parallel_loop3A_1312 = arith.mulf %get3A_180, %parallel_loop3A_1311 : vector<16xf32>
        %parallel_loop3A_1313 = arith.addf %parallel_loop3A_1310, %parallel_loop3A_1312 : vector<16xf32>
        %parallel_loop3A_1314 = vector.broadcast %parallel_loop3A_1302 : f32 to vector<16xf32>
        %parallel_loop3A_1315 = arith.addf %get3A_198, %parallel_loop3A_1314 : vector<16xf32>
        %parallel_loop3A_1316 = vector.broadcast %parallel_loop3A_1296 : f32 to vector<16xf32>
        %parallel_loop3A_1317 = arith.mulf %get3A_188, %parallel_loop3A_1316 : vector<16xf32>
        %parallel_loop3A_1318 = arith.addf %parallel_loop3A_1315, %parallel_loop3A_1317 : vector<16xf32>
        %parallel_loop3A_1319 = vector.broadcast %parallel_loop3A_1298 : f32 to vector<16xf32>
        %parallel_loop3A_1320 = arith.mulf %get3A_192, %parallel_loop3A_1319 : vector<16xf32>
        %parallel_loop3A_1321 = arith.addf %parallel_loop3A_1318, %parallel_loop3A_1320 : vector<16xf32>
        %parallel_loop3A_1322 = vector.broadcast %parallel_loop3A_1300 : f32 to vector<16xf32>
        %parallel_loop3A_1323 = arith.mulf %get3A_196, %parallel_loop3A_1322 : vector<16xf32>
        %parallel_loop3A_1324 = arith.addf %parallel_loop3A_1321, %parallel_loop3A_1323 : vector<16xf32>
        %parallel_loop3A_1325 = vector.broadcast %parallel_loop3A_1302 : f32 to vector<16xf32>
        %parallel_loop3A_1326 = arith.addf %get3A_214, %parallel_loop3A_1325 : vector<16xf32>
        %parallel_loop3A_1327 = vector.broadcast %parallel_loop3A_1296 : f32 to vector<16xf32>
        %parallel_loop3A_1328 = arith.mulf %get3A_204, %parallel_loop3A_1327 : vector<16xf32>
        %parallel_loop3A_1329 = arith.addf %parallel_loop3A_1326, %parallel_loop3A_1328 : vector<16xf32>
        %parallel_loop3A_1330 = vector.broadcast %parallel_loop3A_1298 : f32 to vector<16xf32>
        %parallel_loop3A_1331 = arith.mulf %get3A_208, %parallel_loop3A_1330 : vector<16xf32>
        %parallel_loop3A_1332 = arith.addf %parallel_loop3A_1329, %parallel_loop3A_1331 : vector<16xf32>
        %parallel_loop3A_1333 = vector.broadcast %parallel_loop3A_1300 : f32 to vector<16xf32>
        %parallel_loop3A_1334 = arith.mulf %get3A_212, %parallel_loop3A_1333 : vector<16xf32>
        %parallel_loop3A_1335 = arith.addf %parallel_loop3A_1332, %parallel_loop3A_1334 : vector<16xf32>
        %parallel_loop3A_1336 = vector.broadcast %parallel_loop3A_1302 : f32 to vector<16xf32>
        %parallel_loop3A_1337 = arith.addf %get3A_230, %parallel_loop3A_1336 : vector<16xf32>
        %parallel_loop3A_1338 = vector.broadcast %parallel_loop3A_1296 : f32 to vector<16xf32>
        %parallel_loop3A_1339 = arith.mulf %get3A_220, %parallel_loop3A_1338 : vector<16xf32>
        %parallel_loop3A_1340 = arith.addf %parallel_loop3A_1337, %parallel_loop3A_1339 : vector<16xf32>
        %parallel_loop3A_1341 = vector.broadcast %parallel_loop3A_1298 : f32 to vector<16xf32>
        %parallel_loop3A_1342 = arith.mulf %get3A_224, %parallel_loop3A_1341 : vector<16xf32>
        %parallel_loop3A_1343 = arith.addf %parallel_loop3A_1340, %parallel_loop3A_1342 : vector<16xf32>
        %parallel_loop3A_1344 = vector.broadcast %parallel_loop3A_1300 : f32 to vector<16xf32>
        %parallel_loop3A_1345 = arith.mulf %get3A_228, %parallel_loop3A_1344 : vector<16xf32>
        %parallel_loop3A_1346 = arith.addf %parallel_loop3A_1343, %parallel_loop3A_1345 : vector<16xf32>
        %parallel_loop3A_1347 = vector.broadcast %parallel_loop3A_1302 : f32 to vector<16xf32>
        %parallel_loop3A_1348 = arith.addf %get3A_246, %parallel_loop3A_1347 : vector<16xf32>
        %parallel_loop3A_1349 = vector.broadcast %parallel_loop3A_1296 : f32 to vector<16xf32>
        %parallel_loop3A_1350 = arith.mulf %get3A_236, %parallel_loop3A_1349 : vector<16xf32>
        %parallel_loop3A_1351 = arith.addf %parallel_loop3A_1348, %parallel_loop3A_1350 : vector<16xf32>
        %parallel_loop3A_1352 = vector.broadcast %parallel_loop3A_1298 : f32 to vector<16xf32>
        %parallel_loop3A_1353 = arith.mulf %get3A_240, %parallel_loop3A_1352 : vector<16xf32>
        %parallel_loop3A_1354 = arith.addf %parallel_loop3A_1351, %parallel_loop3A_1353 : vector<16xf32>
        %parallel_loop3A_1355 = vector.broadcast %parallel_loop3A_1300 : f32 to vector<16xf32>
        %parallel_loop3A_1356 = arith.mulf %get3A_244, %parallel_loop3A_1355 : vector<16xf32>
        %parallel_loop3A_1357 = arith.addf %parallel_loop3A_1354, %parallel_loop3A_1356 : vector<16xf32>
        %parallel_loop3A_1358 = vector.broadcast %parallel_loop3A_1302 : f32 to vector<16xf32>
        %parallel_loop3A_1359 = arith.addf %get3A_262, %parallel_loop3A_1358 : vector<16xf32>
        %parallel_loop3A_1360 = vector.broadcast %parallel_loop3A_1296 : f32 to vector<16xf32>
        %parallel_loop3A_1361 = arith.mulf %get3A_252, %parallel_loop3A_1360 : vector<16xf32>
        %parallel_loop3A_1362 = arith.addf %parallel_loop3A_1359, %parallel_loop3A_1361 : vector<16xf32>
        %parallel_loop3A_1363 = vector.broadcast %parallel_loop3A_1298 : f32 to vector<16xf32>
        %parallel_loop3A_1364 = arith.mulf %get3A_256, %parallel_loop3A_1363 : vector<16xf32>
        %parallel_loop3A_1365 = arith.addf %parallel_loop3A_1362, %parallel_loop3A_1364 : vector<16xf32>
        %parallel_loop3A_1366 = vector.broadcast %parallel_loop3A_1300 : f32 to vector<16xf32>
        %parallel_loop3A_1367 = arith.mulf %get3A_260, %parallel_loop3A_1366 : vector<16xf32>
        %parallel_loop3A_1368 = arith.addf %parallel_loop3A_1365, %parallel_loop3A_1367 : vector<16xf32>
        %parallel_loop3A_1369 = arith.minimumf %parallel_loop3A_1313, %parallel_loop3A_1324 : vector<16xf32>
        %parallel_loop3A_1370 = arith.minimumf %parallel_loop3A_1369, %parallel_loop3A_1335 : vector<16xf32>
        %parallel_loop3A_1371 = arith.minimumf %parallel_loop3A_1370, %parallel_loop3A_1346 : vector<16xf32>
        %parallel_loop3A_1372 = arith.minimumf %parallel_loop3A_1371, %parallel_loop3A_1357 : vector<16xf32>
        %parallel_loop3A_1373 = arith.minimumf %parallel_loop3A_1372, %parallel_loop3A_1368 : vector<16xf32>
        %parallel_loop3A_1374 = arith.constant 256 : i32
        %parallel_loop3A_1375 = arith.muli %parallel_loop3A_338, %parallel_loop3A_1374 : i32
        %parallel_loop3A_1376 = arith.constant 160 : i32
        %parallel_loop3A_1377 = arith.addi %parallel_loop3A_1375, %parallel_loop3A_1376 : i32
        %parallel_loop3A_1378 = arith.index_cast %parallel_loop3A_1377 : i32 to index
        %parallel_loop3A_1379 = tpu.vector_load %arg12[%parallel_loop3A_1378] {strides = array<i32>} : memref<65536xf32, #tpu.memory_space<vmem>>, vector<16xf32>,
        %parallel_loop3A_1380 = arith.minimumf %parallel_loop3A_1379, %parallel_loop3A_1373 : vector<16xf32>
        %parallel_loop3A_1381 = arith.index_cast %parallel_loop3A_1377 : i32 to index
        %parallel_loop3A_1382 = tpu.vector_load %arg12[%parallel_loop3A_1381] {strides = array<i32>} : memref<65536xf32, #tpu.memory_space<vmem>>, vector<16xf32>,
        tpu.vector_store %arg12[%parallel_loop3A_1381], %parallel_loop3A_1380 {strides = array<i32>} : memref<65536xf32, #tpu.memory_space<vmem>>, vector<16xf32>,
        %parallel_loop3A_1383 = arith.minimumf %parallel_loop3A_1289, %parallel_loop3A_1313 : vector<16xf32>
        %parallel_loop3A_1384 = arith.minimumf %parallel_loop3A_1290, %parallel_loop3A_1324 : vector<16xf32>
        %parallel_loop3A_1385 = arith.minimumf %parallel_loop3A_1291, %parallel_loop3A_1335 : vector<16xf32>
        %parallel_loop3A_1386 = arith.minimumf %parallel_loop3A_1292, %parallel_loop3A_1346 : vector<16xf32>
        %parallel_loop3A_1387 = arith.minimumf %parallel_loop3A_1293, %parallel_loop3A_1357 : vector<16xf32>
        %parallel_loop3A_1388 = arith.minimumf %parallel_loop3A_1294, %parallel_loop3A_1368 : vector<16xf32>
        %parallel_loop3A_1389 = vector.extract_strided_slice %parallel_loop3A_348 {offsets = [11], sizes = [1], strides = [1]} : vector<16xf32> to vector<1xf32>
        %parallel_loop3A_1390 = vector.extract %parallel_loop3A_1389[0] : f32 from vector<1xf32>
        %parallel_loop3A_1391 = vector.extract_strided_slice %parallel_loop3A_350 {offsets = [11], sizes = [1], strides = [1]} : vector<16xf32> to vector<1xf32>
        %parallel_loop3A_1392 = vector.extract %parallel_loop3A_1391[0] : f32 from vector<1xf32>
        %parallel_loop3A_1393 = vector.extract_strided_slice %parallel_loop3A_352 {offsets = [11], sizes = [1], strides = [1]} : vector<16xf32> to vector<1xf32>
        %parallel_loop3A_1394 = vector.extract %parallel_loop3A_1393[0] : f32 from vector<1xf32>
        %parallel_loop3A_1395 = vector.extract_strided_slice %parallel_loop3A_354 {offsets = [11], sizes = [1], strides = [1]} : vector<16xf32> to vector<1xf32>
        %parallel_loop3A_1396 = vector.extract %parallel_loop3A_1395[0] : f32 from vector<1xf32>
        %parallel_loop3A_1397 = vector.broadcast %parallel_loop3A_1396 : f32 to vector<16xf32>
        %parallel_loop3A_1398 = arith.addf %get3A_182, %parallel_loop3A_1397 : vector<16xf32>
        %parallel_loop3A_1399 = vector.broadcast %parallel_loop3A_1390 : f32 to vector<16xf32>
        %parallel_loop3A_1400 = arith.mulf %get3A_172, %parallel_loop3A_1399 : vector<16xf32>
        %parallel_loop3A_1401 = arith.addf %parallel_loop3A_1398, %parallel_loop3A_1400 : vector<16xf32>
        %parallel_loop3A_1402 = vector.broadcast %parallel_loop3A_1392 : f32 to vector<16xf32>
        %parallel_loop3A_1403 = arith.mulf %get3A_176, %parallel_loop3A_1402 : vector<16xf32>
        %parallel_loop3A_1404 = arith.addf %parallel_loop3A_1401, %parallel_loop3A_1403 : vector<16xf32>
        %parallel_loop3A_1405 = vector.broadcast %parallel_loop3A_1394 : f32 to vector<16xf32>
        %parallel_loop3A_1406 = arith.mulf %get3A_180, %parallel_loop3A_1405 : vector<16xf32>
        %parallel_loop3A_1407 = arith.addf %parallel_loop3A_1404, %parallel_loop3A_1406 : vector<16xf32>
        %parallel_loop3A_1408 = vector.broadcast %parallel_loop3A_1396 : f32 to vector<16xf32>
        %parallel_loop3A_1409 = arith.addf %get3A_198, %parallel_loop3A_1408 : vector<16xf32>
        %parallel_loop3A_1410 = vector.broadcast %parallel_loop3A_1390 : f32 to vector<16xf32>
        %parallel_loop3A_1411 = arith.mulf %get3A_188, %parallel_loop3A_1410 : vector<16xf32>
        %parallel_loop3A_1412 = arith.addf %parallel_loop3A_1409, %parallel_loop3A_1411 : vector<16xf32>
        %parallel_loop3A_1413 = vector.broadcast %parallel_loop3A_1392 : f32 to vector<16xf32>
        %parallel_loop3A_1414 = arith.mulf %get3A_192, %parallel_loop3A_1413 : vector<16xf32>
        %parallel_loop3A_1415 = arith.addf %parallel_loop3A_1412, %parallel_loop3A_1414 : vector<16xf32>
        %parallel_loop3A_1416 = vector.broadcast %parallel_loop3A_1394 : f32 to vector<16xf32>
        %parallel_loop3A_1417 = arith.mulf %get3A_196, %parallel_loop3A_1416 : vector<16xf32>
        %parallel_loop3A_1418 = arith.addf %parallel_loop3A_1415, %parallel_loop3A_1417 : vector<16xf32>
        %parallel_loop3A_1419 = vector.broadcast %parallel_loop3A_1396 : f32 to vector<16xf32>
        %parallel_loop3A_1420 = arith.addf %get3A_214, %parallel_loop3A_1419 : vector<16xf32>
        %parallel_loop3A_1421 = vector.broadcast %parallel_loop3A_1390 : f32 to vector<16xf32>
        %parallel_loop3A_1422 = arith.mulf %get3A_204, %parallel_loop3A_1421 : vector<16xf32>
        %parallel_loop3A_1423 = arith.addf %parallel_loop3A_1420, %parallel_loop3A_1422 : vector<16xf32>
        %parallel_loop3A_1424 = vector.broadcast %parallel_loop3A_1392 : f32 to vector<16xf32>
        %parallel_loop3A_1425 = arith.mulf %get3A_208, %parallel_loop3A_1424 : vector<16xf32>
        %parallel_loop3A_1426 = arith.addf %parallel_loop3A_1423, %parallel_loop3A_1425 : vector<16xf32>
        %parallel_loop3A_1427 = vector.broadcast %parallel_loop3A_1394 : f32 to vector<16xf32>
        %parallel_loop3A_1428 = arith.mulf %get3A_212, %parallel_loop3A_1427 : vector<16xf32>
        %parallel_loop3A_1429 = arith.addf %parallel_loop3A_1426, %parallel_loop3A_1428 : vector<16xf32>
        %parallel_loop3A_1430 = vector.broadcast %parallel_loop3A_1396 : f32 to vector<16xf32>
        %parallel_loop3A_1431 = arith.addf %get3A_230, %parallel_loop3A_1430 : vector<16xf32>
        %parallel_loop3A_1432 = vector.broadcast %parallel_loop3A_1390 : f32 to vector<16xf32>
        %parallel_loop3A_1433 = arith.mulf %get3A_220, %parallel_loop3A_1432 : vector<16xf32>
        %parallel_loop3A_1434 = arith.addf %parallel_loop3A_1431, %parallel_loop3A_1433 : vector<16xf32>
        %parallel_loop3A_1435 = vector.broadcast %parallel_loop3A_1392 : f32 to vector<16xf32>
        %parallel_loop3A_1436 = arith.mulf %get3A_224, %parallel_loop3A_1435 : vector<16xf32>
        %parallel_loop3A_1437 = arith.addf %parallel_loop3A_1434, %parallel_loop3A_1436 : vector<16xf32>
        %parallel_loop3A_1438 = vector.broadcast %parallel_loop3A_1394 : f32 to vector<16xf32>
        %parallel_loop3A_1439 = arith.mulf %get3A_228, %parallel_loop3A_1438 : vector<16xf32>
        %parallel_loop3A_1440 = arith.addf %parallel_loop3A_1437, %parallel_loop3A_1439 : vector<16xf32>
        %parallel_loop3A_1441 = vector.broadcast %parallel_loop3A_1396 : f32 to vector<16xf32>
        %parallel_loop3A_1442 = arith.addf %get3A_246, %parallel_loop3A_1441 : vector<16xf32>
        %parallel_loop3A_1443 = vector.broadcast %parallel_loop3A_1390 : f32 to vector<16xf32>
        %parallel_loop3A_1444 = arith.mulf %get3A_236, %parallel_loop3A_1443 : vector<16xf32>
        %parallel_loop3A_1445 = arith.addf %parallel_loop3A_1442, %parallel_loop3A_1444 : vector<16xf32>
        %parallel_loop3A_1446 = vector.broadcast %parallel_loop3A_1392 : f32 to vector<16xf32>
        %parallel_loop3A_1447 = arith.mulf %get3A_240, %parallel_loop3A_1446 : vector<16xf32>
        %parallel_loop3A_1448 = arith.addf %parallel_loop3A_1445, %parallel_loop3A_1447 : vector<16xf32>
        %parallel_loop3A_1449 = vector.broadcast %parallel_loop3A_1394 : f32 to vector<16xf32>
        %parallel_loop3A_1450 = arith.mulf %get3A_244, %parallel_loop3A_1449 : vector<16xf32>
        %parallel_loop3A_1451 = arith.addf %parallel_loop3A_1448, %parallel_loop3A_1450 : vector<16xf32>
        %parallel_loop3A_1452 = vector.broadcast %parallel_loop3A_1396 : f32 to vector<16xf32>
        %parallel_loop3A_1453 = arith.addf %get3A_262, %parallel_loop3A_1452 : vector<16xf32>
        %parallel_loop3A_1454 = vector.broadcast %parallel_loop3A_1390 : f32 to vector<16xf32>
        %parallel_loop3A_1455 = arith.mulf %get3A_252, %parallel_loop3A_1454 : vector<16xf32>
        %parallel_loop3A_1456 = arith.addf %parallel_loop3A_1453, %parallel_loop3A_1455 : vector<16xf32>
        %parallel_loop3A_1457 = vector.broadcast %parallel_loop3A_1392 : f32 to vector<16xf32>
        %parallel_loop3A_1458 = arith.mulf %get3A_256, %parallel_loop3A_1457 : vector<16xf32>
        %parallel_loop3A_1459 = arith.addf %parallel_loop3A_1456, %parallel_loop3A_1458 : vector<16xf32>
        %parallel_loop3A_1460 = vector.broadcast %parallel_loop3A_1394 : f32 to vector<16xf32>
        %parallel_loop3A_1461 = arith.mulf %get3A_260, %parallel_loop3A_1460 : vector<16xf32>
        %parallel_loop3A_1462 = arith.addf %parallel_loop3A_1459, %parallel_loop3A_1461 : vector<16xf32>
        %parallel_loop3A_1463 = arith.minimumf %parallel_loop3A_1407, %parallel_loop3A_1418 : vector<16xf32>
        %parallel_loop3A_1464 = arith.minimumf %parallel_loop3A_1463, %parallel_loop3A_1429 : vector<16xf32>
        %parallel_loop3A_1465 = arith.minimumf %parallel_loop3A_1464, %parallel_loop3A_1440 : vector<16xf32>
        %parallel_loop3A_1466 = arith.minimumf %parallel_loop3A_1465, %parallel_loop3A_1451 : vector<16xf32>
        %parallel_loop3A_1467 = arith.minimumf %parallel_loop3A_1466, %parallel_loop3A_1462 : vector<16xf32>
        %parallel_loop3A_1468 = arith.constant 256 : i32
        %parallel_loop3A_1469 = arith.muli %parallel_loop3A_338, %parallel_loop3A_1468 : i32
        %parallel_loop3A_1470 = arith.constant 176 : i32
        %parallel_loop3A_1471 = arith.addi %parallel_loop3A_1469, %parallel_loop3A_1470 : i32
        %parallel_loop3A_1472 = arith.index_cast %parallel_loop3A_1471 : i32 to index
        %parallel_loop3A_1473 = tpu.vector_load %arg12[%parallel_loop3A_1472] {strides = array<i32>} : memref<65536xf32, #tpu.memory_space<vmem>>, vector<16xf32>,
        %parallel_loop3A_1474 = arith.minimumf %parallel_loop3A_1473, %parallel_loop3A_1467 : vector<16xf32>
        %parallel_loop3A_1475 = arith.index_cast %parallel_loop3A_1471 : i32 to index
        %parallel_loop3A_1476 = tpu.vector_load %arg12[%parallel_loop3A_1475] {strides = array<i32>} : memref<65536xf32, #tpu.memory_space<vmem>>, vector<16xf32>,
        tpu.vector_store %arg12[%parallel_loop3A_1475], %parallel_loop3A_1474 {strides = array<i32>} : memref<65536xf32, #tpu.memory_space<vmem>>, vector<16xf32>,
        %parallel_loop3A_1477 = arith.minimumf %parallel_loop3A_1383, %parallel_loop3A_1407 : vector<16xf32>
        %parallel_loop3A_1478 = arith.minimumf %parallel_loop3A_1384, %parallel_loop3A_1418 : vector<16xf32>
        %parallel_loop3A_1479 = arith.minimumf %parallel_loop3A_1385, %parallel_loop3A_1429 : vector<16xf32>
        %parallel_loop3A_1480 = arith.minimumf %parallel_loop3A_1386, %parallel_loop3A_1440 : vector<16xf32>
        %parallel_loop3A_1481 = arith.minimumf %parallel_loop3A_1387, %parallel_loop3A_1451 : vector<16xf32>
        %parallel_loop3A_1482 = arith.minimumf %parallel_loop3A_1388, %parallel_loop3A_1462 : vector<16xf32>
        %parallel_loop3A_1483 = vector.extract_strided_slice %parallel_loop3A_348 {offsets = [12], sizes = [1], strides = [1]} : vector<16xf32> to vector<1xf32>
        %parallel_loop3A_1484 = vector.extract %parallel_loop3A_1483[0] : f32 from vector<1xf32>
        %parallel_loop3A_1485 = vector.extract_strided_slice %parallel_loop3A_350 {offsets = [12], sizes = [1], strides = [1]} : vector<16xf32> to vector<1xf32>
        %parallel_loop3A_1486 = vector.extract %parallel_loop3A_1485[0] : f32 from vector<1xf32>
        %parallel_loop3A_1487 = vector.extract_strided_slice %parallel_loop3A_352 {offsets = [12], sizes = [1], strides = [1]} : vector<16xf32> to vector<1xf32>
        %parallel_loop3A_1488 = vector.extract %parallel_loop3A_1487[0] : f32 from vector<1xf32>
        %parallel_loop3A_1489 = vector.extract_strided_slice %parallel_loop3A_354 {offsets = [12], sizes = [1], strides = [1]} : vector<16xf32> to vector<1xf32>
        %parallel_loop3A_1490 = vector.extract %parallel_loop3A_1489[0] : f32 from vector<1xf32>
        %parallel_loop3A_1491 = vector.broadcast %parallel_loop3A_1490 : f32 to vector<16xf32>
        %parallel_loop3A_1492 = arith.addf %get3A_182, %parallel_loop3A_1491 : vector<16xf32>
        %parallel_loop3A_1493 = vector.broadcast %parallel_loop3A_1484 : f32 to vector<16xf32>
        %parallel_loop3A_1494 = arith.mulf %get3A_172, %parallel_loop3A_1493 : vector<16xf32>
        %parallel_loop3A_1495 = arith.addf %parallel_loop3A_1492, %parallel_loop3A_1494 : vector<16xf32>
        %parallel_loop3A_1496 = vector.broadcast %parallel_loop3A_1486 : f32 to vector<16xf32>
        %parallel_loop3A_1497 = arith.mulf %get3A_176, %parallel_loop3A_1496 : vector<16xf32>
        %parallel_loop3A_1498 = arith.addf %parallel_loop3A_1495, %parallel_loop3A_1497 : vector<16xf32>
        %parallel_loop3A_1499 = vector.broadcast %parallel_loop3A_1488 : f32 to vector<16xf32>
        %parallel_loop3A_1500 = arith.mulf %get3A_180, %parallel_loop3A_1499 : vector<16xf32>
        %parallel_loop3A_1501 = arith.addf %parallel_loop3A_1498, %parallel_loop3A_1500 : vector<16xf32>
        %parallel_loop3A_1502 = vector.broadcast %parallel_loop3A_1490 : f32 to vector<16xf32>
        %parallel_loop3A_1503 = arith.addf %get3A_198, %parallel_loop3A_1502 : vector<16xf32>
        %parallel_loop3A_1504 = vector.broadcast %parallel_loop3A_1484 : f32 to vector<16xf32>
        %parallel_loop3A_1505 = arith.mulf %get3A_188, %parallel_loop3A_1504 : vector<16xf32>
        %parallel_loop3A_1506 = arith.addf %parallel_loop3A_1503, %parallel_loop3A_1505 : vector<16xf32>
        %parallel_loop3A_1507 = vector.broadcast %parallel_loop3A_1486 : f32 to vector<16xf32>
        %parallel_loop3A_1508 = arith.mulf %get3A_192, %parallel_loop3A_1507 : vector<16xf32>
        %parallel_loop3A_1509 = arith.addf %parallel_loop3A_1506, %parallel_loop3A_1508 : vector<16xf32>
        %parallel_loop3A_1510 = vector.broadcast %parallel_loop3A_1488 : f32 to vector<16xf32>
        %parallel_loop3A_1511 = arith.mulf %get3A_196, %parallel_loop3A_1510 : vector<16xf32>
        %parallel_loop3A_1512 = arith.addf %parallel_loop3A_1509, %parallel_loop3A_1511 : vector<16xf32>
        %parallel_loop3A_1513 = vector.broadcast %parallel_loop3A_1490 : f32 to vector<16xf32>
        %parallel_loop3A_1514 = arith.addf %get3A_214, %parallel_loop3A_1513 : vector<16xf32>
        %parallel_loop3A_1515 = vector.broadcast %parallel_loop3A_1484 : f32 to vector<16xf32>
        %parallel_loop3A_1516 = arith.mulf %get3A_204, %parallel_loop3A_1515 : vector<16xf32>
        %parallel_loop3A_1517 = arith.addf %parallel_loop3A_1514, %parallel_loop3A_1516 : vector<16xf32>
        %parallel_loop3A_1518 = vector.broadcast %parallel_loop3A_1486 : f32 to vector<16xf32>
        %parallel_loop3A_1519 = arith.mulf %get3A_208, %parallel_loop3A_1518 : vector<16xf32>
        %parallel_loop3A_1520 = arith.addf %parallel_loop3A_1517, %parallel_loop3A_1519 : vector<16xf32>
        %parallel_loop3A_1521 = vector.broadcast %parallel_loop3A_1488 : f32 to vector<16xf32>
        %parallel_loop3A_1522 = arith.mulf %get3A_212, %parallel_loop3A_1521 : vector<16xf32>
        %parallel_loop3A_1523 = arith.addf %parallel_loop3A_1520, %parallel_loop3A_1522 : vector<16xf32>
        %parallel_loop3A_1524 = vector.broadcast %parallel_loop3A_1490 : f32 to vector<16xf32>
        %parallel_loop3A_1525 = arith.addf %get3A_230, %parallel_loop3A_1524 : vector<16xf32>
        %parallel_loop3A_1526 = vector.broadcast %parallel_loop3A_1484 : f32 to vector<16xf32>
        %parallel_loop3A_1527 = arith.mulf %get3A_220, %parallel_loop3A_1526 : vector<16xf32>
        %parallel_loop3A_1528 = arith.addf %parallel_loop3A_1525, %parallel_loop3A_1527 : vector<16xf32>
        %parallel_loop3A_1529 = vector.broadcast %parallel_loop3A_1486 : f32 to vector<16xf32>
        %parallel_loop3A_1530 = arith.mulf %get3A_224, %parallel_loop3A_1529 : vector<16xf32>
        %parallel_loop3A_1531 = arith.addf %parallel_loop3A_1528, %parallel_loop3A_1530 : vector<16xf32>
        %parallel_loop3A_1532 = vector.broadcast %parallel_loop3A_1488 : f32 to vector<16xf32>
        %parallel_loop3A_1533 = arith.mulf %get3A_228, %parallel_loop3A_1532 : vector<16xf32>
        %parallel_loop3A_1534 = arith.addf %parallel_loop3A_1531, %parallel_loop3A_1533 : vector<16xf32>
        %parallel_loop3A_1535 = vector.broadcast %parallel_loop3A_1490 : f32 to vector<16xf32>
        %parallel_loop3A_1536 = arith.addf %get3A_246, %parallel_loop3A_1535 : vector<16xf32>
        %parallel_loop3A_1537 = vector.broadcast %parallel_loop3A_1484 : f32 to vector<16xf32>
        %parallel_loop3A_1538 = arith.mulf %get3A_236, %parallel_loop3A_1537 : vector<16xf32>
        %parallel_loop3A_1539 = arith.addf %parallel_loop3A_1536, %parallel_loop3A_1538 : vector<16xf32>
        %parallel_loop3A_1540 = vector.broadcast %parallel_loop3A_1486 : f32 to vector<16xf32>
        %parallel_loop3A_1541 = arith.mulf %get3A_240, %parallel_loop3A_1540 : vector<16xf32>
        %parallel_loop3A_1542 = arith.addf %parallel_loop3A_1539, %parallel_loop3A_1541 : vector<16xf32>
        %parallel_loop3A_1543 = vector.broadcast %parallel_loop3A_1488 : f32 to vector<16xf32>
        %parallel_loop3A_1544 = arith.mulf %get3A_244, %parallel_loop3A_1543 : vector<16xf32>
        %parallel_loop3A_1545 = arith.addf %parallel_loop3A_1542, %parallel_loop3A_1544 : vector<16xf32>
        %parallel_loop3A_1546 = vector.broadcast %parallel_loop3A_1490 : f32 to vector<16xf32>
        %parallel_loop3A_1547 = arith.addf %get3A_262, %parallel_loop3A_1546 : vector<16xf32>
        %parallel_loop3A_1548 = vector.broadcast %parallel_loop3A_1484 : f32 to vector<16xf32>
        %parallel_loop3A_1549 = arith.mulf %get3A_252, %parallel_loop3A_1548 : vector<16xf32>
        %parallel_loop3A_1550 = arith.addf %parallel_loop3A_1547, %parallel_loop3A_1549 : vector<16xf32>
        %parallel_loop3A_1551 = vector.broadcast %parallel_loop3A_1486 : f32 to vector<16xf32>
        %parallel_loop3A_1552 = arith.mulf %get3A_256, %parallel_loop3A_1551 : vector<16xf32>
        %parallel_loop3A_1553 = arith.addf %parallel_loop3A_1550, %parallel_loop3A_1552 : vector<16xf32>
        %parallel_loop3A_1554 = vector.broadcast %parallel_loop3A_1488 : f32 to vector<16xf32>
        %parallel_loop3A_1555 = arith.mulf %get3A_260, %parallel_loop3A_1554 : vector<16xf32>
        %parallel_loop3A_1556 = arith.addf %parallel_loop3A_1553, %parallel_loop3A_1555 : vector<16xf32>
        %parallel_loop3A_1557 = arith.minimumf %parallel_loop3A_1501, %parallel_loop3A_1512 : vector<16xf32>
        %parallel_loop3A_1558 = arith.minimumf %parallel_loop3A_1557, %parallel_loop3A_1523 : vector<16xf32>
        %parallel_loop3A_1559 = arith.minimumf %parallel_loop3A_1558, %parallel_loop3A_1534 : vector<16xf32>
        %parallel_loop3A_1560 = arith.minimumf %parallel_loop3A_1559, %parallel_loop3A_1545 : vector<16xf32>
        %parallel_loop3A_1561 = arith.minimumf %parallel_loop3A_1560, %parallel_loop3A_1556 : vector<16xf32>
        %parallel_loop3A_1562 = arith.constant 256 : i32
        %parallel_loop3A_1563 = arith.muli %parallel_loop3A_338, %parallel_loop3A_1562 : i32
        %parallel_loop3A_1564 = arith.constant 192 : i32
        %parallel_loop3A_1565 = arith.addi %parallel_loop3A_1563, %parallel_loop3A_1564 : i32
        %parallel_loop3A_1566 = arith.index_cast %parallel_loop3A_1565 : i32 to index
        %parallel_loop3A_1567 = tpu.vector_load %arg12[%parallel_loop3A_1566] {strides = array<i32>} : memref<65536xf32, #tpu.memory_space<vmem>>, vector<16xf32>,
        %parallel_loop3A_1568 = arith.minimumf %parallel_loop3A_1567, %parallel_loop3A_1561 : vector<16xf32>
        %parallel_loop3A_1569 = arith.index_cast %parallel_loop3A_1565 : i32 to index
        %parallel_loop3A_1570 = tpu.vector_load %arg12[%parallel_loop3A_1569] {strides = array<i32>} : memref<65536xf32, #tpu.memory_space<vmem>>, vector<16xf32>,
        tpu.vector_store %arg12[%parallel_loop3A_1569], %parallel_loop3A_1568 {strides = array<i32>} : memref<65536xf32, #tpu.memory_space<vmem>>, vector<16xf32>,
        %parallel_loop3A_1571 = arith.minimumf %parallel_loop3A_1477, %parallel_loop3A_1501 : vector<16xf32>
        %parallel_loop3A_1572 = arith.minimumf %parallel_loop3A_1478, %parallel_loop3A_1512 : vector<16xf32>
        %parallel_loop3A_1573 = arith.minimumf %parallel_loop3A_1479, %parallel_loop3A_1523 : vector<16xf32>
        %parallel_loop3A_1574 = arith.minimumf %parallel_loop3A_1480, %parallel_loop3A_1534 : vector<16xf32>
        %parallel_loop3A_1575 = arith.minimumf %parallel_loop3A_1481, %parallel_loop3A_1545 : vector<16xf32>
        %parallel_loop3A_1576 = arith.minimumf %parallel_loop3A_1482, %parallel_loop3A_1556 : vector<16xf32>
        %parallel_loop3A_1577 = vector.extract_strided_slice %parallel_loop3A_348 {offsets = [13], sizes = [1], strides = [1]} : vector<16xf32> to vector<1xf32>
        %parallel_loop3A_1578 = vector.extract %parallel_loop3A_1577[0] : f32 from vector<1xf32>
        %parallel_loop3A_1579 = vector.extract_strided_slice %parallel_loop3A_350 {offsets = [13], sizes = [1], strides = [1]} : vector<16xf32> to vector<1xf32>
        %parallel_loop3A_1580 = vector.extract %parallel_loop3A_1579[0] : f32 from vector<1xf32>
        %parallel_loop3A_1581 = vector.extract_strided_slice %parallel_loop3A_352 {offsets = [13], sizes = [1], strides = [1]} : vector<16xf32> to vector<1xf32>
        %parallel_loop3A_1582 = vector.extract %parallel_loop3A_1581[0] : f32 from vector<1xf32>
        %parallel_loop3A_1583 = vector.extract_strided_slice %parallel_loop3A_354 {offsets = [13], sizes = [1], strides = [1]} : vector<16xf32> to vector<1xf32>
        %parallel_loop3A_1584 = vector.extract %parallel_loop3A_1583[0] : f32 from vector<1xf32>
        %parallel_loop3A_1585 = vector.broadcast %parallel_loop3A_1584 : f32 to vector<16xf32>
        %parallel_loop3A_1586 = arith.addf %get3A_182, %parallel_loop3A_1585 : vector<16xf32>
        %parallel_loop3A_1587 = vector.broadcast %parallel_loop3A_1578 : f32 to vector<16xf32>
        %parallel_loop3A_1588 = arith.mulf %get3A_172, %parallel_loop3A_1587 : vector<16xf32>
        %parallel_loop3A_1589 = arith.addf %parallel_loop3A_1586, %parallel_loop3A_1588 : vector<16xf32>
        %parallel_loop3A_1590 = vector.broadcast %parallel_loop3A_1580 : f32 to vector<16xf32>
        %parallel_loop3A_1591 = arith.mulf %get3A_176, %parallel_loop3A_1590 : vector<16xf32>
        %parallel_loop3A_1592 = arith.addf %parallel_loop3A_1589, %parallel_loop3A_1591 : vector<16xf32>
        %parallel_loop3A_1593 = vector.broadcast %parallel_loop3A_1582 : f32 to vector<16xf32>
        %parallel_loop3A_1594 = arith.mulf %get3A_180, %parallel_loop3A_1593 : vector<16xf32>
        %parallel_loop3A_1595 = arith.addf %parallel_loop3A_1592, %parallel_loop3A_1594 : vector<16xf32>
        %parallel_loop3A_1596 = vector.broadcast %parallel_loop3A_1584 : f32 to vector<16xf32>
        %parallel_loop3A_1597 = arith.addf %get3A_198, %parallel_loop3A_1596 : vector<16xf32>
        %parallel_loop3A_1598 = vector.broadcast %parallel_loop3A_1578 : f32 to vector<16xf32>
        %parallel_loop3A_1599 = arith.mulf %get3A_188, %parallel_loop3A_1598 : vector<16xf32>
        %parallel_loop3A_1600 = arith.addf %parallel_loop3A_1597, %parallel_loop3A_1599 : vector<16xf32>
        %parallel_loop3A_1601 = vector.broadcast %parallel_loop3A_1580 : f32 to vector<16xf32>
        %parallel_loop3A_1602 = arith.mulf %get3A_192, %parallel_loop3A_1601 : vector<16xf32>
        %parallel_loop3A_1603 = arith.addf %parallel_loop3A_1600, %parallel_loop3A_1602 : vector<16xf32>
        %parallel_loop3A_1604 = vector.broadcast %parallel_loop3A_1582 : f32 to vector<16xf32>
        %parallel_loop3A_1605 = arith.mulf %get3A_196, %parallel_loop3A_1604 : vector<16xf32>
        %parallel_loop3A_1606 = arith.addf %parallel_loop3A_1603, %parallel_loop3A_1605 : vector<16xf32>
        %parallel_loop3A_1607 = vector.broadcast %parallel_loop3A_1584 : f32 to vector<16xf32>
        %parallel_loop3A_1608 = arith.addf %get3A_214, %parallel_loop3A_1607 : vector<16xf32>
        %parallel_loop3A_1609 = vector.broadcast %parallel_loop3A_1578 : f32 to vector<16xf32>
        %parallel_loop3A_1610 = arith.mulf %get3A_204, %parallel_loop3A_1609 : vector<16xf32>
        %parallel_loop3A_1611 = arith.addf %parallel_loop3A_1608, %parallel_loop3A_1610 : vector<16xf32>
        %parallel_loop3A_1612 = vector.broadcast %parallel_loop3A_1580 : f32 to vector<16xf32>
        %parallel_loop3A_1613 = arith.mulf %get3A_208, %parallel_loop3A_1612 : vector<16xf32>
        %parallel_loop3A_1614 = arith.addf %parallel_loop3A_1611, %parallel_loop3A_1613 : vector<16xf32>
        %parallel_loop3A_1615 = vector.broadcast %parallel_loop3A_1582 : f32 to vector<16xf32>
        %parallel_loop3A_1616 = arith.mulf %get3A_212, %parallel_loop3A_1615 : vector<16xf32>
        %parallel_loop3A_1617 = arith.addf %parallel_loop3A_1614, %parallel_loop3A_1616 : vector<16xf32>
        %parallel_loop3A_1618 = vector.broadcast %parallel_loop3A_1584 : f32 to vector<16xf32>
        %parallel_loop3A_1619 = arith.addf %get3A_230, %parallel_loop3A_1618 : vector<16xf32>
        %parallel_loop3A_1620 = vector.broadcast %parallel_loop3A_1578 : f32 to vector<16xf32>
        %parallel_loop3A_1621 = arith.mulf %get3A_220, %parallel_loop3A_1620 : vector<16xf32>
        %parallel_loop3A_1622 = arith.addf %parallel_loop3A_1619, %parallel_loop3A_1621 : vector<16xf32>
        %parallel_loop3A_1623 = vector.broadcast %parallel_loop3A_1580 : f32 to vector<16xf32>
        %parallel_loop3A_1624 = arith.mulf %get3A_224, %parallel_loop3A_1623 : vector<16xf32>
        %parallel_loop3A_1625 = arith.addf %parallel_loop3A_1622, %parallel_loop3A_1624 : vector<16xf32>
        %parallel_loop3A_1626 = vector.broadcast %parallel_loop3A_1582 : f32 to vector<16xf32>
        %parallel_loop3A_1627 = arith.mulf %get3A_228, %parallel_loop3A_1626 : vector<16xf32>
        %parallel_loop3A_1628 = arith.addf %parallel_loop3A_1625, %parallel_loop3A_1627 : vector<16xf32>
        %parallel_loop3A_1629 = vector.broadcast %parallel_loop3A_1584 : f32 to vector<16xf32>
        %parallel_loop3A_1630 = arith.addf %get3A_246, %parallel_loop3A_1629 : vector<16xf32>
        %parallel_loop3A_1631 = vector.broadcast %parallel_loop3A_1578 : f32 to vector<16xf32>
        %parallel_loop3A_1632 = arith.mulf %get3A_236, %parallel_loop3A_1631 : vector<16xf32>
        %parallel_loop3A_1633 = arith.addf %parallel_loop3A_1630, %parallel_loop3A_1632 : vector<16xf32>
        %parallel_loop3A_1634 = vector.broadcast %parallel_loop3A_1580 : f32 to vector<16xf32>
        %parallel_loop3A_1635 = arith.mulf %get3A_240, %parallel_loop3A_1634 : vector<16xf32>
        %parallel_loop3A_1636 = arith.addf %parallel_loop3A_1633, %parallel_loop3A_1635 : vector<16xf32>
        %parallel_loop3A_1637 = vector.broadcast %parallel_loop3A_1582 : f32 to vector<16xf32>
        %parallel_loop3A_1638 = arith.mulf %get3A_244, %parallel_loop3A_1637 : vector<16xf32>
        %parallel_loop3A_1639 = arith.addf %parallel_loop3A_1636, %parallel_loop3A_1638 : vector<16xf32>
        %parallel_loop3A_1640 = vector.broadcast %parallel_loop3A_1584 : f32 to vector<16xf32>
        %parallel_loop3A_1641 = arith.addf %get3A_262, %parallel_loop3A_1640 : vector<16xf32>
        %parallel_loop3A_1642 = vector.broadcast %parallel_loop3A_1578 : f32 to vector<16xf32>
        %parallel_loop3A_1643 = arith.mulf %get3A_252, %parallel_loop3A_1642 : vector<16xf32>
        %parallel_loop3A_1644 = arith.addf %parallel_loop3A_1641, %parallel_loop3A_1643 : vector<16xf32>
        %parallel_loop3A_1645 = vector.broadcast %parallel_loop3A_1580 : f32 to vector<16xf32>
        %parallel_loop3A_1646 = arith.mulf %get3A_256, %parallel_loop3A_1645 : vector<16xf32>
        %parallel_loop3A_1647 = arith.addf %parallel_loop3A_1644, %parallel_loop3A_1646 : vector<16xf32>
        %parallel_loop3A_1648 = vector.broadcast %parallel_loop3A_1582 : f32 to vector<16xf32>
        %parallel_loop3A_1649 = arith.mulf %get3A_260, %parallel_loop3A_1648 : vector<16xf32>
        %parallel_loop3A_1650 = arith.addf %parallel_loop3A_1647, %parallel_loop3A_1649 : vector<16xf32>
        %parallel_loop3A_1651 = arith.minimumf %parallel_loop3A_1595, %parallel_loop3A_1606 : vector<16xf32>
        %parallel_loop3A_1652 = arith.minimumf %parallel_loop3A_1651, %parallel_loop3A_1617 : vector<16xf32>
        %parallel_loop3A_1653 = arith.minimumf %parallel_loop3A_1652, %parallel_loop3A_1628 : vector<16xf32>
        %parallel_loop3A_1654 = arith.minimumf %parallel_loop3A_1653, %parallel_loop3A_1639 : vector<16xf32>
        %parallel_loop3A_1655 = arith.minimumf %parallel_loop3A_1654, %parallel_loop3A_1650 : vector<16xf32>
        %parallel_loop3A_1656 = arith.constant 256 : i32
        %parallel_loop3A_1657 = arith.muli %parallel_loop3A_338, %parallel_loop3A_1656 : i32
        %parallel_loop3A_1658 = arith.constant 208 : i32
        %parallel_loop3A_1659 = arith.addi %parallel_loop3A_1657, %parallel_loop3A_1658 : i32
        %parallel_loop3A_1660 = arith.index_cast %parallel_loop3A_1659 : i32 to index
        %parallel_loop3A_1661 = tpu.vector_load %arg12[%parallel_loop3A_1660] {strides = array<i32>} : memref<65536xf32, #tpu.memory_space<vmem>>, vector<16xf32>,
        %parallel_loop3A_1662 = arith.minimumf %parallel_loop3A_1661, %parallel_loop3A_1655 : vector<16xf32>
        %parallel_loop3A_1663 = arith.index_cast %parallel_loop3A_1659 : i32 to index
        %parallel_loop3A_1664 = tpu.vector_load %arg12[%parallel_loop3A_1663] {strides = array<i32>} : memref<65536xf32, #tpu.memory_space<vmem>>, vector<16xf32>,
        tpu.vector_store %arg12[%parallel_loop3A_1663], %parallel_loop3A_1662 {strides = array<i32>} : memref<65536xf32, #tpu.memory_space<vmem>>, vector<16xf32>,
        %parallel_loop3A_1665 = arith.minimumf %parallel_loop3A_1571, %parallel_loop3A_1595 : vector<16xf32>
        %parallel_loop3A_1666 = arith.minimumf %parallel_loop3A_1572, %parallel_loop3A_1606 : vector<16xf32>
        %parallel_loop3A_1667 = arith.minimumf %parallel_loop3A_1573, %parallel_loop3A_1617 : vector<16xf32>
        %parallel_loop3A_1668 = arith.minimumf %parallel_loop3A_1574, %parallel_loop3A_1628 : vector<16xf32>
        %parallel_loop3A_1669 = arith.minimumf %parallel_loop3A_1575, %parallel_loop3A_1639 : vector<16xf32>
        %parallel_loop3A_1670 = arith.minimumf %parallel_loop3A_1576, %parallel_loop3A_1650 : vector<16xf32>
        %parallel_loop3A_1671 = vector.extract_strided_slice %parallel_loop3A_348 {offsets = [14], sizes = [1], strides = [1]} : vector<16xf32> to vector<1xf32>
        %parallel_loop3A_1672 = vector.extract %parallel_loop3A_1671[0] : f32 from vector<1xf32>
        %parallel_loop3A_1673 = vector.extract_strided_slice %parallel_loop3A_350 {offsets = [14], sizes = [1], strides = [1]} : vector<16xf32> to vector<1xf32>
        %parallel_loop3A_1674 = vector.extract %parallel_loop3A_1673[0] : f32 from vector<1xf32>
        %parallel_loop3A_1675 = vector.extract_strided_slice %parallel_loop3A_352 {offsets = [14], sizes = [1], strides = [1]} : vector<16xf32> to vector<1xf32>
        %parallel_loop3A_1676 = vector.extract %parallel_loop3A_1675[0] : f32 from vector<1xf32>
        %parallel_loop3A_1677 = vector.extract_strided_slice %parallel_loop3A_354 {offsets = [14], sizes = [1], strides = [1]} : vector<16xf32> to vector<1xf32>
        %parallel_loop3A_1678 = vector.extract %parallel_loop3A_1677[0] : f32 from vector<1xf32>
        %parallel_loop3A_1679 = vector.broadcast %parallel_loop3A_1678 : f32 to vector<16xf32>
        %parallel_loop3A_1680 = arith.addf %get3A_182, %parallel_loop3A_1679 : vector<16xf32>
        %parallel_loop3A_1681 = vector.broadcast %parallel_loop3A_1672 : f32 to vector<16xf32>
        %parallel_loop3A_1682 = arith.mulf %get3A_172, %parallel_loop3A_1681 : vector<16xf32>
        %parallel_loop3A_1683 = arith.addf %parallel_loop3A_1680, %parallel_loop3A_1682 : vector<16xf32>
        %parallel_loop3A_1684 = vector.broadcast %parallel_loop3A_1674 : f32 to vector<16xf32>
        %parallel_loop3A_1685 = arith.mulf %get3A_176, %parallel_loop3A_1684 : vector<16xf32>
        %parallel_loop3A_1686 = arith.addf %parallel_loop3A_1683, %parallel_loop3A_1685 : vector<16xf32>
        %parallel_loop3A_1687 = vector.broadcast %parallel_loop3A_1676 : f32 to vector<16xf32>
        %parallel_loop3A_1688 = arith.mulf %get3A_180, %parallel_loop3A_1687 : vector<16xf32>
        %parallel_loop3A_1689 = arith.addf %parallel_loop3A_1686, %parallel_loop3A_1688 : vector<16xf32>
        %parallel_loop3A_1690 = vector.broadcast %parallel_loop3A_1678 : f32 to vector<16xf32>
        %parallel_loop3A_1691 = arith.addf %get3A_198, %parallel_loop3A_1690 : vector<16xf32>
        %parallel_loop3A_1692 = vector.broadcast %parallel_loop3A_1672 : f32 to vector<16xf32>
        %parallel_loop3A_1693 = arith.mulf %get3A_188, %parallel_loop3A_1692 : vector<16xf32>
        %parallel_loop3A_1694 = arith.addf %parallel_loop3A_1691, %parallel_loop3A_1693 : vector<16xf32>
        %parallel_loop3A_1695 = vector.broadcast %parallel_loop3A_1674 : f32 to vector<16xf32>
        %parallel_loop3A_1696 = arith.mulf %get3A_192, %parallel_loop3A_1695 : vector<16xf32>
        %parallel_loop3A_1697 = arith.addf %parallel_loop3A_1694, %parallel_loop3A_1696 : vector<16xf32>
        %parallel_loop3A_1698 = vector.broadcast %parallel_loop3A_1676 : f32 to vector<16xf32>
        %parallel_loop3A_1699 = arith.mulf %get3A_196, %parallel_loop3A_1698 : vector<16xf32>
        %parallel_loop3A_1700 = arith.addf %parallel_loop3A_1697, %parallel_loop3A_1699 : vector<16xf32>
        %parallel_loop3A_1701 = vector.broadcast %parallel_loop3A_1678 : f32 to vector<16xf32>
        %parallel_loop3A_1702 = arith.addf %get3A_214, %parallel_loop3A_1701 : vector<16xf32>
        %parallel_loop3A_1703 = vector.broadcast %parallel_loop3A_1672 : f32 to vector<16xf32>
        %parallel_loop3A_1704 = arith.mulf %get3A_204, %parallel_loop3A_1703 : vector<16xf32>
        %parallel_loop3A_1705 = arith.addf %parallel_loop3A_1702, %parallel_loop3A_1704 : vector<16xf32>
        %parallel_loop3A_1706 = vector.broadcast %parallel_loop3A_1674 : f32 to vector<16xf32>
        %parallel_loop3A_1707 = arith.mulf %get3A_208, %parallel_loop3A_1706 : vector<16xf32>
        %parallel_loop3A_1708 = arith.addf %parallel_loop3A_1705, %parallel_loop3A_1707 : vector<16xf32>
        %parallel_loop3A_1709 = vector.broadcast %parallel_loop3A_1676 : f32 to vector<16xf32>
        %parallel_loop3A_1710 = arith.mulf %get3A_212, %parallel_loop3A_1709 : vector<16xf32>
        %parallel_loop3A_1711 = arith.addf %parallel_loop3A_1708, %parallel_loop3A_1710 : vector<16xf32>
        %parallel_loop3A_1712 = vector.broadcast %parallel_loop3A_1678 : f32 to vector<16xf32>
        %parallel_loop3A_1713 = arith.addf %get3A_230, %parallel_loop3A_1712 : vector<16xf32>
        %parallel_loop3A_1714 = vector.broadcast %parallel_loop3A_1672 : f32 to vector<16xf32>
        %parallel_loop3A_1715 = arith.mulf %get3A_220, %parallel_loop3A_1714 : vector<16xf32>
        %parallel_loop3A_1716 = arith.addf %parallel_loop3A_1713, %parallel_loop3A_1715 : vector<16xf32>
        %parallel_loop3A_1717 = vector.broadcast %parallel_loop3A_1674 : f32 to vector<16xf32>
        %parallel_loop3A_1718 = arith.mulf %get3A_224, %parallel_loop3A_1717 : vector<16xf32>
        %parallel_loop3A_1719 = arith.addf %parallel_loop3A_1716, %parallel_loop3A_1718 : vector<16xf32>
        %parallel_loop3A_1720 = vector.broadcast %parallel_loop3A_1676 : f32 to vector<16xf32>
        %parallel_loop3A_1721 = arith.mulf %get3A_228, %parallel_loop3A_1720 : vector<16xf32>
        %parallel_loop3A_1722 = arith.addf %parallel_loop3A_1719, %parallel_loop3A_1721 : vector<16xf32>
        %parallel_loop3A_1723 = vector.broadcast %parallel_loop3A_1678 : f32 to vector<16xf32>
        %parallel_loop3A_1724 = arith.addf %get3A_246, %parallel_loop3A_1723 : vector<16xf32>
        %parallel_loop3A_1725 = vector.broadcast %parallel_loop3A_1672 : f32 to vector<16xf32>
        %parallel_loop3A_1726 = arith.mulf %get3A_236, %parallel_loop3A_1725 : vector<16xf32>
        %parallel_loop3A_1727 = arith.addf %parallel_loop3A_1724, %parallel_loop3A_1726 : vector<16xf32>
        %parallel_loop3A_1728 = vector.broadcast %parallel_loop3A_1674 : f32 to vector<16xf32>
        %parallel_loop3A_1729 = arith.mulf %get3A_240, %parallel_loop3A_1728 : vector<16xf32>
        %parallel_loop3A_1730 = arith.addf %parallel_loop3A_1727, %parallel_loop3A_1729 : vector<16xf32>
        %parallel_loop3A_1731 = vector.broadcast %parallel_loop3A_1676 : f32 to vector<16xf32>
        %parallel_loop3A_1732 = arith.mulf %get3A_244, %parallel_loop3A_1731 : vector<16xf32>
        %parallel_loop3A_1733 = arith.addf %parallel_loop3A_1730, %parallel_loop3A_1732 : vector<16xf32>
        %parallel_loop3A_1734 = vector.broadcast %parallel_loop3A_1678 : f32 to vector<16xf32>
        %parallel_loop3A_1735 = arith.addf %get3A_262, %parallel_loop3A_1734 : vector<16xf32>
        %parallel_loop3A_1736 = vector.broadcast %parallel_loop3A_1672 : f32 to vector<16xf32>
        %parallel_loop3A_1737 = arith.mulf %get3A_252, %parallel_loop3A_1736 : vector<16xf32>
        %parallel_loop3A_1738 = arith.addf %parallel_loop3A_1735, %parallel_loop3A_1737 : vector<16xf32>
        %parallel_loop3A_1739 = vector.broadcast %parallel_loop3A_1674 : f32 to vector<16xf32>
        %parallel_loop3A_1740 = arith.mulf %get3A_256, %parallel_loop3A_1739 : vector<16xf32>
        %parallel_loop3A_1741 = arith.addf %parallel_loop3A_1738, %parallel_loop3A_1740 : vector<16xf32>
        %parallel_loop3A_1742 = vector.broadcast %parallel_loop3A_1676 : f32 to vector<16xf32>
        %parallel_loop3A_1743 = arith.mulf %get3A_260, %parallel_loop3A_1742 : vector<16xf32>
        %parallel_loop3A_1744 = arith.addf %parallel_loop3A_1741, %parallel_loop3A_1743 : vector<16xf32>
        %parallel_loop3A_1745 = arith.minimumf %parallel_loop3A_1689, %parallel_loop3A_1700 : vector<16xf32>
        %parallel_loop3A_1746 = arith.minimumf %parallel_loop3A_1745, %parallel_loop3A_1711 : vector<16xf32>
        %parallel_loop3A_1747 = arith.minimumf %parallel_loop3A_1746, %parallel_loop3A_1722 : vector<16xf32>
        %parallel_loop3A_1748 = arith.minimumf %parallel_loop3A_1747, %parallel_loop3A_1733 : vector<16xf32>
        %parallel_loop3A_1749 = arith.minimumf %parallel_loop3A_1748, %parallel_loop3A_1744 : vector<16xf32>
        %parallel_loop3A_1750 = arith.constant 256 : i32
        %parallel_loop3A_1751 = arith.muli %parallel_loop3A_338, %parallel_loop3A_1750 : i32
        %parallel_loop3A_1752 = arith.constant 224 : i32
        %parallel_loop3A_1753 = arith.addi %parallel_loop3A_1751, %parallel_loop3A_1752 : i32
        %parallel_loop3A_1754 = arith.index_cast %parallel_loop3A_1753 : i32 to index
        %parallel_loop3A_1755 = tpu.vector_load %arg12[%parallel_loop3A_1754] {strides = array<i32>} : memref<65536xf32, #tpu.memory_space<vmem>>, vector<16xf32>,
        %parallel_loop3A_1756 = arith.minimumf %parallel_loop3A_1755, %parallel_loop3A_1749 : vector<16xf32>
        %parallel_loop3A_1757 = arith.index_cast %parallel_loop3A_1753 : i32 to index
        %parallel_loop3A_1758 = tpu.vector_load %arg12[%parallel_loop3A_1757] {strides = array<i32>} : memref<65536xf32, #tpu.memory_space<vmem>>, vector<16xf32>,
        tpu.vector_store %arg12[%parallel_loop3A_1757], %parallel_loop3A_1756 {strides = array<i32>} : memref<65536xf32, #tpu.memory_space<vmem>>, vector<16xf32>,
        %parallel_loop3A_1759 = arith.minimumf %parallel_loop3A_1665, %parallel_loop3A_1689 : vector<16xf32>
        %parallel_loop3A_1760 = arith.minimumf %parallel_loop3A_1666, %parallel_loop3A_1700 : vector<16xf32>
        %parallel_loop3A_1761 = arith.minimumf %parallel_loop3A_1667, %parallel_loop3A_1711 : vector<16xf32>
        %parallel_loop3A_1762 = arith.minimumf %parallel_loop3A_1668, %parallel_loop3A_1722 : vector<16xf32>
        %parallel_loop3A_1763 = arith.minimumf %parallel_loop3A_1669, %parallel_loop3A_1733 : vector<16xf32>
        %parallel_loop3A_1764 = arith.minimumf %parallel_loop3A_1670, %parallel_loop3A_1744 : vector<16xf32>
        %parallel_loop3A_1765 = vector.extract_strided_slice %parallel_loop3A_348 {offsets = [15], sizes = [1], strides = [1]} : vector<16xf32> to vector<1xf32>
        %parallel_loop3A_1766 = vector.extract %parallel_loop3A_1765[0] : f32 from vector<1xf32>
        %parallel_loop3A_1767 = vector.extract_strided_slice %parallel_loop3A_350 {offsets = [15], sizes = [1], strides = [1]} : vector<16xf32> to vector<1xf32>
        %parallel_loop3A_1768 = vector.extract %parallel_loop3A_1767[0] : f32 from vector<1xf32>
        %parallel_loop3A_1769 = vector.extract_strided_slice %parallel_loop3A_352 {offsets = [15], sizes = [1], strides = [1]} : vector<16xf32> to vector<1xf32>
        %parallel_loop3A_1770 = vector.extract %parallel_loop3A_1769[0] : f32 from vector<1xf32>
        %parallel_loop3A_1771 = vector.extract_strided_slice %parallel_loop3A_354 {offsets = [15], sizes = [1], strides = [1]} : vector<16xf32> to vector<1xf32>
        %parallel_loop3A_1772 = vector.extract %parallel_loop3A_1771[0] : f32 from vector<1xf32>
        %parallel_loop3A_1773 = vector.broadcast %parallel_loop3A_1772 : f32 to vector<16xf32>
        %parallel_loop3A_1774 = arith.addf %get3A_182, %parallel_loop3A_1773 : vector<16xf32>
        %parallel_loop3A_1775 = vector.broadcast %parallel_loop3A_1766 : f32 to vector<16xf32>
        %parallel_loop3A_1776 = arith.mulf %get3A_172, %parallel_loop3A_1775 : vector<16xf32>
        %parallel_loop3A_1777 = arith.addf %parallel_loop3A_1774, %parallel_loop3A_1776 : vector<16xf32>
        %parallel_loop3A_1778 = vector.broadcast %parallel_loop3A_1768 : f32 to vector<16xf32>
        %parallel_loop3A_1779 = arith.mulf %get3A_176, %parallel_loop3A_1778 : vector<16xf32>
        %parallel_loop3A_1780 = arith.addf %parallel_loop3A_1777, %parallel_loop3A_1779 : vector<16xf32>
        %parallel_loop3A_1781 = vector.broadcast %parallel_loop3A_1770 : f32 to vector<16xf32>
        %parallel_loop3A_1782 = arith.mulf %get3A_180, %parallel_loop3A_1781 : vector<16xf32>
        %parallel_loop3A_1783 = arith.addf %parallel_loop3A_1780, %parallel_loop3A_1782 : vector<16xf32>
        %parallel_loop3A_1784 = vector.broadcast %parallel_loop3A_1772 : f32 to vector<16xf32>
        %parallel_loop3A_1785 = arith.addf %get3A_198, %parallel_loop3A_1784 : vector<16xf32>
        %parallel_loop3A_1786 = vector.broadcast %parallel_loop3A_1766 : f32 to vector<16xf32>
        %parallel_loop3A_1787 = arith.mulf %get3A_188, %parallel_loop3A_1786 : vector<16xf32>
        %parallel_loop3A_1788 = arith.addf %parallel_loop3A_1785, %parallel_loop3A_1787 : vector<16xf32>
        %parallel_loop3A_1789 = vector.broadcast %parallel_loop3A_1768 : f32 to vector<16xf32>
        %parallel_loop3A_1790 = arith.mulf %get3A_192, %parallel_loop3A_1789 : vector<16xf32>
        %parallel_loop3A_1791 = arith.addf %parallel_loop3A_1788, %parallel_loop3A_1790 : vector<16xf32>
        %parallel_loop3A_1792 = vector.broadcast %parallel_loop3A_1770 : f32 to vector<16xf32>
        %parallel_loop3A_1793 = arith.mulf %get3A_196, %parallel_loop3A_1792 : vector<16xf32>
        %parallel_loop3A_1794 = arith.addf %parallel_loop3A_1791, %parallel_loop3A_1793 : vector<16xf32>
        %parallel_loop3A_1795 = vector.broadcast %parallel_loop3A_1772 : f32 to vector<16xf32>
        %parallel_loop3A_1796 = arith.addf %get3A_214, %parallel_loop3A_1795 : vector<16xf32>
        %parallel_loop3A_1797 = vector.broadcast %parallel_loop3A_1766 : f32 to vector<16xf32>
        %parallel_loop3A_1798 = arith.mulf %get3A_204, %parallel_loop3A_1797 : vector<16xf32>
        %parallel_loop3A_1799 = arith.addf %parallel_loop3A_1796, %parallel_loop3A_1798 : vector<16xf32>
        %parallel_loop3A_1800 = vector.broadcast %parallel_loop3A_1768 : f32 to vector<16xf32>
        %parallel_loop3A_1801 = arith.mulf %get3A_208, %parallel_loop3A_1800 : vector<16xf32>
        %parallel_loop3A_1802 = arith.addf %parallel_loop3A_1799, %parallel_loop3A_1801 : vector<16xf32>
        %parallel_loop3A_1803 = vector.broadcast %parallel_loop3A_1770 : f32 to vector<16xf32>
        %parallel_loop3A_1804 = arith.mulf %get3A_212, %parallel_loop3A_1803 : vector<16xf32>
        %parallel_loop3A_1805 = arith.addf %parallel_loop3A_1802, %parallel_loop3A_1804 : vector<16xf32>
        %parallel_loop3A_1806 = vector.broadcast %parallel_loop3A_1772 : f32 to vector<16xf32>
        %parallel_loop3A_1807 = arith.addf %get3A_230, %parallel_loop3A_1806 : vector<16xf32>
        %parallel_loop3A_1808 = vector.broadcast %parallel_loop3A_1766 : f32 to vector<16xf32>
        %parallel_loop3A_1809 = arith.mulf %get3A_220, %parallel_loop3A_1808 : vector<16xf32>
        %parallel_loop3A_1810 = arith.addf %parallel_loop3A_1807, %parallel_loop3A_1809 : vector<16xf32>
        %parallel_loop3A_1811 = vector.broadcast %parallel_loop3A_1768 : f32 to vector<16xf32>
        %parallel_loop3A_1812 = arith.mulf %get3A_224, %parallel_loop3A_1811 : vector<16xf32>
        %parallel_loop3A_1813 = arith.addf %parallel_loop3A_1810, %parallel_loop3A_1812 : vector<16xf32>
        %parallel_loop3A_1814 = vector.broadcast %parallel_loop3A_1770 : f32 to vector<16xf32>
        %parallel_loop3A_1815 = arith.mulf %get3A_228, %parallel_loop3A_1814 : vector<16xf32>
        %parallel_loop3A_1816 = arith.addf %parallel_loop3A_1813, %parallel_loop3A_1815 : vector<16xf32>
        %parallel_loop3A_1817 = vector.broadcast %parallel_loop3A_1772 : f32 to vector<16xf32>
        %parallel_loop3A_1818 = arith.addf %get3A_246, %parallel_loop3A_1817 : vector<16xf32>
        %parallel_loop3A_1819 = vector.broadcast %parallel_loop3A_1766 : f32 to vector<16xf32>
        %parallel_loop3A_1820 = arith.mulf %get3A_236, %parallel_loop3A_1819 : vector<16xf32>
        %parallel_loop3A_1821 = arith.addf %parallel_loop3A_1818, %parallel_loop3A_1820 : vector<16xf32>
        %parallel_loop3A_1822 = vector.broadcast %parallel_loop3A_1768 : f32 to vector<16xf32>
        %parallel_loop3A_1823 = arith.mulf %get3A_240, %parallel_loop3A_1822 : vector<16xf32>
        %parallel_loop3A_1824 = arith.addf %parallel_loop3A_1821, %parallel_loop3A_1823 : vector<16xf32>
        %parallel_loop3A_1825 = vector.broadcast %parallel_loop3A_1770 : f32 to vector<16xf32>
        %parallel_loop3A_1826 = arith.mulf %get3A_244, %parallel_loop3A_1825 : vector<16xf32>
        %parallel_loop3A_1827 = arith.addf %parallel_loop3A_1824, %parallel_loop3A_1826 : vector<16xf32>
        %parallel_loop3A_1828 = vector.broadcast %parallel_loop3A_1772 : f32 to vector<16xf32>
        %parallel_loop3A_1829 = arith.addf %get3A_262, %parallel_loop3A_1828 : vector<16xf32>
        %parallel_loop3A_1830 = vector.broadcast %parallel_loop3A_1766 : f32 to vector<16xf32>
        %parallel_loop3A_1831 = arith.mulf %get3A_252, %parallel_loop3A_1830 : vector<16xf32>
        %parallel_loop3A_1832 = arith.addf %parallel_loop3A_1829, %parallel_loop3A_1831 : vector<16xf32>
        %parallel_loop3A_1833 = vector.broadcast %parallel_loop3A_1768 : f32 to vector<16xf32>
        %parallel_loop3A_1834 = arith.mulf %get3A_256, %parallel_loop3A_1833 : vector<16xf32>
        %parallel_loop3A_1835 = arith.addf %parallel_loop3A_1832, %parallel_loop3A_1834 : vector<16xf32>
        %parallel_loop3A_1836 = vector.broadcast %parallel_loop3A_1770 : f32 to vector<16xf32>
        %parallel_loop3A_1837 = arith.mulf %get3A_260, %parallel_loop3A_1836 : vector<16xf32>
        %parallel_loop3A_1838 = arith.addf %parallel_loop3A_1835, %parallel_loop3A_1837 : vector<16xf32>
        %parallel_loop3A_1839 = arith.minimumf %parallel_loop3A_1783, %parallel_loop3A_1794 : vector<16xf32>
        %parallel_loop3A_1840 = arith.minimumf %parallel_loop3A_1839, %parallel_loop3A_1805 : vector<16xf32>
        %parallel_loop3A_1841 = arith.minimumf %parallel_loop3A_1840, %parallel_loop3A_1816 : vector<16xf32>
        %parallel_loop3A_1842 = arith.minimumf %parallel_loop3A_1841, %parallel_loop3A_1827 : vector<16xf32>
        %parallel_loop3A_1843 = arith.minimumf %parallel_loop3A_1842, %parallel_loop3A_1838 : vector<16xf32>
        %parallel_loop3A_1844 = arith.constant 256 : i32
        %parallel_loop3A_1845 = arith.muli %parallel_loop3A_338, %parallel_loop3A_1844 : i32
        %parallel_loop3A_1846 = arith.constant 240 : i32
        %parallel_loop3A_1847 = arith.addi %parallel_loop3A_1845, %parallel_loop3A_1846 : i32
        %parallel_loop3A_1848 = arith.index_cast %parallel_loop3A_1847 : i32 to index
        %parallel_loop3A_1849 = tpu.vector_load %arg12[%parallel_loop3A_1848] {strides = array<i32>} : memref<65536xf32, #tpu.memory_space<vmem>>, vector<16xf32>,
        %parallel_loop3A_1850 = arith.minimumf %parallel_loop3A_1849, %parallel_loop3A_1843 : vector<16xf32>
        %parallel_loop3A_1851 = arith.index_cast %parallel_loop3A_1847 : i32 to index
        %parallel_loop3A_1852 = tpu.vector_load %arg12[%parallel_loop3A_1851] {strides = array<i32>} : memref<65536xf32, #tpu.memory_space<vmem>>, vector<16xf32>,
        tpu.vector_store %arg12[%parallel_loop3A_1851], %parallel_loop3A_1850 {strides = array<i32>} : memref<65536xf32, #tpu.memory_space<vmem>>, vector<16xf32>,
        %parallel_loop3A_1853 = arith.minimumf %parallel_loop3A_1759, %parallel_loop3A_1783 : vector<16xf32>
        %parallel_loop3A_1854 = arith.minimumf %parallel_loop3A_1760, %parallel_loop3A_1794 : vector<16xf32>
        %parallel_loop3A_1855 = arith.minimumf %parallel_loop3A_1761, %parallel_loop3A_1805 : vector<16xf32>
        %parallel_loop3A_1856 = arith.minimumf %parallel_loop3A_1762, %parallel_loop3A_1816 : vector<16xf32>
        %parallel_loop3A_1857 = arith.minimumf %parallel_loop3A_1763, %parallel_loop3A_1827 : vector<16xf32>
        %parallel_loop3A_1858 = arith.minimumf %parallel_loop3A_1764, %parallel_loop3A_1838 : vector<16xf32>
        scf.yield %parallel_loop3A_1853, %parallel_loop3A_1854, %parallel_loop3A_1855, %parallel_loop3A_1856, %parallel_loop3A_1857, %parallel_loop3A_1858 : vector<16xf32>, vector<16xf32>, vector<16xf32>, vector<16xf32>, vector<16xf32>, vector<16xf32>
      } {sc.loop_unroll_factor = 4 : i64, sc.parallel_access}
      %add3A_267 = arith.constant 0 : i32
      %add3A_268 = arith.addi %mul3A_167, %add3A_267 : i32
      %get3A_269 = arith.constant 3 : i32
      %get3A_270 = arith.index_cast %get3A_269 : i32 to index
      %get3A_271 = arith.index_cast %add3A_268 : i32 to index
      %get3A_272 = tpu.vector_load %arg5[%get3A_270, %get3A_271] {strides = array<i32>} : memref<4x864xf32, #tpu.memory_space<vmem>>, vector<16xf32>,
      %max3A = arith.constant 0.000000e+00 : f32
      %max3A_273 = vector.broadcast %max3A : f32 to vector<16xf32>
      %max3A_274 = arith.maximumf %parallel_loop3A_266#0, %max3A_273 : vector<16xf32>
      %mul3A_275 = arith.mulf %get3A_272, %max3A_274 : vector<16xf32>
      %add3A_276 = arith.addf %scan3A_164, %mul3A_275 : vector<16xf32>
      %add3A_277 = arith.addf %scan3A_165, %get3A_272 : vector<16xf32>
      %add3A_278 = arith.constant 16 : i32
      %add3A_279 = arith.addi %mul3A_167, %add3A_278 : i32
      %get3A_280 = arith.constant 3 : i32
      %get3A_281 = arith.index_cast %get3A_280 : i32 to index
      %get3A_282 = arith.index_cast %add3A_279 : i32 to index
      %get3A_283 = tpu.vector_load %arg5[%get3A_281, %get3A_282] {strides = array<i32>} : memref<4x864xf32, #tpu.memory_space<vmem>>, vector<16xf32>,
      %max3A_284 = arith.constant 0.000000e+00 : f32
      %max3A_285 = vector.broadcast %max3A_284 : f32 to vector<16xf32>
      %max3A_286 = arith.maximumf %parallel_loop3A_266#1, %max3A_285 : vector<16xf32>
      %mul3A_287 = arith.mulf %get3A_283, %max3A_286 : vector<16xf32>
      %add3A_288 = arith.addf %add3A_276, %mul3A_287 : vector<16xf32>
      %add3A_289 = arith.addf %add3A_277, %get3A_283 : vector<16xf32>
      %add3A_290 = arith.constant 32 : i32
      %add3A_291 = arith.addi %mul3A_167, %add3A_290 : i32
      %get3A_292 = arith.constant 3 : i32
      %get3A_293 = arith.index_cast %get3A_292 : i32 to index
      %get3A_294 = arith.index_cast %add3A_291 : i32 to index
      %get3A_295 = tpu.vector_load %arg5[%get3A_293, %get3A_294] {strides = array<i32>} : memref<4x864xf32, #tpu.memory_space<vmem>>, vector<16xf32>,
      %max3A_296 = arith.constant 0.000000e+00 : f32
      %max3A_297 = vector.broadcast %max3A_296 : f32 to vector<16xf32>
      %max3A_298 = arith.maximumf %parallel_loop3A_266#2, %max3A_297 : vector<16xf32>
      %mul3A_299 = arith.mulf %get3A_295, %max3A_298 : vector<16xf32>
      %add3A_300 = arith.addf %add3A_288, %mul3A_299 : vector<16xf32>
      %add3A_301 = arith.addf %add3A_289, %get3A_295 : vector<16xf32>
      %add3A_302 = arith.constant 48 : i32
      %add3A_303 = arith.addi %mul3A_167, %add3A_302 : i32
      %get3A_304 = arith.constant 3 : i32
      %get3A_305 = arith.index_cast %get3A_304 : i32 to index
      %get3A_306 = arith.index_cast %add3A_303 : i32 to index
      %get3A_307 = tpu.vector_load %arg5[%get3A_305, %get3A_306] {strides = array<i32>} : memref<4x864xf32, #tpu.memory_space<vmem>>, vector<16xf32>,
      %max3A_308 = arith.constant 0.000000e+00 : f32
      %max3A_309 = vector.broadcast %max3A_308 : f32 to vector<16xf32>
      %max3A_310 = arith.maximumf %parallel_loop3A_266#3, %max3A_309 : vector<16xf32>
      %mul3A_311 = arith.mulf %get3A_307, %max3A_310 : vector<16xf32>
      %add3A_312 = arith.addf %add3A_300, %mul3A_311 : vector<16xf32>
      %add3A_313 = arith.addf %add3A_301, %get3A_307 : vector<16xf32>
      %add3A_314 = arith.constant 64 : i32
      %add3A_315 = arith.addi %mul3A_167, %add3A_314 : i32
      %get3A_316 = arith.constant 3 : i32
      %get3A_317 = arith.index_cast %get3A_316 : i32 to index
      %get3A_318 = arith.index_cast %add3A_315 : i32 to index
      %get3A_319 = tpu.vector_load %arg5[%get3A_317, %get3A_318] {strides = array<i32>} : memref<4x864xf32, #tpu.memory_space<vmem>>, vector<16xf32>,
      %max3A_320 = arith.constant 0.000000e+00 : f32
      %max3A_321 = vector.broadcast %max3A_320 : f32 to vector<16xf32>
      %max3A_322 = arith.maximumf %parallel_loop3A_266#4, %max3A_321 : vector<16xf32>
      %mul3A_323 = arith.mulf %get3A_319, %max3A_322 : vector<16xf32>
      %add3A_324 = arith.addf %add3A_312, %mul3A_323 : vector<16xf32>
      %add3A_325 = arith.addf %add3A_313, %get3A_319 : vector<16xf32>
      %add3A_326 = arith.constant 80 : i32
      %add3A_327 = arith.addi %mul3A_167, %add3A_326 : i32
      %get3A_328 = arith.constant 3 : i32
      %get3A_329 = arith.index_cast %get3A_328 : i32 to index
      %get3A_330 = arith.index_cast %add3A_327 : i32 to index
      %get3A_331 = tpu.vector_load %arg5[%get3A_329, %get3A_330] {strides = array<i32>} : memref<4x864xf32, #tpu.memory_space<vmem>>, vector<16xf32>,
      %max3A_332 = arith.constant 0.000000e+00 : f32
      %max3A_333 = vector.broadcast %max3A_332 : f32 to vector<16xf32>
      %max3A_334 = arith.maximumf %parallel_loop3A_266#5, %max3A_333 : vector<16xf32>
      %mul3A_335 = arith.mulf %get3A_331, %max3A_334 : vector<16xf32>
      %add3A_336 = arith.addf %add3A_324, %mul3A_335 : vector<16xf32>
      %add3A_337 = arith.addf %add3A_325, %get3A_331 : vector<16xf32>
      scf.yield %add3A_336, %add3A_337 : vector<16xf32>, vector<16xf32>
    }
    %scan3A_65 = arith.constant 9 : i32
    %iota3A = tpu.iota {dimensions = array<i32: 0>} : vector<16xi32>
    %parallel_loop3A = arith.constant 0 : i32
    %parallel_loop3A_66 = arith.constant 256 : i32
    %parallel_loop3A_67 = arith.constant 1 : i32
    scf.for %parallel_loop3A_163 = %parallel_loop3A to %parallel_loop3A_66 step %parallel_loop3A_67  : i32 {
      %parallel_loop3A_164 = arith.constant 16 : i32
      %parallel_loop3A_165 = arith.muli %parallel_loop3A_163, %parallel_loop3A_164 : i32
      %parallel_loop3A_166 = arith.constant 0 : i32
      %parallel_loop3A_167 = arith.addi %parallel_loop3A_165, %parallel_loop3A_166 : i32
      %parallel_loop3A_168 = arith.constant 16 : i32
      %parallel_loop3A_169 = arith.muli %parallel_loop3A_167, %parallel_loop3A_168 : i32
      %parallel_loop3A_170 = arith.index_cast %parallel_loop3A_169 : i32 to index
      %parallel_loop3A_171 = tpu.vector_load %arg12[%parallel_loop3A_170] {strides = array<i32>} : memref<65536xf32, #tpu.memory_space<vmem>>, vector<16xf32>,
      %parallel_loop3A_172 = arith.constant 0 : i32
      %parallel_loop3A_173 = vector.broadcast %parallel_loop3A_172 : i32 to vector<16xi32>
      %parallel_loop3A_174 = arith.cmpi eq, %iota3A, %parallel_loop3A_173 : vector<16xi32>
      %parallel_loop3A_175 = arith.constant true
      %parallel_loop3A_176 = vector.broadcast %parallel_loop3A_175 : i1 to vector<16xi1>
      %parallel_loop3A_177 = tpu.scan <min>, %parallel_loop3A_171 masked %parallel_loop3A_176 : vector<16xf32>, vector<16xi1> -> vector<16xf32>
      %parallel_loop3A_178 = vector.extract %parallel_loop3A_177[15] : f32 from vector<16xf32>
      %parallel_loop3A_179 = vector.broadcast %parallel_loop3A_178 : f32 to vector<16xf32>
      %parallel_loop3A_180 = arith.select %parallel_loop3A_174, %parallel_loop3A_179, %broadcast_in_dim3A_59 : vector<16xi1>, vector<16xf32>
      %parallel_loop3A_181 = arith.constant 16 : i32
      %parallel_loop3A_182 = arith.muli %parallel_loop3A_163, %parallel_loop3A_181 : i32
      %parallel_loop3A_183 = arith.constant 1 : i32
      %parallel_loop3A_184 = arith.addi %parallel_loop3A_182, %parallel_loop3A_183 : i32
      %parallel_loop3A_185 = arith.constant 16 : i32
      %parallel_loop3A_186 = arith.muli %parallel_loop3A_184, %parallel_loop3A_185 : i32
      %parallel_loop3A_187 = arith.index_cast %parallel_loop3A_186 : i32 to index
      %parallel_loop3A_188 = tpu.vector_load %arg12[%parallel_loop3A_187] {strides = array<i32>} : memref<65536xf32, #tpu.memory_space<vmem>>, vector<16xf32>,
      %parallel_loop3A_189 = arith.constant 1 : i32
      %parallel_loop3A_190 = vector.broadcast %parallel_loop3A_189 : i32 to vector<16xi32>
      %parallel_loop3A_191 = arith.cmpi eq, %iota3A, %parallel_loop3A_190 : vector<16xi32>
      %parallel_loop3A_192 = arith.constant true
      %parallel_loop3A_193 = vector.broadcast %parallel_loop3A_192 : i1 to vector<16xi1>
      %parallel_loop3A_194 = tpu.scan <min>, %parallel_loop3A_188 masked %parallel_loop3A_193 : vector<16xf32>, vector<16xi1> -> vector<16xf32>
      %parallel_loop3A_195 = vector.extract %parallel_loop3A_194[15] : f32 from vector<16xf32>
      %parallel_loop3A_196 = vector.broadcast %parallel_loop3A_195 : f32 to vector<16xf32>
      %parallel_loop3A_197 = arith.select %parallel_loop3A_191, %parallel_loop3A_196, %parallel_loop3A_180 : vector<16xi1>, vector<16xf32>
      %parallel_loop3A_198 = arith.constant 16 : i32
      %parallel_loop3A_199 = arith.muli %parallel_loop3A_163, %parallel_loop3A_198 : i32
      %parallel_loop3A_200 = arith.constant 2 : i32
      %parallel_loop3A_201 = arith.addi %parallel_loop3A_199, %parallel_loop3A_200 : i32
      %parallel_loop3A_202 = arith.constant 16 : i32
      %parallel_loop3A_203 = arith.muli %parallel_loop3A_201, %parallel_loop3A_202 : i32
      %parallel_loop3A_204 = arith.index_cast %parallel_loop3A_203 : i32 to index
      %parallel_loop3A_205 = tpu.vector_load %arg12[%parallel_loop3A_204] {strides = array<i32>} : memref<65536xf32, #tpu.memory_space<vmem>>, vector<16xf32>,
      %parallel_loop3A_206 = arith.constant 2 : i32
      %parallel_loop3A_207 = vector.broadcast %parallel_loop3A_206 : i32 to vector<16xi32>
      %parallel_loop3A_208 = arith.cmpi eq, %iota3A, %parallel_loop3A_207 : vector<16xi32>
      %parallel_loop3A_209 = arith.constant true
      %parallel_loop3A_210 = vector.broadcast %parallel_loop3A_209 : i1 to vector<16xi1>
      %parallel_loop3A_211 = tpu.scan <min>, %parallel_loop3A_205 masked %parallel_loop3A_210 : vector<16xf32>, vector<16xi1> -> vector<16xf32>
      %parallel_loop3A_212 = vector.extract %parallel_loop3A_211[15] : f32 from vector<16xf32>
      %parallel_loop3A_213 = vector.broadcast %parallel_loop3A_212 : f32 to vector<16xf32>
      %parallel_loop3A_214 = arith.select %parallel_loop3A_208, %parallel_loop3A_213, %parallel_loop3A_197 : vector<16xi1>, vector<16xf32>
      %parallel_loop3A_215 = arith.constant 16 : i32
      %parallel_loop3A_216 = arith.muli %parallel_loop3A_163, %parallel_loop3A_215 : i32
      %parallel_loop3A_217 = arith.constant 3 : i32
      %parallel_loop3A_218 = arith.addi %parallel_loop3A_216, %parallel_loop3A_217 : i32
      %parallel_loop3A_219 = arith.constant 16 : i32
      %parallel_loop3A_220 = arith.muli %parallel_loop3A_218, %parallel_loop3A_219 : i32
      %parallel_loop3A_221 = arith.index_cast %parallel_loop3A_220 : i32 to index
      %parallel_loop3A_222 = tpu.vector_load %arg12[%parallel_loop3A_221] {strides = array<i32>} : memref<65536xf32, #tpu.memory_space<vmem>>, vector<16xf32>,
      %parallel_loop3A_223 = arith.constant 3 : i32
      %parallel_loop3A_224 = vector.broadcast %parallel_loop3A_223 : i32 to vector<16xi32>
      %parallel_loop3A_225 = arith.cmpi eq, %iota3A, %parallel_loop3A_224 : vector<16xi32>
      %parallel_loop3A_226 = arith.constant true
      %parallel_loop3A_227 = vector.broadcast %parallel_loop3A_226 : i1 to vector<16xi1>
      %parallel_loop3A_228 = tpu.scan <min>, %parallel_loop3A_222 masked %parallel_loop3A_227 : vector<16xf32>, vector<16xi1> -> vector<16xf32>
      %parallel_loop3A_229 = vector.extract %parallel_loop3A_228[15] : f32 from vector<16xf32>
      %parallel_loop3A_230 = vector.broadcast %parallel_loop3A_229 : f32 to vector<16xf32>
      %parallel_loop3A_231 = arith.select %parallel_loop3A_225, %parallel_loop3A_230, %parallel_loop3A_214 : vector<16xi1>, vector<16xf32>
      %parallel_loop3A_232 = arith.constant 16 : i32
      %parallel_loop3A_233 = arith.muli %parallel_loop3A_163, %parallel_loop3A_232 : i32
      %parallel_loop3A_234 = arith.constant 4 : i32
      %parallel_loop3A_235 = arith.addi %parallel_loop3A_233, %parallel_loop3A_234 : i32
      %parallel_loop3A_236 = arith.constant 16 : i32
      %parallel_loop3A_237 = arith.muli %parallel_loop3A_235, %parallel_loop3A_236 : i32
      %parallel_loop3A_238 = arith.index_cast %parallel_loop3A_237 : i32 to index
      %parallel_loop3A_239 = tpu.vector_load %arg12[%parallel_loop3A_238] {strides = array<i32>} : memref<65536xf32, #tpu.memory_space<vmem>>, vector<16xf32>,
      %parallel_loop3A_240 = arith.constant 4 : i32
      %parallel_loop3A_241 = vector.broadcast %parallel_loop3A_240 : i32 to vector<16xi32>
      %parallel_loop3A_242 = arith.cmpi eq, %iota3A, %parallel_loop3A_241 : vector<16xi32>
      %parallel_loop3A_243 = arith.constant true
      %parallel_loop3A_244 = vector.broadcast %parallel_loop3A_243 : i1 to vector<16xi1>
      %parallel_loop3A_245 = tpu.scan <min>, %parallel_loop3A_239 masked %parallel_loop3A_244 : vector<16xf32>, vector<16xi1> -> vector<16xf32>
      %parallel_loop3A_246 = vector.extract %parallel_loop3A_245[15] : f32 from vector<16xf32>
      %parallel_loop3A_247 = vector.broadcast %parallel_loop3A_246 : f32 to vector<16xf32>
      %parallel_loop3A_248 = arith.select %parallel_loop3A_242, %parallel_loop3A_247, %parallel_loop3A_231 : vector<16xi1>, vector<16xf32>
      %parallel_loop3A_249 = arith.constant 16 : i32
      %parallel_loop3A_250 = arith.muli %parallel_loop3A_163, %parallel_loop3A_249 : i32
      %parallel_loop3A_251 = arith.constant 5 : i32
      %parallel_loop3A_252 = arith.addi %parallel_loop3A_250, %parallel_loop3A_251 : i32
      %parallel_loop3A_253 = arith.constant 16 : i32
      %parallel_loop3A_254 = arith.muli %parallel_loop3A_252, %parallel_loop3A_253 : i32
      %parallel_loop3A_255 = arith.index_cast %parallel_loop3A_254 : i32 to index
      %parallel_loop3A_256 = tpu.vector_load %arg12[%parallel_loop3A_255] {strides = array<i32>} : memref<65536xf32, #tpu.memory_space<vmem>>, vector<16xf32>,
      %parallel_loop3A_257 = arith.constant 5 : i32
      %parallel_loop3A_258 = vector.broadcast %parallel_loop3A_257 : i32 to vector<16xi32>
      %parallel_loop3A_259 = arith.cmpi eq, %iota3A, %parallel_loop3A_258 : vector<16xi32>
      %parallel_loop3A_260 = arith.constant true
      %parallel_loop3A_261 = vector.broadcast %parallel_loop3A_260 : i1 to vector<16xi1>
      %parallel_loop3A_262 = tpu.scan <min>, %parallel_loop3A_256 masked %parallel_loop3A_261 : vector<16xf32>, vector<16xi1> -> vector<16xf32>
      %parallel_loop3A_263 = vector.extract %parallel_loop3A_262[15] : f32 from vector<16xf32>
      %parallel_loop3A_264 = vector.broadcast %parallel_loop3A_263 : f32 to vector<16xf32>
      %parallel_loop3A_265 = arith.select %parallel_loop3A_259, %parallel_loop3A_264, %parallel_loop3A_248 : vector<16xi1>, vector<16xf32>
      %parallel_loop3A_266 = arith.constant 16 : i32
      %parallel_loop3A_267 = arith.muli %parallel_loop3A_163, %parallel_loop3A_266 : i32
      %parallel_loop3A_268 = arith.constant 6 : i32
      %parallel_loop3A_269 = arith.addi %parallel_loop3A_267, %parallel_loop3A_268 : i32
      %parallel_loop3A_270 = arith.constant 16 : i32
      %parallel_loop3A_271 = arith.muli %parallel_loop3A_269, %parallel_loop3A_270 : i32
      %parallel_loop3A_272 = arith.index_cast %parallel_loop3A_271 : i32 to index
      %parallel_loop3A_273 = tpu.vector_load %arg12[%parallel_loop3A_272] {strides = array<i32>} : memref<65536xf32, #tpu.memory_space<vmem>>, vector<16xf32>,
      %parallel_loop3A_274 = arith.constant 6 : i32
      %parallel_loop3A_275 = vector.broadcast %parallel_loop3A_274 : i32 to vector<16xi32>
      %parallel_loop3A_276 = arith.cmpi eq, %iota3A, %parallel_loop3A_275 : vector<16xi32>
      %parallel_loop3A_277 = arith.constant true
      %parallel_loop3A_278 = vector.broadcast %parallel_loop3A_277 : i1 to vector<16xi1>
      %parallel_loop3A_279 = tpu.scan <min>, %parallel_loop3A_273 masked %parallel_loop3A_278 : vector<16xf32>, vector<16xi1> -> vector<16xf32>
      %parallel_loop3A_280 = vector.extract %parallel_loop3A_279[15] : f32 from vector<16xf32>
      %parallel_loop3A_281 = vector.broadcast %parallel_loop3A_280 : f32 to vector<16xf32>
      %parallel_loop3A_282 = arith.select %parallel_loop3A_276, %parallel_loop3A_281, %parallel_loop3A_265 : vector<16xi1>, vector<16xf32>
      %parallel_loop3A_283 = arith.constant 16 : i32
      %parallel_loop3A_284 = arith.muli %parallel_loop3A_163, %parallel_loop3A_283 : i32
      %parallel_loop3A_285 = arith.constant 7 : i32
      %parallel_loop3A_286 = arith.addi %parallel_loop3A_284, %parallel_loop3A_285 : i32
      %parallel_loop3A_287 = arith.constant 16 : i32
      %parallel_loop3A_288 = arith.muli %parallel_loop3A_286, %parallel_loop3A_287 : i32
      %parallel_loop3A_289 = arith.index_cast %parallel_loop3A_288 : i32 to index
      %parallel_loop3A_290 = tpu.vector_load %arg12[%parallel_loop3A_289] {strides = array<i32>} : memref<65536xf32, #tpu.memory_space<vmem>>, vector<16xf32>,
      %parallel_loop3A_291 = arith.constant 7 : i32
      %parallel_loop3A_292 = vector.broadcast %parallel_loop3A_291 : i32 to vector<16xi32>
      %parallel_loop3A_293 = arith.cmpi eq, %iota3A, %parallel_loop3A_292 : vector<16xi32>
      %parallel_loop3A_294 = arith.constant true
      %parallel_loop3A_295 = vector.broadcast %parallel_loop3A_294 : i1 to vector<16xi1>
      %parallel_loop3A_296 = tpu.scan <min>, %parallel_loop3A_290 masked %parallel_loop3A_295 : vector<16xf32>, vector<16xi1> -> vector<16xf32>
      %parallel_loop3A_297 = vector.extract %parallel_loop3A_296[15] : f32 from vector<16xf32>
      %parallel_loop3A_298 = vector.broadcast %parallel_loop3A_297 : f32 to vector<16xf32>
      %parallel_loop3A_299 = arith.select %parallel_loop3A_293, %parallel_loop3A_298, %parallel_loop3A_282 : vector<16xi1>, vector<16xf32>
      %parallel_loop3A_300 = arith.constant 16 : i32
      %parallel_loop3A_301 = arith.muli %parallel_loop3A_163, %parallel_loop3A_300 : i32
      %parallel_loop3A_302 = arith.constant 8 : i32
      %parallel_loop3A_303 = arith.addi %parallel_loop3A_301, %parallel_loop3A_302 : i32
      %parallel_loop3A_304 = arith.constant 16 : i32
      %parallel_loop3A_305 = arith.muli %parallel_loop3A_303, %parallel_loop3A_304 : i32
      %parallel_loop3A_306 = arith.index_cast %parallel_loop3A_305 : i32 to index
      %parallel_loop3A_307 = tpu.vector_load %arg12[%parallel_loop3A_306] {strides = array<i32>} : memref<65536xf32, #tpu.memory_space<vmem>>, vector<16xf32>,
      %parallel_loop3A_308 = arith.constant 8 : i32
      %parallel_loop3A_309 = vector.broadcast %parallel_loop3A_308 : i32 to vector<16xi32>
      %parallel_loop3A_310 = arith.cmpi eq, %iota3A, %parallel_loop3A_309 : vector<16xi32>
      %parallel_loop3A_311 = arith.constant true
      %parallel_loop3A_312 = vector.broadcast %parallel_loop3A_311 : i1 to vector<16xi1>
      %parallel_loop3A_313 = tpu.scan <min>, %parallel_loop3A_307 masked %parallel_loop3A_312 : vector<16xf32>, vector<16xi1> -> vector<16xf32>
      %parallel_loop3A_314 = vector.extract %parallel_loop3A_313[15] : f32 from vector<16xf32>
      %parallel_loop3A_315 = vector.broadcast %parallel_loop3A_314 : f32 to vector<16xf32>
      %parallel_loop3A_316 = arith.select %parallel_loop3A_310, %parallel_loop3A_315, %parallel_loop3A_299 : vector<16xi1>, vector<16xf32>
      %parallel_loop3A_317 = arith.constant 16 : i32
      %parallel_loop3A_318 = arith.muli %parallel_loop3A_163, %parallel_loop3A_317 : i32
      %parallel_loop3A_319 = arith.constant 9 : i32
      %parallel_loop3A_320 = arith.addi %parallel_loop3A_318, %parallel_loop3A_319 : i32
      %parallel_loop3A_321 = arith.constant 16 : i32
      %parallel_loop3A_322 = arith.muli %parallel_loop3A_320, %parallel_loop3A_321 : i32
      %parallel_loop3A_323 = arith.index_cast %parallel_loop3A_322 : i32 to index
      %parallel_loop3A_324 = tpu.vector_load %arg12[%parallel_loop3A_323] {strides = array<i32>} : memref<65536xf32, #tpu.memory_space<vmem>>, vector<16xf32>,
      %parallel_loop3A_325 = arith.constant 9 : i32
      %parallel_loop3A_326 = vector.broadcast %parallel_loop3A_325 : i32 to vector<16xi32>
      %parallel_loop3A_327 = arith.cmpi eq, %iota3A, %parallel_loop3A_326 : vector<16xi32>
      %parallel_loop3A_328 = arith.constant true
      %parallel_loop3A_329 = vector.broadcast %parallel_loop3A_328 : i1 to vector<16xi1>
      %parallel_loop3A_330 = tpu.scan <min>, %parallel_loop3A_324 masked %parallel_loop3A_329 : vector<16xf32>, vector<16xi1> -> vector<16xf32>
      %parallel_loop3A_331 = vector.extract %parallel_loop3A_330[15] : f32 from vector<16xf32>
      %parallel_loop3A_332 = vector.broadcast %parallel_loop3A_331 : f32 to vector<16xf32>
      %parallel_loop3A_333 = arith.select %parallel_loop3A_327, %parallel_loop3A_332, %parallel_loop3A_316 : vector<16xi1>, vector<16xf32>
      %parallel_loop3A_334 = arith.constant 16 : i32
      %parallel_loop3A_335 = arith.muli %parallel_loop3A_163, %parallel_loop3A_334 : i32
      %parallel_loop3A_336 = arith.constant 10 : i32
      %parallel_loop3A_337 = arith.addi %parallel_loop3A_335, %parallel_loop3A_336 : i32
      %parallel_loop3A_338 = arith.constant 16 : i32
      %parallel_loop3A_339 = arith.muli %parallel_loop3A_337, %parallel_loop3A_338 : i32
      %parallel_loop3A_340 = arith.index_cast %parallel_loop3A_339 : i32 to index
      %parallel_loop3A_341 = tpu.vector_load %arg12[%parallel_loop3A_340] {strides = array<i32>} : memref<65536xf32, #tpu.memory_space<vmem>>, vector<16xf32>,
      %parallel_loop3A_342 = arith.constant 10 : i32
      %parallel_loop3A_343 = vector.broadcast %parallel_loop3A_342 : i32 to vector<16xi32>
      %parallel_loop3A_344 = arith.cmpi eq, %iota3A, %parallel_loop3A_343 : vector<16xi32>
      %parallel_loop3A_345 = arith.constant true
      %parallel_loop3A_346 = vector.broadcast %parallel_loop3A_345 : i1 to vector<16xi1>
      %parallel_loop3A_347 = tpu.scan <min>, %parallel_loop3A_341 masked %parallel_loop3A_346 : vector<16xf32>, vector<16xi1> -> vector<16xf32>
      %parallel_loop3A_348 = vector.extract %parallel_loop3A_347[15] : f32 from vector<16xf32>
      %parallel_loop3A_349 = vector.broadcast %parallel_loop3A_348 : f32 to vector<16xf32>
      %parallel_loop3A_350 = arith.select %parallel_loop3A_344, %parallel_loop3A_349, %parallel_loop3A_333 : vector<16xi1>, vector<16xf32>
      %parallel_loop3A_351 = arith.constant 16 : i32
      %parallel_loop3A_352 = arith.muli %parallel_loop3A_163, %parallel_loop3A_351 : i32
      %parallel_loop3A_353 = arith.constant 11 : i32
      %parallel_loop3A_354 = arith.addi %parallel_loop3A_352, %parallel_loop3A_353 : i32
      %parallel_loop3A_355 = arith.constant 16 : i32
      %parallel_loop3A_356 = arith.muli %parallel_loop3A_354, %parallel_loop3A_355 : i32
      %parallel_loop3A_357 = arith.index_cast %parallel_loop3A_356 : i32 to index
      %parallel_loop3A_358 = tpu.vector_load %arg12[%parallel_loop3A_357] {strides = array<i32>} : memref<65536xf32, #tpu.memory_space<vmem>>, vector<16xf32>,
      %parallel_loop3A_359 = arith.constant 11 : i32
      %parallel_loop3A_360 = vector.broadcast %parallel_loop3A_359 : i32 to vector<16xi32>
      %parallel_loop3A_361 = arith.cmpi eq, %iota3A, %parallel_loop3A_360 : vector<16xi32>
      %parallel_loop3A_362 = arith.constant true
      %parallel_loop3A_363 = vector.broadcast %parallel_loop3A_362 : i1 to vector<16xi1>
      %parallel_loop3A_364 = tpu.scan <min>, %parallel_loop3A_358 masked %parallel_loop3A_363 : vector<16xf32>, vector<16xi1> -> vector<16xf32>
      %parallel_loop3A_365 = vector.extract %parallel_loop3A_364[15] : f32 from vector<16xf32>
      %parallel_loop3A_366 = vector.broadcast %parallel_loop3A_365 : f32 to vector<16xf32>
      %parallel_loop3A_367 = arith.select %parallel_loop3A_361, %parallel_loop3A_366, %parallel_loop3A_350 : vector<16xi1>, vector<16xf32>
      %parallel_loop3A_368 = arith.constant 16 : i32
      %parallel_loop3A_369 = arith.muli %parallel_loop3A_163, %parallel_loop3A_368 : i32
      %parallel_loop3A_370 = arith.constant 12 : i32
      %parallel_loop3A_371 = arith.addi %parallel_loop3A_369, %parallel_loop3A_370 : i32
      %parallel_loop3A_372 = arith.constant 16 : i32
      %parallel_loop3A_373 = arith.muli %parallel_loop3A_371, %parallel_loop3A_372 : i32
      %parallel_loop3A_374 = arith.index_cast %parallel_loop3A_373 : i32 to index
      %parallel_loop3A_375 = tpu.vector_load %arg12[%parallel_loop3A_374] {strides = array<i32>} : memref<65536xf32, #tpu.memory_space<vmem>>, vector<16xf32>,
      %parallel_loop3A_376 = arith.constant 12 : i32
      %parallel_loop3A_377 = vector.broadcast %parallel_loop3A_376 : i32 to vector<16xi32>
      %parallel_loop3A_378 = arith.cmpi eq, %iota3A, %parallel_loop3A_377 : vector<16xi32>
      %parallel_loop3A_379 = arith.constant true
      %parallel_loop3A_380 = vector.broadcast %parallel_loop3A_379 : i1 to vector<16xi1>
      %parallel_loop3A_381 = tpu.scan <min>, %parallel_loop3A_375 masked %parallel_loop3A_380 : vector<16xf32>, vector<16xi1> -> vector<16xf32>
      %parallel_loop3A_382 = vector.extract %parallel_loop3A_381[15] : f32 from vector<16xf32>
      %parallel_loop3A_383 = vector.broadcast %parallel_loop3A_382 : f32 to vector<16xf32>
      %parallel_loop3A_384 = arith.select %parallel_loop3A_378, %parallel_loop3A_383, %parallel_loop3A_367 : vector<16xi1>, vector<16xf32>
      %parallel_loop3A_385 = arith.constant 16 : i32
      %parallel_loop3A_386 = arith.muli %parallel_loop3A_163, %parallel_loop3A_385 : i32
      %parallel_loop3A_387 = arith.constant 13 : i32
      %parallel_loop3A_388 = arith.addi %parallel_loop3A_386, %parallel_loop3A_387 : i32
      %parallel_loop3A_389 = arith.constant 16 : i32
      %parallel_loop3A_390 = arith.muli %parallel_loop3A_388, %parallel_loop3A_389 : i32
      %parallel_loop3A_391 = arith.index_cast %parallel_loop3A_390 : i32 to index
      %parallel_loop3A_392 = tpu.vector_load %arg12[%parallel_loop3A_391] {strides = array<i32>} : memref<65536xf32, #tpu.memory_space<vmem>>, vector<16xf32>,
      %parallel_loop3A_393 = arith.constant 13 : i32
      %parallel_loop3A_394 = vector.broadcast %parallel_loop3A_393 : i32 to vector<16xi32>
      %parallel_loop3A_395 = arith.cmpi eq, %iota3A, %parallel_loop3A_394 : vector<16xi32>
      %parallel_loop3A_396 = arith.constant true
      %parallel_loop3A_397 = vector.broadcast %parallel_loop3A_396 : i1 to vector<16xi1>
      %parallel_loop3A_398 = tpu.scan <min>, %parallel_loop3A_392 masked %parallel_loop3A_397 : vector<16xf32>, vector<16xi1> -> vector<16xf32>
      %parallel_loop3A_399 = vector.extract %parallel_loop3A_398[15] : f32 from vector<16xf32>
      %parallel_loop3A_400 = vector.broadcast %parallel_loop3A_399 : f32 to vector<16xf32>
      %parallel_loop3A_401 = arith.select %parallel_loop3A_395, %parallel_loop3A_400, %parallel_loop3A_384 : vector<16xi1>, vector<16xf32>
      %parallel_loop3A_402 = arith.constant 16 : i32
      %parallel_loop3A_403 = arith.muli %parallel_loop3A_163, %parallel_loop3A_402 : i32
      %parallel_loop3A_404 = arith.constant 14 : i32
      %parallel_loop3A_405 = arith.addi %parallel_loop3A_403, %parallel_loop3A_404 : i32
      %parallel_loop3A_406 = arith.constant 16 : i32
      %parallel_loop3A_407 = arith.muli %parallel_loop3A_405, %parallel_loop3A_406 : i32
      %parallel_loop3A_408 = arith.index_cast %parallel_loop3A_407 : i32 to index
      %parallel_loop3A_409 = tpu.vector_load %arg12[%parallel_loop3A_408] {strides = array<i32>} : memref<65536xf32, #tpu.memory_space<vmem>>, vector<16xf32>,
      %parallel_loop3A_410 = arith.constant 14 : i32
      %parallel_loop3A_411 = vector.broadcast %parallel_loop3A_410 : i32 to vector<16xi32>
      %parallel_loop3A_412 = arith.cmpi eq, %iota3A, %parallel_loop3A_411 : vector<16xi32>
      %parallel_loop3A_413 = arith.constant true
      %parallel_loop3A_414 = vector.broadcast %parallel_loop3A_413 : i1 to vector<16xi1>
      %parallel_loop3A_415 = tpu.scan <min>, %parallel_loop3A_409 masked %parallel_loop3A_414 : vector<16xf32>, vector<16xi1> -> vector<16xf32>
      %parallel_loop3A_416 = vector.extract %parallel_loop3A_415[15] : f32 from vector<16xf32>
      %parallel_loop3A_417 = vector.broadcast %parallel_loop3A_416 : f32 to vector<16xf32>
      %parallel_loop3A_418 = arith.select %parallel_loop3A_412, %parallel_loop3A_417, %parallel_loop3A_401 : vector<16xi1>, vector<16xf32>
      %parallel_loop3A_419 = arith.constant 16 : i32
      %parallel_loop3A_420 = arith.muli %parallel_loop3A_163, %parallel_loop3A_419 : i32
      %parallel_loop3A_421 = arith.constant 15 : i32
      %parallel_loop3A_422 = arith.addi %parallel_loop3A_420, %parallel_loop3A_421 : i32
      %parallel_loop3A_423 = arith.constant 16 : i32
      %parallel_loop3A_424 = arith.muli %parallel_loop3A_422, %parallel_loop3A_423 : i32
      %parallel_loop3A_425 = arith.index_cast %parallel_loop3A_424 : i32 to index
      %parallel_loop3A_426 = tpu.vector_load %arg12[%parallel_loop3A_425] {strides = array<i32>} : memref<65536xf32, #tpu.memory_space<vmem>>, vector<16xf32>,
      %parallel_loop3A_427 = arith.constant 15 : i32
      %parallel_loop3A_428 = vector.broadcast %parallel_loop3A_427 : i32 to vector<16xi32>
      %parallel_loop3A_429 = arith.cmpi eq, %iota3A, %parallel_loop3A_428 : vector<16xi32>
      %parallel_loop3A_430 = arith.constant true
      %parallel_loop3A_431 = vector.broadcast %parallel_loop3A_430 : i1 to vector<16xi1>
      %parallel_loop3A_432 = tpu.scan <min>, %parallel_loop3A_426 masked %parallel_loop3A_431 : vector<16xf32>, vector<16xi1> -> vector<16xf32>
      %parallel_loop3A_433 = vector.extract %parallel_loop3A_432[15] : f32 from vector<16xf32>
      %parallel_loop3A_434 = vector.broadcast %parallel_loop3A_433 : f32 to vector<16xf32>
      %parallel_loop3A_435 = arith.select %parallel_loop3A_429, %parallel_loop3A_434, %parallel_loop3A_418 : vector<16xi1>, vector<16xf32>
      %parallel_loop3A_436 = arith.constant 16 : i32
      %parallel_loop3A_437 = arith.muli %parallel_loop3A_163, %parallel_loop3A_436 : i32
      %parallel_loop3A_438 = arith.index_cast %parallel_loop3A_437 : i32 to index
      %parallel_loop3A_439 = tpu.vector_load %arg13[%parallel_loop3A_438] {strides = array<i32>} : memref<4096xf32, #tpu.memory_space<vmem>>, vector<16xf32>,
      tpu.vector_store %arg13[%parallel_loop3A_438], %parallel_loop3A_435 {strides = array<i32>} : memref<4096xf32, #tpu.memory_space<vmem>>, vector<16xf32>,
    } {sc.loop_unroll_factor = 2 : i64, sc.parallel_access}
    "tpu.region"() ({
      %run_scoped3A_163 = tpu.sem_alloc : memref<!tpu.dma_semaphore, #tpu.memory_space<semaphore_mem>>
      %dma_start3A = arith.constant 0 : i32
      %dma_start3A_164 = tpu.memref_slice %arg15[%arg1, %dma_start3A] : memref<16x4096xf32, #tpu.memory_space<vmem_shared>> -> memref<1x4096xf32, #tpu.memory_space<vmem_shared>>
      %dma_start3A_165 = tpu.memref_squeeze %dma_start3A_164 : memref<1x4096xf32, #tpu.memory_space<vmem_shared>> -> memref<4096xf32, #tpu.memory_space<vmem_shared>>
      %dma_start3A_166 = arith.constant 0 : i32
      %dma_start3A_167 = tpu.memref_slice %arg15[%arg1, %dma_start3A_166] : memref<16x4096xf32, #tpu.memory_space<vmem_shared>> -> memref<1x4096xf32, #tpu.memory_space<vmem_shared>>
      %dma_start3A_168 = tpu.memref_squeeze %dma_start3A_167 : memref<1x4096xf32, #tpu.memory_space<vmem_shared>> -> memref<4096xf32, #tpu.memory_space<vmem_shared>>
      tpu.enqueue_dma source(%arg13 : memref<4096xf32, #tpu.memory_space<vmem>>) target(%dma_start3A_168 : memref<4096xf32, #tpu.memory_space<vmem_shared>>) target_semaphore(%run_scoped3A_163 : memref<!tpu.dma_semaphore, #tpu.memory_space<semaphore_mem>>)
      %dma_wait3A = arith.constant 0 : i32
      %dma_wait3A_169 = tpu.memref_slice %arg15[%arg1, %dma_wait3A] : memref<16x4096xf32, #tpu.memory_space<vmem_shared>> -> memref<1x4096xf32, #tpu.memory_space<vmem_shared>>
      %dma_wait3A_170 = tpu.memref_squeeze %dma_wait3A_169 : memref<1x4096xf32, #tpu.memory_space<vmem_shared>> -> memref<4096xf32, #tpu.memory_space<vmem_shared>>
      %dma_wait3A_171 = arith.constant 0 : i32
      %dma_wait3A_172 = tpu.memref_slice %arg15[%arg1, %dma_wait3A_171] : memref<16x4096xf32, #tpu.memory_space<vmem_shared>> -> memref<1x4096xf32, #tpu.memory_space<vmem_shared>>
      %dma_wait3A_173 = tpu.memref_squeeze %dma_wait3A_172 : memref<1x4096xf32, #tpu.memory_space<vmem_shared>> -> memref<4096xf32, #tpu.memory_space<vmem_shared>>
      tpu.wait_dma2 semaphore(%run_scoped3A_163 : memref<!tpu.dma_semaphore, #tpu.memory_space<semaphore_mem>>) src(%arg13 : memref<4096xf32, #tpu.memory_space<vmem>>) dst(%dma_wait3A_173 : memref<4096xf32, #tpu.memory_space<vmem_shared>>)
      tpu.yield
    }) : () -> ()
    %barrier3A = arith.constant 0 : index
    tpu.barrier barrier_id(%barrier3A)
    %mul3A_68 = arith.constant 512 : i32
    %mul3A_69 = arith.muli %select_n3A_33, %mul3A_68 : i32
    %jit3A_70 = arith.constant 8 : i32
    %div3A_71 = arith.divsi %arg1, %jit3A_70 : i32
    %sign3A_72 = arith.constant 0 : i32
    %sign3A_73 = arith.cmpi sgt, %arg1, %sign3A_72 : i32
    %sign3A_74 = arith.extui %sign3A_73 : i1 to i32
    %sign3A_75 = arith.constant 0 : i32
    %sign3A_76 = arith.cmpi slt, %arg1, %sign3A_75 : i32
    %sign3A_77 = arith.extui %sign3A_76 : i1 to i32
    %sign3A_78 = arith.subi %sign3A_74, %sign3A_77 : i32
    %sign3A_79 = arith.constant 0 : i32
    %sign3A_80 = arith.cmpi sgt, %jit3A_70, %sign3A_79 : i32
    %sign3A_81 = arith.extui %sign3A_80 : i1 to i32
    %sign3A_82 = arith.constant 0 : i32
    %sign3A_83 = arith.cmpi slt, %jit3A_70, %sign3A_82 : i32
    %sign3A_84 = arith.extui %sign3A_83 : i1 to i32
    %sign3A_85 = arith.subi %sign3A_81, %sign3A_84 : i32
    %ne3A_86 = arith.cmpi ne, %sign3A_78, %sign3A_85 : i32
    %rem3A_87 = arith.remsi %arg1, %jit3A_70 : i32
    %ne3A_88 = arith.constant 0 : i32
    %ne3A_89 = arith.cmpi ne, %rem3A_87, %ne3A_88 : i32
    %and3A_90 = arith.andi %ne3A_86, %ne3A_89 : i1
    %sub3A_91 = arith.constant 1 : i32
    %sub3A_92 = arith.subi %div3A_71, %sub3A_91 : i32
    %select_n3A_93 = arith.select %and3A_90, %sub3A_92, %div3A_71 : i32
    %mul3A_94 = arith.constant 8 : i32
    %mul3A_95 = arith.muli %select_n3A_93, %mul3A_94 : i32
    %add3A_96 = arith.constant 0 : i32
    %add3A_97 = arith.addi %mul3A_95, %add3A_96 : i32
    %ne3A_98 = arith.cmpi ne, %add3A_97, %arg1 : i32
    %convert_element_type3A = arith.extui %ne3A_98 : i1 to i32
    %cond3A = arith.constant 0 : i32
    %cond3A_99 = arith.cmpi ne, %convert_element_type3A, %cond3A : i32
    scf.if %cond3A_99 {
      "tpu.region"() ({
        %run_scoped3A_170 = tpu.sem_alloc : memref<!tpu.dma_semaphore, #tpu.memory_space<semaphore_mem>>
        %dma_start3A = tpu.memref_slice %arg15[%add3A_97, %mul3A_69] : memref<16x4096xf32, #tpu.memory_space<vmem_shared>> -> memref<1x512xf32, #tpu.memory_space<vmem_shared>>
        %dma_start3A_171 = tpu.memref_squeeze %dma_start3A : memref<1x512xf32, #tpu.memory_space<vmem_shared>> -> memref<512xf32, #tpu.memory_space<vmem_shared>>
        %dma_start3A_172 = tpu.memref_slice %arg15[%add3A_97, %mul3A_69] : memref<16x4096xf32, #tpu.memory_space<vmem_shared>> -> memref<1x512xf32, #tpu.memory_space<vmem_shared>>
        %dma_start3A_173 = tpu.memref_squeeze %dma_start3A_172 : memref<1x512xf32, #tpu.memory_space<vmem_shared>> -> memref<512xf32, #tpu.memory_space<vmem_shared>>
        tpu.enqueue_dma source(%dma_start3A_173 : memref<512xf32, #tpu.memory_space<vmem_shared>>) target(%arg14 : memref<512xf32, #tpu.memory_space<vmem>>) target_semaphore(%run_scoped3A_170 : memref<!tpu.dma_semaphore, #tpu.memory_space<semaphore_mem>>)
        %dma_wait3A = tpu.memref_slice %arg15[%add3A_97, %mul3A_69] : memref<16x4096xf32, #tpu.memory_space<vmem_shared>> -> memref<1x512xf32, #tpu.memory_space<vmem_shared>>
        %dma_wait3A_174 = tpu.memref_squeeze %dma_wait3A : memref<1x512xf32, #tpu.memory_space<vmem_shared>> -> memref<512xf32, #tpu.memory_space<vmem_shared>>
        %dma_wait3A_175 = tpu.memref_slice %arg15[%add3A_97, %mul3A_69] : memref<16x4096xf32, #tpu.memory_space<vmem_shared>> -> memref<1x512xf32, #tpu.memory_space<vmem_shared>>
        %dma_wait3A_176 = tpu.memref_squeeze %dma_wait3A_175 : memref<1x512xf32, #tpu.memory_space<vmem_shared>> -> memref<512xf32, #tpu.memory_space<vmem_shared>>
        tpu.wait_dma2 semaphore(%run_scoped3A_170 : memref<!tpu.dma_semaphore, #tpu.memory_space<semaphore_mem>>) src(%dma_wait3A_176 : memref<512xf32, #tpu.memory_space<vmem_shared>>) dst(%arg14 : memref<512xf32, #tpu.memory_space<vmem>>)
        tpu.yield
      }) : () -> ()
      %scan3A_163 = arith.constant 0 : i32
      %scan3A_164 = arith.constant 0 : i32
      %scan3A_165 = arith.constant 32 : i32
      %scan3A_166 = arith.addi %scan3A_164, %scan3A_165 : i32
      %scan3A_167 = arith.constant 1 : i32
      %scan3A_168 = scf.for %scan3A_170 = %scan3A_164 to %scan3A_166 step %scan3A_167 iter_args(%scan3A_171 = %scan3A_163) -> (i32)  : i32 {
        %mul3A_172 = arith.constant 16 : i32
        %mul3A_173 = arith.muli %scan3A_170, %mul3A_172 : i32
        %add3A_174 = arith.addi %mul3A_69, %mul3A_173 : i32
        %get3A = arith.index_cast %add3A_174 : i32 to index
        %get3A_175 = tpu.vector_load %arg13[%get3A] {strides = array<i32>} : memref<4096xf32, #tpu.memory_space<vmem>>, vector<16xf32>,
        %mul3A_176 = arith.constant 16 : i32
        %mul3A_177 = arith.muli %scan3A_170, %mul3A_176 : i32
        %get3A_178 = arith.index_cast %mul3A_177 : i32 to index
        %get3A_179 = tpu.vector_load %arg14[%get3A_178] {strides = array<i32>} : memref<512xf32, #tpu.memory_space<vmem>>, vector<16xf32>,
        %min3A = arith.minimumf %get3A_175, %get3A_179 : vector<16xf32>
        %swap3A_180 = arith.index_cast %add3A_174 : i32 to index
        %swap3A_181 = tpu.vector_load %arg13[%swap3A_180] {strides = array<i32>} : memref<4096xf32, #tpu.memory_space<vmem>>, vector<16xf32>,
        tpu.vector_store %arg13[%swap3A_180], %min3A {strides = array<i32>} : memref<4096xf32, #tpu.memory_space<vmem>>, vector<16xf32>,
        %scan3A_182 = arith.constant 0 : i32
        scf.yield %scan3A_182 : i32
      }
      %scan3A_169 = arith.constant 32 : i32
    } else {
    }
    %add3A_100 = arith.constant 1 : i32
    %add3A_101 = arith.addi %mul3A_95, %add3A_100 : i32
    %ne3A_102 = arith.cmpi ne, %add3A_101, %arg1 : i32
    %convert_element_type3A_103 = arith.extui %ne3A_102 : i1 to i32
    %cond3A_104 = arith.constant 0 : i32
    %cond3A_105 = arith.cmpi ne, %convert_element_type3A_103, %cond3A_104 : i32
    scf.if %cond3A_105 {
      "tpu.region"() ({
        %run_scoped3A_170 = tpu.sem_alloc : memref<!tpu.dma_semaphore, #tpu.memory_space<semaphore_mem>>
        %dma_start3A = tpu.memref_slice %arg15[%add3A_101, %mul3A_69] : memref<16x4096xf32, #tpu.memory_space<vmem_shared>> -> memref<1x512xf32, #tpu.memory_space<vmem_shared>>
        %dma_start3A_171 = tpu.memref_squeeze %dma_start3A : memref<1x512xf32, #tpu.memory_space<vmem_shared>> -> memref<512xf32, #tpu.memory_space<vmem_shared>>
        %dma_start3A_172 = tpu.memref_slice %arg15[%add3A_101, %mul3A_69] : memref<16x4096xf32, #tpu.memory_space<vmem_shared>> -> memref<1x512xf32, #tpu.memory_space<vmem_shared>>
        %dma_start3A_173 = tpu.memref_squeeze %dma_start3A_172 : memref<1x512xf32, #tpu.memory_space<vmem_shared>> -> memref<512xf32, #tpu.memory_space<vmem_shared>>
        tpu.enqueue_dma source(%dma_start3A_173 : memref<512xf32, #tpu.memory_space<vmem_shared>>) target(%arg14 : memref<512xf32, #tpu.memory_space<vmem>>) target_semaphore(%run_scoped3A_170 : memref<!tpu.dma_semaphore, #tpu.memory_space<semaphore_mem>>)
        %dma_wait3A = tpu.memref_slice %arg15[%add3A_101, %mul3A_69] : memref<16x4096xf32, #tpu.memory_space<vmem_shared>> -> memref<1x512xf32, #tpu.memory_space<vmem_shared>>
        %dma_wait3A_174 = tpu.memref_squeeze %dma_wait3A : memref<1x512xf32, #tpu.memory_space<vmem_shared>> -> memref<512xf32, #tpu.memory_space<vmem_shared>>
        %dma_wait3A_175 = tpu.memref_slice %arg15[%add3A_101, %mul3A_69] : memref<16x4096xf32, #tpu.memory_space<vmem_shared>> -> memref<1x512xf32, #tpu.memory_space<vmem_shared>>
        %dma_wait3A_176 = tpu.memref_squeeze %dma_wait3A_175 : memref<1x512xf32, #tpu.memory_space<vmem_shared>> -> memref<512xf32, #tpu.memory_space<vmem_shared>>
        tpu.wait_dma2 semaphore(%run_scoped3A_170 : memref<!tpu.dma_semaphore, #tpu.memory_space<semaphore_mem>>) src(%dma_wait3A_176 : memref<512xf32, #tpu.memory_space<vmem_shared>>) dst(%arg14 : memref<512xf32, #tpu.memory_space<vmem>>)
        tpu.yield
      }) : () -> ()
      %scan3A_163 = arith.constant 0 : i32
      %scan3A_164 = arith.constant 0 : i32
      %scan3A_165 = arith.constant 32 : i32
      %scan3A_166 = arith.addi %scan3A_164, %scan3A_165 : i32
      %scan3A_167 = arith.constant 1 : i32
      %scan3A_168 = scf.for %scan3A_170 = %scan3A_164 to %scan3A_166 step %scan3A_167 iter_args(%scan3A_171 = %scan3A_163) -> (i32)  : i32 {
        %mul3A_172 = arith.constant 16 : i32
        %mul3A_173 = arith.muli %scan3A_170, %mul3A_172 : i32
        %add3A_174 = arith.addi %mul3A_69, %mul3A_173 : i32
        %get3A = arith.index_cast %add3A_174 : i32 to index
        %get3A_175 = tpu.vector_load %arg13[%get3A] {strides = array<i32>} : memref<4096xf32, #tpu.memory_space<vmem>>, vector<16xf32>,
        %mul3A_176 = arith.constant 16 : i32
        %mul3A_177 = arith.muli %scan3A_170, %mul3A_176 : i32
        %get3A_178 = arith.index_cast %mul3A_177 : i32 to index
        %get3A_179 = tpu.vector_load %arg14[%get3A_178] {strides = array<i32>} : memref<512xf32, #tpu.memory_space<vmem>>, vector<16xf32>,
        %min3A = arith.minimumf %get3A_175, %get3A_179 : vector<16xf32>
        %swap3A_180 = arith.index_cast %add3A_174 : i32 to index
        %swap3A_181 = tpu.vector_load %arg13[%swap3A_180] {strides = array<i32>} : memref<4096xf32, #tpu.memory_space<vmem>>, vector<16xf32>,
        tpu.vector_store %arg13[%swap3A_180], %min3A {strides = array<i32>} : memref<4096xf32, #tpu.memory_space<vmem>>, vector<16xf32>,
        %scan3A_182 = arith.constant 0 : i32
        scf.yield %scan3A_182 : i32
      }
      %scan3A_169 = arith.constant 32 : i32
    } else {
    }
    %add3A_106 = arith.constant 2 : i32
    %add3A_107 = arith.addi %mul3A_95, %add3A_106 : i32
    %ne3A_108 = arith.cmpi ne, %add3A_107, %arg1 : i32
    %convert_element_type3A_109 = arith.extui %ne3A_108 : i1 to i32
    %cond3A_110 = arith.constant 0 : i32
    %cond3A_111 = arith.cmpi ne, %convert_element_type3A_109, %cond3A_110 : i32
    scf.if %cond3A_111 {
      "tpu.region"() ({
        %run_scoped3A_170 = tpu.sem_alloc : memref<!tpu.dma_semaphore, #tpu.memory_space<semaphore_mem>>
        %dma_start3A = tpu.memref_slice %arg15[%add3A_107, %mul3A_69] : memref<16x4096xf32, #tpu.memory_space<vmem_shared>> -> memref<1x512xf32, #tpu.memory_space<vmem_shared>>
        %dma_start3A_171 = tpu.memref_squeeze %dma_start3A : memref<1x512xf32, #tpu.memory_space<vmem_shared>> -> memref<512xf32, #tpu.memory_space<vmem_shared>>
        %dma_start3A_172 = tpu.memref_slice %arg15[%add3A_107, %mul3A_69] : memref<16x4096xf32, #tpu.memory_space<vmem_shared>> -> memref<1x512xf32, #tpu.memory_space<vmem_shared>>
        %dma_start3A_173 = tpu.memref_squeeze %dma_start3A_172 : memref<1x512xf32, #tpu.memory_space<vmem_shared>> -> memref<512xf32, #tpu.memory_space<vmem_shared>>
        tpu.enqueue_dma source(%dma_start3A_173 : memref<512xf32, #tpu.memory_space<vmem_shared>>) target(%arg14 : memref<512xf32, #tpu.memory_space<vmem>>) target_semaphore(%run_scoped3A_170 : memref<!tpu.dma_semaphore, #tpu.memory_space<semaphore_mem>>)
        %dma_wait3A = tpu.memref_slice %arg15[%add3A_107, %mul3A_69] : memref<16x4096xf32, #tpu.memory_space<vmem_shared>> -> memref<1x512xf32, #tpu.memory_space<vmem_shared>>
        %dma_wait3A_174 = tpu.memref_squeeze %dma_wait3A : memref<1x512xf32, #tpu.memory_space<vmem_shared>> -> memref<512xf32, #tpu.memory_space<vmem_shared>>
        %dma_wait3A_175 = tpu.memref_slice %arg15[%add3A_107, %mul3A_69] : memref<16x4096xf32, #tpu.memory_space<vmem_shared>> -> memref<1x512xf32, #tpu.memory_space<vmem_shared>>
        %dma_wait3A_176 = tpu.memref_squeeze %dma_wait3A_175 : memref<1x512xf32, #tpu.memory_space<vmem_shared>> -> memref<512xf32, #tpu.memory_space<vmem_shared>>
        tpu.wait_dma2 semaphore(%run_scoped3A_170 : memref<!tpu.dma_semaphore, #tpu.memory_space<semaphore_mem>>) src(%dma_wait3A_176 : memref<512xf32, #tpu.memory_space<vmem_shared>>) dst(%arg14 : memref<512xf32, #tpu.memory_space<vmem>>)
        tpu.yield
      }) : () -> ()
      %scan3A_163 = arith.constant 0 : i32
      %scan3A_164 = arith.constant 0 : i32
      %scan3A_165 = arith.constant 32 : i32
      %scan3A_166 = arith.addi %scan3A_164, %scan3A_165 : i32
      %scan3A_167 = arith.constant 1 : i32
      %scan3A_168 = scf.for %scan3A_170 = %scan3A_164 to %scan3A_166 step %scan3A_167 iter_args(%scan3A_171 = %scan3A_163) -> (i32)  : i32 {
        %mul3A_172 = arith.constant 16 : i32
        %mul3A_173 = arith.muli %scan3A_170, %mul3A_172 : i32
        %add3A_174 = arith.addi %mul3A_69, %mul3A_173 : i32
        %get3A = arith.index_cast %add3A_174 : i32 to index
        %get3A_175 = tpu.vector_load %arg13[%get3A] {strides = array<i32>} : memref<4096xf32, #tpu.memory_space<vmem>>, vector<16xf32>,
        %mul3A_176 = arith.constant 16 : i32
        %mul3A_177 = arith.muli %scan3A_170, %mul3A_176 : i32
        %get3A_178 = arith.index_cast %mul3A_177 : i32 to index
        %get3A_179 = tpu.vector_load %arg14[%get3A_178] {strides = array<i32>} : memref<512xf32, #tpu.memory_space<vmem>>, vector<16xf32>,
        %min3A = arith.minimumf %get3A_175, %get3A_179 : vector<16xf32>
        %swap3A_180 = arith.index_cast %add3A_174 : i32 to index
        %swap3A_181 = tpu.vector_load %arg13[%swap3A_180] {strides = array<i32>} : memref<4096xf32, #tpu.memory_space<vmem>>, vector<16xf32>,
        tpu.vector_store %arg13[%swap3A_180], %min3A {strides = array<i32>} : memref<4096xf32, #tpu.memory_space<vmem>>, vector<16xf32>,
        %scan3A_182 = arith.constant 0 : i32
        scf.yield %scan3A_182 : i32
      }
      %scan3A_169 = arith.constant 32 : i32
    } else {
    }
    %add3A_112 = arith.constant 3 : i32
    %add3A_113 = arith.addi %mul3A_95, %add3A_112 : i32
    %ne3A_114 = arith.cmpi ne, %add3A_113, %arg1 : i32
    %convert_element_type3A_115 = arith.extui %ne3A_114 : i1 to i32
    %cond3A_116 = arith.constant 0 : i32
    %cond3A_117 = arith.cmpi ne, %convert_element_type3A_115, %cond3A_116 : i32
    scf.if %cond3A_117 {
      "tpu.region"() ({
        %run_scoped3A_170 = tpu.sem_alloc : memref<!tpu.dma_semaphore, #tpu.memory_space<semaphore_mem>>
        %dma_start3A = tpu.memref_slice %arg15[%add3A_113, %mul3A_69] : memref<16x4096xf32, #tpu.memory_space<vmem_shared>> -> memref<1x512xf32, #tpu.memory_space<vmem_shared>>
        %dma_start3A_171 = tpu.memref_squeeze %dma_start3A : memref<1x512xf32, #tpu.memory_space<vmem_shared>> -> memref<512xf32, #tpu.memory_space<vmem_shared>>
        %dma_start3A_172 = tpu.memref_slice %arg15[%add3A_113, %mul3A_69] : memref<16x4096xf32, #tpu.memory_space<vmem_shared>> -> memref<1x512xf32, #tpu.memory_space<vmem_shared>>
        %dma_start3A_173 = tpu.memref_squeeze %dma_start3A_172 : memref<1x512xf32, #tpu.memory_space<vmem_shared>> -> memref<512xf32, #tpu.memory_space<vmem_shared>>
        tpu.enqueue_dma source(%dma_start3A_173 : memref<512xf32, #tpu.memory_space<vmem_shared>>) target(%arg14 : memref<512xf32, #tpu.memory_space<vmem>>) target_semaphore(%run_scoped3A_170 : memref<!tpu.dma_semaphore, #tpu.memory_space<semaphore_mem>>)
        %dma_wait3A = tpu.memref_slice %arg15[%add3A_113, %mul3A_69] : memref<16x4096xf32, #tpu.memory_space<vmem_shared>> -> memref<1x512xf32, #tpu.memory_space<vmem_shared>>
        %dma_wait3A_174 = tpu.memref_squeeze %dma_wait3A : memref<1x512xf32, #tpu.memory_space<vmem_shared>> -> memref<512xf32, #tpu.memory_space<vmem_shared>>
        %dma_wait3A_175 = tpu.memref_slice %arg15[%add3A_113, %mul3A_69] : memref<16x4096xf32, #tpu.memory_space<vmem_shared>> -> memref<1x512xf32, #tpu.memory_space<vmem_shared>>
        %dma_wait3A_176 = tpu.memref_squeeze %dma_wait3A_175 : memref<1x512xf32, #tpu.memory_space<vmem_shared>> -> memref<512xf32, #tpu.memory_space<vmem_shared>>
        tpu.wait_dma2 semaphore(%run_scoped3A_170 : memref<!tpu.dma_semaphore, #tpu.memory_space<semaphore_mem>>) src(%dma_wait3A_176 : memref<512xf32, #tpu.memory_space<vmem_shared>>) dst(%arg14 : memref<512xf32, #tpu.memory_space<vmem>>)
        tpu.yield
      }) : () -> ()
      %scan3A_163 = arith.constant 0 : i32
      %scan3A_164 = arith.constant 0 : i32
      %scan3A_165 = arith.constant 32 : i32
      %scan3A_166 = arith.addi %scan3A_164, %scan3A_165 : i32
      %scan3A_167 = arith.constant 1 : i32
      %scan3A_168 = scf.for %scan3A_170 = %scan3A_164 to %scan3A_166 step %scan3A_167 iter_args(%scan3A_171 = %scan3A_163) -> (i32)  : i32 {
        %mul3A_172 = arith.constant 16 : i32
        %mul3A_173 = arith.muli %scan3A_170, %mul3A_172 : i32
        %add3A_174 = arith.addi %mul3A_69, %mul3A_173 : i32
        %get3A = arith.index_cast %add3A_174 : i32 to index
        %get3A_175 = tpu.vector_load %arg13[%get3A] {strides = array<i32>} : memref<4096xf32, #tpu.memory_space<vmem>>, vector<16xf32>,
        %mul3A_176 = arith.constant 16 : i32
        %mul3A_177 = arith.muli %scan3A_170, %mul3A_176 : i32
        %get3A_178 = arith.index_cast %mul3A_177 : i32 to index
        %get3A_179 = tpu.vector_load %arg14[%get3A_178] {strides = array<i32>} : memref<512xf32, #tpu.memory_space<vmem>>, vector<16xf32>,
        %min3A = arith.minimumf %get3A_175, %get3A_179 : vector<16xf32>
        %swap3A_180 = arith.index_cast %add3A_174 : i32 to index
        %swap3A_181 = tpu.vector_load %arg13[%swap3A_180] {strides = array<i32>} : memref<4096xf32, #tpu.memory_space<vmem>>, vector<16xf32>,
        tpu.vector_store %arg13[%swap3A_180], %min3A {strides = array<i32>} : memref<4096xf32, #tpu.memory_space<vmem>>, vector<16xf32>,
        %scan3A_182 = arith.constant 0 : i32
        scf.yield %scan3A_182 : i32
      }
      %scan3A_169 = arith.constant 32 : i32
    } else {
    }
    %add3A_118 = arith.constant 4 : i32
    %add3A_119 = arith.addi %mul3A_95, %add3A_118 : i32
    %ne3A_120 = arith.cmpi ne, %add3A_119, %arg1 : i32
    %convert_element_type3A_121 = arith.extui %ne3A_120 : i1 to i32
    %cond3A_122 = arith.constant 0 : i32
    %cond3A_123 = arith.cmpi ne, %convert_element_type3A_121, %cond3A_122 : i32
    scf.if %cond3A_123 {
      "tpu.region"() ({
        %run_scoped3A_170 = tpu.sem_alloc : memref<!tpu.dma_semaphore, #tpu.memory_space<semaphore_mem>>
        %dma_start3A = tpu.memref_slice %arg15[%add3A_119, %mul3A_69] : memref<16x4096xf32, #tpu.memory_space<vmem_shared>> -> memref<1x512xf32, #tpu.memory_space<vmem_shared>>
        %dma_start3A_171 = tpu.memref_squeeze %dma_start3A : memref<1x512xf32, #tpu.memory_space<vmem_shared>> -> memref<512xf32, #tpu.memory_space<vmem_shared>>
        %dma_start3A_172 = tpu.memref_slice %arg15[%add3A_119, %mul3A_69] : memref<16x4096xf32, #tpu.memory_space<vmem_shared>> -> memref<1x512xf32, #tpu.memory_space<vmem_shared>>
        %dma_start3A_173 = tpu.memref_squeeze %dma_start3A_172 : memref<1x512xf32, #tpu.memory_space<vmem_shared>> -> memref<512xf32, #tpu.memory_space<vmem_shared>>
        tpu.enqueue_dma source(%dma_start3A_173 : memref<512xf32, #tpu.memory_space<vmem_shared>>) target(%arg14 : memref<512xf32, #tpu.memory_space<vmem>>) target_semaphore(%run_scoped3A_170 : memref<!tpu.dma_semaphore, #tpu.memory_space<semaphore_mem>>)
        %dma_wait3A = tpu.memref_slice %arg15[%add3A_119, %mul3A_69] : memref<16x4096xf32, #tpu.memory_space<vmem_shared>> -> memref<1x512xf32, #tpu.memory_space<vmem_shared>>
        %dma_wait3A_174 = tpu.memref_squeeze %dma_wait3A : memref<1x512xf32, #tpu.memory_space<vmem_shared>> -> memref<512xf32, #tpu.memory_space<vmem_shared>>
        %dma_wait3A_175 = tpu.memref_slice %arg15[%add3A_119, %mul3A_69] : memref<16x4096xf32, #tpu.memory_space<vmem_shared>> -> memref<1x512xf32, #tpu.memory_space<vmem_shared>>
        %dma_wait3A_176 = tpu.memref_squeeze %dma_wait3A_175 : memref<1x512xf32, #tpu.memory_space<vmem_shared>> -> memref<512xf32, #tpu.memory_space<vmem_shared>>
        tpu.wait_dma2 semaphore(%run_scoped3A_170 : memref<!tpu.dma_semaphore, #tpu.memory_space<semaphore_mem>>) src(%dma_wait3A_176 : memref<512xf32, #tpu.memory_space<vmem_shared>>) dst(%arg14 : memref<512xf32, #tpu.memory_space<vmem>>)
        tpu.yield
      }) : () -> ()
      %scan3A_163 = arith.constant 0 : i32
      %scan3A_164 = arith.constant 0 : i32
      %scan3A_165 = arith.constant 32 : i32
      %scan3A_166 = arith.addi %scan3A_164, %scan3A_165 : i32
      %scan3A_167 = arith.constant 1 : i32
      %scan3A_168 = scf.for %scan3A_170 = %scan3A_164 to %scan3A_166 step %scan3A_167 iter_args(%scan3A_171 = %scan3A_163) -> (i32)  : i32 {
        %mul3A_172 = arith.constant 16 : i32
        %mul3A_173 = arith.muli %scan3A_170, %mul3A_172 : i32
        %add3A_174 = arith.addi %mul3A_69, %mul3A_173 : i32
        %get3A = arith.index_cast %add3A_174 : i32 to index
        %get3A_175 = tpu.vector_load %arg13[%get3A] {strides = array<i32>} : memref<4096xf32, #tpu.memory_space<vmem>>, vector<16xf32>,
        %mul3A_176 = arith.constant 16 : i32
        %mul3A_177 = arith.muli %scan3A_170, %mul3A_176 : i32
        %get3A_178 = arith.index_cast %mul3A_177 : i32 to index
        %get3A_179 = tpu.vector_load %arg14[%get3A_178] {strides = array<i32>} : memref<512xf32, #tpu.memory_space<vmem>>, vector<16xf32>,
        %min3A = arith.minimumf %get3A_175, %get3A_179 : vector<16xf32>
        %swap3A_180 = arith.index_cast %add3A_174 : i32 to index
        %swap3A_181 = tpu.vector_load %arg13[%swap3A_180] {strides = array<i32>} : memref<4096xf32, #tpu.memory_space<vmem>>, vector<16xf32>,
        tpu.vector_store %arg13[%swap3A_180], %min3A {strides = array<i32>} : memref<4096xf32, #tpu.memory_space<vmem>>, vector<16xf32>,
        %scan3A_182 = arith.constant 0 : i32
        scf.yield %scan3A_182 : i32
      }
      %scan3A_169 = arith.constant 32 : i32
    } else {
    }
    %add3A_124 = arith.constant 5 : i32
    %add3A_125 = arith.addi %mul3A_95, %add3A_124 : i32
    %ne3A_126 = arith.cmpi ne, %add3A_125, %arg1 : i32
    %convert_element_type3A_127 = arith.extui %ne3A_126 : i1 to i32
    %cond3A_128 = arith.constant 0 : i32
    %cond3A_129 = arith.cmpi ne, %convert_element_type3A_127, %cond3A_128 : i32
    scf.if %cond3A_129 {
      "tpu.region"() ({
        %run_scoped3A_170 = tpu.sem_alloc : memref<!tpu.dma_semaphore, #tpu.memory_space<semaphore_mem>>
        %dma_start3A = tpu.memref_slice %arg15[%add3A_125, %mul3A_69] : memref<16x4096xf32, #tpu.memory_space<vmem_shared>> -> memref<1x512xf32, #tpu.memory_space<vmem_shared>>
        %dma_start3A_171 = tpu.memref_squeeze %dma_start3A : memref<1x512xf32, #tpu.memory_space<vmem_shared>> -> memref<512xf32, #tpu.memory_space<vmem_shared>>
        %dma_start3A_172 = tpu.memref_slice %arg15[%add3A_125, %mul3A_69] : memref<16x4096xf32, #tpu.memory_space<vmem_shared>> -> memref<1x512xf32, #tpu.memory_space<vmem_shared>>
        %dma_start3A_173 = tpu.memref_squeeze %dma_start3A_172 : memref<1x512xf32, #tpu.memory_space<vmem_shared>> -> memref<512xf32, #tpu.memory_space<vmem_shared>>
        tpu.enqueue_dma source(%dma_start3A_173 : memref<512xf32, #tpu.memory_space<vmem_shared>>) target(%arg14 : memref<512xf32, #tpu.memory_space<vmem>>) target_semaphore(%run_scoped3A_170 : memref<!tpu.dma_semaphore, #tpu.memory_space<semaphore_mem>>)
        %dma_wait3A = tpu.memref_slice %arg15[%add3A_125, %mul3A_69] : memref<16x4096xf32, #tpu.memory_space<vmem_shared>> -> memref<1x512xf32, #tpu.memory_space<vmem_shared>>
        %dma_wait3A_174 = tpu.memref_squeeze %dma_wait3A : memref<1x512xf32, #tpu.memory_space<vmem_shared>> -> memref<512xf32, #tpu.memory_space<vmem_shared>>
        %dma_wait3A_175 = tpu.memref_slice %arg15[%add3A_125, %mul3A_69] : memref<16x4096xf32, #tpu.memory_space<vmem_shared>> -> memref<1x512xf32, #tpu.memory_space<vmem_shared>>
        %dma_wait3A_176 = tpu.memref_squeeze %dma_wait3A_175 : memref<1x512xf32, #tpu.memory_space<vmem_shared>> -> memref<512xf32, #tpu.memory_space<vmem_shared>>
        tpu.wait_dma2 semaphore(%run_scoped3A_170 : memref<!tpu.dma_semaphore, #tpu.memory_space<semaphore_mem>>) src(%dma_wait3A_176 : memref<512xf32, #tpu.memory_space<vmem_shared>>) dst(%arg14 : memref<512xf32, #tpu.memory_space<vmem>>)
        tpu.yield
      }) : () -> ()
      %scan3A_163 = arith.constant 0 : i32
      %scan3A_164 = arith.constant 0 : i32
      %scan3A_165 = arith.constant 32 : i32
      %scan3A_166 = arith.addi %scan3A_164, %scan3A_165 : i32
      %scan3A_167 = arith.constant 1 : i32
      %scan3A_168 = scf.for %scan3A_170 = %scan3A_164 to %scan3A_166 step %scan3A_167 iter_args(%scan3A_171 = %scan3A_163) -> (i32)  : i32 {
        %mul3A_172 = arith.constant 16 : i32
        %mul3A_173 = arith.muli %scan3A_170, %mul3A_172 : i32
        %add3A_174 = arith.addi %mul3A_69, %mul3A_173 : i32
        %get3A = arith.index_cast %add3A_174 : i32 to index
        %get3A_175 = tpu.vector_load %arg13[%get3A] {strides = array<i32>} : memref<4096xf32, #tpu.memory_space<vmem>>, vector<16xf32>,
        %mul3A_176 = arith.constant 16 : i32
        %mul3A_177 = arith.muli %scan3A_170, %mul3A_176 : i32
        %get3A_178 = arith.index_cast %mul3A_177 : i32 to index
        %get3A_179 = tpu.vector_load %arg14[%get3A_178] {strides = array<i32>} : memref<512xf32, #tpu.memory_space<vmem>>, vector<16xf32>,
        %min3A = arith.minimumf %get3A_175, %get3A_179 : vector<16xf32>
        %swap3A_180 = arith.index_cast %add3A_174 : i32 to index
        %swap3A_181 = tpu.vector_load %arg13[%swap3A_180] {strides = array<i32>} : memref<4096xf32, #tpu.memory_space<vmem>>, vector<16xf32>,
        tpu.vector_store %arg13[%swap3A_180], %min3A {strides = array<i32>} : memref<4096xf32, #tpu.memory_space<vmem>>, vector<16xf32>,
        %scan3A_182 = arith.constant 0 : i32
        scf.yield %scan3A_182 : i32
      }
      %scan3A_169 = arith.constant 32 : i32
    } else {
    }
    %add3A_130 = arith.constant 6 : i32
    %add3A_131 = arith.addi %mul3A_95, %add3A_130 : i32
    %ne3A_132 = arith.cmpi ne, %add3A_131, %arg1 : i32
    %convert_element_type3A_133 = arith.extui %ne3A_132 : i1 to i32
    %cond3A_134 = arith.constant 0 : i32
    %cond3A_135 = arith.cmpi ne, %convert_element_type3A_133, %cond3A_134 : i32
    scf.if %cond3A_135 {
      "tpu.region"() ({
        %run_scoped3A_170 = tpu.sem_alloc : memref<!tpu.dma_semaphore, #tpu.memory_space<semaphore_mem>>
        %dma_start3A = tpu.memref_slice %arg15[%add3A_131, %mul3A_69] : memref<16x4096xf32, #tpu.memory_space<vmem_shared>> -> memref<1x512xf32, #tpu.memory_space<vmem_shared>>
        %dma_start3A_171 = tpu.memref_squeeze %dma_start3A : memref<1x512xf32, #tpu.memory_space<vmem_shared>> -> memref<512xf32, #tpu.memory_space<vmem_shared>>
        %dma_start3A_172 = tpu.memref_slice %arg15[%add3A_131, %mul3A_69] : memref<16x4096xf32, #tpu.memory_space<vmem_shared>> -> memref<1x512xf32, #tpu.memory_space<vmem_shared>>
        %dma_start3A_173 = tpu.memref_squeeze %dma_start3A_172 : memref<1x512xf32, #tpu.memory_space<vmem_shared>> -> memref<512xf32, #tpu.memory_space<vmem_shared>>
        tpu.enqueue_dma source(%dma_start3A_173 : memref<512xf32, #tpu.memory_space<vmem_shared>>) target(%arg14 : memref<512xf32, #tpu.memory_space<vmem>>) target_semaphore(%run_scoped3A_170 : memref<!tpu.dma_semaphore, #tpu.memory_space<semaphore_mem>>)
        %dma_wait3A = tpu.memref_slice %arg15[%add3A_131, %mul3A_69] : memref<16x4096xf32, #tpu.memory_space<vmem_shared>> -> memref<1x512xf32, #tpu.memory_space<vmem_shared>>
        %dma_wait3A_174 = tpu.memref_squeeze %dma_wait3A : memref<1x512xf32, #tpu.memory_space<vmem_shared>> -> memref<512xf32, #tpu.memory_space<vmem_shared>>
        %dma_wait3A_175 = tpu.memref_slice %arg15[%add3A_131, %mul3A_69] : memref<16x4096xf32, #tpu.memory_space<vmem_shared>> -> memref<1x512xf32, #tpu.memory_space<vmem_shared>>
        %dma_wait3A_176 = tpu.memref_squeeze %dma_wait3A_175 : memref<1x512xf32, #tpu.memory_space<vmem_shared>> -> memref<512xf32, #tpu.memory_space<vmem_shared>>
        tpu.wait_dma2 semaphore(%run_scoped3A_170 : memref<!tpu.dma_semaphore, #tpu.memory_space<semaphore_mem>>) src(%dma_wait3A_176 : memref<512xf32, #tpu.memory_space<vmem_shared>>) dst(%arg14 : memref<512xf32, #tpu.memory_space<vmem>>)
        tpu.yield
      }) : () -> ()
      %scan3A_163 = arith.constant 0 : i32
      %scan3A_164 = arith.constant 0 : i32
      %scan3A_165 = arith.constant 32 : i32
      %scan3A_166 = arith.addi %scan3A_164, %scan3A_165 : i32
      %scan3A_167 = arith.constant 1 : i32
      %scan3A_168 = scf.for %scan3A_170 = %scan3A_164 to %scan3A_166 step %scan3A_167 iter_args(%scan3A_171 = %scan3A_163) -> (i32)  : i32 {
        %mul3A_172 = arith.constant 16 : i32
        %mul3A_173 = arith.muli %scan3A_170, %mul3A_172 : i32
        %add3A_174 = arith.addi %mul3A_69, %mul3A_173 : i32
        %get3A = arith.index_cast %add3A_174 : i32 to index
        %get3A_175 = tpu.vector_load %arg13[%get3A] {strides = array<i32>} : memref<4096xf32, #tpu.memory_space<vmem>>, vector<16xf32>,
        %mul3A_176 = arith.constant 16 : i32
        %mul3A_177 = arith.muli %scan3A_170, %mul3A_176 : i32
        %get3A_178 = arith.index_cast %mul3A_177 : i32 to index
        %get3A_179 = tpu.vector_load %arg14[%get3A_178] {strides = array<i32>} : memref<512xf32, #tpu.memory_space<vmem>>, vector<16xf32>,
        %min3A = arith.minimumf %get3A_175, %get3A_179 : vector<16xf32>
        %swap3A_180 = arith.index_cast %add3A_174 : i32 to index
        %swap3A_181 = tpu.vector_load %arg13[%swap3A_180] {strides = array<i32>} : memref<4096xf32, #tpu.memory_space<vmem>>, vector<16xf32>,
        tpu.vector_store %arg13[%swap3A_180], %min3A {strides = array<i32>} : memref<4096xf32, #tpu.memory_space<vmem>>, vector<16xf32>,
        %scan3A_182 = arith.constant 0 : i32
        scf.yield %scan3A_182 : i32
      }
      %scan3A_169 = arith.constant 32 : i32
    } else {
    }
    %add3A_136 = arith.constant 7 : i32
    %add3A_137 = arith.addi %mul3A_95, %add3A_136 : i32
    %ne3A_138 = arith.cmpi ne, %add3A_137, %arg1 : i32
    %convert_element_type3A_139 = arith.extui %ne3A_138 : i1 to i32
    %cond3A_140 = arith.constant 0 : i32
    %cond3A_141 = arith.cmpi ne, %convert_element_type3A_139, %cond3A_140 : i32
    scf.if %cond3A_141 {
      "tpu.region"() ({
        %run_scoped3A_170 = tpu.sem_alloc : memref<!tpu.dma_semaphore, #tpu.memory_space<semaphore_mem>>
        %dma_start3A = tpu.memref_slice %arg15[%add3A_137, %mul3A_69] : memref<16x4096xf32, #tpu.memory_space<vmem_shared>> -> memref<1x512xf32, #tpu.memory_space<vmem_shared>>
        %dma_start3A_171 = tpu.memref_squeeze %dma_start3A : memref<1x512xf32, #tpu.memory_space<vmem_shared>> -> memref<512xf32, #tpu.memory_space<vmem_shared>>
        %dma_start3A_172 = tpu.memref_slice %arg15[%add3A_137, %mul3A_69] : memref<16x4096xf32, #tpu.memory_space<vmem_shared>> -> memref<1x512xf32, #tpu.memory_space<vmem_shared>>
        %dma_start3A_173 = tpu.memref_squeeze %dma_start3A_172 : memref<1x512xf32, #tpu.memory_space<vmem_shared>> -> memref<512xf32, #tpu.memory_space<vmem_shared>>
        tpu.enqueue_dma source(%dma_start3A_173 : memref<512xf32, #tpu.memory_space<vmem_shared>>) target(%arg14 : memref<512xf32, #tpu.memory_space<vmem>>) target_semaphore(%run_scoped3A_170 : memref<!tpu.dma_semaphore, #tpu.memory_space<semaphore_mem>>)
        %dma_wait3A = tpu.memref_slice %arg15[%add3A_137, %mul3A_69] : memref<16x4096xf32, #tpu.memory_space<vmem_shared>> -> memref<1x512xf32, #tpu.memory_space<vmem_shared>>
        %dma_wait3A_174 = tpu.memref_squeeze %dma_wait3A : memref<1x512xf32, #tpu.memory_space<vmem_shared>> -> memref<512xf32, #tpu.memory_space<vmem_shared>>
        %dma_wait3A_175 = tpu.memref_slice %arg15[%add3A_137, %mul3A_69] : memref<16x4096xf32, #tpu.memory_space<vmem_shared>> -> memref<1x512xf32, #tpu.memory_space<vmem_shared>>
        %dma_wait3A_176 = tpu.memref_squeeze %dma_wait3A_175 : memref<1x512xf32, #tpu.memory_space<vmem_shared>> -> memref<512xf32, #tpu.memory_space<vmem_shared>>
        tpu.wait_dma2 semaphore(%run_scoped3A_170 : memref<!tpu.dma_semaphore, #tpu.memory_space<semaphore_mem>>) src(%dma_wait3A_176 : memref<512xf32, #tpu.memory_space<vmem_shared>>) dst(%arg14 : memref<512xf32, #tpu.memory_space<vmem>>)
        tpu.yield
      }) : () -> ()
      %scan3A_163 = arith.constant 0 : i32
      %scan3A_164 = arith.constant 0 : i32
      %scan3A_165 = arith.constant 32 : i32
      %scan3A_166 = arith.addi %scan3A_164, %scan3A_165 : i32
      %scan3A_167 = arith.constant 1 : i32
      %scan3A_168 = scf.for %scan3A_170 = %scan3A_164 to %scan3A_166 step %scan3A_167 iter_args(%scan3A_171 = %scan3A_163) -> (i32)  : i32 {
        %mul3A_172 = arith.constant 16 : i32
        %mul3A_173 = arith.muli %scan3A_170, %mul3A_172 : i32
        %add3A_174 = arith.addi %mul3A_69, %mul3A_173 : i32
        %get3A = arith.index_cast %add3A_174 : i32 to index
        %get3A_175 = tpu.vector_load %arg13[%get3A] {strides = array<i32>} : memref<4096xf32, #tpu.memory_space<vmem>>, vector<16xf32>,
        %mul3A_176 = arith.constant 16 : i32
        %mul3A_177 = arith.muli %scan3A_170, %mul3A_176 : i32
        %get3A_178 = arith.index_cast %mul3A_177 : i32 to index
        %get3A_179 = tpu.vector_load %arg14[%get3A_178] {strides = array<i32>} : memref<512xf32, #tpu.memory_space<vmem>>, vector<16xf32>,
        %min3A = arith.minimumf %get3A_175, %get3A_179 : vector<16xf32>
        %swap3A_180 = arith.index_cast %add3A_174 : i32 to index
        %swap3A_181 = tpu.vector_load %arg13[%swap3A_180] {strides = array<i32>} : memref<4096xf32, #tpu.memory_space<vmem>>, vector<16xf32>,
        tpu.vector_store %arg13[%swap3A_180], %min3A {strides = array<i32>} : memref<4096xf32, #tpu.memory_space<vmem>>, vector<16xf32>,
        %scan3A_182 = arith.constant 0 : i32
        scf.yield %scan3A_182 : i32
      }
      %scan3A_169 = arith.constant 32 : i32
    } else {
    }
    %scan3A_142 = arith.constant 0 : i32
    %scan3A_143 = arith.constant 32 : i32
    %scan3A_144 = arith.addi %scan3A_142, %scan3A_143 : i32
    %scan3A_145 = arith.constant 1 : i32
    %scan3A_146:2 = scf.for %scan3A_163 = %scan3A_142 to %scan3A_144 step %scan3A_145 iter_args(%scan3A_164 = %broadcast_in_dim3A_59, %scan3A_165 = %broadcast_in_dim3A_59) -> (vector<16xf32>, vector<16xf32>)  : i32 {
      %mul3A_166 = arith.constant 16 : i32
      %mul3A_167 = arith.muli %scan3A_163, %mul3A_166 : i32
      %add3A_168 = arith.addi %mul3A_69, %mul3A_167 : i32
      %get3A = arith.index_cast %add3A_168 : i32 to index
      %get3A_169 = tpu.vector_load %arg13[%get3A] {strides = array<i32>} : memref<4096xf32, #tpu.memory_space<vmem>>, vector<16xf32>,
      %max3A = arith.constant 0.000000e+00 : f32
      %max3A_170 = vector.broadcast %max3A : f32 to vector<16xf32>
      %max3A_171 = arith.maximumf %get3A_169, %max3A_170 : vector<16xf32>
      %get3A_172 = arith.index_cast %add3A_168 : i32 to index
      %get3A_173 = tpu.vector_load %arg9[%get3A_172] {strides = array<i32>} : memref<4096xf32, #tpu.memory_space<vmem>>, vector<16xf32>,
      %mul3A_174 = arith.mulf %get3A_173, %max3A_171 : vector<16xf32>
      %add3A_175 = arith.addf %scan3A_164, %mul3A_174 : vector<16xf32>
      %add3A_176 = arith.addf %scan3A_165, %get3A_173 : vector<16xf32>
      scf.yield %add3A_175, %add3A_176 : vector<16xf32>, vector<16xf32>
    }
    %scan3A_147 = arith.constant 32 : i32
    %swap3A = arith.constant 0 : i32
    %swap3A_148 = arith.index_cast %swap3A : i32 to index
    %swap3A_149 = arith.constant 0 : index
    %swap3A_150 = tpu.vector_load %arg16[%swap3A_148, %swap3A_149] {strides = array<i32>} : memref<4x16xf32, #tpu.memory_space<vmem>>, vector<16xf32>,
    tpu.vector_store %arg16[%swap3A_148, %swap3A_149], %scan3A_64#0 {strides = array<i32>} : memref<4x16xf32, #tpu.memory_space<vmem>>, vector<16xf32>,
    %swap3A_151 = arith.constant 1 : i32
    %swap3A_152 = arith.index_cast %swap3A_151 : i32 to index
    %swap3A_153 = arith.constant 0 : index
    %swap3A_154 = tpu.vector_load %arg16[%swap3A_152, %swap3A_153] {strides = array<i32>} : memref<4x16xf32, #tpu.memory_space<vmem>>, vector<16xf32>,
    tpu.vector_store %arg16[%swap3A_152, %swap3A_153], %scan3A_64#1 {strides = array<i32>} : memref<4x16xf32, #tpu.memory_space<vmem>>, vector<16xf32>,
    %swap3A_155 = arith.constant 2 : i32
    %swap3A_156 = arith.index_cast %swap3A_155 : i32 to index
    %swap3A_157 = arith.constant 0 : index
    %swap3A_158 = tpu.vector_load %arg16[%swap3A_156, %swap3A_157] {strides = array<i32>} : memref<4x16xf32, #tpu.memory_space<vmem>>, vector<16xf32>,
    tpu.vector_store %arg16[%swap3A_156, %swap3A_157], %scan3A_146#0 {strides = array<i32>} : memref<4x16xf32, #tpu.memory_space<vmem>>, vector<16xf32>,
    %swap3A_159 = arith.constant 3 : i32
    %swap3A_160 = arith.index_cast %swap3A_159 : i32 to index
    %swap3A_161 = arith.constant 0 : index
    %swap3A_162 = tpu.vector_load %arg16[%swap3A_160, %swap3A_161] {strides = array<i32>} : memref<4x16xf32, #tpu.memory_space<vmem>>, vector<16xf32>,
    tpu.vector_store %arg16[%swap3A_160, %swap3A_161], %scan3A_146#1 {strides = array<i32>} : memref<4x16xf32, #tpu.memory_space<vmem>>, vector<16xf32>,
    "tpu.region"() ({
      %run_scoped3A_163 = tpu.sem_alloc : memref<!tpu.dma_semaphore, #tpu.memory_space<semaphore_mem>>
      %dma_start3A = arith.constant 0 : i32
      %dma_start3A_164 = arith.constant 0 : i32
      %dma_start3A_165 = tpu.memref_slice %arg4[%add3A, %dma_start3A, %dma_start3A_164] : memref<32x4x16xf32, #tpu.memory_space<hbm>> -> memref<1x4x16xf32, #tpu.memory_space<hbm>>
      %dma_start3A_166 = tpu.memref_squeeze %dma_start3A_165 : memref<1x4x16xf32, #tpu.memory_space<hbm>> -> memref<4x16xf32, #tpu.memory_space<hbm>>
      %dma_start3A_167 = arith.constant 0 : i32
      %dma_start3A_168 = arith.constant 0 : i32
      %dma_start3A_169 = tpu.memref_slice %arg4[%add3A, %dma_start3A_167, %dma_start3A_168] : memref<32x4x16xf32, #tpu.memory_space<hbm>> -> memref<1x4x16xf32, #tpu.memory_space<hbm>>
      %dma_start3A_170 = tpu.memref_squeeze %dma_start3A_169 : memref<1x4x16xf32, #tpu.memory_space<hbm>> -> memref<4x16xf32, #tpu.memory_space<hbm>>
      tpu.enqueue_dma source(%arg16 : memref<4x16xf32, #tpu.memory_space<vmem>>) target(%dma_start3A_170 : memref<4x16xf32, #tpu.memory_space<hbm>>) target_semaphore(%run_scoped3A_163 : memref<!tpu.dma_semaphore, #tpu.memory_space<semaphore_mem>>)
      %dma_wait3A = arith.constant 0 : i32
      %dma_wait3A_171 = arith.constant 0 : i32
      %dma_wait3A_172 = tpu.memref_slice %arg4[%add3A, %dma_wait3A, %dma_wait3A_171] : memref<32x4x16xf32, #tpu.memory_space<hbm>> -> memref<1x4x16xf32, #tpu.memory_space<hbm>>
      %dma_wait3A_173 = tpu.memref_squeeze %dma_wait3A_172 : memref<1x4x16xf32, #tpu.memory_space<hbm>> -> memref<4x16xf32, #tpu.memory_space<hbm>>
      %dma_wait3A_174 = arith.constant 0 : i32
      %dma_wait3A_175 = arith.constant 0 : i32
      %dma_wait3A_176 = tpu.memref_slice %arg4[%add3A, %dma_wait3A_174, %dma_wait3A_175] : memref<32x4x16xf32, #tpu.memory_space<hbm>> -> memref<1x4x16xf32, #tpu.memory_space<hbm>>
      %dma_wait3A_177 = tpu.memref_squeeze %dma_wait3A_176 : memref<1x4x16xf32, #tpu.memory_space<hbm>> -> memref<4x16xf32, #tpu.memory_space<hbm>>
      tpu.wait_dma2 semaphore(%run_scoped3A_163 : memref<!tpu.dma_semaphore, #tpu.memory_space<semaphore_mem>>) src(%arg16 : memref<4x16xf32, #tpu.memory_space<vmem>>) dst(%dma_wait3A_177 : memref<4x16xf32, #tpu.memory_space<hbm>>)
      tpu.yield
    }) : () -> ()
    return
  }
}

module attributes {stable_mosaic.version = 14 : i64} {
  func.func @_tc_body(%arg0: i32, %arg1: i32, %arg2: memref<1x3x768xf32, #tpu.memory_space<vmem>>, %arg3: memref<1x3x4096xf32, #tpu.memory_space<vmem>>, %arg4: memref<1x1x768xf32, #tpu.memory_space<vmem>>, %arg5: memref<1x1x4096xf32, #tpu.memory_space<vmem>>, %arg6: memref<1x1x4xf32, #tpu.memory_space<smem>>, %arg7: memref<1x4096xf32, #tpu.memory_space<vmem>>) attributes {dimension_semantics = [#tpu.dimension_semantics<arbitrary>, #tpu.dimension_semantics<arbitrary>], iteration_bounds = array<i64: 12, 9>, scalar_prefetch = 0 : i64, scratch_operands = 1 : i64, tpu.core_type = #tpu.core_type<tc>, window_params = [{transform_indices = @transform_0, window_bounds = array<i64: 1, 3, 768>}, {transform_indices = @transform_1, window_bounds = array<i64: 1, 3, 4096>}, {transform_indices = @transform_2, window_bounds = array<i64: 1, 1, 768>}, {transform_indices = @transform_3, window_bounds = array<i64: 1, 1, 4096>}, {transform_indices = @transform_4, window_bounds = array<i64: 1, 1, 4>}]} {
    %get3A = arith.constant 0 : index
    %get3A_0 = arith.constant 0 : index
    %get3A_1 = arith.constant 0 : index
    %get3A_2 = vector.load %arg2[%get3A, %get3A_0, %get3A_1] : memref<1x3x768xf32, #tpu.memory_space<vmem>>, vector<1x3x768xf32>
    %get3A_3 = vector.shape_cast %get3A_2 : vector<1x3x768xf32> to vector<3x768xf32>
    %get3A_4 = arith.constant 0 : index
    %get3A_5 = arith.constant 0 : index
    %get3A_6 = arith.constant 0 : index
    %get3A_7 = vector.load %arg3[%get3A_4, %get3A_5, %get3A_6] : memref<1x3x4096xf32, #tpu.memory_space<vmem>>, vector<1x3x4096xf32>
    %get3A_8 = vector.shape_cast %get3A_7 : vector<1x3x4096xf32> to vector<3x4096xf32>
    %mul3A = arith.mulf %get3A_3, %get3A_3 : vector<3x768xf32>
    %reduce_sum3A = arith.constant dense<0.000000e+00> : vector<768xf32>
    %reduce_sum3A_9 = vector.multi_reduction <add>, %mul3A, %reduce_sum3A [0] : vector<3x768xf32> to vector<768xf32>
    %broadcast_in_dim3A = vector.shape_cast %reduce_sum3A_9 : vector<768xf32> to vector<768x1xf32>
    %mul3A_10 = arith.mulf %get3A_8, %get3A_8 : vector<3x4096xf32>
    %reduce_sum3A_11 = arith.constant dense<0.000000e+00> : vector<4096xf32>
    %reduce_sum3A_12 = vector.multi_reduction <add>, %mul3A_10, %reduce_sum3A_11 [0] : vector<3x4096xf32> to vector<4096xf32>
    %broadcast_in_dim3A_13 = vector.shape_cast %reduce_sum3A_12 : vector<4096xf32> to vector<1x4096xf32>
    %dot_general3A = arith.constant dense<0.000000e+00> : vector<768x4096xf32>
    %dot_general3A_14 = tpu.matmul %get3A_3, %get3A_8, %dot_general3A {dimension_numbers = #tpu.dot_dimension_numbers<[0], [0], [1], [1], [0, 1, 1, 1], [], []>, transpose_lhs_hint = false} : vector<3x768xf32>, vector<3x4096xf32>, vector<768x4096xf32> -> vector<768x4096xf32>
    %add3A = vector.broadcast %broadcast_in_dim3A : vector<768x1xf32> to vector<768x4096xf32>
    %add3A_15 = vector.broadcast %broadcast_in_dim3A_13 : vector<1x4096xf32> to vector<768x4096xf32>
    %add3A_16 = arith.addf %add3A, %add3A_15 : vector<768x4096xf32>
    %mul3A_17 = arith.constant 2.000000e+00 : f32
    %mul3A_18 = vector.broadcast %mul3A_17 : f32 to vector<768x4096xf32>
    %mul3A_19 = arith.mulf %mul3A_18, %dot_general3A_14 : vector<768x4096xf32>
    %sub3A = arith.subf %add3A_16, %mul3A_19 : vector<768x4096xf32>
    %eq3A = arith.constant 0 : i32
    %eq3A_20 = arith.cmpi eq, %arg1, %eq3A : i32
    %convert_element_type3A = arith.extui %eq3A_20 : i1 to i32
    %cond3A = arith.constant 0 : i32
    %cond3A_21 = arith.cmpi ne, %convert_element_type3A, %cond3A : i32
    scf.if %cond3A_21 {
      %broadcast_in_dim3A_72 = arith.constant 0x7F800000 : f32
      %broadcast_in_dim3A_73 = vector.broadcast %broadcast_in_dim3A_72 : f32 to vector<1x4096xf32>
      %swap3A_74 = arith.constant 0 : index
      %swap3A_75 = arith.constant 0 : index
      %swap3A_76 = vector.load %arg7[%swap3A_74, %swap3A_75] : memref<1x4096xf32, #tpu.memory_space<vmem>>, vector<1x4096xf32>
      tpu.vector_store %arg7[%swap3A_74, %swap3A_75], %broadcast_in_dim3A_73 {strides = array<i32>} : memref<1x4096xf32, #tpu.memory_space<vmem>>, vector<1x4096xf32>,
      %swap3A_77 = arith.constant 0.000000e+00 : f32
      %swap3A_78 = arith.constant 0 : index
      %swap3A_79 = arith.constant 0 : index
      %swap3A_80 = arith.constant 0 : index
      %swap3A_81 = memref.load %arg6[%swap3A_78, %swap3A_79, %swap3A_80] : memref<1x1x4xf32, #tpu.memory_space<smem>>
      memref.store %swap3A_77, %arg6[%swap3A_78, %swap3A_79, %swap3A_80] : memref<1x1x4xf32, #tpu.memory_space<smem>>
      %swap3A_82 = arith.constant 0.000000e+00 : f32
      %swap3A_83 = arith.constant 0 : index
      %swap3A_84 = arith.constant 0 : index
      %swap3A_85 = arith.constant 1 : index
      %swap3A_86 = memref.load %arg6[%swap3A_83, %swap3A_84, %swap3A_85] : memref<1x1x4xf32, #tpu.memory_space<smem>>
      memref.store %swap3A_82, %arg6[%swap3A_83, %swap3A_84, %swap3A_85] : memref<1x1x4xf32, #tpu.memory_space<smem>>
      %swap3A_87 = arith.constant 0.000000e+00 : f32
      %swap3A_88 = arith.constant 0 : index
      %swap3A_89 = arith.constant 0 : index
      %swap3A_90 = arith.constant 2 : index
      %swap3A_91 = memref.load %arg6[%swap3A_88, %swap3A_89, %swap3A_90] : memref<1x1x4xf32, #tpu.memory_space<smem>>
      memref.store %swap3A_87, %arg6[%swap3A_88, %swap3A_89, %swap3A_90] : memref<1x1x4xf32, #tpu.memory_space<smem>>
      %swap3A_92 = arith.constant 0.000000e+00 : f32
      %swap3A_93 = arith.constant 0 : index
      %swap3A_94 = arith.constant 0 : index
      %swap3A_95 = arith.constant 3 : index
      %swap3A_96 = memref.load %arg6[%swap3A_93, %swap3A_94, %swap3A_95] : memref<1x1x4xf32, #tpu.memory_space<smem>>
      memref.store %swap3A_92, %arg6[%swap3A_93, %swap3A_94, %swap3A_95] : memref<1x1x4xf32, #tpu.memory_space<smem>>
    } else {
    }
    %get3A_22 = arith.constant 0 : index
    %get3A_23 = arith.constant 0 : index
    %get3A_24 = arith.constant 0 : index
    %get3A_25 = vector.load %arg4[%get3A_22, %get3A_23, %get3A_24] : memref<1x1x768xf32, #tpu.memory_space<vmem>>, vector<1x1x768xf32>
    %get3A_26 = vector.shape_cast %get3A_25 : vector<1x1x768xf32> to vector<768xf32>
    %reduce_min3A = arith.constant dense<0x7F800000> : vector<768xf32>
    %reduce_min3A_27 = vector.multi_reduction <minimumf>, %sub3A, %reduce_min3A [1] : vector<768x4096xf32> to vector<768xf32>
    %max3A = arith.constant 0.000000e+00 : f32
    %max3A_28 = vector.broadcast %max3A : f32 to vector<768xf32>
    %max3A_29 = arith.maximumf %reduce_min3A_27, %max3A_28 : vector<768xf32>
    %get3A_30 = arith.constant 0 : index
    %get3A_31 = arith.constant 0 : index
    %get3A_32 = arith.constant 0 : index
    %get3A_33 = memref.load %arg6[%get3A_30, %get3A_31, %get3A_32] : memref<1x1x4xf32, #tpu.memory_space<smem>>
    %mul3A_34 = arith.mulf %get3A_26, %max3A_29 : vector<768xf32>
    %reduce_sum3A_35 = vector.shape_cast %mul3A_34 : vector<768xf32> to vector<1x768xf32>
    %reduce_sum3A_36 = arith.constant dense<0.000000e+00> : vector<1xf32>
    %reduce_sum3A_37 = vector.multi_reduction <add>, %reduce_sum3A_35, %reduce_sum3A_36 [1] : vector<1x768xf32> to vector<1xf32>
    %reduce_sum3A_38 = vector.shape_cast %reduce_sum3A_37 : vector<1xf32> to vector<1x1xf32>
    %reduce_sum3A_39 = vector.extract %reduce_sum3A_38[0, 0] : f32 from vector<1x1xf32>
    %add3A_40 = arith.addf %get3A_33, %reduce_sum3A_39 : f32
    %swap3A = arith.constant 0 : index
    %swap3A_41 = arith.constant 0 : index
    %swap3A_42 = arith.constant 0 : index
    %swap3A_43 = memref.load %arg6[%swap3A, %swap3A_41, %swap3A_42] : memref<1x1x4xf32, #tpu.memory_space<smem>>
    memref.store %add3A_40, %arg6[%swap3A, %swap3A_41, %swap3A_42] : memref<1x1x4xf32, #tpu.memory_space<smem>>
    %get3A_44 = arith.constant 0 : index
    %get3A_45 = arith.constant 0 : index
    %get3A_46 = arith.constant 1 : index
    %get3A_47 = memref.load %arg6[%get3A_44, %get3A_45, %get3A_46] : memref<1x1x4xf32, #tpu.memory_space<smem>>
    %reduce_sum3A_48 = vector.shape_cast %get3A_26 : vector<768xf32> to vector<1x768xf32>
    %reduce_sum3A_49 = arith.constant dense<0.000000e+00> : vector<1xf32>
    %reduce_sum3A_50 = vector.multi_reduction <add>, %reduce_sum3A_48, %reduce_sum3A_49 [1] : vector<1x768xf32> to vector<1xf32>
    %reduce_sum3A_51 = vector.shape_cast %reduce_sum3A_50 : vector<1xf32> to vector<1x1xf32>
    %reduce_sum3A_52 = vector.extract %reduce_sum3A_51[0, 0] : f32 from vector<1x1xf32>
    %add3A_53 = arith.addf %get3A_47, %reduce_sum3A_52 : f32
    %swap3A_54 = arith.constant 0 : index
    %swap3A_55 = arith.constant 0 : index
    %swap3A_56 = arith.constant 1 : index
    %swap3A_57 = memref.load %arg6[%swap3A_54, %swap3A_55, %swap3A_56] : memref<1x1x4xf32, #tpu.memory_space<smem>>
    memref.store %add3A_53, %arg6[%swap3A_54, %swap3A_55, %swap3A_56] : memref<1x1x4xf32, #tpu.memory_space<smem>>
    %get3A_58 = arith.constant 0 : index
    %get3A_59 = arith.constant 0 : index
    %get3A_60 = vector.load %arg7[%get3A_58, %get3A_59] : memref<1x4096xf32, #tpu.memory_space<vmem>>, vector<1x4096xf32>
    %reduce_min3A_61 = arith.constant dense<0x7F800000> : vector<4096xf32>
    %reduce_min3A_62 = vector.multi_reduction <minimumf>, %sub3A, %reduce_min3A_61 [0] : vector<768x4096xf32> to vector<4096xf32>
    %broadcast_in_dim3A_63 = vector.shape_cast %reduce_min3A_62 : vector<4096xf32> to vector<1x4096xf32>
    %min3A = arith.minimumf %get3A_60, %broadcast_in_dim3A_63 : vector<1x4096xf32>
    %swap3A_64 = arith.constant 0 : index
    %swap3A_65 = arith.constant 0 : index
    %swap3A_66 = vector.load %arg7[%swap3A_64, %swap3A_65] : memref<1x4096xf32, #tpu.memory_space<vmem>>, vector<1x4096xf32>
    tpu.vector_store %arg7[%swap3A_64, %swap3A_65], %min3A {strides = array<i32>} : memref<1x4096xf32, #tpu.memory_space<vmem>>, vector<1x4096xf32>,
    %eq3A_67 = arith.constant 8 : i32
    %eq3A_68 = arith.cmpi eq, %arg1, %eq3A_67 : i32
    %convert_element_type3A_69 = arith.extui %eq3A_68 : i1 to i32
    %cond3A_70 = arith.constant 0 : i32
    %cond3A_71 = arith.cmpi ne, %convert_element_type3A_69, %cond3A_70 : i32
    scf.if %cond3A_71 {
      %get3A_72 = arith.constant 0 : index
      %get3A_73 = arith.constant 0 : index
      %get3A_74 = arith.constant 0 : index
      %get3A_75 = vector.load %arg5[%get3A_72, %get3A_73, %get3A_74] : memref<1x1x4096xf32, #tpu.memory_space<vmem>>, vector<1x1x4096xf32>
      %get3A_76 = vector.shape_cast %get3A_75 : vector<1x1x4096xf32> to vector<4096xf32>
      %get3A_77 = arith.constant 0 : index
      %get3A_78 = arith.constant 0 : index
      %get3A_79 = vector.load %arg7[%get3A_77, %get3A_78] : memref<1x4096xf32, #tpu.memory_space<vmem>>, vector<1x4096xf32>
      %get3A_80 = vector.shape_cast %get3A_79 : vector<1x4096xf32> to vector<4096xf32>
      %max3A_81 = arith.constant 0.000000e+00 : f32
      %max3A_82 = vector.broadcast %max3A_81 : f32 to vector<4096xf32>
      %max3A_83 = arith.maximumf %get3A_80, %max3A_82 : vector<4096xf32>
      %mul3A_84 = arith.mulf %get3A_76, %max3A_83 : vector<4096xf32>
      %reduce_sum3A_85 = vector.shape_cast %mul3A_84 : vector<4096xf32> to vector<1x4096xf32>
      %reduce_sum3A_86 = arith.constant dense<0.000000e+00> : vector<1xf32>
      %reduce_sum3A_87 = vector.multi_reduction <add>, %reduce_sum3A_85, %reduce_sum3A_86 [1] : vector<1x4096xf32> to vector<1xf32>
      %reduce_sum3A_88 = vector.shape_cast %reduce_sum3A_87 : vector<1xf32> to vector<1x1xf32>
      %reduce_sum3A_89 = vector.extract %reduce_sum3A_88[0, 0] : f32 from vector<1x1xf32>
      %swap3A_90 = arith.constant 0 : index
      %swap3A_91 = arith.constant 0 : index
      %swap3A_92 = arith.constant 2 : index
      %swap3A_93 = memref.load %arg6[%swap3A_90, %swap3A_91, %swap3A_92] : memref<1x1x4xf32, #tpu.memory_space<smem>>
      memref.store %reduce_sum3A_89, %arg6[%swap3A_90, %swap3A_91, %swap3A_92] : memref<1x1x4xf32, #tpu.memory_space<smem>>
      %reduce_sum3A_94 = vector.shape_cast %get3A_76 : vector<4096xf32> to vector<1x4096xf32>
      %reduce_sum3A_95 = arith.constant dense<0.000000e+00> : vector<1xf32>
      %reduce_sum3A_96 = vector.multi_reduction <add>, %reduce_sum3A_94, %reduce_sum3A_95 [1] : vector<1x4096xf32> to vector<1xf32>
      %reduce_sum3A_97 = vector.shape_cast %reduce_sum3A_96 : vector<1xf32> to vector<1x1xf32>
      %reduce_sum3A_98 = vector.extract %reduce_sum3A_97[0, 0] : f32 from vector<1x1xf32>
      %swap3A_99 = arith.constant 0 : index
      %swap3A_100 = arith.constant 0 : index
      %swap3A_101 = arith.constant 3 : index
      %swap3A_102 = memref.load %arg6[%swap3A_99, %swap3A_100, %swap3A_101] : memref<1x1x4xf32, #tpu.memory_space<smem>>
      memref.store %reduce_sum3A_98, %arg6[%swap3A_99, %swap3A_100, %swap3A_101] : memref<1x1x4xf32, #tpu.memory_space<smem>>
    } else {
    }
    return
  }
  func.func @transform_0(%arg0: i32, %arg1: i32) -> (i32, i32, i32) {
    %c0_i32 = arith.constant 0 : i32
    %c0_i32_0 = arith.constant 0 : i32
    return %arg0, %c0_i32, %arg1 : i32, i32, i32
  }
  func.func @transform_1(%arg0: i32, %arg1: i32) -> (i32, i32, i32) {
    %c0_i32 = arith.constant 0 : i32
    %c0_i32_0 = arith.constant 0 : i32
    %c0_i32_1 = arith.constant 0 : i32
    return %arg0, %c0_i32, %c0_i32_0 : i32, i32, i32
  }
  func.func @transform_2(%arg0: i32, %arg1: i32) -> (i32, i32, i32) {
    %c0_i32 = arith.constant 0 : i32
    %c0_i32_0 = arith.constant 0 : i32
    return %arg0, %c0_i32, %arg1 : i32, i32, i32
  }
  func.func @transform_3(%arg0: i32, %arg1: i32) -> (i32, i32, i32) {
    %c0_i32 = arith.constant 0 : i32
    %c0_i32_0 = arith.constant 0 : i32
    %c0_i32_1 = arith.constant 0 : i32
    return %arg0, %c0_i32, %c0_i32_0 : i32, i32, i32
  }
  func.func @transform_4(%arg0: i32, %arg1: i32) -> (i32, i32, i32) {
    %c0_i32 = arith.constant 0 : i32
    %c0_i32_0 = arith.constant 0 : i32
    %c0_i32_1 = arith.constant 0 : i32
    return %arg0, %c0_i32, %c0_i32_0 : i32, i32, i32
  }
}

</mosaic_0001>

<sc_bundles>
// kernel: kernel.4.cloned.1.call-start
scs
__scs_entry_jumppad:
0x0: {  	(pc) =	sbr.rel $0x88, $3  }
0x1: {  	(tag) =	ssettag $0x0;
	lr =	simm.s32 $0x1  }
0x2: {  	[smem:$0x3F9D] =	sst lr;
	_ =	strace $0xD0000000  }
0x3: {  	_ = 	snop  }
0x4: {  	_ = 	snop  }
0x5: {  	_ = 	snop  }
0x6: {  	_ = 	snop  }
0x7: {  	_ = 	snop  }
__scs_overlays_trampoline_lowered:
0x8: {  	[smem:$0x3FAC] =	sst s0  }
0x9: {  	[smem:$0x3FAD] =	sst s1  }
0xa: {  	[smem:$0x3FAE] =	sst s2  }
0xb: {  	[smem:$0x3FAF] =	sst s3  }
0xc: {  	[smem:$0x3FB0] =	sst s4  }
0xd: {  	[smem:$0x3FB1] =	sst s5  }
0xe: {  	[smem:$0x3FB2] =	sst s6  }
0xf: {  	[smem:$0x3FB3] =	sst s7  }
0x10: {  	[smem:$0x3FB4] =	sst s8  }
0x11: {  	[smem:$0x3FB5] =	sst s9;
	s0 =	simm.s32 @!p0 $0x0  }
0x12: {  	s1 =	sld [smem:$0x3F9B];
	s0 =	simm.s32 @p0 $0x1  }
0x13: {  	[smem:$0x3FB6] =	sst s0;
	s0 =	simm.s32 @!p1 $0x0  }
0x14: {  	s2 =	sld [smem:$0x3F9A];
	s0 =	simm.s32 @p1 $0x1  }
0x15: {  	[smem:$0x3FB7] =	sst s0;
	s0 =	simm.s32 @!p2 $0x0  }
0x16: {  	s3 =	sld [smem:$0x3FDB];
	s0 =	simm.s32 @p2 $0x1  }
0x17: {  	s4 =	simm.s32 $0x1BF5;
	[smem:$0x3FB9] =	sst s0  }
0x18: {  	s0 =	sld [smem:$0x3F9C];
	_ =	swait.ge [sflag:s4], $0x0  }
0x19: {  	s7 =	sld [smem:$0x3F9D]  }
0x1a: {  	s8 =	sadd.s32 $0xFFFFE003, lr  }
0x1b: {  	s9 =	sadd.s32 $0xFFFFFEF7, lr;
	s5 =	simm.s32 $0xFFFFFFFF;
	p2 =	slt.u32 s8, $0xFFFFF086  }
0x1c: {  	p1 =	slt.u32 s9, $0xF7A;
	s5 =	simm.s32 @!p2 $0x0  }
0x1d: {  	s5 =	simm.s32 @p1 $0x1;
	p0 =	seq.s32 s7, s2  }
0x1e: {  	s7 =	smul.u32 @!p0 $0xF7A, s2;
	p2 =	seq.s32 @!p0 s5, $0x0  }
0x1f: {  	s9 =	smul.u32 $0xF7A, s1;
	s8 =	simm.s32 @!p0 $0x1BF5;
	p2 =	por !p2, p0  }
0x20: {  	[sflag:s8] =	ssyncset.s32 @!p0 $0xFFFFF086;
	s6 =	sadd.s32 @!p0 s3, s7;
	s7 =	simm.s32 @!p0 $0x108  }
0x21: {  	s3 =	sadd.s32 s3, s9;
	s6 =	sadd.s32 @!p0 $0x88, s6;
	s7 =	simm.s32 @p2 $0x1082  }
0x22: {  	[simem:s7], [sflag:s8] =	dma.local @!p0 [hbm:s6], $0xF7A  }
0x23: {  	s9 =	sor.u32 $0xD0000000, s2;
	s6 =	simm.s32 $0x108;
	_ =	swait.ge @!p0 [sflag:s8], $0x0  }
0x24: {  	s3 =	sadd.s32 $0x88, s3;
	s6 =	simm.s32 @!p1 $0x1082;
	[sflag:s4] =	ssyncset.s32 $0xFFFFF086  }
0x25: {  	[simem:s6], [sflag:s4] =	dma.local [hbm:s3], $0xF7A  }
0x26: {  	[smem:$0x3F9D] =	sst s1;
	(tag) =	ssettag s2;
	_ =	strace s9  }
0x27: {  	s1 =	sld [smem:$0x3FAD]  }
0x28: {  	s2 =	sld [smem:$0x3FAE]  }
0x29: {  	s4 =	sld [smem:$0x3FB0]  }
0x2a: {  	p0 =	seq.s32 s5, $0x0;
	s5 =	sld [smem:$0x3FB1]  }
0x2b: {  	s6 =	sld [smem:$0x3FB2]  }
0x2c: {  	s7 =	sld [smem:$0x3FB3]  }
0x2d: {  	s3 =	simm.s32 $0x108;
	s8 =	sld [smem:$0x3FB4]  }
0x2e: {  	s3 =	simm.s32 @!p0 $0x1082;
	s9 =	sld [smem:$0x3FB5]  }
0x2f: {  	lr =	sadd.s32 s0, s3;
	s0 =	sld [smem:$0x3FAC]  }
0x30: {  	s3 =	sld [smem:$0x3FAF]  }
0x31: {  	[smem:$0x3FB8] =	sst s10  }
0x32: {  	s10 =	sld [smem:$0x3FB6];
	_ =	sdelay $0x3  }
0x33: {  	p0 =	seq.s32 s10, $0x1;
	s10 =	sld [smem:$0x3FB8];
	_ =	sdelay $0x3  }
0x34: {  	[smem:$0x3FB8] =	sst s10  }
0x35: {  	s10 =	sld [smem:$0x3FB7];
	_ =	sdelay $0x3  }
0x36: {  	p1 =	seq.s32 s10, $0x1;
	s10 =	sld [smem:$0x3FB8];
	_ =	sdelay $0x3  }
0x37: {  	[smem:$0x3FB8] =	sst s10  }
0x38: {  	s10 =	sld [smem:$0x3FB9]  }
0x39: {  	_ = 	snop;
	(pc) =	sbr.ind lr, $3  }
0x3a: {  	_ = 	snop  }
0x3b: {  	_ = 	snop  }
0x3c: {  	p2 =	seq.s32 s10, $0x1;
	s10 =	sld [smem:$0x3FB8]  }
0x3d: {  	_ =	shalt  }
0x3e: {  	_ =	shalt  }
0x3f: {  	_ =	shalt  }
0x40: {  	_ =	shalt  }
0x41: {  	_ =	shalt  }
0x42: {  	_ =	shalt  }
0x43: {  	_ =	shalt  }
0x44: {  	_ =	shalt  }
0x45: {  	_ =	shalt  }
0x46: {  	_ =	shalt  }
0x47: {  	_ =	shalt  }
0x48: {  	_ =	shalt  }
0x49: {  	_ =	shalt  }
0x4a: {  	_ =	shalt  }
0x4b: {  	_ =	shalt  }
0x4c: {  	_ =	shalt  }
0x4d: {  	_ =	shalt  }
0x4e: {  	_ =	shalt  }
0x4f: {  	_ =	shalt  }
0x50: {  	_ =	shalt  }
0x51: {  	_ =	shalt  }
0x52: {  	_ =	shalt  }
0x53: {  	_ =	shalt  }
0x54: {  	_ =	shalt  }
0x55: {  	_ =	shalt  }
0x56: {  	_ =	shalt  }
0x57: {  	_ =	shalt  }
0x58: {  	_ =	shalt  }
0x59: {  	_ =	shalt  }
0x5a: {  	_ =	shalt  }
0x5b: {  	_ =	shalt  }
0x5c: {  	_ =	shalt  }
0x5d: {  	_ =	shalt  }
0x5e: {  	_ =	shalt  }
0x5f: {  	_ =	shalt  }
0x60: {  	_ =	shalt  }
0x61: {  	_ =	shalt  }
0x62: {  	_ =	shalt  }
0x63: {  	_ =	shalt  }
0x64: {  	_ =	shalt  }
0x65: {  	_ =	shalt  }
0x66: {  	_ =	shalt  }
0x67: {  	_ =	shalt  }
0x68: {  	_ =	shalt  }
0x69: {  	_ =	shalt  }
0x6a: {  	_ =	shalt  }
0x6b: {  	_ =	shalt  }
0x6c: {  	_ =	shalt  }
0x6d: {  	_ =	shalt  }
0x6e: {  	_ =	shalt  }
0x6f: {  	_ =	shalt  }
0x70: {  	_ =	shalt  }
0x71: {  	_ =	shalt  }
0x72: {  	_ =	shalt  }
0x73: {  	_ =	shalt  }
0x74: {  	_ =	shalt  }
0x75: {  	_ =	shalt  }
0x76: {  	_ =	shalt  }
0x77: {  	_ =	shalt  }
0x78: {  	_ =	shalt  }
0x79: {  	_ =	shalt  }
0x7a: {  	_ =	shalt  }
0x7b: {  	_ =	shalt  }
0x7c: {  	_ =	shalt  }
0x7d: {  	_ =	shalt  }
0x7e: {  	_ =	shalt  }
0x7f: {  	_ =	shalt  }
0x80: {  	_ =	shalt  }
0x81: {  	_ =	shalt  }
0x82: {  	_ =	shalt  }
0x83: {  	_ =	shalt  }
0x84: {  	_ =	shalt  }
0x85: {  	_ =	shalt  }
0x86: {  	_ =	shalt  }
0x87: {  	_ =	shalt  }
.Lfunc_end0:
.L_simem_size_0:
called_computation_lowered:
.L_overlay_start_0:
0x88: {  	s2 =	sld [smem:$0x3FD9]  }
0x89: {  	s3 =	sld [smem:$0x3FFE];
	_ =	sdelay $0x1  }
0x8a: {  	s1 =	srdreg.scid  }
0x8b: {  	s0 =	sand.u32 $0x1, s1  }
0x8c: {  	s16 =	sshll.u32 s0, $0xA;
	s2 =	sadd.s32 s3, s2  }
0x8d: {  	s2 =	sadd.s32 s2, s16  }
0x8e: {  	[smem:$0x3FC4] =	sst s2  }
0x8f: {  	_ = 	snop  }
0x90: {  	(tm) =	ssettm $0x1  }
0x91: {  	s17 =	sld [smem:$0x3FFB];
	_ =	sdelay $0x3  }
0x92: {  	_ =	strace s17  }
0x93: {  	s2 =	sld [smem:$0x3FFC];
	_ =	sdelay $0x3  }
0x94: {  	_ =	strace s2  }
0x95: {  	s2 =	sld [smem:$0x3FFD];
	_ =	sdelay $0x3  }
0x96: {  	_ =	strace s2  }
0x97: {  	_ =	strace $0x8FFFFFFF  }
0x98: {  	s18 =	sld [smem:$0x3FDB];
	_ =	sdelay $0x1  }
0x99: {  	s19 =	simm.s32 $_scs_section_size  }
0x9a: {  	s4 =	simm.s32 $_size__tile_overlayer_lowered;
	s5 =	simm.s32 $_tile_overlayer_lowered  }
0x9b: {  	s22 =	simm.s32 $0x1BFF;
	s21 =	sshll.u32 s5, $0x1;
	s2 =	sadd.s32 s19, s18  }
0x9c: {  	s6 =	simm.s32 $0x0;
	s20 =	sshll.u32 s4, $0x1;
	s4 =	sadd.s32 s21, s2  }
0x9d: {  	[timem:s6], [sflag:s22] =	dma.local [hbm:s4], s20  }
0x9e: {  	_ =	swait.ge [sflag:s22], s20  }
0x9f: {  	s3 =	ssub.s32 $0x0, s20;
	[sflag:s22] =	ssyncset.done $0x0  }
0xa0: {  	[sflag:s22] =	ssyncadd.s32 s3;
	_ =	sdelay $0x1  }
0xa1: {  	s23 =	simm.s32 $0x1B8B  }
0xa2: {  	_ =	swait.ge [sflag:s23], $0x1  }
0xa3: {  	[sflag:s23] =	ssyncset.done $0x0  }
0xa4: {  	s25 =	simm.s32 $0x1B8E;
	s24 =	sld [smem:$0x3FFE];
	[sflag:s23] =	ssyncadd.s32 $0xFFFFFFFF  }
0xa5: {  	s26 =	simm.s32 $execute0_lowered;
	[smem:$0x3FD2] =	sst s25  }
0xa6: {  	s4 =	sshll.u32 s26, $0x1;
	_ =	strace $0x80000046;
	[dreg:$0x1] =	wrdreg $0xFFFFFFFF  }
0xa7: {  	s28 =	simm.s32 $_size_execute0_lowered;
	s2 =	sadd.s32 s2, s4;
	[dreg:$0x0] =	wrdreg $0x0  }
0xa8: {  	s4 =	sshll.u32 s28, $0x1;
	[dreg:$0x2] =	wrdreg s2  }
0xa9: {  	[dreg:$0x3] =	wrdreg s4  }
0xaa: {  	[dreg:$0x4] =	wrdreg $0xC0  }
0xab: {  	_ =	task [dreg:s6], $0x5FFFF  }
0xac: {  	[dreg:$0x1] =	wrdreg $0xFFFFFFFF  }
0xad: {  	[dreg:$0x0] =	wrdreg $0x60  }
0xae: {  	[dreg:$0x2] =	wrdreg s24  }
0xaf: {  	[dreg:$0x3] =	wrdreg $0x173800  }
0xb0: {  	[dreg:$0x4] =	wrdreg $0x9  }
0xb1: {  	_ =	task.clear_ibuf [dreg:s6], $0x5FFFF;
	_ =	strace $0x90000046  }
0xb2: {  	s29 =	simm.s32 $0x9;
	_ =	strace $0x80000048  }
0xb3: {  	_ =	swait.ge [sflag:s29], $0x1  }
0xb4: {  	[sflag:s29] =	ssyncadd.s32 $0xFFFFFFFF  }
0xb5: {  	_ =	strace $0x90000048  }
0xb6: {  	_ =	sfence  }
0xb7: {  	s30 =	sld [smem:$0x0];
	_ =	sdelay $0x2  }
0xb8: {  	s31 =	sshll.u32 s1, $0xD;
	s1 =	sshrl.u32 s1, $0x2  }
0xb9: {  	s3 =	sand.u32 $0x4000, s31;
	s1 =	sadd.s32 s1, s30  }
0xba: {  	s0 =	sor.u32 s3, s0;
	s1 =	sshll.u32 s1, $0x11  }
0xbb: {  	s0 =	sor.u32 s1, s0  }
0xbc: {  	s0 =	sadd.s32 $0x8F2B, s0  }
0xbd: {  	[sflag:s0] =	ssyncadd.remote.s32 $0x1  }
0xbe: {  	_ =	sfence.sel $0xFFFF  }
0xbf: {  	[dreg:$0x0] =	wrdreg $0xFFFFFFFF;
	(pc) =	sbr.abs _section_cstart, $3  }
0xc0: {  	[dreg:$0x1] =	wrdreg $0xFFFFFFFF  }
0xc1: {  	_ =	task.clear_ibuf [dreg:s6], $0x2FFFF;
	_ =	strace $0x9FFFFFFF  }
0xc2: {  	(tm) =	ssettm $0x7FFFFFFF  }
0xc3: {  	_ =	shalt  }
tec
execute0_lowered:
.L_overlay_start_1:
0x0: {  	(tag) =	ssettag $0x1  }
0x1: {  	s0 =	rddreg [dreg:$0x0]  }
0x2: {  	s1 =	rddreg [dreg:$0x1]  }
0x3: {  	s2 =	simm.s32 $0x0;
	s3 =	srdreg.scid;
	s23 =	stileid.u32  }
0x4: {  	s28 =	simm.s32 $0x400;
	s31 =	simm.s32 $0x0;
	[smem:$0x7FF] =	sst s2  }
0x5: {  	s3 =	sand.u32 $0x1, s3;
	s8 =	sshrl.u32 s23, $0x3;
	s13 =	sand.u32 $0x7, s23  }
0x6: {  	s24 =	sshll.u32 s23, $0xC;
	s25 =	sshll.u32 s23, $0x7;
	s14 =	sand.u32 $0x8, s23  }
0x7: {  	_ =	strace $0x80000047;
	s4 =	sshll.u32 s3, $0xC;
	s5 =	sshll.u32 s8, $0xB  }
0x8: {  	s6 =	sshll.u32 s3, $0x4;
	s3 =	ssub.s32 $0x2, s3;
	s10 =	sshll.u32 s8, $0xF  }
0x9: {  	s29 =	sshll.u32 s13, $0xC;
	s30 =	sshll.u32 s13, $0x9;
	s20 =	sor.u32 $0x1, s14  }
0xa: {  	s21 =	sor.u32 $0x2, s14;
	p0 =	seq.s32 s14, s23;
	s4 =	sor.u32 s4, s5  }
0xb: {  	s22 =	sor.u32 s23, s6;
	s7 =	sshrl.u32 s3, $0x1;
	s26 =	sadd.s32 s10, s1  }
0xc: {  	s10 =	sor.u32 $0x16180, s30;
	p2 =	seq.s32 s21, s23;
	s30 =	sadd.s32 $0x3E00, s30  }
0xd: {  	s21 =	simm.s32 $0x80;
	s6 =	sshll.u32 s22, $0x6;
	s5 =	smul.u32 $0x1C0, s22  }
0xe: {  	s9 =	sadd.s32 s4, s0;
	s12 =	ssub.s32 s3, s7;
	s18 =	sadd.s32 s29, s26  }
0xf: {  	s22 =	sor.u32 $0x3, s14;
	s11 =	sadd.s32 s6, s0;
	s4 =	sadd.s32 $0x3800, s9  }
0x10: {  	s6 =	sadd.s32 $0x3820, s9;
	s7 =	sadd.s32 $0x3830, s9;
	s15 =	sadd.s32 $0x100, s18  }
0x11: {  	s16 =	sadd.s32 $0x180, s18;
	s17 =	sadd.s32 $0x200, s18;
	s19 =	sadd.s32 $0x280, s18  }
0x12: {  	s26 =	sadd.s32 $0x300, s18;
	[dreg:$0x3] =	wrdreg s18;
	s29 =	sadd.s32 $0x380, s18  }
0x13: {  	p3 =	seq.s32 s22, s23;
	s22 =	simm.s32 $0x200;
	[dreg:$0x5] =	wrdreg s15  }
0x14: {  	s3 =	sadd.s32 s0, s5;
	s5 =	sadd.s32 $0x3810, s9;
	[dreg:$0x6] =	wrdreg s16  }
0x15: {  	s0 =	sand.u32 $0x8000, s24;
	s9 =	sand.u32 $0x380, s25;
	[dreg:$0x7] =	wrdreg s17  }
0x16: {  	s24 =	sor.u32 $0x4, s14;
	s25 =	sor.u32 $0x5, s14;
	[dreg:$0x8] =	wrdreg s19  }
0x17: {  	s19 =	simm.s32 @!p0 $0x0;
	s14 =	sor.u32 $0x6, s14;
	[dreg:$0x9] =	wrdreg s26  }
0x18: {  	v1 =	vimm.f32 $3.000000010e+38;
	vm0 =	vmmov $0x1;
	vm1 =	vmmov $0x3;
	[dreg:$0xa] =	wrdreg s29;
	s0 =	sadd.s32 s0, s1;
	s1 =	sadd.s32 $0x80, s18  }
0x19: {  	vm2 =	vmmov $0x7;
	vm3 =	vmmov $0xf;
	vm4 =	vmmov $0x1f;
	s19 =	simm.s32 @p0 $0x1;
	p0 =	seq.s32 s20, s23;
	s18 =	sadd.s32 $0x5800, s11  }
0x1a: {  	vm5 =	vmmov $0x3f;
	vm6 =	vmmov $0x7f;
	vm7 =	vmmov $0xff;
	s20 =	simm.s32 $0x1;
	p4 =	seq.s32 s24, s23;
	p5 =	seq.s32 s25, s23  }
0x1b: {  	vm8 =	vmmov $0x1ff;
	vm9 =	vmmov $0x3ff;
	v2 =	vmov s10;
	s8 =	sadd.s32 s9, s0;
	[dreg:$0x4] =	wrdreg s1;
	s0 =	simm.s32 @!p0 $0x0  }
0x1c: {  	vm10 =	vmmov $0x7ff;
	vm11 =	vmmov $0xfff;
	v0 =	vmov s30;
	p6 =	seq.s32 s14, s23;
	[smem:$0x7FC] =	sst s19;
	s0 =	simm.s32 @p0 $0x1  }
0x1d: {  	vm12 =	vmmov $0x1fff;
	vm13 =	vmmov $0x3fff;
	vm14 =	vmmov $0x7fff;
	s19 =	smax.u32 s12, $0x1;
	p0 =	seq.s32 s13, $0x7;
	[smem:$0x7FD] =	sst s0  }
.LBB2_1:
0x1e: {  	[tilespmem:s2], [sflag:$0x1] =	stream.linear.gather [hbm4b:s3+s2], $0xE00, $0x38;
	[tilespmem:$0x18580] =	vst v63  }
0x1f: {  	_ =	swait.ge [sflag:s20], $0xE00  }
0x20: {  	[sflag:s20] =	ssyncset.done $0x0  }
0x21: {  	s0 =	simm.s32 $0xE00;
	[sflag:s20] =	ssyncadd.s32 $0xFFFFF200  }
0x22: {  	[tilespmem:s0], [sflag:$0x1] =	stream.strided.gather [hbm4b:s4+s21], $0x1000, s22, s21, $0x38;
	[tilespmem:$0x18580] =	vst v63  }
0x23: {  	_ =	swait.ge [sflag:s20], $0x1000  }
0x24: {  	[sflag:s20] =	ssyncset.done $0x0  }
0x25: {  	s25 =	simm.s32 $0x1E00;
	[sflag:s20] =	ssyncadd.s32 $0xFFFFF000  }
0x26: {  	[tilespmem:s25], [sflag:$0x1] =	stream.strided.gather [hbm4b:s5+s21], $0x1000, s22, s21, $0x38;
	[tilespmem:$0x18580] =	vst v63  }
0x27: {  	_ =	swait.ge [sflag:s20], $0x1000  }
0x28: {  	[sflag:s20] =	ssyncset.done $0x0  }
0x29: {  	s26 =	simm.s32 $0x2E00;
	[sflag:s20] =	ssyncadd.s32 $0xFFFFF000  }
0x2a: {  	[tilespmem:s26], [sflag:$0x1] =	stream.strided.gather [hbm4b:s6+s21], $0x1000, s22, s21, $0x38;
	[tilespmem:$0x18580] =	vst v63  }
0x2b: {  	_ =	swait.ge [sflag:s20], $0x1000  }
0x2c: {  	[sflag:s20] =	ssyncset.done $0x0  }
0x2d: {  	s29 =	simm.s32 $0x3E00;
	[sflag:s20] =	ssyncadd.s32 $0xFFFFF000  }
0x2e: {  	[tilespmem:s29], [sflag:$0x1] =	stream.strided.gather [hbm4b:s7+s21], $0x1000, s22, s21, $0x38;
	[tilespmem:$0x18580] =	vst v63  }
0x2f: {  	_ =	swait.ge [sflag:s20], $0x1000  }
0x30: {  	s30 =	sand.u32 $0x70, s2;
	s1 =	sand.u32 $0xE00, s2;
	[sflag:s20] =	ssyncset.done $0x0  }
0x31: {  	s1 =	sor.u32 s30, s1;
	[sflag:s20] =	ssyncadd.s32 $0xFFFFF000  }
0x32: {  	v3 =	vld [tilespmem:s1+$0x0]  }
0x33: {  	v4 =	vld [tilespmem:s1+$0x80]  }
0x34: {  	v5 =	vld [tilespmem:s1+$0x100];
	_ =	sdelay $0x3  }
0x35: {  	v6 =	vmul.f32 v3, v3;
	v7 =	vshrl.u32 v3, $0x10;
	v8 =	vmul.f32 v4, v4  }
0x36: {  	v9 =	vshrl.u32 v4, $0x10;
	v10 =	vshrl.u32 v5, $0x10;
	v11 =	vmul.f32 v5, v5  }
0x37: {  	v7 =	vand.u32 $0x1, v7;
	v9 =	vand.u32 $0x1, v9;
	v10 =	vand.u32 $0x1, v10  }
0x38: {  	v6 =	vadd.f32 v8, v6;
	v4 =	vadd.s32 v9, v4;
	v5 =	vadd.s32 v10, v5  }
0x39: {  	v7 =	vadd.s32 v7, v3;
	v3 =	vadd.s32 $0x7FFF, v4;
	v5 =	vadd.s32 $0x7FFF, v5  }
0x3a: {  	s9 =	simm.s32 $0x10;
	s12 =	simm.s32 $0x0;
	s11 =	simm.s32 $0x0;
	v4 =	vadd.s32 $0x7FFF, v7;
	v6 =	vadd.f32 v11, v6;
	v5 =	vand.u32 $0xFFFF0000, v5  }
.LBB2_2:
0x3b: {  	p1 =	sne.s32 s9, $0x350  }
0x3c: {  	[tilespmem:s12+$0x4E00] =	vst v6;
	s11 =	sadd.s32 $0x40, s11;
	s0 =	smov.u32 s9;
	s9 =	sadd.s32 $0x10, s9  }
0x3d: {  	v4 =	vand.u32 $0xFFFF0000, v4;
	v3 =	vand.u32 $0xFFFF0000, v3;
	s0 =	sand.u32 $0x70, s0;
	s12 =	sand.u32 $0xE00, s11;
	[tilespmem:s1+$0x100] =	vst v5  }
0x3e: {  	s0 =	sor.u32 s0, s12;
	[tilespmem:s1+$0x0] =	vst v4  }
0x3f: {  	v4 =	vld [tilespmem:s0+$0x0];
	[tilespmem:s1+$0x80] =	vst v3;
	s1 =	smov.u32 s0  }
0x40: {  	v3 =	vld [tilespmem:s1+$0x80]  }
0x41: {  	v5 =	vld [tilespmem:s1+$0x100];
	_ =	sdelay $0x2  }
0x42: {  	v6 =	vmul.f32 v4, v4;
	v7 =	vshrl.u32 v4, $0x10  }
0x43: {  	v8 =	vmul.f32 v3, v3;
	v7 =	vand.u32 $0x1, v7;
	v9 =	vshrl.u32 v3, $0x10  }
.Ltmp0:
0x44: {  	v10 =	vmul.f32 v5, v5;
	v9 =	vand.u32 $0x1, v9;
	v11 =	vshrl.u32 v5, $0x10;
	(pc) =	sbr.rel @p1 .LBB2_2-.Ltmp0, $4  }
0x45: {  	v6 =	vadd.f32 v8, v6;
	v3 =	vadd.s32 v9, v3;
	v8 =	vand.u32 $0x1, v11  }
0x46: {  	v4 =	vadd.s32 v7, v4;
	v3 =	vadd.s32 $0x7FFF, v3;
	v5 =	vadd.s32 v8, v5  }
0x47: {  	s12 =	sshra.s32 s11, $0x2;
	v4 =	vadd.s32 $0x7FFF, v4;
	v6 =	vadd.f32 v10, v6;
	v5 =	vadd.s32 $0x7FFF, v5  }
0x48: {  	s0 =	simm.s32 $0x0;
	v5 =	vand.u32 $0xFFFF0000, v5  }
0x49: {  	[tilespmem:s12+$0x4E00] =	vst v6  }
0x4a: {  	v4 =	vand.u32 $0xFFFF0000, v4;
	[tilespmem:s1+$0x100] =	vst v5  }
0x4b: {  	v3 =	vand.u32 $0xFFFF0000, v3;
	[tilespmem:s1+$0x0] =	vst v4  }
0x4c: {  	[tilespmem:s1+$0x80] =	vst v3;
	s1 =	simm.s32 $0x0  }
0x4d: {  	v3 =	vld [tilespmem:s1+$0xE00]  }
0x4e: {  	v4 =	vld [tilespmem:s1+$0x1E00]  }
0x4f: {  	v5 =	vld [tilespmem:s1+$0x2E00];
	_ =	sdelay $0x2  }
0x50: {  	v6 =	vshrl.u32 v3, $0x10  }
0x51: {  	v6 =	vand.u32 $0x1, v6  }
0x52: {  	v7 =	vshrl.u32 v4, $0x10;
	v8 =	vshrl.u32 v5, $0x10;
	v6 =	vadd.s32 v6, v3  }
0x53: {  	v9 =	vmul.f32 v4, v4;
	v7 =	vand.u32 $0x1, v7;
	v6 =	vadd.s32 $0x7FFF, v6  }
0x54: {  	v8 =	vand.u32 $0x1, v8;
	v7 =	vadd.s32 v7, v4;
	v6 =	vand.u32 $0xFFFF0000, v6  }
0x55: {  	v8 =	vadd.s32 v8, v5;
	v7 =	vadd.s32 $0x7FFF, v7;
	v6 =	vmul.f32 $-2.000000000e+00, v6  }
0x56: {  	v3 =	vmul.f32 v3, v3;
	v4 =	vadd.s32 $0x7FFF, v8;
	v7 =	vand.u32 $0xFFFF0000, v7  }
0x57: {  	v7 =	vmul.f32 $-2.000000000e+00, v7;
	[tilespmem:s1+$0xE00] =	vst v6;
	v6 =	vand.u32 $0xFFFF0000, v4  }
0x58: {  	s9 =	simm.s32 $0x10;
	v5 =	vmul.f32 v5, v5;
	v63 =	vadd.f32 v9, v3;
	v6 =	vmul.f32 $-2.000000000e+00, v6  }
0x59: {  	v4 =	vld [tilespmem:s9+$0xE00];
	[tilespmem:s1+$0x1E00] =	vst v7  }
0x5a: {  	s11 =	simm.s32 $0x80;
	v5 =	vadd.f32 v5, v63;
	v3 =	vld [tilespmem:s9+$0x1E00];
	[tilespmem:s1+$0x2E00] =	vst v6  }
.LBB2_4:
0x5b: {  	p1 =	sne.s32 s11, $0x3FC0;
	v6 =	vld [tilespmem:s9+$0x2E00]  }
0x5c: {  	[tilespmem:s1+$0x5180] =	vst v5;
	s1 =	smov.u32 s9;
	_ =	sdelay $0x1  }
0x5d: {  	v5 =	vmul.f32 v4, v4;
	v7 =	vshrl.u32 v4, $0x10  }
0x5e: {  	v8 =	vmul.f32 v3, v3;
	v7 =	vand.u32 $0x1, v7;
	v9 =	vshrl.u32 v3, $0x10  }
0x5f: {  	v4 =	vadd.s32 v7, v4;
	v7 =	vand.u32 $0x1, v9;
	v9 =	vshrl.u32 v6, $0x10  }
0x60: {  	v4 =	vadd.s32 $0x7FFF, v4;
	v3 =	vadd.s32 v7, v3;
	v7 =	vand.u32 $0x1, v9  }
0x61: {  	v4 =	vand.u32 $0xFFFF0000, v4;
	v3 =	vadd.s32 $0x7FFF, v3;
	v7 =	vadd.s32 v7, v6  }
.Ltmp1:
0x62: {  	v4 =	vmul.f32 $-2.000000000e+00, v4;
	v3 =	vand.u32 $0xFFFF0000, v3;
	v7 =	vadd.s32 $0x7FFF, v7;
	(pc) =	sbr.rel @p1 .LBB2_4-.Ltmp1, $4  }
0x63: {  	v5 =	vadd.f32 v8, v5;
	v3 =	vmul.f32 $-2.000000000e+00, v3;
	v7 =	vand.u32 $0xFFFF0000, v7  }
0x64: {  	s9 =	sshra.s32 s11, $0x2;
	v6 =	vmul.f32 v6, v6;
	[tilespmem:s1+$0xE00] =	vst v4;
	v7 =	vmul.f32 $-2.000000000e+00, v7  }
0x65: {  	v4 =	vld [tilespmem:s9+$0xE00];
	[tilespmem:s1+$0x1E00] =	vst v3  }
0x66: {  	s11 =	sadd.s32 $0x40, s11;
	v5 =	vadd.f32 v6, v5;
	v3 =	vld [tilespmem:s9+$0x1E00];
	[tilespmem:s1+$0x2E00] =	vst v7  }
0x67: {  	_ = 	snop  }
0x68: {  	v6 =	vld [tilespmem:s9+$0x2E00];
	_ =	sdelay $0x1  }
0x69: {  	v7 =	vshrl.u32 v4, $0x10  }
0x6a: {  	v7 =	vand.u32 $0x1, v7;
	v8 =	vshrl.u32 v3, $0x10  }
0x6b: {  	v9 =	vmul.f32 v4, v4;
	v58 =	vadd.s32 v7, v4;
	v59 =	vand.u32 $0x1, v8  }
0x6c: {  	v60 =	vshrl.u32 v6, $0x10;
	v4 =	vadd.s32 $0x7FFF, v58;
	v7 =	vadd.s32 v59, v3  }
0x6d: {  	v3 =	vmul.f32 v3, v3;
	v8 =	vand.u32 $0x1, v60;
	v4 =	vand.u32 $0xFFFF0000, v4  }
0x6e: {  	v7 =	vadd.s32 $0x7FFF, v7;
	v8 =	vadd.s32 v8, v6;
	v6 =	vmul.f32 v6, v6  }
0x6f: {  	v4 =	vmul.f32 $-2.000000000e+00, v4;
	v7 =	vand.u32 $0xFFFF0000, v7;
	v8 =	vadd.s32 $0x7FFF, v8  }
0x70: {  	[tilespmem:s1+$0x5180] =	vst v5;
	v3 =	vadd.f32 v3, v9;
	v61 =	vmul.f32 $-2.000000000e+00, v7;
	v62 =	vand.u32 $0xFFFF0000, v8  }
0x71: {  	[tilespmem:s9+$0xE00] =	vst v4;
	v63 =	vmul.f32 $-2.000000000e+00, v62  }
0x72: {  	v3 =	vadd.f32 v6, v3;
	[tilespmem:s9+$0x1E00] =	vst v61  }
0x73: {  	[tilespmem:s9+$0x2E00] =	vst v63  }
0x74: {  	[tilespmem:s9+$0x5180] =	vst v3  }
.LBB2_6:
0x75: {  	p1 =	sne.s32 s0, $0x3FFC0  }
.Ltmp2:
0x76: {  	_ = 	snop;
	(pc) =	sbr.rel @p1 .LBB2_6-.Ltmp2, $3  }
0x77: {  	_ =	sdelay $0x1  }
0x78: {  	s1 =	sshra.s32 s0, $0x2  }
0x79: {  	s0 =	sadd.s32 $0x40, s0;
	[tilespmem:s1+$0x6180] =	vst v1  }
0x7a: {  	s0 =	simm.s32 $0x0;
	v3 =	vimm.f32 $0.0e+00;
	v4 =	vimm.f32 $0.0e+00  }
.LBB2_8:
0x7b: {  	s9 =	smul.u32 $0x60, s0;
	_ =	sdelay $0x1  }
0x7c: {  	v8 =	vld [tilespmem:s9+$0x4E00]  }
0x7d: {  	s1 =	smul.u32 $0x180, s0;
	v16 =	vld [tilespmem:s9+$0x4E20]  }
0x7e: {  	v20 =	vld [tilespmem:s9+$0x4E30]  }
0x7f: {  	s23 =	sand.u32 $0x60, s9;
	s11 =	sand.u32 $0x1E00, s1;
	v24 =	vld [tilespmem:s9+$0x4E40]  }
0x80: {  	v28 =	vld [tilespmem:s9+$0x4E50];
	s12 =	sor.u32 s23, s11  }
0x81: {  	v5 =	vld [tilespmem:s12+$0x0]  }
0x82: {  	s24 =	sor.u32 $0x10, s23;
	v6 =	vld [tilespmem:s12+$0x80]  }
0x83: {  	v7 =	vld [tilespmem:s12+$0x100];
	s11 =	sor.u32 s24, s11  }
0x84: {  	s15 =	sadd.s32 $0x20, s9;
	v9 =	vld [tilespmem:s11+$0x0]  }
0x85: {  	s13 =	sand.u32 $0x780, s9;
	s25 =	sshll.u32 s15, $0x2;
	v10 =	vld [tilespmem:s11+$0x80]  }
0x86: {  	s26 =	sand.u32 $0x60, s15;
	s16 =	sor.u32 s24, s13;
	s17 =	sand.u32 $0x3E00, s25;
	v11 =	vld [tilespmem:s11+$0x100]  }
0x87: {  	s14 =	sadd.s32 $0x30, s9;
	v12 =	vld [tilespmem:s16+$0x4E00];
	s13 =	sor.u32 s26, s17  }
0x88: {  	s15 =	sshll.u32 s14, $0x2;
	v13 =	vld [tilespmem:s13+$0x0]  }
0x89: {  	s16 =	sand.u32 $0x70, s14;
	s17 =	sand.u32 $0x3E00, s15;
	v14 =	vld [tilespmem:s13+$0x80]  }
0x8a: {  	v15 =	vld [tilespmem:s13+$0x100];
	s29 =	sor.u32 s16, s17;
	s13 =	sadd.s32 $0x40, s9  }
0x8b: {  	v17 =	vld [tilespmem:s29+$0x0];
	s30 =	sshll.u32 s13, $0x2  }
0x8c: {  	v18 =	vld [tilespmem:s29+$0x80];
	s11 =	sand.u32 $0x60, s13;
	s14 =	sand.u32 $0x3E00, s30  }
0x8d: {  	s15 =	sadd.s32 $0x50, s9;
	v19 =	vld [tilespmem:s29+$0x100];
	s12 =	sor.u32 s11, s14  }
0x8e: {  	s14 =	sshll.u32 s15, $0x2;
	v21 =	vld [tilespmem:s12+$0x0]  }
0x8f: {  	s16 =	sand.u32 $0x70, s15;
	v22 =	vld [tilespmem:s12+$0x80];
	s17 =	sand.u32 $0x3E00, s14  }
0x90: {  	v33 =	vimm.f32 $3.000000010e+38;
	v34 =	vimm.f32 $3.000000010e+38;
	v35 =	vimm.f32 $3.000000010e+38;
	v23 =	vld [tilespmem:s12+$0x100];
	s12 =	sor.u32 s16, s17  }
0x91: {  	v36 =	vimm.f32 $3.000000010e+38;
	v37 =	vimm.f32 $3.000000010e+38;
	v38 =	vimm.f32 $3.000000010e+38;
	v25 =	vld [tilespmem:s12+$0x0]  }
0x92: {  	s9 =	simm.s32 $0x6380;
	s13 =	simm.s32 $0xFFFFFFFC;
	s15 =	simm.s32 $0x2E20;
	v26 =	vld [tilespmem:s12+$0x80]  }
0x93: {  	s14 =	simm.s32 $0x51A0;
	s16 =	simm.s32 $0x1E20;
	s17 =	simm.s32 $0xE20;
	v27 =	vld [tilespmem:s12+$0x100]  }
.LBB2_9:
0x94: {  	v31 =	vld [tilespmem:s17+$0xFFFFFFE0]  }
0x95: {  	v32 =	vld [tilespmem:s14+$0xFFFFFFE0]  }
0x96: {  	v30 =	vld [tilespmem:s16+$0xFFFFFFE0]  }
0x97: {  	v29 =	vld [tilespmem:s15+$0xFFFFFFE0];
	_ =	sdelay $0x2  }
0x98: {  	v39 =	vbroadcast v32, $0x0  }
0x99: {  	v40 =	vbroadcast v31, $0x0;
	v43 =	vbroadcast v30, $0x0  }
0x9a: {  	v44 =	vbroadcast v29, $0x0;
	v51 =	vbroadcast v30, $0x1  }
0x9b: {  	v42 =	vmul.f32 v40, v5;
	v61 =	vmul.f32 v43, v6  }
0x9c: {  	v41 =	vadd.f32 v39, v8;
	v46 =	vmul.f32 v40, v9;
	v62 =	vmul.f32 v44, v7  }
0x9d: {  	v45 =	vadd.f32 v39, v12;
	v63 =	vmul.f32 v43, v10;
	v48 =	vmul.f32 v40, v13  }
0x9e: {  	v47 =	vadd.f32 v39, v16;
	v53 =	vmul.f32 v44, v11;
	v55 =	vmul.f32 v43, v14  }
0x9f: {  	v56 =	vadd.f32 v39, v20;
	v49 =	vmul.f32 v40, v17;
	v57 =	vadd.f32 v39, v24  }
0xa0: {  	v50 =	vmul.f32 v40, v21;
	v59 =	vmul.f32 v43, v18;
	v39 =	vadd.f32 v39, v28  }
0xa1: {  	v40 =	vmul.f32 v40, v25;
	v41 =	vadd.f32 v41, v42;
	v45 =	vadd.f32 v45, v46  }
0xa2: {  	v60 =	vmul.f32 v44, v15;
	v54 =	vadd.f32 v47, v48;
	v58 =	vadd.f32 v56, v49  }
0xa3: {  	v39 =	vadd.f32 v39, v40;
	v48 =	vbroadcast v32, $0x1;
	v41 =	vadd.f32 v41, v61  }
0xa4: {  	v49 =	vbroadcast v31, $0x1;
	v52 =	vadd.f32 v45, v63;
	v46 =	vadd.f32 v54, v55  }
0xa5: {  	v45 =	vadd.f32 v57, v50;
	v61 =	vmul.f32 v43, v22;
	v47 =	vadd.f32 v58, v59  }
0xa6: {  	v63 =	vmul.f32 v44, v23;
	v54 =	vmul.f32 v44, v27;
	v58 =	vadd.f32 v48, v8  }
0xa7: {  	v59 =	vmul.f32 v49, v5;
	v50 =	vbroadcast v29, $0x1;
	v41 =	vadd.f32 v41, v62  }
0xa8: {  	v42 =	vadd.f32 v52, v53;
	v62 =	vmul.f32 v44, v19;
	v45 =	vadd.f32 v45, v61  }
0xa9: {  	v46 =	vadd.f32 v46, v60;
	v52 =	vmul.f32 v43, v26;
	v60 =	vmul.f32 v51, v6  }
0xaa: {  	v61 =	vmul.f32 v51, v10;
	v43 =	vadd.f32 v47, v62;
	v45 =	vadd.f32 v45, v63  }
0xab: {  	v53 =	vmin.f32 v41, v42;
	v39 =	vadd.f32 v39, v52;
	v52 =	vadd.f32 v48, v12  }
0xac: {  	v62 =	vadd.f32 v48, v16;
	v63 =	vmul.f32 v50, v11;
	v38 =	vmin.f32 v38, v41  }
0xad: {  	v37 =	vmin.f32 v37, v42;
	v36 =	vmin.f32 v36, v46;
	v55 =	vmin.f32 v53, v46  }
0xae: {  	v56 =	vld [tilespmem:s9+$0xFFFFFE00];
	v53 =	vmul.f32 v49, v9;
	v44 =	vmin.f32 v55, v43;
	v39 =	vadd.f32 v39, v54  }
0xaf: {  	v54 =	vmul.f32 v49, v13;
	v55 =	vmul.f32 v50, v7;
	v35 =	vmin.f32 v35, v43  }
0xb0: {  	v34 =	vmin.f32 v34, v45;
	v57 =	vmin.f32 v44, v45;
	v44 =	vadd.f32 v58, v59  }
0xb1: {  	v52 =	vadd.f32 v52, v53;
	v58 =	vmul.f32 v49, v17;
	v59 =	vmul.f32 v50, v15  }
0xb2: {  	v40 =	vmin.f32 v57, v39;
	v54 =	vadd.f32 v62, v54;
	v57 =	vadd.f32 v48, v20  }
0xb3: {  	v62 =	vmul.f32 v51, v18;
	v33 =	vmin.f32 v33, v39;
	v40 =	vmin.f32 v56, v40  }
0xb4: {  	v44 =	vadd.f32 v44, v60;
	v52 =	vadd.f32 v52, v61;
	v56 =	vmul.f32 v51, v14  }
0xb5: {  	v60 =	vadd.f32 v48, v24;
	v61 =	vmul.f32 v49, v21;
	v48 =	vadd.f32 v48, v28  }
0xb6: {  	v49 =	vmul.f32 v49, v25;
	v47 =	vadd.f32 v57, v58;
	v57 =	vmul.f32 v51, v26  }
0xb7: {  	v58 =	vmul.f32 v50, v19;
	v42 =	vadd.f32 v44, v55;
	v44 =	vadd.f32 v52, v63  }
0xb8: {  	v41 =	vadd.f32 v54, v56;
	v54 =	vadd.f32 v60, v61;
	v63 =	vmul.f32 v51, v22  }
0xb9: {  	v48 =	vadd.f32 v48, v49;
	v60 =	vmul.f32 v50, v23;
	v61 =	vmul.f32 v50, v27  }
0xba: {  	v50 =	vbroadcast v32, $0x2;
	v51 =	vbroadcast v31, $0x2;
	v47 =	vadd.f32 v47, v62  }
0xbb: {  	v52 =	vbroadcast v30, $0x2;
	v41 =	vadd.f32 v41, v59;
	v59 =	vadd.f32 v54, v63  }
0xbc: {  	v48 =	vadd.f32 v48, v57;
	v62 =	vmin.f32 v42, v44;
	v38 =	vmin.f32 v38, v42  }
0xbd: {  	[tilespmem:s9+$0xFFFFFE00] =	vst v40;
	v56 =	vmul.f32 v51, v17;
	v40 =	vadd.f32 v47, v58;
	v58 =	vadd.f32 v50, v8  }
0xbe: {  	v37 =	vmin.f32 v37, v44;
	v47 =	vadd.f32 v59, v60;
	v48 =	vadd.f32 v48, v61  }
0xbf: {  	v46 =	vmin.f32 v62, v41;
	v59 =	vmul.f32 v51, v5;
	v60 =	vadd.f32 v50, v12  }
0xc0: {  	v63 =	vld [tilespmem:s9+$0xFFFFFE10];
	v61 =	vmul.f32 v51, v9;
	v36 =	vmin.f32 v36, v41;
	v46 =	vmin.f32 v46, v40  }
0xc1: {  	v35 =	vmin.f32 v35, v40;
	v57 =	vmin.f32 v46, v47;
	v62 =	vadd.f32 v58, v59  }
0xc2: {  	v46 =	vbroadcast v29, $0x2;
	v58 =	vmul.f32 v52, v10;
	v59 =	vadd.f32 v50, v16  }
0xc3: {  	v34 =	vmin.f32 v34, v47;
	v33 =	vmin.f32 v33, v48;
	v43 =	vmin.f32 v57, v48  }
0xc4: {  	v57 =	vadd.f32 v60, v61;
	v60 =	vmul.f32 v51, v13;
	v48 =	vbroadcast v29, $0x3  }
0xc5: {  	v39 =	vmin.f32 v63, v43;
	v63 =	vmul.f32 v52, v6;
	v43 =	vmul.f32 v46, v7  }
0xc6: {  	v45 =	vadd.f32 v57, v58;
	v57 =	vadd.f32 v50, v24;
	v58 =	vmul.f32 v51, v21  }
0xc7: {  	v61 =	vmul.f32 v46, v11;
	v42 =	vadd.f32 v62, v63;
	v62 =	vadd.f32 v59, v60  }
0xc8: {  	v63 =	vmul.f32 v52, v14;
	v60 =	vadd.f32 v50, v20;
	v54 =	vadd.f32 v57, v58  }
0xc9: {  	v57 =	vmul.f32 v46, v23;
	v42 =	vadd.f32 v42, v43;
	v43 =	vadd.f32 v45, v61  }
0xca: {  	v44 =	vadd.f32 v62, v63;
	v61 =	vadd.f32 v60, v56;
	v62 =	vmul.f32 v52, v18  }
0xcb: {  	v59 =	vadd.f32 v50, v28;
	v63 =	vmul.f32 v46, v15;
	v60 =	vmul.f32 v51, v25  }
0xcc: {  	v51 =	vbroadcast v30, $0x3;
	v45 =	vadd.f32 v61, v62;
	v61 =	vmul.f32 v46, v19  }
0xcd: {  	v62 =	vmul.f32 v52, v22;
	v44 =	vadd.f32 v44, v63;
	v49 =	vadd.f32 v59, v60  }
0xce: {  	v63 =	vmul.f32 v52, v26;
	v46 =	vmul.f32 v46, v27;
	v59 =	vmin.f32 v42, v43  }
0xcf: {  	v38 =	vmin.f32 v38, v42;
	v37 =	vmin.f32 v37, v43;
	v45 =	vadd.f32 v45, v61  }
0xd0: {  	v52 =	vbroadcast v31, $0x5;
	v56 =	vadd.f32 v54, v62;
	v58 =	vadd.f32 v49, v63  }
0xd1: {  	v49 =	vmin.f32 v59, v44;
	v59 =	vmul.f32 v51, v6;
	v36 =	vmin.f32 v36, v44  }
0xd2: {  	[tilespmem:s9+$0xFFFFFE10] =	vst v39;
	v60 =	vld [tilespmem:s9+$0xFFFFFE20];
	v41 =	vadd.f32 v56, v57;
	v39 =	vadd.f32 v58, v46;
	v46 =	vbroadcast v32, $0x3  }
0xd3: {  	v54 =	vbroadcast v30, $0x5;
	v61 =	vmin.f32 v49, v45;
	v49 =	vbroadcast v31, $0x3  }
0xd4: {  	v35 =	vmin.f32 v35, v45;
	v40 =	vmin.f32 v61, v41;
	v62 =	vadd.f32 v46, v8  }
0xd5: {  	v63 =	vmul.f32 v49, v5;
	v56 =	vadd.f32 v46, v12;
	v57 =	vmul.f32 v49, v9  }
0xd6: {  	v61 =	vadd.f32 v46, v16;
	v34 =	vmin.f32 v34, v41;
	v40 =	vmin.f32 v40, v39  }
0xd7: {  	v33 =	vmin.f32 v33, v39;
	v40 =	vmin.f32 v60, v40;
	v58 =	vadd.f32 v62, v63  }
0xd8: {  	v50 =	vadd.f32 v56, v57;
	v60 =	vmul.f32 v51, v10;
	v62 =	vmul.f32 v49, v13  }
0xd9: {  	v63 =	vmul.f32 v48, v7;
	v57 =	vmul.f32 v48, v11;
	v42 =	vadd.f32 v58, v59  }
0xda: {  	v50 =	vadd.f32 v50, v60;
	v58 =	vadd.f32 v61, v62;
	v59 =	vmul.f32 v51, v14  }
0xdb: {  	v60 =	vadd.f32 v46, v20;
	v61 =	vmul.f32 v49, v17;
	v42 =	vadd.f32 v42, v63  }
0xdc: {  	v62 =	vmul.f32 v48, v15;
	v44 =	vadd.f32 v50, v57;
	v43 =	vadd.f32 v58, v59  }
0xdd: {  	v63 =	vadd.f32 v46, v24;
	v57 =	vmul.f32 v49, v21;
	v49 =	vmul.f32 v49, v25  }
0xde: {  	v47 =	vadd.f32 v60, v61;
	v58 =	vmul.f32 v51, v18;
	v59 =	vmul.f32 v51, v22  }
0xdf: {  	v46 =	vadd.f32 v46, v28;
	v60 =	vmul.f32 v51, v26;
	v61 =	vmul.f32 v48, v19  }
0xe0: {  	v50 =	vbroadcast v31, $0x4;
	v53 =	vadd.f32 v63, v57;
	v43 =	vadd.f32 v43, v62  }
0xe1: {  	v51 =	vbroadcast v30, $0x4;
	v46 =	vadd.f32 v46, v49;
	v47 =	vadd.f32 v47, v58  }
0xe2: {  	v63 =	vmul.f32 v48, v23;
	v48 =	vmul.f32 v48, v27;
	v55 =	vmin.f32 v42, v44  }
0xe3: {  	v49 =	vbroadcast v32, $0x4;
	v38 =	vmin.f32 v38, v42;
	v62 =	vadd.f32 v53, v59  }
0xe4: {  	[tilespmem:s9+$0xFFFFFE20] =	vst v40;
	v37 =	vmin.f32 v37, v44;
	v46 =	vadd.f32 v46, v60;
	v40 =	vadd.f32 v47, v61  }
0xe5: {  	v45 =	vmin.f32 v55, v43;
	v58 =	vadd.f32 v49, v8;
	v59 =	vmul.f32 v50, v5  }
0xe6: {  	v60 =	vadd.f32 v49, v12;
	v61 =	vmul.f32 v50, v9;
	v36 =	vmin.f32 v36, v43  }
0xe7: {  	v56 =	vld [tilespmem:s9+$0xFFFFFE30];
	v47 =	vadd.f32 v62, v63;
	v46 =	vadd.f32 v46, v48;
	v45 =	vmin.f32 v45, v40  }
0xe8: {  	v41 =	vadd.f32 v58, v59;
	v62 =	vmul.f32 v51, v6;
	v63 =	vadd.f32 v60, v61  }
0xe9: {  	v58 =	vadd.f32 v49, v16;
	v59 =	vmul.f32 v50, v13;
	v35 =	vmin.f32 v35, v40  }
0xea: {  	v57 =	vmin.f32 v45, v47;
	v45 =	vbroadcast v29, $0x4;
	v41 =	vadd.f32 v41, v62  }
0xeb: {  	v34 =	vmin.f32 v34, v47;
	v39 =	vmin.f32 v57, v46;
	v57 =	vmul.f32 v51, v10  }
0xec: {  	v33 =	vmin.f32 v33, v46;
	v39 =	vmin.f32 v56, v39;
	v60 =	vmul.f32 v45, v7  }
0xed: {  	v62 =	vmul.f32 v45, v11;
	v61 =	vadd.f32 v63, v57;
	v63 =	vadd.f32 v58, v59  }
0xee: {  	v57 =	vmul.f32 v51, v14;
	v58 =	vadd.f32 v49, v20;
	v59 =	vmul.f32 v50, v17  }
0xef: {  	v56 =	vmul.f32 v45, v23;
	v41 =	vadd.f32 v41, v60;
	v42 =	vadd.f32 v61, v62  }
0xf0: {  	v43 =	vadd.f32 v63, v57;
	v60 =	vadd.f32 v58, v59;
	v61 =	vmul.f32 v51, v18  }
0xf1: {  	v62 =	vmul.f32 v45, v15;
	v63 =	vadd.f32 v49, v24;
	v57 =	vmul.f32 v50, v21  }
0xf2: {  	v58 =	vadd.f32 v49, v28;
	v59 =	vmul.f32 v50, v25;
	v49 =	vbroadcast v32, $0x5  }
0xf3: {  	v38 =	vmin.f32 v38, v41;
	v44 =	vadd.f32 v60, v61;
	v60 =	vmul.f32 v45, v19  }
0xf4: {  	v53 =	vadd.f32 v63, v57;
	v61 =	vmul.f32 v51, v22;
	v43 =	vadd.f32 v43, v62  }
0xf5: {  	v48 =	vadd.f32 v58, v59;
	v62 =	vmul.f32 v51, v26;
	v45 =	vmul.f32 v45, v27  }
0xf6: {  	v57 =	vmin.f32 v41, v42;
	v51 =	vbroadcast v29, $0x5;
	v44 =	vadd.f32 v44, v60  }
0xf7: {  	v37 =	vmin.f32 v37, v42;
	v63 =	vadd.f32 v53, v61;
	v48 =	vadd.f32 v48, v62  }
0xf8: {  	v58 =	vmin.f32 v57, v43;
	v60 =	vadd.f32 v49, v8;
	v61 =	vmul.f32 v52, v5  }
0xf9: {  	v57 =	vadd.f32 v49, v12;
	v36 =	vmin.f32 v36, v43;
	v53 =	vbroadcast v30, $0x6  }
0xfa: {  	[tilespmem:s9+$0xFFFFFE30] =	vst v39;
	v50 =	vadd.f32 v63, v56;
	v45 =	vadd.f32 v48, v45;
	v39 =	vmin.f32 v58, v44  }
0xfb: {  	v59 =	vld [tilespmem:s9+$0xFFFFFE40];
	v62 =	vadd.f32 v60, v61;
	v63 =	vmul.f32 v54, v6;
	v58 =	vmul.f32 v52, v9  }
0xfc: {  	v61 =	vmul.f32 v54, v10;
	v35 =	vmin.f32 v35, v44;
	v48 =	vbroadcast v29, $0x6  }
0xfd: {  	v39 =	vmin.f32 v39, v50;
	v40 =	vadd.f32 v62, v63;
	v60 =	vadd.f32 v57, v58  }
0xfe: {  	v62 =	vadd.f32 v49, v16;
	v63 =	vmul.f32 v52, v13;
	v57 =	vmul.f32 v51, v11  }
0xff: {  	v34 =	vmin.f32 v34, v50;
	v33 =	vmin.f32 v33, v45;
	v39 =	vmin.f32 v39, v45  }
0x100: {  	v50 =	vmul.f32 v48, v11;
	v39 =	vmin.f32 v59, v39;
	v56 =	vadd.f32 v60, v61  }
0x101: {  	v59 =	vmul.f32 v51, v7;
	v58 =	vadd.f32 v62, v63;
	v60 =	vadd.f32 v49, v20  }
0x102: {  	v61 =	vmul.f32 v52, v17;
	v62 =	vadd.f32 v49, v24;
	v63 =	vmul.f32 v52, v21  }
0x103: {  	v40 =	vadd.f32 v40, v59;
	v59 =	vmul.f32 v54, v14;
	v41 =	vadd.f32 v56, v57  }
0x104: {  	v56 =	vadd.f32 v60, v61;
	v57 =	vmul.f32 v54, v18;
	v61 =	vmul.f32 v52, v25  }
0x105: {  	v42 =	vadd.f32 v62, v63;
	v62 =	vmul.f32 v51, v19;
	v63 =	vmul.f32 v51, v23  }
0x106: {  	v60 =	vadd.f32 v49, v28;
	v52 =	vbroadcast v31, $0x6;
	v49 =	vbroadcast v32, $0x7  }
0x107: {  	v43 =	vadd.f32 v58, v59;
	v58 =	vmul.f32 v51, v15;
	v59 =	vmul.f32 v54, v22  }
0x108: {  	v46 =	vadd.f32 v56, v57;
	v47 =	vadd.f32 v60, v61;
	v56 =	vmul.f32 v54, v26  }
0x109: {  	v57 =	vmin.f32 v40, v41;
	v61 =	vmul.f32 v52, v5;
	v54 =	vmul.f32 v53, v6  }
0x10a: {  	v38 =	vmin.f32 v38, v40;
	v37 =	vmin.f32 v37, v41;
	v42 =	vadd.f32 v42, v59  }
0x10b: {  	v43 =	vadd.f32 v43, v58;
	v47 =	vadd.f32 v47, v56;
	v58 =	vmul.f32 v51, v27  }
0x10c: {  	[tilespmem:s9+$0xFFFFFE40] =	vst v39;
	v39 =	vadd.f32 v46, v62;
	v51 =	vbroadcast v32, $0x6;
	v56 =	vmul.f32 v52, v9  }
0x10d: {  	v59 =	vld [tilespmem:s9+$0xFFFFFE50];
	v42 =	vadd.f32 v42, v63;
	v46 =	vmin.f32 v57, v43;
	v44 =	vadd.f32 v47, v58  }
0x10e: {  	v60 =	vadd.f32 v51, v8;
	v55 =	vadd.f32 v51, v12;
	v36 =	vmin.f32 v36, v43  }
0x10f: {  	v58 =	vmul.f32 v48, v7;
	v35 =	vmin.f32 v35, v39;
	v46 =	vmin.f32 v46, v39  }
0x110: {  	v46 =	vmin.f32 v46, v42;
	v63 =	vadd.f32 v60, v61;
	v60 =	vmul.f32 v53, v10  }
0x111: {  	v61 =	vadd.f32 v51, v16;
	v34 =	vmin.f32 v34, v42;
	v62 =	vmin.f32 v46, v44  }
0x112: {  	v45 =	vmin.f32 v59, v62;
	v57 =	vadd.f32 v63, v54;
	v59 =	vadd.f32 v55, v56  }
0x113: {  	v33 =	vmin.f32 v33, v44;
	v62 =	vmul.f32 v52, v13;
	v56 =	vadd.f32 v51, v20  }
0x114: {  	v55 =	vmul.f32 v53, v14;
	v39 =	vadd.f32 v57, v58;
	v63 =	vadd.f32 v59, v60  }
0x115: {  	v54 =	vadd.f32 v61, v62;
	v57 =	vmul.f32 v52, v17;
	v59 =	vmul.f32 v52, v21  }
0x116: {  	v58 =	vadd.f32 v51, v24;
	v61 =	vmul.f32 v53, v18;
	v62 =	vmul.f32 v48, v15  }
0x117: {  	v40 =	vadd.f32 v63, v50;
	v42 =	vadd.f32 v54, v55;
	v63 =	vmul.f32 v53, v22  }
0x118: {  	v60 =	vadd.f32 v56, v57;
	v55 =	vmul.f32 v52, v25;
	v56 =	vmul.f32 v48, v19  }
0x119: {  	v41 =	vadd.f32 v58, v59;
	v57 =	vmul.f32 v48, v23;
	v58 =	vmul.f32 v53, v26  }
0x11a: {  	v54 =	vadd.f32 v51, v28;
	v50 =	vbroadcast v31, $0x7;
	v51 =	vbroadcast v30, $0x7  }
0x11b: {  	v38 =	vmin.f32 v38, v39;
	v43 =	vadd.f32 v60, v61;
	v41 =	vadd.f32 v41, v63  }
0x11c: {  	v42 =	vadd.f32 v42, v62;
	v46 =	vadd.f32 v54, v55;
	v59 =	vmin.f32 v39, v40  }
0x11d: {  	v60 =	vmul.f32 v48, v27;
	v62 =	vadd.f32 v49, v8;
	v63 =	vmul.f32 v50, v5  }
0x11e: {  	v48 =	vbroadcast v29, $0x7;
	v37 =	vmin.f32 v37, v40;
	v43 =	vadd.f32 v43, v56  }
0x11f: {  	[tilespmem:s9+$0xFFFFFE50] =	vst v45;
	v41 =	vadd.f32 v41, v57;
	v46 =	vadd.f32 v46, v58;
	v45 =	vmin.f32 v59, v42  }
0x120: {  	v56 =	vadd.f32 v49, v12;
	v57 =	vmul.f32 v50, v9;
	v58 =	vmul.f32 v51, v6  }
0x121: {  	v59 =	vmul.f32 v51, v10;
	v36 =	vmin.f32 v36, v42;
	v44 =	vadd.f32 v46, v60  }
0x122: {  	v61 =	vld [tilespmem:s9+$0xFFFFFE60];
	v45 =	vmin.f32 v45, v43;
	v46 =	vadd.f32 v62, v63;
	v52 =	vadd.f32 v56, v57  }
0x123: {  	v60 =	vadd.f32 v49, v16;
	v62 =	vmul.f32 v48, v7;
	v63 =	vmul.f32 v48, v11  }
0x124: {  	v57 =	vmul.f32 v51, v14;
	v35 =	vmin.f32 v35, v43;
	v45 =	vmin.f32 v45, v41  }
0x125: {  	v34 =	vmin.f32 v34, v41;
	v45 =	vmin.f32 v45, v44;
	v46 =	vadd.f32 v46, v58  }
0x126: {  	v52 =	vadd.f32 v52, v59;
	v58 =	vadd.f32 v49, v20;
	v59 =	vmul.f32 v50, v17  }
0x127: {  	v45 =	vmin.f32 v61, v45;
	v61 =	vmul.f32 v50, v13;
	v40 =	vadd.f32 v46, v62  }
0x128: {  	v46 =	vadd.f32 v52, v63;
	v62 =	vmul.f32 v50, v21;
	v50 =	vmul.f32 v50, v25  }
0x129: {  	v47 =	vadd.f32 v58, v59;
	v63 =	vmul.f32 v51, v18;
	v58 =	vmul.f32 v51, v26  }
0x12a: {  	v33 =	vmin.f32 v33, v44;
	v59 =	vmul.f32 v48, v19;
	v52 =	vbroadcast v30, $0x8  }
0x12b: {  	v56 =	vadd.f32 v60, v61;
	v60 =	vmul.f32 v48, v15;
	v61 =	vadd.f32 v49, v24  }
0x12c: {  	v49 =	vadd.f32 v49, v28;
	v47 =	vadd.f32 v47, v63;
	v38 =	vmin.f32 v38, v40  }
0x12d: {  	v37 =	vmin.f32 v37, v46;
	v39 =	vadd.f32 v56, v57;
	v54 =	vadd.f32 v61, v62  }
0x12e: {  	v57 =	vmul.f32 v51, v22;
	v49 =	vadd.f32 v49, v50;
	v61 =	vmul.f32 v48, v23  }
0x12f: {  	v48 =	vmul.f32 v48, v27;
	v50 =	vbroadcast v32, $0x8;
	v42 =	vadd.f32 v47, v59  }
0x130: {  	v51 =	vbroadcast v31, $0x8;
	v39 =	vadd.f32 v39, v60;
	v60 =	vadd.f32 v54, v57  }
0x131: {  	v62 =	vmin.f32 v40, v46;
	v49 =	vadd.f32 v49, v58;
	v58 =	vadd.f32 v50, v8  }
0x132: {  	v59 =	vmul.f32 v51, v5;
	v35 =	vmin.f32 v35, v42;
	v47 =	vadd.f32 v60, v61  }
0x133: {  	[tilespmem:s9+$0xFFFFFE60] =	vst v45;
	v48 =	vadd.f32 v49, v48;
	v45 =	vmin.f32 v62, v39;
	v60 =	vadd.f32 v50, v12  }
0x134: {  	v63 =	vld [tilespmem:s9+$0xFFFFFE70];
	v61 =	vmul.f32 v51, v9;
	v43 =	vadd.f32 v58, v59;
	v62 =	vmul.f32 v52, v6  }
0x135: {  	v58 =	vadd.f32 v50, v16;
	v59 =	vmul.f32 v51, v13;
	v45 =	vmin.f32 v45, v42  }
0x136: {  	v36 =	vmin.f32 v36, v39;
	v57 =	vmin.f32 v45, v47;
	v45 =	vbroadcast v29, $0x8  }
0x137: {  	v40 =	vadd.f32 v43, v62;
	v62 =	vadd.f32 v50, v20;
	v34 =	vmin.f32 v34, v47  }
0x138: {  	v33 =	vmin.f32 v33, v48;
	v41 =	vmin.f32 v57, v48;
	v57 =	vmul.f32 v52, v10  }
0x139: {  	v48 =	vbroadcast v29, $0x9;
	v41 =	vmin.f32 v63, v41;
	v63 =	vadd.f32 v60, v61  }
0x13a: {  	v43 =	vmul.f32 v45, v7;
	v49 =	vmul.f32 v45, v11;
	v60 =	vadd.f32 v58, v59  }
0x13b: {  	v61 =	vmul.f32 v52, v14;
	v59 =	vmul.f32 v51, v25;
	v44 =	vadd.f32 v63, v57  }
0x13c: {  	v58 =	vadd.f32 v50, v28;
	v56 =	vmul.f32 v45, v23;
	v63 =	vmul.f32 v51, v17  }
0x13d: {  	v40 =	vadd.f32 v40, v43;
	v57 =	vmul.f32 v51, v21;
	v43 =	vadd.f32 v44, v49  }
0x13e: {  	v44 =	vadd.f32 v60, v61;
	v60 =	vadd.f32 v62, v63;
	v61 =	vmul.f32 v52, v18  }
0x13f: {  	v51 =	vbroadcast v30, $0x9;
	v62 =	vmul.f32 v45, v15;
	v63 =	vadd.f32 v50, v24  }
0x140: {  	v49 =	vadd.f32 v58, v59;
	v38 =	vmin.f32 v38, v40;
	v46 =	vadd.f32 v60, v61  }
0x141: {  	v60 =	vmul.f32 v45, v19;
	v54 =	vadd.f32 v63, v57;
	v61 =	vmul.f32 v52, v22  }
0x142: {  	v44 =	vadd.f32 v44, v62;
	v62 =	vmul.f32 v52, v26;
	v45 =	vmul.f32 v45, v27  }
0x143: {  	v58 =	vmin.f32 v40, v43;
	v37 =	vmin.f32 v37, v43;
	v46 =	vadd.f32 v46, v60  }
0x144: {  	v52 =	vbroadcast v31, $0xB;
	v63 =	vadd.f32 v54, v61;
	v57 =	vadd.f32 v49, v62  }
0x145: {  	v49 =	vmin.f32 v58, v44;
	v58 =	vmul.f32 v51, v6;
	v36 =	vmin.f32 v36, v44  }
0x146: {  	[tilespmem:s9+$0xFFFFFE70] =	vst v41;
	v59 =	vld [tilespmem:s9+$0xFFFFFE80];
	v39 =	vadd.f32 v63, v56;
	v41 =	vadd.f32 v57, v45;
	v45 =	vbroadcast v32, $0x9  }
0x147: {  	v54 =	vbroadcast v30, $0xB;
	v60 =	vmin.f32 v49, v46;
	v49 =	vbroadcast v31, $0x9  }
0x148: {  	v35 =	vmin.f32 v35, v46;
	v42 =	vmin.f32 v60, v39;
	v61 =	vadd.f32 v45, v8  }
0x149: {  	v62 =	vmul.f32 v49, v5;
	v63 =	vadd.f32 v45, v12;
	v56 =	vmul.f32 v49, v9  }
0x14a: {  	v60 =	vadd.f32 v45, v16;
	v34 =	vmin.f32 v34, v39;
	v42 =	vmin.f32 v42, v41  }
0x14b: {  	v33 =	vmin.f32 v33, v41;
	v42 =	vmin.f32 v59, v42;
	v57 =	vadd.f32 v61, v62  }
0x14c: {  	v50 =	vadd.f32 v63, v56;
	v59 =	vmul.f32 v51, v10;
	v61 =	vmul.f32 v49, v13  }
0x14d: {  	v62 =	vmul.f32 v48, v7;
	v63 =	vmul.f32 v48, v11;
	v40 =	vadd.f32 v57, v58  }
0x14e: {  	v50 =	vadd.f32 v50, v59;
	v56 =	vadd.f32 v60, v61;
	v57 =	vmul.f32 v51, v14  }
0x14f: {  	v58 =	vadd.f32 v45, v20;
	v59 =	vmul.f32 v49, v17;
	v61 =	vadd.f32 v45, v24  }
0x150: {  	v60 =	vmul.f32 v48, v15;
	v45 =	vadd.f32 v45, v28;
	v40 =	vadd.f32 v40, v62  }
0x151: {  	v44 =	vadd.f32 v50, v63;
	v62 =	vmul.f32 v49, v21;
	v49 =	vmul.f32 v49, v25  }
0x152: {  	v43 =	vadd.f32 v56, v57;
	v63 =	vmul.f32 v51, v18;
	v57 =	vmul.f32 v51, v22  }
0x153: {  	v47 =	vadd.f32 v58, v59;
	v58 =	vmul.f32 v51, v26;
	v59 =	vmul.f32 v48, v19  }
0x154: {  	v50 =	vbroadcast v31, $0xA;
	v53 =	vadd.f32 v61, v62;
	v43 =	vadd.f32 v43, v60  }
0x155: {  	v51 =	vbroadcast v30, $0xA;
	v45 =	vadd.f32 v45, v49;
	v47 =	vadd.f32 v47, v63  }
0x156: {  	v61 =	vmul.f32 v48, v23;
	v48 =	vmul.f32 v48, v27;
	v62 =	vmin.f32 v40, v44  }
0x157: {  	v49 =	vbroadcast v32, $0xA;
	v38 =	vmin.f32 v38, v40;
	v60 =	vadd.f32 v53, v57  }
0x158: {  	[tilespmem:s9+$0xFFFFFE80] =	vst v42;
	v37 =	vmin.f32 v37, v44;
	v45 =	vadd.f32 v45, v58;
	v42 =	vadd.f32 v47, v59  }
0x159: {  	v46 =	vmin.f32 v62, v43;
	v57 =	vadd.f32 v49, v8;
	v58 =	vmul.f32 v50, v5  }
0x15a: {  	v63 =	vld [tilespmem:s9+$0xFFFFFE90];
	v59 =	vadd.f32 v49, v12;
	v62 =	vmul.f32 v51, v6;
	v36 =	vmin.f32 v36, v43  }
0x15b: {  	v47 =	vadd.f32 v60, v61;
	v45 =	vadd.f32 v45, v48;
	v46 =	vmin.f32 v46, v42  }
0x15c: {  	v60 =	vmul.f32 v50, v9;
	v61 =	vadd.f32 v57, v58;
	v57 =	vmul.f32 v51, v10  }
0x15d: {  	v58 =	vadd.f32 v49, v16;
	v35 =	vmin.f32 v35, v42;
	v56 =	vmin.f32 v46, v47  }
0x15e: {  	v46 =	vbroadcast v29, $0xA;
	v40 =	vadd.f32 v61, v62;
	v39 =	vmin.f32 v56, v45  }
0x15f: {  	v39 =	vmin.f32 v63, v39;
	v63 =	vadd.f32 v59, v60;
	v59 =	vmul.f32 v50, v13  }
0x160: {  	v34 =	vmin.f32 v34, v47;
	v33 =	vmin.f32 v33, v45;
	v60 =	vmul.f32 v46, v7  }
0x161: {  	v62 =	vmul.f32 v46, v11;
	v61 =	vadd.f32 v63, v57;
	v63 =	vadd.f32 v58, v59  }
0x162: {  	v57 =	vmul.f32 v51, v14;
	v58 =	vadd.f32 v49, v20;
	v59 =	vmul.f32 v50, v17  }
0x163: {  	v56 =	vmul.f32 v46, v23;
	v40 =	vadd.f32 v40, v60;
	v41 =	vadd.f32 v61, v62  }
0x164: {  	v43 =	vadd.f32 v63, v57;
	v60 =	vadd.f32 v58, v59;
	v61 =	vmul.f32 v51, v18  }
0x165: {  	v62 =	vmul.f32 v46, v15;
	v63 =	vadd.f32 v49, v24;
	v57 =	vmul.f32 v50, v21  }
0x166: {  	v58 =	vadd.f32 v49, v28;
	v59 =	vmul.f32 v50, v25;
	v49 =	vbroadcast v32, $0xB  }
0x167: {  	v38 =	vmin.f32 v38, v40;
	v44 =	vadd.f32 v60, v61;
	v60 =	vmul.f32 v46, v19  }
0x168: {  	v53 =	vadd.f32 v63, v57;
	v61 =	vmul.f32 v51, v22;
	v43 =	vadd.f32 v43, v62  }
0x169: {  	v48 =	vadd.f32 v58, v59;
	v62 =	vmul.f32 v51, v26;
	v46 =	vmul.f32 v46, v27  }
0x16a: {  	v57 =	vmin.f32 v40, v41;
	v51 =	vbroadcast v29, $0xB;
	v44 =	vadd.f32 v44, v60  }
0x16b: {  	v37 =	vmin.f32 v37, v41;
	v63 =	vadd.f32 v53, v61;
	v48 =	vadd.f32 v48, v62  }
0x16c: {  	v58 =	vmin.f32 v57, v43;
	v60 =	vadd.f32 v49, v8;
	v61 =	vmul.f32 v52, v5  }
0x16d: {  	v59 =	vld [tilespmem:s9+$0xFFFFFEA0];
	v57 =	vadd.f32 v49, v12;
	v36 =	vmin.f32 v36, v43;
	v53 =	vbroadcast v30, $0xC  }
0x16e: {  	[tilespmem:s9+$0xFFFFFE90] =	vst v39;
	v50 =	vadd.f32 v63, v56;
	v46 =	vadd.f32 v48, v46;
	v39 =	vmin.f32 v58, v44  }
0x16f: {  	v62 =	vadd.f32 v60, v61;
	v63 =	vmul.f32 v54, v6;
	v58 =	vmul.f32 v52, v9  }
0x170: {  	v60 =	vmul.f32 v51, v7;
	v56 =	vmul.f32 v52, v13;
	v39 =	vmin.f32 v39, v50  }
0x171: {  	v35 =	vmin.f32 v35, v44;
	v48 =	vbroadcast v29, $0xC;
	v39 =	vmin.f32 v39, v46  }
0x172: {  	v61 =	vadd.f32 v57, v58;
	v39 =	vmin.f32 v59, v39;
	v59 =	vadd.f32 v62, v63  }
0x173: {  	v58 =	vmul.f32 v51, v11;
	v62 =	vmul.f32 v54, v10;
	v63 =	vadd.f32 v49, v16  }
0x174: {  	v34 =	vmin.f32 v34, v50;
	v33 =	vmin.f32 v33, v46;
	v40 =	vadd.f32 v59, v60  }
0x175: {  	v50 =	vmul.f32 v48, v11;
	v57 =	vadd.f32 v61, v62;
	v59 =	vadd.f32 v63, v56  }
0x176: {  	v60 =	vmul.f32 v54, v14;
	v61 =	vadd.f32 v49, v20;
	v62 =	vmul.f32 v52, v17  }
0x177: {  	v63 =	vadd.f32 v49, v24;
	v56 =	vmul.f32 v52, v21;
	v41 =	vadd.f32 v57, v58  }
0x178: {  	v43 =	vadd.f32 v59, v60;
	v57 =	vadd.f32 v61, v62;
	v58 =	vmul.f32 v54, v18  }
0x179: {  	v59 =	vmul.f32 v51, v15;
	v42 =	vadd.f32 v63, v56;
	v60 =	vmul.f32 v54, v22  }
0x17a: {  	v61 =	vadd.f32 v49, v28;
	v62 =	vmul.f32 v52, v25;
	v63 =	vmul.f32 v51, v19  }
0x17b: {  	v56 =	vmul.f32 v51, v23;
	v52 =	vbroadcast v31, $0xC;
	v38 =	vmin.f32 v38, v40  }
0x17c: {  	v49 =	vbroadcast v32, $0xD;
	v45 =	vadd.f32 v57, v58;
	v42 =	vadd.f32 v42, v60  }
0x17d: {  	v43 =	vadd.f32 v43, v59;
	v47 =	vadd.f32 v61, v62;
	v57 =	vmul.f32 v54, v26  }
0x17e: {  	v58 =	vmin.f32 v40, v41;
	v59 =	vmul.f32 v51, v27;
	v51 =	vbroadcast v32, $0xC  }
0x17f: {  	[tilespmem:s9+$0xFFFFFEA0] =	vst v39;
	v62 =	vmul.f32 v52, v5;
	v54 =	vmul.f32 v53, v6;
	v39 =	vadd.f32 v45, v63  }
0x180: {  	v37 =	vmin.f32 v37, v41;
	v42 =	vadd.f32 v42, v56;
	v47 =	vadd.f32 v47, v57  }
0x181: {  	v45 =	vmin.f32 v58, v43;
	v61 =	vadd.f32 v51, v8;
	v55 =	vadd.f32 v51, v12  }
0x182: {  	v56 =	vmul.f32 v52, v9;
	v36 =	vmin.f32 v36, v43;
	v58 =	vmul.f32 v48, v7  }
0x183: {  	v60 =	vld [tilespmem:s9+$0xFFFFFEB0];
	v45 =	vmin.f32 v45, v39;
	v44 =	vadd.f32 v47, v59;
	v63 =	vadd.f32 v61, v62  }
0x184: {  	v59 =	vadd.f32 v55, v56;
	v61 =	vadd.f32 v51, v16;
	v62 =	vmul.f32 v52, v13  }
0x185: {  	v35 =	vmin.f32 v35, v39;
	v34 =	vmin.f32 v34, v42;
	v45 =	vmin.f32 v45, v42  }
0x186: {  	v55 =	vmul.f32 v53, v14;
	v56 =	vadd.f32 v51, v20;
	v45 =	vmin.f32 v45, v44  }
0x187: {  	v57 =	vadd.f32 v63, v54;
	v54 =	vadd.f32 v61, v62;
	v61 =	vmul.f32 v53, v18  }
0x188: {  	v62 =	vmul.f32 v48, v15;
	v33 =	vmin.f32 v33, v44;
	v45 =	vmin.f32 v60, v45  }
0x189: {  	v60 =	vmul.f32 v53, v10;
	v39 =	vadd.f32 v57, v58;
	v58 =	vadd.f32 v51, v24  }
0x18a: {  	v57 =	vmul.f32 v52, v17;
	v42 =	vadd.f32 v54, v55;
	v54 =	vadd.f32 v51, v28  }
0x18b: {  	v55 =	vmul.f32 v52, v25;
	v51 =	vbroadcast v30, $0xD;
	v63 =	vadd.f32 v59, v60  }
0x18c: {  	v59 =	vmul.f32 v52, v21;
	v60 =	vadd.f32 v56, v57;
	v56 =	vmul.f32 v48, v19  }
0x18d: {  	v57 =	vmul.f32 v48, v23;
	v42 =	vadd.f32 v42, v62;
	v46 =	vadd.f32 v54, v55  }
0x18e: {  	v62 =	vadd.f32 v49, v8;
	v38 =	vmin.f32 v38, v39;
	v40 =	vadd.f32 v63, v50  }
0x18f: {  	v41 =	vadd.f32 v58, v59;
	v63 =	vmul.f32 v53, v22;
	v58 =	vmul.f32 v53, v26  }
0x190: {  	v50 =	vbroadcast v31, $0xD;
	v43 =	vadd.f32 v60, v61;
	v60 =	vmul.f32 v48, v27  }
0x191: {  	v48 =	vbroadcast v29, $0xD;
	v36 =	vmin.f32 v36, v42;
	v41 =	vadd.f32 v41, v63  }
0x192: {  	v59 =	vmin.f32 v39, v40;
	v46 =	vadd.f32 v46, v58;
	v63 =	vmul.f32 v50, v5  }
0x193: {  	v58 =	vmul.f32 v51, v6;
	v37 =	vmin.f32 v37, v40;
	v43 =	vadd.f32 v43, v56  }
0x194: {  	[tilespmem:s9+$0xFFFFFEB0] =	vst v45;
	v45 =	vmin.f32 v59, v42;
	v56 =	vadd.f32 v49, v12;
	v59 =	vmul.f32 v51, v10  }
0x195: {  	v61 =	vld [tilespmem:s9+$0xFFFFFEC0];
	v41 =	vadd.f32 v41, v57;
	v44 =	vadd.f32 v46, v60;
	v57 =	vmul.f32 v50, v9  }
0x196: {  	v46 =	vadd.f32 v62, v63;
	v60 =	vadd.f32 v49, v16;
	v62 =	vmul.f32 v48, v7  }
0x197: {  	v63 =	vmul.f32 v48, v11;
	v45 =	vmin.f32 v45, v43;
	v35 =	vmin.f32 v35, v43  }
0x198: {  	v45 =	vmin.f32 v45, v41;
	v52 =	vadd.f32 v56, v57;
	v46 =	vadd.f32 v46, v58  }
0x199: {  	v57 =	vmul.f32 v51, v14;
	v58 =	vadd.f32 v49, v20;
	v45 =	vmin.f32 v45, v44  }
0x19a: {  	v34 =	vmin.f32 v34, v41;
	v33 =	vmin.f32 v33, v44;
	v45 =	vmin.f32 v61, v45  }
0x19b: {  	v61 =	vmul.f32 v50, v13;
	v52 =	vadd.f32 v52, v59;
	v59 =	vmul.f32 v50, v17  }
0x19c: {  	v40 =	vadd.f32 v46, v62;
	v62 =	vmul.f32 v50, v21;
	v50 =	vmul.f32 v50, v25  }
0x19d: {  	v56 =	vadd.f32 v60, v61;
	v46 =	vadd.f32 v52, v63;
	v60 =	vmul.f32 v48, v15  }
0x19e: {  	v61 =	vadd.f32 v49, v24;
	v47 =	vadd.f32 v58, v59;
	v63 =	vmul.f32 v51, v18  }
0x19f: {  	v49 =	vadd.f32 v49, v28;
	v58 =	vmul.f32 v51, v26;
	v59 =	vmul.f32 v48, v19  }
0x1a0: {  	v52 =	vbroadcast v30, $0xE;
	v38 =	vmin.f32 v38, v40;
	v39 =	vadd.f32 v56, v57  }
0x1a1: {  	v54 =	vadd.f32 v61, v62;
	v57 =	vmul.f32 v51, v22;
	v49 =	vadd.f32 v49, v50  }
0x1a2: {  	v47 =	vadd.f32 v47, v63;
	v61 =	vmul.f32 v48, v23;
	v48 =	vmul.f32 v48, v27  }
0x1a3: {  	v62 =	vmin.f32 v40, v46;
	v50 =	vbroadcast v32, $0xE;
	v51 =	vbroadcast v31, $0xE  }
0x1a4: {  	v37 =	vmin.f32 v37, v46;
	v32 =	vbroadcast v32, $0xF;
	v39 =	vadd.f32 v39, v60  }
0x1a5: {  	v31 =	vbroadcast v31, $0xF;
	v60 =	vadd.f32 v54, v57;
	v49 =	vadd.f32 v49, v58  }
0x1a6: {  	v42 =	vadd.f32 v47, v59;
	v58 =	vadd.f32 v50, v8;
	v59 =	vmul.f32 v51, v5  }
0x1a7: {  	[tilespmem:s9+$0xFFFFFEC0] =	vst v45;
	v47 =	vadd.f32 v60, v61;
	v48 =	vadd.f32 v49, v48;
	v45 =	vmin.f32 v62, v39  }
0x1a8: {  	v63 =	vld [tilespmem:s9+$0xFFFFFED0];
	v60 =	vadd.f32 v50, v12;
	v61 =	vmul.f32 v51, v9;
	v43 =	vadd.f32 v58, v59  }
0x1a9: {  	v62 =	vmul.f32 v52, v6;
	v58 =	vadd.f32 v50, v16;
	v59 =	vmul.f32 v51, v13  }
0x1aa: {  	v36 =	vmin.f32 v36, v39;
	v35 =	vmin.f32 v35, v42;
	v45 =	vmin.f32 v45, v42  }
0x1ab: {  	v57 =	vmin.f32 v45, v47;
	v45 =	vbroadcast v29, $0xE;
	v40 =	vadd.f32 v43, v62  }
0x1ac: {  	v62 =	vadd.f32 v50, v20;
	v29 =	vbroadcast v29, $0xF;
	v41 =	vmin.f32 v57, v48  }
0x1ad: {  	v57 =	vmul.f32 v52, v10;
	v41 =	vmin.f32 v63, v41;
	v63 =	vadd.f32 v60, v61  }
0x1ae: {  	v34 =	vmin.f32 v34, v47;
	v43 =	vmul.f32 v45, v7;
	v49 =	vmul.f32 v45, v11  }
0x1af: {  	v60 =	vadd.f32 v58, v59;
	v61 =	vmul.f32 v52, v14;
	v44 =	vadd.f32 v63, v57  }
0x1b0: {  	v58 =	vadd.f32 v50, v28;
	v59 =	vmul.f32 v51, v25;
	v63 =	vmul.f32 v51, v17  }
0x1b1: {  	v56 =	vmul.f32 v45, v23;
	v40 =	vadd.f32 v40, v43;
	v43 =	vadd.f32 v44, v49  }
0x1b2: {  	v44 =	vadd.f32 v60, v61;
	v60 =	vadd.f32 v62, v63;
	v61 =	vmul.f32 v52, v18  }
0x1b3: {  	v57 =	vmul.f32 v51, v21;
	v62 =	vmul.f32 v45, v15;
	v63 =	vadd.f32 v50, v24  }
0x1b4: {  	v49 =	vadd.f32 v58, v59;
	v38 =	vmin.f32 v38, v40;
	v46 =	vadd.f32 v60, v61  }
0x1b5: {  	v60 =	vmul.f32 v45, v19;
	v54 =	vadd.f32 v63, v57;
	v61 =	vmul.f32 v52, v22  }
0x1b6: {  	v44 =	vadd.f32 v44, v62;
	v62 =	vmul.f32 v52, v26;
	v45 =	vmul.f32 v45, v27  }
0x1b7: {  	v58 =	vmin.f32 v40, v43;
	v52 =	vmul.f32 v31, v9;
	v46 =	vadd.f32 v46, v60  }
0x1b8: {  	v37 =	vmin.f32 v37, v43;
	v63 =	vadd.f32 v54, v61;
	v57 =	vadd.f32 v49, v62  }
0x1b9: {  	v49 =	vmin.f32 v58, v44;
	v62 =	vadd.f32 v32, v8;
	v58 =	vmul.f32 v29, v7  }
0x1ba: {  	[tilespmem:s9+$0xFFFFFED0] =	vst v41;
	v36 =	vmin.f32 v36, v44;
	v39 =	vadd.f32 v63, v56;
	v41 =	vadd.f32 v57, v45  }
0x1bb: {  	v60 =	vmin.f32 v49, v46;
	v45 =	vmin.f32 v33, v48;
	v63 =	vmul.f32 v31, v5  }
0x1bc: {  	v48 =	vbroadcast v30, $0xF;
	v30 =	vadd.f32 v32, v12;
	v56 =	vadd.f32 v32, v16  }
0x1bd: {  	v59 =	vld [tilespmem:s9+$0xFFFFFEE0];
	v57 =	vmul.f32 v31, v13;
	v35 =	vmin.f32 v35, v46;
	v42 =	vmin.f32 v60, v39  }
0x1be: {  	v53 =	vadd.f32 v62, v63;
	v54 =	vmul.f32 v48, v6;
	v55 =	vmul.f32 v48, v10  }
0x1bf: {  	v30 =	vadd.f32 v30, v52;
	v60 =	vmul.f32 v48, v14;
	v62 =	vmul.f32 v29, v15  }
0x1c0: {  	v63 =	vadd.f32 v32, v24;
	v34 =	vmin.f32 v34, v39;
	v39 =	vmin.f32 v45, v41  }
0x1c1: {  	v61 =	vmin.f32 v42, v41;
	v42 =	vadd.f32 v56, v57;
	v56 =	vmul.f32 v48, v22  }
0x1c2: {  	v57 =	vmul.f32 v48, v26;
	v33 =	vmin.f32 v59, v61;
	v40 =	vadd.f32 v53, v54  }
0x1c3: {  	v30 =	vadd.f32 v30, v55;
	v59 =	vmul.f32 v29, v11;
	v61 =	vmul.f32 v31, v17  }
0x1c4: {  	v54 =	vmul.f32 v31, v21;
	v42 =	vadd.f32 v42, v60;
	v40 =	vadd.f32 v40, v58  }
0x1c5: {  	v31 =	vmul.f32 v31, v25;
	v44 =	vadd.f32 v30, v59;
	v30 =	vadd.f32 v32, v20  }
0x1c6: {  	v55 =	vmul.f32 v48, v18;
	[tilespmem:s9+$0xFFFFFEE0] =	vst v33;
	v33 =	vld [tilespmem:s16+$0xFFFFFFF0];
	v32 =	vadd.f32 v32, v28;
	v49 =	vadd.f32 v63, v54  }
0x1c7: {  	v58 =	vmul.f32 v29, v19;
	v59 =	vmul.f32 v29, v23;
	v43 =	vadd.f32 v30, v61;
	v30 =	vld [tilespmem:s17+$0xFFFFFFF0]  }
0x1c8: {  	v29 =	vmul.f32 v29, v27;
	v42 =	vadd.f32 v42, v62;
	v32 =	vadd.f32 v32, v31;
	v31 =	vld [tilespmem:s14+$0xFFFFFFF0]  }
0x1c9: {  	v49 =	vadd.f32 v49, v56;
	v60 =	vmin.f32 v40, v44;
	v38 =	vmin.f32 v38, v40  }
0x1ca: {  	v37 =	vmin.f32 v37, v44;
	v43 =	vadd.f32 v43, v55;
	v32 =	vadd.f32 v32, v57  }
0x1cb: {  	v36 =	vmin.f32 v36, v42;
	v47 =	vadd.f32 v49, v59;
	v51 =	vbroadcast v33, $0x0  }
0x1cc: {  	v61 =	vld [tilespmem:s9+$0xFFFFFEF0];
	v55 =	vbroadcast v33, $0x1;
	v43 =	vadd.f32 v43, v58;
	v48 =	vadd.f32 v32, v29  }
0x1cd: {  	v29 =	vmin.f32 v60, v42;
	v32 =	vld [tilespmem:s15+$0xFFFFFFF0];
	v49 =	vbroadcast v31, $0x0;
	v50 =	vbroadcast v30, $0x0  }
0x1ce: {  	v54 =	vbroadcast v33, $0x2;
	v59 =	vmul.f32 v51, v6;
	v29 =	vmin.f32 v29, v43  }
0x1cf: {  	v29 =	vmin.f32 v29, v47;
	v62 =	vadd.f32 v49, v8;
	v63 =	vmul.f32 v50, v5  }
0x1d0: {  	v56 =	vadd.f32 v49, v12;
	v57 =	vmul.f32 v50, v9;
	v29 =	vmin.f32 v29, v48  }
0x1d1: {  	v34 =	vmin.f32 v34, v47;
	v52 =	vbroadcast v31, $0x1;
	v29 =	vmin.f32 v61, v29  }
0x1d2: {  	v58 =	vadd.f32 v62, v63;
	v45 =	vbroadcast v32, $0x0;
	v60 =	vadd.f32 v56, v57  }
0x1d3: {  	v61 =	vmul.f32 v51, v10;
	v62 =	vadd.f32 v49, v16;
	v63 =	vmul.f32 v50, v13  }
0x1d4: {  	v35 =	vmin.f32 v35, v43;
	v40 =	vadd.f32 v58, v59;
	v57 =	vmul.f32 v45, v7  }
0x1d5: {  	v58 =	vadd.f32 v60, v61;
	v59 =	vmul.f32 v45, v11;
	v60 =	vadd.f32 v62, v63  }
0x1d6: {  	v61 =	vmul.f32 v51, v14;
	v62 =	vadd.f32 v49, v20;
	v63 =	vmul.f32 v50, v17  }
0x1d7: {  	v39 =	vmin.f32 v39, v48;
	v40 =	vadd.f32 v40, v57;
	v41 =	vadd.f32 v58, v59  }
0x1d8: {  	v42 =	vadd.f32 v60, v61;
	v57 =	vadd.f32 v62, v63;
	v58 =	vmul.f32 v51, v18  }
0x1d9: {  	v59 =	vmul.f32 v45, v15;
	v60 =	vadd.f32 v49, v24;
	v61 =	vmul.f32 v50, v21  }
0x1da: {  	v62 =	vadd.f32 v49, v28;
	v63 =	vmul.f32 v50, v25;
	v44 =	vadd.f32 v57, v58  }
0x1db: {  	v57 =	vmul.f32 v45, v19;
	v53 =	vadd.f32 v60, v61;
	v58 =	vmul.f32 v51, v22  }
0x1dc: {  	v42 =	vadd.f32 v42, v59;
	v46 =	vadd.f32 v62, v63;
	v59 =	vmul.f32 v51, v26  }
0x1dd: {  	v61 =	vmul.f32 v45, v23;
	v45 =	vmul.f32 v45, v27;
	v62 =	vmin.f32 v40, v41  }
0x1de: {  	v51 =	vbroadcast v32, $0x1;
	v38 =	vmin.f32 v38, v40;
	v44 =	vadd.f32 v44, v57  }
0x1df: {  	v37 =	vmin.f32 v37, v41;
	v60 =	vadd.f32 v53, v58;
	v46 =	vadd.f32 v46, v59  }
0x1e0: {  	v49 =	vmin.f32 v62, v42;
	v53 =	vbroadcast v30, $0x1;
	v57 =	vadd.f32 v52, v8  }
0x1e1: {  	v62 =	vadd.f32 v52, v12;
	v36 =	vmin.f32 v36, v42;
	v50 =	vadd.f32 v60, v61  }
0x1e2: {  	v45 =	vadd.f32 v46, v45;
	v63 =	vmin.f32 v49, v44;
	v58 =	vmul.f32 v53, v5  }
0x1e3: {  	v49 =	vld [tilespmem:s9+$0xFFFFFF00];
	v61 =	vmul.f32 v55, v6;
	v35 =	vmin.f32 v35, v44;
	v59 =	vmin.f32 v63, v50  }
0x1e4: {  	v60 =	vadd.f32 v57, v58;
	v63 =	vmul.f32 v53, v9;
	v57 =	vmul.f32 v51, v11  }
0x1e5: {  	v34 =	vmin.f32 v34, v50;
	v39 =	vmin.f32 v39, v45;
	v43 =	vmin.f32 v59, v45  }
0x1e6: {  	v59 =	vmul.f32 v51, v7;
	v58 =	vadd.f32 v60, v61;
	v60 =	vadd.f32 v62, v63  }
0x1e7: {  	v61 =	vmul.f32 v55, v10;
	v62 =	vadd.f32 v52, v16;
	v63 =	vmul.f32 v53, v13  }
0x1e8: {  	v50 =	vbroadcast v31, $0x3;
	v43 =	vmin.f32 v49, v43;
	v40 =	vadd.f32 v58, v59  }
0x1e9: {  	v49 =	vbroadcast v32, $0x2;
	v56 =	vadd.f32 v60, v61;
	v58 =	vadd.f32 v62, v63  }
0x1ea: {  	v59 =	vmul.f32 v55, v14;
	v60 =	vadd.f32 v52, v20;
	v61 =	vmul.f32 v53, v17  }
0x1eb: {  	v62 =	vadd.f32 v52, v24;
	v63 =	vmul.f32 v53, v21;
	v41 =	vadd.f32 v56, v57  }
0x1ec: {  	v46 =	vadd.f32 v58, v59;
	v57 =	vadd.f32 v60, v61;
	v58 =	vmul.f32 v55, v18  }
0x1ed: {  	v59 =	vmul.f32 v51, v15;
	v42 =	vadd.f32 v62, v63;
	v60 =	vmul.f32 v55, v22  }
0x1ee: {  	v61 =	vadd.f32 v52, v28;
	v62 =	vmul.f32 v53, v25;
	v63 =	vmul.f32 v51, v19  }
0x1ef: {  	v52 =	vbroadcast v31, $0x2;
	v53 =	vbroadcast v30, $0x2;
	v38 =	vmin.f32 v38, v40  }
0x1f0: {  	v56 =	vmul.f32 v54, v10;
	v47 =	vadd.f32 v57, v58;
	v42 =	vadd.f32 v42, v60  }
0x1f1: {  	v57 =	vmul.f32 v51, v23;
	v46 =	vadd.f32 v46, v59;
	v48 =	vadd.f32 v61, v62  }
0x1f2: {  	v58 =	vmul.f32 v55, v26;
	v59 =	vmin.f32 v40, v41;
	v60 =	vmul.f32 v51, v27  }
0x1f3: {  	[tilespmem:s9+$0xFFFFFF00] =	vst v43;
	v62 =	vadd.f32 v52, v8;
	v37 =	vmin.f32 v37, v41;
	v43 =	vadd.f32 v47, v63  }
0x1f4: {  	v51 =	vbroadcast v30, $0x3;
	v42 =	vadd.f32 v42, v57;
	v48 =	vadd.f32 v48, v58  }
0x1f5: {  	v61 =	vld [tilespmem:s9+$0xFFFFFF10];
	v47 =	vmin.f32 v59, v46;
	v63 =	vmul.f32 v53, v5;
	v59 =	vmul.f32 v54, v6  }
0x1f6: {  	v36 =	vmin.f32 v36, v46;
	v47 =	vmin.f32 v47, v43;
	v44 =	vadd.f32 v48, v60  }
0x1f7: {  	v58 =	vadd.f32 v62, v63;
	v60 =	vadd.f32 v52, v12;
	v63 =	vmul.f32 v49, v7  }
0x1f8: {  	v35 =	vmin.f32 v35, v43;
	v34 =	vmin.f32 v34, v42;
	v47 =	vmin.f32 v47, v42  }
0x1f9: {  	v57 =	vmin.f32 v47, v44;
	v62 =	vadd.f32 v58, v59;
	v58 =	vmul.f32 v53, v13  }
0x1fa: {  	v39 =	vmin.f32 v39, v44;
	v45 =	vmin.f32 v61, v57;
	v61 =	vmul.f32 v53, v9  }
0x1fb: {  	v57 =	vadd.f32 v52, v16;
	v40 =	vadd.f32 v62, v63;
	v62 =	vmul.f32 v54, v14  }
0x1fc: {  	v63 =	vadd.f32 v52, v20;
	v55 =	vadd.f32 v60, v61;
	v60 =	vmul.f32 v49, v11  }
0x1fd: {  	v61 =	vadd.f32 v57, v58;
	v57 =	vmul.f32 v53, v21;
	v38 =	vmin.f32 v38, v40  }
0x1fe: {  	v59 =	vadd.f32 v55, v56;
	v55 =	vmul.f32 v53, v17;
	v56 =	vadd.f32 v52, v24  }
0x1ff: {  	v43 =	vadd.f32 v61, v62;
	v61 =	vmul.f32 v54, v22;
	v62 =	vadd.f32 v52, v28  }
0x200: {  	v41 =	vadd.f32 v59, v60;
	v58 =	vadd.f32 v63, v55;
	v59 =	vmul.f32 v54, v18  }
0x201: {  	v52 =	vbroadcast v33, $0x3;
	v60 =	vmul.f32 v49, v15;
	v42 =	vadd.f32 v56, v57  }
0x202: {  	v63 =	vmul.f32 v53, v25;
	v56 =	vmul.f32 v49, v19;
	v46 =	vadd.f32 v58, v59  }
0x203: {  	v57 =	vmul.f32 v49, v23;
	v42 =	vadd.f32 v42, v61;
	v43 =	vadd.f32 v43, v60  }
0x204: {  	v47 =	vadd.f32 v62, v63;
	v58 =	vmul.f32 v54, v26;
	v59 =	vmin.f32 v40, v41  }
0x205: {  	v60 =	vmul.f32 v49, v27;
	v62 =	vadd.f32 v50, v8;
	v63 =	vmul.f32 v51, v5  }
0x206: {  	[tilespmem:s9+$0xFFFFFF10] =	vst v45;
	v49 =	vbroadcast v32, $0x3;
	v37 =	vmin.f32 v37, v41;
	v45 =	vadd.f32 v46, v56  }
0x207: {  	v42 =	vadd.f32 v42, v57;
	v47 =	vadd.f32 v47, v58;
	v46 =	vmin.f32 v59, v43  }
0x208: {  	v57 =	vadd.f32 v50, v12;
	v58 =	vmul.f32 v51, v9;
	v59 =	vmul.f32 v52, v6  }
0x209: {  	v61 =	vld [tilespmem:s9+$0xFFFFFF20];
	v54 =	vmul.f32 v49, v15;
	v36 =	vmin.f32 v36, v43;
	v44 =	vadd.f32 v47, v60  }
0x20a: {  	v46 =	vmin.f32 v46, v45;
	v47 =	vadd.f32 v62, v63;
	v53 =	vadd.f32 v57, v58  }
0x20b: {  	v60 =	vmul.f32 v52, v10;
	v62 =	vmul.f32 v51, v13;
	v46 =	vmin.f32 v46, v42  }
0x20c: {  	v63 =	vmul.f32 v49, v7;
	v35 =	vmin.f32 v35, v45;
	v46 =	vmin.f32 v46, v44  }
0x20d: {  	v47 =	vadd.f32 v47, v59;
	v53 =	vadd.f32 v53, v60;
	v59 =	vmul.f32 v49, v11  }
0x20e: {  	v34 =	vmin.f32 v34, v42;
	v46 =	vmin.f32 v61, v46;
	v61 =	vadd.f32 v50, v16  }
0x20f: {  	v39 =	vmin.f32 v39, v44;
	v41 =	vadd.f32 v47, v63;
	v47 =	vadd.f32 v53, v59  }
0x210: {  	v63 =	vmul.f32 v51, v17;
	v53 =	vbroadcast v33, $0x4;
	v60 =	vadd.f32 v61, v62  }
0x211: {  	v61 =	vmul.f32 v52, v14;
	v62 =	vadd.f32 v50, v20;
	v56 =	vmin.f32 v41, v47  }
0x212: {  	v45 =	vmul.f32 v53, v6;
	v38 =	vmin.f32 v38, v41;
	v37 =	vmin.f32 v37, v47  }
0x213: {  	v40 =	vadd.f32 v60, v61;
	v60 =	vadd.f32 v50, v24;
	v61 =	vmul.f32 v51, v21  }
0x214: {  	v48 =	vadd.f32 v62, v63;
	v50 =	vadd.f32 v50, v28;
	v51 =	vmul.f32 v51, v25  }
0x215: {  	v62 =	vmul.f32 v52, v18;
	v63 =	vmul.f32 v52, v22;
	v55 =	vadd.f32 v60, v61  }
0x216: {  	v40 =	vadd.f32 v40, v54;
	v50 =	vadd.f32 v50, v51;
	v60 =	vmul.f32 v52, v26  }
0x217: {  	v48 =	vadd.f32 v48, v62;
	v61 =	vmul.f32 v49, v19;
	v51 =	vbroadcast v31, $0x4  }
0x218: {  	v52 =	vbroadcast v30, $0x4;
	v62 =	vadd.f32 v55, v63;
	v63 =	vmul.f32 v49, v23  }
0x219: {  	v50 =	vadd.f32 v50, v60;
	v49 =	vmul.f32 v49, v27;
	v43 =	vadd.f32 v48, v61  }
0x21a: {  	[tilespmem:s9+$0xFFFFFF20] =	vst v46;
	v46 =	vmin.f32 v56, v40;
	v59 =	vadd.f32 v51, v8;
	v60 =	vmul.f32 v52, v5  }
0x21b: {  	v61 =	vadd.f32 v51, v12;
	v55 =	vadd.f32 v51, v24;
	v36 =	vmin.f32 v36, v40  }
0x21c: {  	v57 =	vld [tilespmem:s9+$0xFFFFFF30];
	v48 =	vadd.f32 v62, v63;
	v49 =	vadd.f32 v50, v49;
	v46 =	vmin.f32 v46, v43  }
0x21d: {  	v62 =	vmul.f32 v52, v9;
	v44 =	vadd.f32 v59, v60;
	v60 =	vmul.f32 v53, v10  }
0x21e: {  	v35 =	vmin.f32 v35, v43;
	v58 =	vmin.f32 v46, v48;
	v46 =	vbroadcast v32, $0x4  }
0x21f: {  	v63 =	vadd.f32 v61, v62;
	v61 =	vadd.f32 v51, v16;
	v62 =	vmul.f32 v52, v13  }
0x220: {  	v41 =	vadd.f32 v44, v45;
	v39 =	vmin.f32 v39, v49;
	v42 =	vmin.f32 v58, v49  }
0x221: {  	v49 =	vbroadcast v32, $0x5;
	v42 =	vmin.f32 v57, v42;
	v44 =	vmul.f32 v46, v7  }
0x222: {  	v45 =	vadd.f32 v63, v60;
	v63 =	vmul.f32 v46, v11;
	v60 =	vadd.f32 v61, v62  }
0x223: {  	v61 =	vmul.f32 v53, v14;
	v62 =	vadd.f32 v51, v20;
	v57 =	vmul.f32 v52, v17  }
0x224: {  	v54 =	vmul.f32 v46, v15;
	v41 =	vadd.f32 v41, v44;
	v44 =	vadd.f32 v45, v63  }
0x225: {  	v45 =	vadd.f32 v60, v61;
	v63 =	vadd.f32 v62, v57;
	v60 =	vmul.f32 v53, v18  }
0x226: {  	v34 =	vmin.f32 v34, v48;
	v56 =	vmul.f32 v46, v23;
	v61 =	vmul.f32 v52, v21  }
0x227: {  	v62 =	vadd.f32 v51, v28;
	v47 =	vadd.f32 v63, v60;
	v63 =	vmul.f32 v52, v25  }
0x228: {  	v60 =	vmul.f32 v46, v19;
	v55 =	vadd.f32 v55, v61;
	v61 =	vmul.f32 v53, v22  }
0x229: {  	v45 =	vadd.f32 v45, v54;
	v46 =	vmul.f32 v46, v27;
	v58 =	vmin.f32 v41, v44  }
0x22a: {  	v52 =	vbroadcast v33, $0x5;
	v38 =	vmin.f32 v38, v41;
	v37 =	vmin.f32 v37, v44  }
0x22b: {  	v50 =	vadd.f32 v62, v63;
	v62 =	vmul.f32 v53, v26;
	v47 =	vadd.f32 v47, v60  }
0x22c: {  	v63 =	vadd.f32 v55, v61;
	v36 =	vmin.f32 v36, v45;
	v53 =	vbroadcast v30, $0x7  }
0x22d: {  	v55 =	vbroadcast v33, $0x7;
	v57 =	vadd.f32 v50, v62;
	v50 =	vmin.f32 v58, v45  }
0x22e: {  	v59 =	vld [tilespmem:s9+$0xFFFFFF40];
	v40 =	vadd.f32 v63, v56;
	v58 =	vmul.f32 v52, v6;
	v60 =	vmin.f32 v50, v47  }
0x22f: {  	[tilespmem:s9+$0xFFFFFF30] =	vst v42;
	v50 =	vbroadcast v30, $0x5;
	v42 =	vadd.f32 v57, v46;
	v46 =	vbroadcast v31, $0x5  }
0x230: {  	v35 =	vmin.f32 v35, v47;
	v43 =	vmin.f32 v60, v40;
	v34 =	vmin.f32 v34, v40  }
0x231: {  	v62 =	vmul.f32 v50, v5;
	v56 =	vmul.f32 v50, v9;
	v61 =	vadd.f32 v46, v8  }
0x232: {  	v43 =	vmin.f32 v43, v42;
	v63 =	vadd.f32 v46, v12;
	v60 =	vadd.f32 v46, v16  }
0x233: {  	v39 =	vmin.f32 v39, v42;
	v43 =	vmin.f32 v59, v43;
	v57 =	vadd.f32 v61, v62  }
0x234: {  	v59 =	vmul.f32 v52, v10;
	v51 =	vadd.f32 v63, v56;
	v61 =	vmul.f32 v50, v13  }
0x235: {  	v62 =	vmul.f32 v49, v7;
	v63 =	vmul.f32 v49, v11;
	v41 =	vadd.f32 v57, v58  }
0x236: {  	v51 =	vadd.f32 v51, v59;
	v56 =	vadd.f32 v60, v61;
	v57 =	vmul.f32 v52, v14  }
0x237: {  	v58 =	vadd.f32 v46, v20;
	v59 =	vmul.f32 v50, v17;
	v61 =	vadd.f32 v46, v24  }
0x238: {  	v60 =	vmul.f32 v49, v15;
	v46 =	vadd.f32 v46, v28;
	v41 =	vadd.f32 v41, v62  }
0x239: {  	v45 =	vadd.f32 v51, v63;
	v62 =	vmul.f32 v50, v21;
	v50 =	vmul.f32 v50, v25  }
0x23a: {  	v44 =	vadd.f32 v56, v57;
	v63 =	vmul.f32 v52, v18;
	v57 =	vmul.f32 v52, v22  }
0x23b: {  	v48 =	vadd.f32 v58, v59;
	v58 =	vmul.f32 v52, v26;
	v59 =	vmul.f32 v49, v19  }
0x23c: {  	v51 =	vbroadcast v30, $0x6;
	v54 =	vadd.f32 v61, v62;
	v44 =	vadd.f32 v44, v60  }
0x23d: {  	v52 =	vbroadcast v33, $0x6;
	v46 =	vadd.f32 v46, v50;
	v48 =	vadd.f32 v48, v63  }
0x23e: {  	v61 =	vmul.f32 v49, v23;
	v49 =	vmul.f32 v49, v27;
	v62 =	vmin.f32 v41, v45  }
0x23f: {  	v50 =	vbroadcast v31, $0x6;
	v38 =	vmin.f32 v38, v41;
	v60 =	vadd.f32 v54, v57  }
0x240: {  	[tilespmem:s9+$0xFFFFFF40] =	vst v43;
	v37 =	vmin.f32 v37, v45;
	v46 =	vadd.f32 v46, v58;
	v43 =	vadd.f32 v48, v59  }
0x241: {  	v47 =	vmin.f32 v62, v44;
	v57 =	vadd.f32 v50, v8;
	v58 =	vmul.f32 v51, v5  }
0x242: {  	v63 =	vld [tilespmem:s9+$0xFFFFFF50];
	v59 =	vadd.f32 v50, v12;
	v62 =	vmul.f32 v52, v6;
	v36 =	vmin.f32 v36, v44  }
0x243: {  	v48 =	vadd.f32 v60, v61;
	v46 =	vadd.f32 v46, v49;
	v47 =	vmin.f32 v47, v43  }
0x244: {  	v60 =	vmul.f32 v51, v9;
	v61 =	vadd.f32 v57, v58;
	v57 =	vmul.f32 v52, v10  }
0x245: {  	v58 =	vadd.f32 v50, v16;
	v35 =	vmin.f32 v35, v43;
	v56 =	vmin.f32 v47, v48  }
0x246: {  	v47 =	vbroadcast v32, $0x6;
	v41 =	vadd.f32 v61, v62;
	v40 =	vmin.f32 v56, v46  }
0x247: {  	v61 =	vmul.f32 v52, v14;
	v40 =	vmin.f32 v63, v40;
	v63 =	vadd.f32 v59, v60  }
0x248: {  	v62 =	vadd.f32 v50, v20;
	v59 =	vmul.f32 v51, v13;
	v42 =	vmul.f32 v47, v7  }
0x249: {  	v34 =	vmin.f32 v34, v48;
	v49 =	vmul.f32 v47, v11;
	v45 =	vadd.f32 v63, v57  }
0x24a: {  	v60 =	vadd.f32 v58, v59;
	v63 =	vmul.f32 v51, v17;
	v41 =	vadd.f32 v41, v42  }
0x24b: {  	v39 =	vmin.f32 v39, v46;
	v57 =	vadd.f32 v50, v28;
	v42 =	vadd.f32 v45, v49  }
0x24c: {  	v58 =	vmul.f32 v51, v25;
	v44 =	vadd.f32 v60, v61;
	v59 =	vadd.f32 v62, v63  }
0x24d: {  	v60 =	vmul.f32 v52, v18;
	v61 =	vmul.f32 v47, v15;
	v62 =	vadd.f32 v50, v24  }
0x24e: {  	v63 =	vmul.f32 v51, v21;
	v49 =	vadd.f32 v57, v58;
	v50 =	vbroadcast v31, $0x7  }
0x24f: {  	v38 =	vmin.f32 v38, v41;
	v45 =	vadd.f32 v59, v60;
	v59 =	vmul.f32 v47, v19  }
0x250: {  	v60 =	vmul.f32 v52, v22;
	v44 =	vadd.f32 v44, v61;
	v61 =	vmul.f32 v52, v26  }
0x251: {  	v54 =	vadd.f32 v62, v63;
	v63 =	vmul.f32 v47, v23;
	v47 =	vmul.f32 v47, v27  }
0x252: {  	v56 =	vmin.f32 v41, v42;
	v58 =	vadd.f32 v50, v8;
	v52 =	vbroadcast v32, $0x7  }
0x253: {  	v37 =	vmin.f32 v37, v42;
	v45 =	vadd.f32 v45, v59;
	v62 =	vadd.f32 v54, v60  }
0x254: {  	v49 =	vadd.f32 v49, v61;
	v57 =	vmin.f32 v56, v44;
	v59 =	vmul.f32 v53, v5  }
0x255: {  	v61 =	vmul.f32 v55, v6;
	v36 =	vmin.f32 v36, v44;
	v54 =	vbroadcast v33, $0x8  }
0x256: {  	[tilespmem:s9+$0xFFFFFF50] =	vst v40;
	v51 =	vadd.f32 v62, v63;
	v47 =	vadd.f32 v49, v47;
	v40 =	vmin.f32 v57, v45  }
0x257: {  	v60 =	vadd.f32 v58, v59;
	v62 =	vadd.f32 v50, v12;
	v63 =	vmul.f32 v53, v9  }
0x258: {  	v59 =	vmul.f32 v52, v7;
	v35 =	vmin.f32 v35, v45;
	v56 =	vmul.f32 v54, v10  }
0x259: {  	v40 =	vmin.f32 v40, v51;
	v58 =	vadd.f32 v60, v61;
	v60 =	vadd.f32 v62, v63  }
0x25a: {  	v49 =	vld [tilespmem:s9+$0xFFFFFF60];
	v61 =	vmul.f32 v55, v10;
	v62 =	vadd.f32 v50, v16;
	v63 =	vmul.f32 v53, v13  }
0x25b: {  	v34 =	vmin.f32 v34, v51;
	v39 =	vmin.f32 v39, v47;
	v51 =	vbroadcast v30, $0x9  }
0x25c: {  	v40 =	vmin.f32 v40, v47;
	v41 =	vadd.f32 v58, v59;
	v57 =	vadd.f32 v60, v61  }
0x25d: {  	v58 =	vmul.f32 v52, v11;
	v59 =	vadd.f32 v62, v63;
	v60 =	vmul.f32 v55, v14  }
0x25e: {  	v61 =	vadd.f32 v50, v20;
	v62 =	vmul.f32 v53, v17;
	v63 =	vadd.f32 v50, v24  }
0x25f: {  	v40 =	vmin.f32 v49, v40;
	v49 =	vbroadcast v32, $0x8;
	v42 =	vadd.f32 v57, v58  }
0x260: {  	v57 =	vmul.f32 v53, v21;
	v44 =	vadd.f32 v59, v60;
	v59 =	vmul.f32 v55, v18  }
0x261: {  	v58 =	vadd.f32 v61, v62;
	v60 =	vmul.f32 v52, v15;
	v61 =	vmul.f32 v55, v22  }
0x262: {  	v62 =	vadd.f32 v50, v28;
	v38 =	vmin.f32 v38, v41;
	v50 =	vbroadcast v31, $0x9  }
0x263: {  	v43 =	vadd.f32 v63, v57;
	v46 =	vadd.f32 v58, v59;
	v63 =	vmul.f32 v53, v25  }
0x264: {  	v57 =	vmul.f32 v52, v19;
	v58 =	vmul.f32 v52, v23;
	v44 =	vadd.f32 v44, v60  }
0x265: {  	v59 =	vmul.f32 v55, v26;
	v60 =	vmin.f32 v41, v42;
	v53 =	vbroadcast v30, $0x8  }
0x266: {  	v37 =	vmin.f32 v37, v42;
	v43 =	vadd.f32 v43, v61;
	v48 =	vadd.f32 v62, v63  }
0x267: {  	[tilespmem:s9+$0xFFFFFF60] =	vst v40;
	v40 =	vadd.f32 v46, v57;
	v61 =	vmul.f32 v52, v27;
	v46 =	vmin.f32 v60, v44  }
0x268: {  	v52 =	vbroadcast v31, $0x8;
	v57 =	vmul.f32 v53, v5;
	v36 =	vmin.f32 v36, v44  }
0x269: {  	v43 =	vadd.f32 v43, v58;
	v48 =	vadd.f32 v48, v59;
	v46 =	vmin.f32 v46, v40  }
0x26a: {  	v62 =	vld [tilespmem:s9+$0xFFFFFF70];
	v63 =	vadd.f32 v52, v8;
	v59 =	vmul.f32 v54, v6;
	v60 =	vadd.f32 v52, v12  }
0x26b: {  	v35 =	vmin.f32 v35, v40;
	v45 =	vadd.f32 v48, v61;
	v46 =	vmin.f32 v46, v43  }
0x26c: {  	v58 =	vadd.f32 v63, v57;
	v61 =	vmul.f32 v53, v9;
	v63 =	vmul.f32 v49, v7  }
0x26d: {  	v57 =	vadd.f32 v52, v16;
	v34 =	vmin.f32 v34, v43;
	v46 =	vmin.f32 v46, v45  }
0x26e: {  	v55 =	vadd.f32 v60, v61;
	v60 =	vmul.f32 v49, v11;
	v39 =	vmin.f32 v39, v45  }
0x26f: {  	v46 =	vmin.f32 v62, v46;
	v62 =	vadd.f32 v58, v59;
	v58 =	vmul.f32 v53, v13  }
0x270: {  	v59 =	vadd.f32 v55, v56;
	v55 =	vmul.f32 v53, v17;
	v56 =	vadd.f32 v52, v24  }
0x271: {  	v40 =	vadd.f32 v62, v63;
	v61 =	vadd.f32 v57, v58;
	v62 =	vmul.f32 v54, v14  }
0x272: {  	v63 =	vadd.f32 v52, v20;
	v57 =	vmul.f32 v53, v21;
	v41 =	vadd.f32 v59, v60  }
0x273: {  	v59 =	vmul.f32 v54, v18;
	v60 =	vmul.f32 v49, v15;
	v43 =	vadd.f32 v61, v62  }
0x274: {  	v58 =	vadd.f32 v63, v55;
	v42 =	vadd.f32 v56, v57;
	v61 =	vmul.f32 v54, v22  }
0x275: {  	v62 =	vadd.f32 v52, v28;
	v63 =	vmul.f32 v53, v25;
	v56 =	vmul.f32 v49, v19  }
0x276: {  	v57 =	vmul.f32 v49, v23;
	v52 =	vbroadcast v33, $0x9;
	v38 =	vmin.f32 v38, v40  }
0x277: {  	v37 =	vmin.f32 v37, v41;
	v44 =	vadd.f32 v58, v59;
	v42 =	vadd.f32 v42, v61  }
0x278: {  	v43 =	vadd.f32 v43, v60;
	v47 =	vadd.f32 v62, v63;
	v58 =	vmul.f32 v54, v26  }
0x279: {  	v59 =	vmin.f32 v40, v41;
	v60 =	vmul.f32 v49, v27;
	v62 =	vadd.f32 v50, v8  }
0x27a: {  	v63 =	vmul.f32 v51, v5;
	v49 =	vbroadcast v32, $0x9;
	v44 =	vadd.f32 v44, v56  }
0x27b: {  	[tilespmem:s9+$0xFFFFFF70] =	vst v46;
	v42 =	vadd.f32 v42, v57;
	v47 =	vadd.f32 v47, v58;
	v46 =	vmin.f32 v59, v43  }
0x27c: {  	v57 =	vadd.f32 v50, v12;
	v58 =	vmul.f32 v51, v9;
	v59 =	vmul.f32 v52, v6  }
0x27d: {  	v61 =	vld [tilespmem:s9+$0xFFFFFF80];
	v54 =	vmul.f32 v49, v15;
	v36 =	vmin.f32 v36, v43;
	v45 =	vadd.f32 v47, v60  }
0x27e: {  	v46 =	vmin.f32 v46, v44;
	v47 =	vadd.f32 v62, v63;
	v53 =	vadd.f32 v57, v58  }
0x27f: {  	v60 =	vmul.f32 v52, v10;
	v62 =	vmul.f32 v51, v13;
	v46 =	vmin.f32 v46, v42  }
0x280: {  	v63 =	vmul.f32 v49, v7;
	v35 =	vmin.f32 v35, v44;
	v46 =	vmin.f32 v46, v45  }
0x281: {  	v47 =	vadd.f32 v47, v59;
	v53 =	vadd.f32 v53, v60;
	v59 =	vmul.f32 v49, v11  }
0x282: {  	v34 =	vmin.f32 v34, v42;
	v46 =	vmin.f32 v61, v46;
	v61 =	vadd.f32 v50, v16  }
0x283: {  	v39 =	vmin.f32 v39, v45;
	v41 =	vadd.f32 v47, v63;
	v47 =	vadd.f32 v53, v59  }
0x284: {  	v63 =	vmul.f32 v51, v17;
	v53 =	vbroadcast v33, $0xA;
	v60 =	vadd.f32 v61, v62  }
0x285: {  	v61 =	vmul.f32 v52, v14;
	v62 =	vadd.f32 v50, v20;
	v56 =	vmin.f32 v41, v47  }
0x286: {  	v45 =	vmul.f32 v53, v6;
	v38 =	vmin.f32 v38, v41;
	v37 =	vmin.f32 v37, v47  }
0x287: {  	v40 =	vadd.f32 v60, v61;
	v60 =	vadd.f32 v50, v24;
	v61 =	vmul.f32 v51, v21  }
0x288: {  	v48 =	vadd.f32 v62, v63;
	v50 =	vadd.f32 v50, v28;
	v51 =	vmul.f32 v51, v25  }
0x289: {  	v62 =	vmul.f32 v52, v18;
	v63 =	vmul.f32 v52, v22;
	v55 =	vadd.f32 v60, v61  }
0x28a: {  	v40 =	vadd.f32 v40, v54;
	v50 =	vadd.f32 v50, v51;
	v60 =	vmul.f32 v52, v26  }
0x28b: {  	v48 =	vadd.f32 v48, v62;
	v61 =	vmul.f32 v49, v19;
	v51 =	vbroadcast v31, $0xA  }
0x28c: {  	v52 =	vbroadcast v30, $0xA;
	v62 =	vadd.f32 v55, v63;
	v63 =	vmul.f32 v49, v23  }
0x28d: {  	v50 =	vadd.f32 v50, v60;
	v49 =	vmul.f32 v49, v27;
	v43 =	vadd.f32 v48, v61  }
0x28e: {  	[tilespmem:s9+$0xFFFFFF80] =	vst v46;
	v46 =	vmin.f32 v56, v40;
	v59 =	vadd.f32 v51, v8;
	v60 =	vmul.f32 v52, v5  }
0x28f: {  	v61 =	vadd.f32 v51, v12;
	v55 =	vadd.f32 v51, v24;
	v36 =	vmin.f32 v36, v40  }
0x290: {  	v48 =	vadd.f32 v62, v63;
	v49 =	vadd.f32 v50, v49;
	v46 =	vmin.f32 v46, v43  }
0x291: {  	v62 =	vmul.f32 v52, v9;
	v44 =	vadd.f32 v59, v60;
	v60 =	vmul.f32 v53, v10  }
0x292: {  	v35 =	vmin.f32 v35, v43;
	v58 =	vmin.f32 v46, v48;
	v46 =	vbroadcast v32, $0xA  }
0x293: {  	v63 =	vadd.f32 v61, v62;
	v61 =	vadd.f32 v51, v16;
	v62 =	vmul.f32 v52, v13  }
0x294: {  	v41 =	vadd.f32 v44, v45;
	v34 =	vmin.f32 v34, v48;
	v39 =	vmin.f32 v39, v49  }
0x295: {  	v57 =	vld [tilespmem:s9+$0xFFFFFF90];
	v42 =	vmin.f32 v58, v49;
	v49 =	vbroadcast v32, $0xB;
	v44 =	vmul.f32 v46, v7  }
0x296: {  	v45 =	vadd.f32 v63, v60;
	v50 =	vmul.f32 v46, v11;
	v63 =	vadd.f32 v61, v62  }
0x297: {  	v60 =	vmul.f32 v53, v14;
	v61 =	vadd.f32 v51, v20;
	v62 =	vmul.f32 v52, v17  }
0x298: {  	v54 =	vmul.f32 v46, v15;
	v41 =	vadd.f32 v41, v44;
	v44 =	vadd.f32 v45, v50  }
0x299: {  	v45 =	vadd.f32 v63, v60;
	v63 =	vadd.f32 v61, v62;
	v60 =	vmul.f32 v53, v18  }
0x29a: {  	v42 =	vmin.f32 v57, v42;
	v56 =	vmul.f32 v46, v23;
	v61 =	vmul.f32 v52, v21  }
0x29b: {  	v62 =	vadd.f32 v51, v28;
	v47 =	vadd.f32 v63, v60;
	v63 =	vmul.f32 v52, v25  }
0x29c: {  	v60 =	vmul.f32 v46, v19;
	v55 =	vadd.f32 v55, v61;
	v61 =	vmul.f32 v53, v22  }
0x29d: {  	v45 =	vadd.f32 v45, v54;
	v46 =	vmul.f32 v46, v27;
	v58 =	vmin.f32 v41, v44  }
0x29e: {  	v52 =	vbroadcast v33, $0xB;
	v38 =	vmin.f32 v38, v41;
	v37 =	vmin.f32 v37, v44  }
0x29f: {  	v50 =	vadd.f32 v62, v63;
	v62 =	vmul.f32 v53, v26;
	v47 =	vadd.f32 v47, v60  }
0x2a0: {  	v63 =	vadd.f32 v55, v61;
	v36 =	vmin.f32 v36, v45;
	v53 =	vbroadcast v30, $0xD  }
0x2a1: {  	v55 =	vbroadcast v33, $0xD;
	v57 =	vadd.f32 v50, v62;
	v50 =	vmin.f32 v58, v45  }
0x2a2: {  	v59 =	vld [tilespmem:s9+$0xFFFFFFA0];
	v40 =	vadd.f32 v63, v56;
	v58 =	vmul.f32 v52, v6;
	v60 =	vmin.f32 v50, v47  }
0x2a3: {  	[tilespmem:s9+$0xFFFFFF90] =	vst v42;
	v50 =	vbroadcast v30, $0xB;
	v42 =	vadd.f32 v57, v46;
	v46 =	vbroadcast v31, $0xB  }
0x2a4: {  	v35 =	vmin.f32 v35, v47;
	v43 =	vmin.f32 v60, v40;
	v34 =	vmin.f32 v34, v40  }
0x2a5: {  	v62 =	vmul.f32 v50, v5;
	v56 =	vmul.f32 v50, v9;
	v61 =	vadd.f32 v46, v8  }
0x2a6: {  	v43 =	vmin.f32 v43, v42;
	v63 =	vadd.f32 v46, v12;
	v60 =	vadd.f32 v46, v16  }
0x2a7: {  	v39 =	vmin.f32 v39, v42;
	v43 =	vmin.f32 v59, v43;
	v57 =	vadd.f32 v61, v62  }
0x2a8: {  	v59 =	vmul.f32 v52, v10;
	v51 =	vadd.f32 v63, v56;
	v61 =	vmul.f32 v50, v13  }
0x2a9: {  	v62 =	vmul.f32 v49, v7;
	v63 =	vmul.f32 v49, v11;
	v41 =	vadd.f32 v57, v58  }
0x2aa: {  	v51 =	vadd.f32 v51, v59;
	v56 =	vadd.f32 v60, v61;
	v57 =	vmul.f32 v52, v14  }
0x2ab: {  	v58 =	vadd.f32 v46, v20;
	v59 =	vmul.f32 v50, v17;
	v61 =	vadd.f32 v46, v24  }
0x2ac: {  	v60 =	vmul.f32 v49, v15;
	v46 =	vadd.f32 v46, v28;
	v41 =	vadd.f32 v41, v62  }
0x2ad: {  	v45 =	vadd.f32 v51, v63;
	v62 =	vmul.f32 v50, v21;
	v50 =	vmul.f32 v50, v25  }
0x2ae: {  	v44 =	vadd.f32 v56, v57;
	v63 =	vmul.f32 v52, v18;
	v57 =	vmul.f32 v52, v22  }
0x2af: {  	v48 =	vadd.f32 v58, v59;
	v58 =	vmul.f32 v52, v26;
	v59 =	vmul.f32 v49, v19  }
0x2b0: {  	v51 =	vbroadcast v30, $0xC;
	v54 =	vadd.f32 v61, v62;
	v44 =	vadd.f32 v44, v60  }
0x2b1: {  	v52 =	vbroadcast v33, $0xC;
	v46 =	vadd.f32 v46, v50;
	v48 =	vadd.f32 v48, v63  }
0x2b2: {  	v61 =	vmul.f32 v49, v23;
	v49 =	vmul.f32 v49, v27;
	v62 =	vmin.f32 v41, v45  }
0x2b3: {  	v50 =	vbroadcast v31, $0xC;
	v38 =	vmin.f32 v38, v41;
	v60 =	vadd.f32 v54, v57  }
0x2b4: {  	[tilespmem:s9+$0xFFFFFFA0] =	vst v43;
	v37 =	vmin.f32 v37, v45;
	v46 =	vadd.f32 v46, v58;
	v43 =	vadd.f32 v48, v59  }
0x2b5: {  	v47 =	vmin.f32 v62, v44;
	v58 =	vadd.f32 v50, v8;
	v59 =	vmul.f32 v51, v5  }
0x2b6: {  	v63 =	vld [tilespmem:s9+$0xFFFFFFB0];
	v36 =	vmin.f32 v36, v44;
	v48 =	vadd.f32 v60, v61;
	v46 =	vadd.f32 v46, v49  }
0x2b7: {  	v47 =	vmin.f32 v47, v43;
	v60 =	vadd.f32 v50, v12;
	v61 =	vmul.f32 v51, v9  }
0x2b8: {  	v62 =	vadd.f32 v58, v59;
	v58 =	vmul.f32 v52, v10;
	v59 =	vadd.f32 v50, v16  }
0x2b9: {  	v35 =	vmin.f32 v35, v43;
	v57 =	vmin.f32 v47, v48;
	v47 =	vbroadcast v32, $0xC  }
0x2ba: {  	v34 =	vmin.f32 v34, v48;
	v40 =	vmin.f32 v57, v46;
	v57 =	vadd.f32 v60, v61  }
0x2bb: {  	v60 =	vmul.f32 v51, v13;
	v40 =	vmin.f32 v63, v40;
	v63 =	vmul.f32 v52, v6  }
0x2bc: {  	v39 =	vmin.f32 v39, v46;
	v42 =	vmul.f32 v47, v7;
	v49 =	vmul.f32 v47, v11  }
0x2bd: {  	v45 =	vadd.f32 v57, v58;
	v61 =	vadd.f32 v59, v60;
	v60 =	vmul.f32 v51, v17  }
0x2be: {  	v57 =	vadd.f32 v50, v24;
	v58 =	vmul.f32 v51, v21;
	v59 =	vadd.f32 v50, v28  }
0x2bf: {  	v41 =	vadd.f32 v62, v63;
	v62 =	vmul.f32 v52, v14;
	v63 =	vadd.f32 v50, v20  }
0x2c0: {  	v50 =	vbroadcast v31, $0xD;
	v54 =	vadd.f32 v57, v58;
	v57 =	vmul.f32 v47, v23  }
0x2c1: {  	v44 =	vadd.f32 v61, v62;
	v61 =	vadd.f32 v63, v60;
	v62 =	vmul.f32 v52, v18  }
0x2c2: {  	v41 =	vadd.f32 v41, v42;
	v63 =	vmul.f32 v47, v15;
	v60 =	vmul.f32 v51, v25  }
0x2c3: {  	v42 =	vadd.f32 v45, v49;
	v45 =	vadd.f32 v61, v62;
	v61 =	vmul.f32 v47, v19  }
0x2c4: {  	v62 =	vmul.f32 v52, v22;
	v44 =	vadd.f32 v44, v63;
	v49 =	vadd.f32 v59, v60  }
0x2c5: {  	v63 =	vmul.f32 v52, v26;
	v47 =	vmul.f32 v47, v27;
	v58 =	vmin.f32 v41, v42  }
0x2c6: {  	v60 =	vadd.f32 v50, v8;
	v52 =	vbroadcast v32, $0xD;
	v38 =	vmin.f32 v38, v41  }
0x2c7: {  	v37 =	vmin.f32 v37, v42;
	v45 =	vadd.f32 v45, v61;
	v56 =	vadd.f32 v54, v62  }
0x2c8: {  	v49 =	vadd.f32 v49, v63;
	v59 =	vmin.f32 v58, v44;
	v61 =	vmul.f32 v53, v5  }
0x2c9: {  	v63 =	vmul.f32 v55, v6;
	v58 =	vmul.f32 v55, v10;
	v36 =	vmin.f32 v36, v44  }
0x2ca: {  	v54 =	vbroadcast v33, $0xE;
	v33 =	vbroadcast v33, $0xF;
	v51 =	vadd.f32 v56, v57  }
0x2cb: {  	[tilespmem:s9+$0xFFFFFFB0] =	vst v40;
	v47 =	vadd.f32 v49, v47;
	v40 =	vmin.f32 v59, v45;
	v62 =	vadd.f32 v60, v61  }
0x2cc: {  	v60 =	vadd.f32 v50, v12;
	v61 =	vmul.f32 v53, v9;
	v59 =	vadd.f32 v50, v16  }
0x2cd: {  	v56 =	vmul.f32 v52, v27;
	v35 =	vmin.f32 v35, v45;
	v40 =	vmin.f32 v40, v51  }
0x2ce: {  	v49 =	vld [tilespmem:s9+$0xFFFFFFC0];
	v62 =	vadd.f32 v62, v63;
	v63 =	vmul.f32 v52, v7;
	v57 =	vadd.f32 v60, v61  }
0x2cf: {  	v60 =	vmul.f32 v53, v13;
	v34 =	vmin.f32 v34, v51;
	v39 =	vmin.f32 v39, v47  }
0x2d0: {  	v40 =	vmin.f32 v40, v47;
	v41 =	vadd.f32 v62, v63;
	v61 =	vadd.f32 v57, v58  }
0x2d1: {  	v62 =	vmul.f32 v52, v11;
	v63 =	vadd.f32 v59, v60;
	v57 =	vmul.f32 v55, v14  }
0x2d2: {  	v58 =	vadd.f32 v50, v20;
	v59 =	vmul.f32 v53, v17;
	v60 =	vadd.f32 v50, v24  }
0x2d3: {  	v40 =	vmin.f32 v49, v40;
	v49 =	vbroadcast v32, $0xE;
	v42 =	vadd.f32 v61, v62  }
0x2d4: {  	v61 =	vmul.f32 v53, v21;
	v44 =	vadd.f32 v63, v57;
	v63 =	vmul.f32 v55, v18  }
0x2d5: {  	v62 =	vadd.f32 v58, v59;
	v57 =	vmul.f32 v52, v15;
	v58 =	vmul.f32 v55, v22  }
0x2d6: {  	v59 =	vadd.f32 v50, v28;
	v38 =	vmin.f32 v38, v41;
	v43 =	vadd.f32 v60, v61  }
0x2d7: {  	v46 =	vadd.f32 v62, v63;
	v60 =	vmul.f32 v53, v25;
	v61 =	vmul.f32 v52, v19  }
0x2d8: {  	v62 =	vmul.f32 v52, v23;
	v44 =	vadd.f32 v44, v57;
	v63 =	vmul.f32 v55, v26  }
0x2d9: {  	v55 =	vmin.f32 v41, v42;
	v52 =	vbroadcast v31, $0xE;
	v53 =	vbroadcast v30, $0xE  }
0x2da: {  	v37 =	vmin.f32 v37, v42;
	v31 =	vbroadcast v31, $0xF;
	v43 =	vadd.f32 v43, v58  }
0x2db: {  	[tilespmem:s9+$0xFFFFFFC0] =	vst v40;
	v30 =	vbroadcast v30, $0xF;
	v48 =	vadd.f32 v59, v60;
	v40 =	vadd.f32 v46, v61  }
0x2dc: {  	v46 =	vmin.f32 v55, v44;
	v58 =	vadd.f32 v52, v8;
	v59 =	vmul.f32 v53, v5  }
0x2dd: {  	v61 =	vmul.f32 v54, v6;
	v36 =	vmin.f32 v36, v44;
	v43 =	vadd.f32 v43, v62  }
0x2de: {  	v48 =	vadd.f32 v48, v63;
	v46 =	vmin.f32 v46, v40;
	v60 =	vadd.f32 v58, v59  }
0x2df: {  	v57 =	vld [tilespmem:s9+$0xFFFFFFD0];
	v62 =	vadd.f32 v52, v12;
	v63 =	vmul.f32 v53, v9;
	v58 =	vmul.f32 v54, v10  }
0x2e0: {  	v59 =	vadd.f32 v52, v16;
	v35 =	vmin.f32 v35, v40;
	v45 =	vadd.f32 v48, v56  }
0x2e1: {  	v46 =	vmin.f32 v46, v43;
	v55 =	vadd.f32 v60, v61;
	v56 =	vmul.f32 v49, v7  }
0x2e2: {  	v60 =	vmul.f32 v53, v13;
	v40 =	vmin.f32 v34, v43;
	v46 =	vmin.f32 v46, v45  }
0x2e3: {  	v34 =	vadd.f32 v55, v56;
	v55 =	vmul.f32 v54, v14;
	v56 =	vadd.f32 v52, v20  }
0x2e4: {  	v39 =	vmin.f32 v39, v45;
	v46 =	vmin.f32 v57, v46;
	v57 =	vadd.f32 v62, v63  }
0x2e5: {  	v62 =	vmul.f32 v49, v11;
	v63 =	vadd.f32 v59, v60;
	v59 =	vmul.f32 v53, v21  }
0x2e6: {  	v38 =	vmin.f32 v38, v34;
	v61 =	vadd.f32 v57, v58;
	v57 =	vmul.f32 v53, v17  }
0x2e7: {  	v58 =	vadd.f32 v52, v24;
	v43 =	vadd.f32 v63, v55;
	v63 =	vmul.f32 v54, v22  }
0x2e8: {  	v55 =	vmul.f32 v30, v5;
	v41 =	vadd.f32 v61, v62;
	v60 =	vadd.f32 v56, v57  }
0x2e9: {  	v61 =	vmul.f32 v54, v18;
	v62 =	vmul.f32 v49, v15;
	v42 =	vadd.f32 v58, v59  }
0x2ea: {  	v56 =	vadd.f32 v52, v28;
	v57 =	vmul.f32 v53, v25;
	v58 =	vmul.f32 v49, v19  }
0x2eb: {  	v59 =	vmul.f32 v49, v23;
	v44 =	vadd.f32 v60, v61;
	v42 =	vadd.f32 v42, v63  }
0x2ec: {  	v43 =	vadd.f32 v43, v62;
	v47 =	vadd.f32 v56, v57;
	v60 =	vmul.f32 v54, v26  }
0x2ed: {  	v61 =	vmin.f32 v34, v41;
	v62 =	vmul.f32 v49, v27;
	v54 =	vadd.f32 v31, v8  }
0x2ee: {  	v56 =	vadd.f32 v31, v12;
	v57 =	vmul.f32 v30, v9;
	v49 =	vbroadcast v32, $0xF  }
0x2ef: {  	v37 =	vmin.f32 v37, v41;
	v44 =	vadd.f32 v44, v58;
	v42 =	vadd.f32 v42, v59  }
0x2f0: {  	[tilespmem:s9+$0xFFFFFFD0] =	vst v46;
	v47 =	vadd.f32 v47, v60;
	v46 =	vmin.f32 v61, v43;
	v58 =	vmul.f32 v33, v6  }
0x2f1: {  	v59 =	vadd.f32 v56, v57;
	v60 =	vmul.f32 v33, v10;
	v61 =	vadd.f32 v31, v16  }
0x2f2: {  	v57 =	vmul.f32 v33, v14;
	v36 =	vmin.f32 v36, v43;
	v46 =	vmin.f32 v46, v44  }
0x2f3: {  	v63 =	vld [tilespmem:s9+$0xFFFFFFE0];
	v45 =	vadd.f32 v47, v62;
	v47 =	vadd.f32 v54, v55;
	v62 =	vmul.f32 v30, v13  }
0x2f4: {  	v32 =	vadd.f32 v59, v60;
	v55 =	vmul.f32 v49, v11;
	v59 =	vmul.f32 v30, v17  }
0x2f5: {  	v60 =	vmul.f32 v49, v15;
	v35 =	vmin.f32 v35, v44;
	v40 =	vmin.f32 v40, v42  }
0x2f6: {  	v46 =	vmin.f32 v46, v42;
	v47 =	vadd.f32 v47, v58;
	v56 =	vadd.f32 v61, v62  }
0x2f7: {  	v46 =	vmin.f32 v46, v45;
	v58 =	vadd.f32 v31, v20;
	v61 =	vadd.f32 v31, v24  }
0x2f8: {  	v62 =	vmul.f32 v30, v21;
	v46 =	vmin.f32 v63, v46;
	v63 =	vmul.f32 v49, v7  }
0x2f9: {  	v30 =	vmul.f32 v30, v25;
	v39 =	vmin.f32 v39, v45;
	v34 =	vadd.f32 v58, v59  }
0x2fa: {  	v58 =	vmul.f32 v49, v19;
	v41 =	vadd.f32 v47, v63;
	v47 =	vadd.f32 v32, v55  }
0x2fb: {  	v59 =	vmul.f32 v49, v23;
	v32 =	vadd.f32 v56, v57;
	v63 =	vadd.f32 v31, v28  }
0x2fc: {  	v51 =	vadd.f32 v61, v62;
	v56 =	vmul.f32 v33, v18;
	v57 =	vmul.f32 v33, v22;
	v31 =	vld [tilespmem:s17+$0x0]  }
0x2fd: {  	v33 =	vmul.f32 v33, v26;
	v50 =	vadd.f32 v32, v60;
	v30 =	vadd.f32 v63, v30  }
0x2fe: {  	v32 =	vld [tilespmem:s14+$0x0];
	v34 =	vadd.f32 v34, v56;
	v51 =	vadd.f32 v51, v57;
	v60 =	vmul.f32 v49, v27  }
0x2ff: {  	v62 =	vld [tilespmem:s9+$0xFFFFFFF0];
	v61 =	vmin.f32 v41, v47;
	v38 =	vmin.f32 v38, v41;
	v30 =	vadd.f32 v30, v33  }
0x300: {  	v37 =	vmin.f32 v37, v47;
	v43 =	vadd.f32 v34, v58;
	v34 =	vld [tilespmem:s16+$0x0];
	v48 =	vadd.f32 v51, v59  }
0x301: {  	v33 =	vld [tilespmem:s15+$0x0];
	v36 =	vmin.f32 v36, v50;
	v52 =	vbroadcast v31, $0x0;
	v49 =	vadd.f32 v30, v60  }
0x302: {  	v30 =	vmin.f32 v61, v50;
	v35 =	vmin.f32 v35, v43;
	v40 =	vmin.f32 v40, v48  }
0x303: {  	v30 =	vmin.f32 v30, v43;
	v51 =	vbroadcast v32, $0x0;
	v57 =	vmul.f32 v52, v5  }
0x304: {  	v59 =	vmul.f32 v52, v9;
	v30 =	vmin.f32 v30, v48;
	v39 =	vmin.f32 v39, v49  }
0x305: {  	v30 =	vmin.f32 v30, v49;
	v63 =	vadd.f32 v51, v8;
	v53 =	vbroadcast v34, $0x0  }
0x306: {  	v58 =	vadd.f32 v51, v12;
	v45 =	vbroadcast v33, $0x0;
	v30 =	vmin.f32 v62, v30  }
0x307: {  	v62 =	vadd.f32 v51, v16;
	v42 =	vadd.f32 v63, v57;
	v44 =	vmul.f32 v53, v6  }
0x308: {  	v60 =	vadd.f32 v58, v59;
	v61 =	vmul.f32 v53, v10;
	v63 =	vmul.f32 v52, v13  }
0x309: {  	[tilespmem:s9+$0xFFFFFFE0] =	vst v46;
	v49 =	vbroadcast v33, $0x1;
	v46 =	vmul.f32 v45, v11;
	v41 =	vadd.f32 v42, v44  }
0x30a: {  	v42 =	vmul.f32 v45, v7;
	v44 =	vadd.f32 v60, v61;
	v60 =	vadd.f32 v62, v63  }
0x30b: {  	v61 =	vmul.f32 v53, v14;
	v62 =	vadd.f32 v51, v20;
	v63 =	vmul.f32 v52, v17  }
0x30c: {  	v54 =	vmul.f32 v45, v15;
	v41 =	vadd.f32 v41, v42;
	v42 =	vadd.f32 v44, v46  }
0x30d: {  	v44 =	vadd.f32 v60, v61;
	v60 =	vadd.f32 v62, v63;
	v61 =	vmul.f32 v53, v18  }
0x30e: {  	v55 =	vadd.f32 v51, v24;
	v57 =	vmul.f32 v45, v23;
	v62 =	vmul.f32 v52, v21  }
0x30f: {  	v63 =	vadd.f32 v51, v28;
	v46 =	vadd.f32 v60, v61;
	v60 =	vmul.f32 v52, v25  }
0x310: {  	v61 =	vmul.f32 v45, v19;
	v55 =	vadd.f32 v55, v62;
	v62 =	vmul.f32 v53, v22  }
0x311: {  	v44 =	vadd.f32 v44, v54;
	v45 =	vmul.f32 v45, v27;
	v58 =	vmin.f32 v41, v42  }
0x312: {  	v38 =	vmin.f32 v38, v41;
	v47 =	vadd.f32 v63, v60;
	v63 =	vmul.f32 v53, v26  }
0x313: {  	v37 =	vmin.f32 v37, v42;
	v46 =	vadd.f32 v46, v61;
	v56 =	vadd.f32 v55, v62  }
0x314: {  	v59 =	vld [tilespmem:s9+$0x0];
	v54 =	vmul.f32 v49, v15;
	v51 =	vmin.f32 v58, v44;
	v47 =	vadd.f32 v47, v63  }
0x315: {  	v50 =	vadd.f32 v56, v57;
	v60 =	vmin.f32 v51, v46;
	v51 =	vbroadcast v31, $0x1  }
0x316: {  	v53 =	vbroadcast v34, $0x1;
	v43 =	vadd.f32 v47, v45;
	v47 =	vbroadcast v32, $0x1  }
0x317: {  	v45 =	vmin.f32 v60, v50;
	v62 =	vmul.f32 v51, v5;
	v57 =	vmul.f32 v51, v9  }
0x318: {  	v45 =	vmin.f32 v45, v43;
	v61 =	vadd.f32 v47, v8;
	v63 =	vadd.f32 v47, v12  }
0x319: {  	v36 =	vmin.f32 v36, v44;
	v60 =	vmul.f32 v53, v10;
	v45 =	vmin.f32 v59, v45  }
0x31a: {  	v59 =	vmul.f32 v53, v6;
	v58 =	vadd.f32 v61, v62;
	v52 =	vadd.f32 v63, v57  }
0x31b: {  	v35 =	vmin.f32 v35, v46;
	v61 =	vadd.f32 v47, v16;
	v62 =	vmul.f32 v51, v13  }
0x31c: {  	v63 =	vmul.f32 v49, v7;
	v41 =	vadd.f32 v58, v59;
	v52 =	vadd.f32 v52, v60  }
0x31d: {  	v59 =	vmul.f32 v49, v11;
	v60 =	vadd.f32 v61, v62;
	v61 =	vmul.f32 v53, v14  }
0x31e: {  	v40 =	vmin.f32 v40, v50;
	v62 =	vadd.f32 v47, v20;
	v41 =	vadd.f32 v41, v63  }
0x31f: {  	v39 =	vmin.f32 v39, v43;
	v44 =	vadd.f32 v52, v59;
	v42 =	vadd.f32 v60, v61  }
0x320: {  	v63 =	vmul.f32 v51, v17;
	v60 =	vadd.f32 v47, v24;
	v61 =	vmul.f32 v51, v21  }
0x321: {  	v47 =	vadd.f32 v47, v28;
	v51 =	vmul.f32 v51, v25;
	v52 =	vbroadcast v31, $0x2  }
0x322: {  	v48 =	vadd.f32 v62, v63;
	v62 =	vmul.f32 v53, v18;
	v55 =	vadd.f32 v60, v61  }
0x323: {  	v63 =	vmul.f32 v53, v22;
	v42 =	vadd.f32 v42, v54;
	v47 =	vadd.f32 v47, v51  }
0x324: {  	v60 =	vmul.f32 v53, v26;
	v61 =	vmul.f32 v49, v19;
	v56 =	vmin.f32 v41, v44  }
0x325: {  	v51 =	vbroadcast v32, $0x2;
	v53 =	vbroadcast v34, $0x2;
	v38 =	vmin.f32 v38, v41  }
0x326: {  	v37 =	vmin.f32 v37, v44;
	v48 =	vadd.f32 v48, v62;
	v62 =	vadd.f32 v55, v63  }
0x327: {  	v63 =	vmul.f32 v49, v23;
	v47 =	vadd.f32 v47, v60;
	v49 =	vmul.f32 v49, v27  }
0x328: {  	v46 =	vmin.f32 v56, v42;
	v59 =	vadd.f32 v51, v8;
	v60 =	vmul.f32 v52, v5  }
0x329: {  	[tilespmem:s9+$0x0] =	vst v45;
	v36 =	vmin.f32 v36, v42;
	v55 =	vadd.f32 v51, v24;
	v45 =	vadd.f32 v48, v61  }
0x32a: {  	v56 =	vbroadcast v34, $0x3;
	v48 =	vadd.f32 v62, v63;
	v47 =	vadd.f32 v47, v49  }
0x32b: {  	v61 =	vadd.f32 v51, v12;
	v62 =	vmul.f32 v52, v9;
	v41 =	vadd.f32 v59, v60  }
0x32c: {  	v49 =	vbroadcast v33, $0x2;
	v60 =	vmul.f32 v53, v10;
	v46 =	vmin.f32 v46, v45  }
0x32d: {  	v63 =	vadd.f32 v61, v62;
	v61 =	vadd.f32 v51, v16;
	v62 =	vmul.f32 v52, v13  }
0x32e: {  	v57 =	vld [tilespmem:s9+$0x10];
	v44 =	vmul.f32 v49, v7;
	v58 =	vmin.f32 v46, v48;
	v46 =	vmul.f32 v53, v6  }
0x32f: {  	v50 =	vmul.f32 v49, v11;
	v54 =	vmul.f32 v49, v15;
	v35 =	vmin.f32 v35, v45  }
0x330: {  	v40 =	vmin.f32 v40, v48;
	v39 =	vmin.f32 v39, v47;
	v41 =	vadd.f32 v41, v46  }
0x331: {  	v43 =	vmin.f32 v58, v47;
	v46 =	vadd.f32 v63, v60;
	v63 =	vadd.f32 v61, v62  }
0x332: {  	v60 =	vmul.f32 v53, v14;
	v61 =	vadd.f32 v51, v20;
	v62 =	vmul.f32 v52, v17  }
0x333: {  	v43 =	vmin.f32 v57, v43;
	v57 =	vmul.f32 v49, v23;
	v41 =	vadd.f32 v41, v44  }
0x334: {  	v44 =	vadd.f32 v63, v60;
	v63 =	vadd.f32 v61, v62;
	v60 =	vmul.f32 v53, v18  }
0x335: {  	v42 =	vadd.f32 v46, v50;
	v61 =	vmul.f32 v52, v21;
	v62 =	vadd.f32 v51, v28  }
0x336: {  	v51 =	vbroadcast v32, $0x3;
	v46 =	vadd.f32 v63, v60;
	v63 =	vmul.f32 v52, v25  }
0x337: {  	v60 =	vmul.f32 v49, v19;
	v55 =	vadd.f32 v55, v61;
	v61 =	vmul.f32 v53, v22  }
0x338: {  	v44 =	vadd.f32 v44, v54;
	v49 =	vmul.f32 v49, v27;
	v58 =	vmin.f32 v41, v42  }
0x339: {  	v54 =	vbroadcast v31, $0x3;
	v38 =	vmin.f32 v38, v41;
	v37 =	vmin.f32 v37, v42  }
0x33a: {  	v50 =	vadd.f32 v62, v63;
	v62 =	vmul.f32 v53, v26;
	v46 =	vadd.f32 v46, v60  }
0x33b: {  	v63 =	vadd.f32 v55, v61;
	v59 =	vmin.f32 v58, v44;
	v60 =	vadd.f32 v51, v8  }
0x33c: {  	v61 =	vmul.f32 v54, v5;
	v53 =	vbroadcast v33, $0x3;
	v36 =	vmin.f32 v36, v44  }
0x33d: {  	v55 =	vbroadcast v34, $0x4;
	v50 =	vadd.f32 v50, v62;
	v52 =	vadd.f32 v63, v57  }
0x33e: {  	[tilespmem:s9+$0x10] =	vst v43;
	v43 =	vmin.f32 v59, v46;
	v62 =	vadd.f32 v60, v61;
	v63 =	vmul.f32 v56, v6  }
0x33f: {  	v60 =	vadd.f32 v51, v12;
	v61 =	vmul.f32 v54, v9;
	v59 =	vmul.f32 v56, v10  }
0x340: {  	v35 =	vmin.f32 v35, v46;
	v49 =	vadd.f32 v50, v49;
	v43 =	vmin.f32 v43, v52  }
0x341: {  	v62 =	vadd.f32 v62, v63;
	v63 =	vmul.f32 v53, v7;
	v58 =	vadd.f32 v60, v61  }
0x342: {  	v60 =	vadd.f32 v51, v16;
	v61 =	vmul.f32 v54, v13;
	v40 =	vmin.f32 v40, v52  }
0x343: {  	v52 =	vbroadcast v31, $0x5;
	v43 =	vmin.f32 v43, v49;
	v41 =	vadd.f32 v62, v63  }
0x344: {  	v62 =	vadd.f32 v58, v59;
	v63 =	vmul.f32 v53, v11;
	v57 =	vadd.f32 v60, v61  }
0x345: {  	v50 =	vld [tilespmem:s9+$0x20];
	v58 =	vmul.f32 v56, v14;
	v59 =	vadd.f32 v51, v20;
	v60 =	vmul.f32 v54, v17  }
0x346: {  	v61 =	vadd.f32 v51, v24;
	v39 =	vmin.f32 v39, v49;
	v42 =	vadd.f32 v62, v63  }
0x347: {  	v62 =	vmul.f32 v54, v21;
	v45 =	vadd.f32 v57, v58;
	v57 =	vmul.f32 v56, v18  }
0x348: {  	v63 =	vadd.f32 v59, v60;
	v58 =	vmul.f32 v53, v15;
	v59 =	vmul.f32 v56, v22  }
0x349: {  	v60 =	vadd.f32 v51, v28;
	v38 =	vmin.f32 v38, v41;
	v51 =	vbroadcast v32, $0x5  }
0x34a: {  	v43 =	vmin.f32 v50, v43;
	v50 =	vbroadcast v33, $0x4;
	v44 =	vadd.f32 v61, v62  }
0x34b: {  	v47 =	vadd.f32 v63, v57;
	v61 =	vmul.f32 v54, v25;
	v62 =	vmul.f32 v53, v19  }
0x34c: {  	v63 =	vmul.f32 v53, v23;
	v45 =	vadd.f32 v45, v58;
	v57 =	vmul.f32 v56, v26  }
0x34d: {  	v58 =	vmin.f32 v41, v42;
	v54 =	vbroadcast v31, $0x4;
	v44 =	vadd.f32 v44, v59  }
0x34e: {  	[tilespmem:s9+$0x20] =	vst v43;
	v37 =	vmin.f32 v37, v42;
	v48 =	vadd.f32 v60, v61;
	v43 =	vadd.f32 v47, v62  }
0x34f: {  	v59 =	vmul.f32 v53, v27;
	v47 =	vmin.f32 v58, v45;
	v53 =	vbroadcast v32, $0x4  }
0x350: {  	v62 =	vmul.f32 v54, v5;
	v36 =	vmin.f32 v36, v45;
	v44 =	vadd.f32 v44, v63  }
0x351: {  	v48 =	vadd.f32 v48, v57;
	v47 =	vmin.f32 v47, v43;
	v61 =	vadd.f32 v53, v8  }
0x352: {  	v60 =	vld [tilespmem:s9+$0x30];
	v63 =	vmul.f32 v55, v6;
	v56 =	vadd.f32 v53, v12;
	v57 =	vmul.f32 v54, v9  }
0x353: {  	v35 =	vmin.f32 v35, v43;
	v46 =	vadd.f32 v48, v59;
	v47 =	vmin.f32 v47, v44  }
0x354: {  	v48 =	vadd.f32 v61, v62;
	v59 =	vmul.f32 v50, v7;
	v61 =	vmul.f32 v55, v10  }
0x355: {  	v62 =	vadd.f32 v53, v16;
	v40 =	vmin.f32 v40, v44;
	v47 =	vmin.f32 v47, v46  }
0x356: {  	v58 =	vadd.f32 v48, v63;
	v63 =	vmul.f32 v54, v13;
	v39 =	vmin.f32 v39, v46  }
0x357: {  	v47 =	vmin.f32 v60, v47;
	v60 =	vadd.f32 v56, v57;
	v57 =	vmul.f32 v50, v11  }
0x358: {  	v41 =	vadd.f32 v58, v59;
	v58 =	vadd.f32 v62, v63;
	v59 =	vmul.f32 v55, v14  }
0x359: {  	v62 =	vadd.f32 v53, v24;
	v63 =	vmul.f32 v54, v21;
	v56 =	vadd.f32 v60, v61  }
0x35a: {  	v60 =	vadd.f32 v53, v20;
	v61 =	vmul.f32 v54, v17;
	v44 =	vadd.f32 v58, v59  }
0x35b: {  	v58 =	vmul.f32 v50, v15;
	v43 =	vadd.f32 v62, v63;
	v59 =	vmul.f32 v55, v22  }
0x35c: {  	v62 =	vmul.f32 v50, v19;
	v63 =	vmul.f32 v50, v23;
	v38 =	vmin.f32 v38, v41  }
0x35d: {  	v42 =	vadd.f32 v56, v57;
	v56 =	vadd.f32 v60, v61;
	v57 =	vmul.f32 v55, v18  }
0x35e: {  	v60 =	vadd.f32 v53, v28;
	v61 =	vmul.f32 v54, v25;
	v54 =	vmul.f32 v55, v26  }
0x35f: {  	v53 =	vbroadcast v34, $0x5;
	v43 =	vadd.f32 v43, v59;
	v44 =	vadd.f32 v44, v58  }
0x360: {  	v58 =	vadd.f32 v51, v8;
	v59 =	vmul.f32 v52, v5;
	v45 =	vadd.f32 v56, v57  }
0x361: {  	v48 =	vadd.f32 v60, v61;
	v55 =	vmin.f32 v41, v42;
	v56 =	vmul.f32 v50, v27  }
0x362: {  	v60 =	vadd.f32 v51, v12;
	v61 =	vmul.f32 v52, v9;
	v50 =	vbroadcast v33, $0x5  }
0x363: {  	[tilespmem:s9+$0x30] =	vst v47;
	v37 =	vmin.f32 v37, v42;
	v43 =	vadd.f32 v43, v63;
	v47 =	vmin.f32 v55, v44  }
0x364: {  	v63 =	vmul.f32 v53, v10;
	v36 =	vmin.f32 v36, v44;
	v45 =	vadd.f32 v45, v62  }
0x365: {  	v48 =	vadd.f32 v48, v54;
	v62 =	vmul.f32 v53, v6;
	v54 =	vadd.f32 v60, v61  }
0x366: {  	v60 =	vadd.f32 v51, v16;
	v61 =	vmul.f32 v52, v13;
	v55 =	vmul.f32 v50, v15  }
0x367: {  	v40 =	vmin.f32 v40, v43;
	v47 =	vmin.f32 v47, v45;
	v46 =	vadd.f32 v48, v56  }
0x368: {  	v48 =	vadd.f32 v58, v59;
	v54 =	vadd.f32 v54, v63;
	v63 =	vmul.f32 v50, v11  }
0x369: {  	v57 =	vld [tilespmem:s9+$0x40];
	v58 =	vadd.f32 v60, v61;
	v59 =	vmul.f32 v53, v14;
	v60 =	vadd.f32 v51, v20  }
0x36a: {  	v61 =	vmul.f32 v52, v17;
	v35 =	vmin.f32 v35, v45;
	v47 =	vmin.f32 v47, v43  }
0x36b: {  	v47 =	vmin.f32 v47, v46;
	v48 =	vadd.f32 v48, v62;
	v62 =	vmul.f32 v50, v7  }
0x36c: {  	v41 =	vadd.f32 v58, v59;
	v49 =	vadd.f32 v60, v61;
	v60 =	vmul.f32 v53, v18  }
0x36d: {  	v61 =	vmul.f32 v53, v22;
	v59 =	vmul.f32 v50, v23;
	v39 =	vmin.f32 v39, v46  }
0x36e: {  	v47 =	vmin.f32 v57, v47;
	v42 =	vadd.f32 v48, v62;
	v48 =	vadd.f32 v54, v63  }
0x36f: {  	v62 =	vadd.f32 v51, v24;
	v63 =	vmul.f32 v52, v21;
	v51 =	vadd.f32 v51, v28  }
0x370: {  	v52 =	vmul.f32 v52, v25;
	v41 =	vadd.f32 v41, v55;
	v49 =	vadd.f32 v49, v60  }
0x371: {  	v54 =	vbroadcast v34, $0x6;
	v56 =	vadd.f32 v62, v63;
	v62 =	vmul.f32 v53, v26  }
0x372: {  	v51 =	vadd.f32 v51, v52;
	v63 =	vmul.f32 v50, v19;
	v50 =	vmul.f32 v50, v27  }
0x373: {  	v60 =	vmin.f32 v42, v48;
	v52 =	vbroadcast v32, $0x6;
	v53 =	vbroadcast v31, $0x6  }
0x374: {  	v46 =	vmul.f32 v54, v6;
	v38 =	vmin.f32 v38, v42;
	v37 =	vmin.f32 v37, v48  }
0x375: {  	v36 =	vmin.f32 v36, v41;
	v58 =	vadd.f32 v56, v61;
	v51 =	vadd.f32 v51, v62  }
0x376: {  	[tilespmem:s9+$0x40] =	vst v47;
	v47 =	vmin.f32 v60, v41;
	v44 =	vadd.f32 v49, v63;
	v62 =	vadd.f32 v52, v8  }
0x377: {  	v63 =	vmul.f32 v53, v5;
	v60 =	vadd.f32 v52, v12;
	v49 =	vadd.f32 v58, v59  }
0x378: {  	v56 =	vadd.f32 v52, v24;
	v50 =	vadd.f32 v51, v50;
	v47 =	vmin.f32 v47, v44  }
0x379: {  	v45 =	vadd.f32 v62, v63;
	v63 =	vmul.f32 v54, v10;
	v61 =	vmin.f32 v47, v49  }
0x37a: {  	v58 =	vmul.f32 v53, v17;
	v43 =	vmin.f32 v61, v50;
	v61 =	vmul.f32 v53, v9  }
0x37b: {  	v35 =	vmin.f32 v35, v44;
	v47 =	vbroadcast v33, $0x6;
	v42 =	vadd.f32 v45, v46  }
0x37c: {  	v40 =	vmin.f32 v40, v49;
	v39 =	vmin.f32 v39, v50;
	v62 =	vadd.f32 v60, v61  }
0x37d: {  	v51 =	vld [tilespmem:s9+$0x50];
	v50 =	vbroadcast v33, $0x7;
	v60 =	vadd.f32 v52, v16;
	v61 =	vmul.f32 v53, v13  }
0x37e: {  	v45 =	vmul.f32 v47, v7;
	v46 =	vadd.f32 v62, v63;
	v62 =	vmul.f32 v47, v11  }
0x37f: {  	v63 =	vadd.f32 v60, v61;
	v60 =	vmul.f32 v54, v14;
	v61 =	vadd.f32 v52, v20  }
0x380: {  	v55 =	vmul.f32 v47, v15;
	v42 =	vadd.f32 v42, v45;
	v45 =	vadd.f32 v46, v62  }
0x381: {  	v46 =	vadd.f32 v63, v60;
	v62 =	vadd.f32 v61, v58;
	v63 =	vmul.f32 v54, v18  }
0x382: {  	v43 =	vmin.f32 v51, v43;
	v38 =	vmin.f32 v38, v42;
	v60 =	vmul.f32 v53, v21  }
0x383: {  	v61 =	vadd.f32 v52, v28;
	v48 =	vadd.f32 v62, v63;
	v62 =	vmul.f32 v53, v25  }
0x384: {  	v63 =	vmul.f32 v47, v19;
	v56 =	vadd.f32 v56, v60;
	v60 =	vmul.f32 v54, v22  }
0x385: {  	v46 =	vadd.f32 v46, v55;
	v58 =	vmin.f32 v42, v45;
	v53 =	vbroadcast v34, $0x7  }
0x386: {  	v37 =	vmin.f32 v37, v45;
	v51 =	vadd.f32 v61, v62;
	v61 =	vmul.f32 v54, v26  }
0x387: {  	v48 =	vadd.f32 v48, v63;
	v62 =	vadd.f32 v56, v60;
	v63 =	vmul.f32 v47, v23  }
0x388: {  	v59 =	vld [tilespmem:s9+$0x60];
	v47 =	vmul.f32 v47, v27;
	v57 =	vadd.f32 v51, v61;
	v51 =	vmin.f32 v58, v46  }
0x389: {  	v41 =	vadd.f32 v62, v63;
	v60 =	vmin.f32 v51, v48;
	v51 =	vbroadcast v31, $0x7  }
0x38a: {  	[tilespmem:s9+$0x50] =	vst v43;
	v36 =	vmin.f32 v36, v46;
	v43 =	vadd.f32 v57, v47;
	v47 =	vbroadcast v32, $0x7  }
0x38b: {  	v44 =	vmin.f32 v60, v41;
	v62 =	vmul.f32 v51, v5;
	v57 =	vmul.f32 v51, v9  }
0x38c: {  	v44 =	vmin.f32 v44, v43;
	v61 =	vadd.f32 v47, v8;
	v63 =	vadd.f32 v47, v12  }
0x38d: {  	v54 =	vmul.f32 v50, v15;
	v60 =	vmul.f32 v53, v10;
	v44 =	vmin.f32 v59, v44  }
0x38e: {  	v59 =	vmul.f32 v53, v6;
	v58 =	vadd.f32 v61, v62;
	v52 =	vadd.f32 v63, v57  }
0x38f: {  	v35 =	vmin.f32 v35, v48;
	v61 =	vadd.f32 v47, v16;
	v62 =	vmul.f32 v51, v13  }
0x390: {  	v63 =	vmul.f32 v50, v7;
	v42 =	vadd.f32 v58, v59;
	v52 =	vadd.f32 v52, v60  }
0x391: {  	v59 =	vmul.f32 v50, v11;
	v60 =	vadd.f32 v61, v62;
	v61 =	vmul.f32 v53, v14  }
0x392: {  	v40 =	vmin.f32 v40, v41;
	v62 =	vadd.f32 v47, v20;
	v42 =	vadd.f32 v42, v63  }
0x393: {  	v39 =	vmin.f32 v39, v43;
	v46 =	vadd.f32 v52, v59;
	v45 =	vadd.f32 v60, v61  }
0x394: {  	v63 =	vmul.f32 v51, v17;
	v60 =	vadd.f32 v47, v24;
	v61 =	vmul.f32 v51, v21  }
0x395: {  	v47 =	vadd.f32 v47, v28;
	v51 =	vmul.f32 v51, v25;
	v52 =	vbroadcast v31, $0x8  }
0x396: {  	v49 =	vadd.f32 v62, v63;
	v62 =	vmul.f32 v53, v18;
	v55 =	vadd.f32 v60, v61  }
0x397: {  	v63 =	vmul.f32 v53, v22;
	v45 =	vadd.f32 v45, v54;
	v47 =	vadd.f32 v47, v51  }
0x398: {  	v60 =	vmul.f32 v53, v26;
	v61 =	vmul.f32 v50, v19;
	v56 =	vmin.f32 v42, v46  }
0x399: {  	v51 =	vbroadcast v32, $0x8;
	v53 =	vbroadcast v34, $0x8;
	v38 =	vmin.f32 v38, v42  }
0x39a: {  	v37 =	vmin.f32 v37, v46;
	v49 =	vadd.f32 v49, v62;
	v62 =	vadd.f32 v55, v63  }
0x39b: {  	v63 =	vmul.f32 v50, v23;
	v47 =	vadd.f32 v47, v60;
	v50 =	vmul.f32 v50, v27  }
0x39c: {  	v48 =	vmin.f32 v56, v45;
	v59 =	vadd.f32 v51, v8;
	v60 =	vmul.f32 v52, v5  }
0x39d: {  	v43 =	vmul.f32 v53, v6;
	v36 =	vmin.f32 v36, v45;
	v55 =	vadd.f32 v51, v24  }
0x39e: {  	[tilespmem:s9+$0x60] =	vst v44;
	v56 =	vbroadcast v34, $0x9;
	v44 =	vadd.f32 v49, v61;
	v49 =	vadd.f32 v62, v63  }
0x39f: {  	v47 =	vadd.f32 v47, v50;
	v61 =	vadd.f32 v51, v12;
	v62 =	vmul.f32 v52, v9  }
0x3a0: {  	v42 =	vadd.f32 v59, v60;
	v60 =	vmul.f32 v53, v10;
	v48 =	vmin.f32 v48, v44  }
0x3a1: {  	v57 =	vld [tilespmem:s9+$0x70];
	v63 =	vadd.f32 v61, v62;
	v61 =	vadd.f32 v51, v16;
	v62 =	vmul.f32 v52, v13  }
0x3a2: {  	v42 =	vadd.f32 v42, v43;
	v35 =	vmin.f32 v35, v44;
	v40 =	vmin.f32 v40, v49  }
0x3a3: {  	v39 =	vmin.f32 v39, v47;
	v58 =	vmin.f32 v48, v49;
	v48 =	vbroadcast v33, $0x8  }
0x3a4: {  	v41 =	vmin.f32 v58, v47;
	v46 =	vadd.f32 v63, v60;
	v63 =	vadd.f32 v61, v62  }
0x3a5: {  	v60 =	vmul.f32 v53, v14;
	v61 =	vadd.f32 v51, v20;
	v62 =	vmul.f32 v52, v17  }
0x3a6: {  	v41 =	vmin.f32 v57, v41;
	v43 =	vmul.f32 v48, v7;
	v50 =	vmul.f32 v48, v11  }
0x3a7: {  	v54 =	vmul.f32 v48, v15;
	v57 =	vmul.f32 v48, v23;
	v45 =	vadd.f32 v63, v60  }
0x3a8: {  	v63 =	vadd.f32 v61, v62;
	v60 =	vmul.f32 v53, v18;
	v61 =	vmul.f32 v52, v21  }
0x3a9: {  	v62 =	vadd.f32 v51, v28;
	v51 =	vbroadcast v32, $0x9;
	v42 =	vadd.f32 v42, v43  }
0x3aa: {  	v43 =	vadd.f32 v46, v50;
	v46 =	vadd.f32 v63, v60;
	v63 =	vmul.f32 v52, v25  }
0x3ab: {  	v60 =	vmul.f32 v48, v19;
	v55 =	vadd.f32 v55, v61;
	v61 =	vmul.f32 v53, v22  }
0x3ac: {  	v45 =	vadd.f32 v45, v54;
	v48 =	vmul.f32 v48, v27;
	v54 =	vbroadcast v31, $0x9  }
0x3ad: {  	v58 =	vmin.f32 v42, v43;
	v38 =	vmin.f32 v38, v42;
	v37 =	vmin.f32 v37, v43  }
0x3ae: {  	v50 =	vadd.f32 v62, v63;
	v62 =	vmul.f32 v53, v26;
	v46 =	vadd.f32 v46, v60  }
0x3af: {  	v63 =	vadd.f32 v55, v61;
	v59 =	vmin.f32 v58, v45;
	v60 =	vadd.f32 v51, v8  }
0x3b0: {  	v61 =	vmul.f32 v54, v5;
	v53 =	vbroadcast v33, $0x9;
	v36 =	vmin.f32 v36, v45  }
0x3b1: {  	v55 =	vbroadcast v34, $0xA;
	v50 =	vadd.f32 v50, v62;
	v52 =	vadd.f32 v63, v57  }
0x3b2: {  	[tilespmem:s9+$0x70] =	vst v41;
	v41 =	vmin.f32 v59, v46;
	v62 =	vadd.f32 v60, v61;
	v63 =	vmul.f32 v56, v6  }
0x3b3: {  	v60 =	vadd.f32 v51, v12;
	v61 =	vmul.f32 v54, v9;
	v59 =	vmul.f32 v56, v10  }
0x3b4: {  	v35 =	vmin.f32 v35, v46;
	v48 =	vadd.f32 v50, v48;
	v41 =	vmin.f32 v41, v52  }
0x3b5: {  	v62 =	vadd.f32 v62, v63;
	v63 =	vmul.f32 v53, v7;
	v58 =	vadd.f32 v60, v61  }
0x3b6: {  	v60 =	vadd.f32 v51, v16;
	v61 =	vmul.f32 v54, v13;
	v40 =	vmin.f32 v40, v52  }
0x3b7: {  	v52 =	vbroadcast v31, $0xB;
	v41 =	vmin.f32 v41, v48;
	v42 =	vadd.f32 v62, v63  }
0x3b8: {  	v62 =	vadd.f32 v58, v59;
	v63 =	vmul.f32 v53, v11;
	v57 =	vadd.f32 v60, v61  }
0x3b9: {  	v50 =	vld [tilespmem:s9+$0x80];
	v58 =	vmul.f32 v56, v14;
	v59 =	vadd.f32 v51, v20;
	v60 =	vmul.f32 v54, v17  }
0x3ba: {  	v61 =	vadd.f32 v51, v24;
	v39 =	vmin.f32 v39, v48;
	v43 =	vadd.f32 v62, v63  }
0x3bb: {  	v62 =	vmul.f32 v54, v21;
	v45 =	vadd.f32 v57, v58;
	v57 =	vmul.f32 v56, v18  }
0x3bc: {  	v63 =	vadd.f32 v59, v60;
	v58 =	vmul.f32 v53, v15;
	v59 =	vmul.f32 v56, v22  }
0x3bd: {  	v60 =	vadd.f32 v51, v28;
	v56 =	vmul.f32 v56, v26;
	v38 =	vmin.f32 v38, v42  }
0x3be: {  	v51 =	vbroadcast v32, $0xB;
	v41 =	vmin.f32 v50, v41;
	v50 =	vbroadcast v33, $0xA  }
0x3bf: {  	v44 =	vadd.f32 v61, v62;
	v47 =	vadd.f32 v63, v57;
	v61 =	vmul.f32 v54, v25  }
0x3c0: {  	v62 =	vmul.f32 v53, v19;
	v63 =	vmul.f32 v53, v23;
	v45 =	vadd.f32 v45, v58  }
0x3c1: {  	v57 =	vmin.f32 v42, v43;
	v58 =	vmul.f32 v53, v27;
	v53 =	vbroadcast v32, $0xA  }
0x3c2: {  	v54 =	vbroadcast v31, $0xA;
	v37 =	vmin.f32 v37, v43;
	v44 =	vadd.f32 v44, v59  }
0x3c3: {  	[tilespmem:s9+$0x80] =	vst v41;
	v49 =	vadd.f32 v60, v61;
	v41 =	vadd.f32 v47, v62;
	v47 =	vmin.f32 v57, v45  }
0x3c4: {  	v60 =	vadd.f32 v53, v8;
	v61 =	vmul.f32 v54, v5;
	v57 =	vmul.f32 v54, v9  }
0x3c5: {  	v36 =	vmin.f32 v36, v45;
	v44 =	vadd.f32 v44, v63;
	v49 =	vadd.f32 v49, v56  }
0x3c6: {  	v47 =	vmin.f32 v47, v41;
	v62 =	vadd.f32 v60, v61;
	v63 =	vmul.f32 v55, v6  }
0x3c7: {  	v59 =	vld [tilespmem:s9+$0x90];
	v56 =	vadd.f32 v53, v12;
	v61 =	vmul.f32 v55, v10;
	v35 =	vmin.f32 v35, v41  }
0x3c8: {  	v46 =	vadd.f32 v49, v58;
	v47 =	vmin.f32 v47, v44;
	v58 =	vadd.f32 v62, v63  }
0x3c9: {  	v60 =	vadd.f32 v56, v57;
	v62 =	vadd.f32 v53, v16;
	v63 =	vmul.f32 v54, v13  }
0x3ca: {  	v40 =	vmin.f32 v40, v44;
	v57 =	vmul.f32 v50, v11;
	v47 =	vmin.f32 v47, v46  }
0x3cb: {  	v56 =	vadd.f32 v60, v61;
	v60 =	vadd.f32 v53, v20;
	v61 =	vmul.f32 v54, v17  }
0x3cc: {  	v39 =	vmin.f32 v39, v46;
	v47 =	vmin.f32 v59, v47;
	v59 =	vmul.f32 v50, v7  }
0x3cd: {  	v42 =	vadd.f32 v56, v57;
	v56 =	vadd.f32 v60, v61;
	v57 =	vmul.f32 v55, v18  }
0x3ce: {  	v60 =	vadd.f32 v53, v28;
	v61 =	vmul.f32 v54, v25;
	v41 =	vadd.f32 v58, v59  }
0x3cf: {  	v58 =	vadd.f32 v62, v63;
	v59 =	vmul.f32 v55, v14;
	v63 =	vmul.f32 v54, v21  }
0x3d0: {  	v62 =	vadd.f32 v53, v24;
	v54 =	vmul.f32 v55, v26;
	v53 =	vbroadcast v34, $0xB  }
0x3d1: {  	v45 =	vadd.f32 v56, v57;
	v48 =	vadd.f32 v60, v61;
	v56 =	vmul.f32 v50, v27  }
0x3d2: {  	v60 =	vadd.f32 v51, v12;
	v61 =	vmul.f32 v52, v9;
	v37 =	vmin.f32 v37, v42  }
0x3d3: {  	v44 =	vadd.f32 v58, v59;
	v58 =	vmul.f32 v50, v15;
	v59 =	vmul.f32 v55, v22  }
0x3d4: {  	v43 =	vadd.f32 v62, v63;
	v62 =	vmul.f32 v50, v19;
	v63 =	vmul.f32 v50, v23  }
0x3d5: {  	v55 =	vmin.f32 v41, v42;
	v50 =	vbroadcast v33, $0xB;
	v48 =	vadd.f32 v48, v54  }
0x3d6: {  	v38 =	vmin.f32 v38, v41;
	v54 =	vadd.f32 v60, v61;
	v60 =	vadd.f32 v51, v16  }
0x3d7: {  	v61 =	vmul.f32 v52, v13;
	v43 =	vadd.f32 v43, v59;
	v44 =	vadd.f32 v44, v58  }
0x3d8: {  	v45 =	vadd.f32 v45, v62;
	v58 =	vadd.f32 v51, v8;
	v59 =	vmul.f32 v52, v5  }
0x3d9: {  	v62 =	vmul.f32 v53, v6;
	v46 =	vadd.f32 v48, v56;
	v43 =	vadd.f32 v43, v63  }
0x3da: {  	[tilespmem:s9+$0x90] =	vst v47;
	v47 =	vmin.f32 v55, v44;
	v48 =	vadd.f32 v58, v59;
	v63 =	vmul.f32 v53, v10  }
0x3db: {  	v58 =	vadd.f32 v60, v61;
	v59 =	vmul.f32 v53, v14;
	v60 =	vadd.f32 v51, v20  }
0x3dc: {  	v61 =	vmul.f32 v52, v17;
	v55 =	vmul.f32 v50, v15;
	v36 =	vmin.f32 v36, v44  }
0x3dd: {  	v57 =	vld [tilespmem:s9+$0xA0];
	v35 =	vmin.f32 v35, v45;
	v47 =	vmin.f32 v47, v45;
	v39 =	vmin.f32 v39, v46  }
0x3de: {  	v47 =	vmin.f32 v47, v43;
	v48 =	vadd.f32 v48, v62;
	v62 =	vmul.f32 v50, v7  }
0x3df: {  	v54 =	vadd.f32 v54, v63;
	v63 =	vmul.f32 v50, v11;
	v41 =	vadd.f32 v58, v59  }
0x3e0: {  	v49 =	vadd.f32 v60, v61;
	v60 =	vmul.f32 v53, v18;
	v61 =	vmul.f32 v53, v22  }
0x3e1: {  	v59 =	vmul.f32 v50, v23;
	v40 =	vmin.f32 v40, v43;
	v47 =	vmin.f32 v47, v46  }
0x3e2: {  	v47 =	vmin.f32 v57, v47;
	v42 =	vadd.f32 v48, v62;
	v48 =	vadd.f32 v54, v63  }
0x3e3: {  	v62 =	vadd.f32 v51, v24;
	v63 =	vmul.f32 v52, v21;
	v51 =	vadd.f32 v51, v28  }
0x3e4: {  	v52 =	vmul.f32 v52, v25;
	v41 =	vadd.f32 v41, v55;
	v49 =	vadd.f32 v49, v60  }
0x3e5: {  	v54 =	vbroadcast v34, $0xC;
	v56 =	vadd.f32 v62, v63;
	v62 =	vmul.f32 v53, v26  }
0x3e6: {  	v51 =	vadd.f32 v51, v52;
	v63 =	vmul.f32 v50, v19;
	v50 =	vmul.f32 v50, v27  }
0x3e7: {  	v60 =	vmin.f32 v42, v48;
	v52 =	vbroadcast v32, $0xC;
	v53 =	vbroadcast v31, $0xC  }
0x3e8: {  	v46 =	vmul.f32 v54, v6;
	v38 =	vmin.f32 v38, v42;
	v37 =	vmin.f32 v37, v48  }
0x3e9: {  	v36 =	vmin.f32 v36, v41;
	v58 =	vadd.f32 v56, v61;
	v51 =	vadd.f32 v51, v62  }
0x3ea: {  	[tilespmem:s9+$0xA0] =	vst v47;
	v47 =	vmin.f32 v60, v41;
	v44 =	vadd.f32 v49, v63;
	v62 =	vadd.f32 v52, v8  }
0x3eb: {  	v63 =	vmul.f32 v53, v5;
	v60 =	vadd.f32 v52, v12;
	v49 =	vadd.f32 v58, v59  }
0x3ec: {  	v56 =	vadd.f32 v52, v24;
	v50 =	vadd.f32 v51, v50;
	v51 =	vld [tilespmem:s9+$0xB0];
	v47 =	vmin.f32 v47, v44  }
0x3ed: {  	v45 =	vadd.f32 v62, v63;
	v63 =	vmul.f32 v54, v10;
	v61 =	vmin.f32 v47, v49  }
0x3ee: {  	v35 =	vmin.f32 v35, v44;
	v43 =	vmin.f32 v61, v50;
	v61 =	vmul.f32 v53, v9  }
0x3ef: {  	v47 =	vbroadcast v33, $0xC;
	v42 =	vadd.f32 v45, v46;
	v40 =	vmin.f32 v40, v49  }
0x3f0: {  	v62 =	vadd.f32 v60, v61;
	v60 =	vadd.f32 v52, v16;
	v61 =	vmul.f32 v53, v13  }
0x3f1: {  	v39 =	vmin.f32 v39, v50;
	v45 =	vmul.f32 v47, v7;
	v43 =	vmin.f32 v51, v43  }
0x3f2: {  	v51 =	vmul.f32 v47, v11;
	v46 =	vadd.f32 v62, v63;
	v62 =	vadd.f32 v60, v61  }
0x3f3: {  	v63 =	vmul.f32 v54, v14;
	v60 =	vadd.f32 v52, v20;
	v61 =	vmul.f32 v53, v17  }
0x3f4: {  	v50 =	vbroadcast v33, $0xD;
	v42 =	vadd.f32 v42, v45;
	v45 =	vadd.f32 v46, v51  }
0x3f5: {  	v46 =	vadd.f32 v62, v63;
	v62 =	vadd.f32 v60, v61;
	v63 =	vmul.f32 v54, v18  }
0x3f6: {  	v55 =	vmul.f32 v47, v15;
	v38 =	vmin.f32 v38, v42;
	v60 =	vmul.f32 v53, v21  }
0x3f7: {  	v61 =	vadd.f32 v52, v28;
	v48 =	vadd.f32 v62, v63;
	v62 =	vmul.f32 v53, v25  }
0x3f8: {  	v63 =	vmul.f32 v47, v19;
	v56 =	vadd.f32 v56, v60;
	v60 =	vmul.f32 v54, v22  }
0x3f9: {  	v46 =	vadd.f32 v46, v55;
	v58 =	vmin.f32 v42, v45;
	v53 =	vbroadcast v34, $0xD  }
0x3fa: {  	v37 =	vmin.f32 v37, v45;
	v51 =	vadd.f32 v61, v62;
	v61 =	vmul.f32 v54, v26  }
0x3fb: {  	v48 =	vadd.f32 v48, v63;
	v62 =	vadd.f32 v56, v60;
	v63 =	vmul.f32 v47, v23  }
0x3fc: {  	v47 =	vmul.f32 v47, v27;
	v36 =	vmin.f32 v36, v46;
	v57 =	vadd.f32 v51, v61  }
0x3fd: {  	v59 =	vld [tilespmem:s9+$0xC0];
	v54 =	vmul.f32 v50, v15;
	v41 =	vadd.f32 v62, v63;
	v51 =	vmin.f32 v58, v46  }
0x3fe: {  	[tilespmem:s9+$0xB0] =	vst v43;
	v60 =	vmin.f32 v51, v48;
	v51 =	vbroadcast v31, $0xD;
	v43 =	vadd.f32 v57, v47  }
0x3ff: {  	v44 =	vmin.f32 v60, v41;
	v47 =	vbroadcast v32, $0xD;
	v60 =	vmul.f32 v53, v10  }
0x400: {  	v35 =	vmin.f32 v35, v48;
	v62 =	vmul.f32 v51, v5;
	v57 =	vmul.f32 v51, v9  }
0x401: {  	v44 =	vmin.f32 v44, v43;
	v61 =	vadd.f32 v47, v8;
	v63 =	vadd.f32 v47, v12  }
0x402: {  	v40 =	vmin.f32 v40, v41;
	v39 =	vmin.f32 v39, v43;
	v44 =	vmin.f32 v59, v44  }
0x403: {  	v59 =	vmul.f32 v53, v6;
	v58 =	vadd.f32 v61, v62;
	v52 =	vadd.f32 v63, v57  }
0x404: {  	v61 =	vadd.f32 v47, v16;
	v62 =	vmul.f32 v51, v13;
	v63 =	vmul.f32 v50, v7  }
0x405: {  	v42 =	vadd.f32 v58, v59;
	v52 =	vadd.f32 v52, v60;
	v59 =	vmul.f32 v50, v11  }
0x406: {  	v60 =	vadd.f32 v61, v62;
	v61 =	vmul.f32 v53, v14;
	v62 =	vadd.f32 v47, v20  }
0x407: {  	v58 =	vmul.f32 v53, v26;
	v42 =	vadd.f32 v42, v63;
	v46 =	vadd.f32 v52, v59  }
0x408: {  	v45 =	vadd.f32 v60, v61;
	v63 =	vmul.f32 v51, v17;
	v61 =	vmul.f32 v51, v21  }
0x409: {  	v60 =	vadd.f32 v47, v24;
	v51 =	vmul.f32 v51, v25;
	v59 =	vmul.f32 v50, v19  }
0x40a: {  	v47 =	vadd.f32 v47, v28;
	v52 =	vbroadcast v31, $0xE;
	v31 =	vbroadcast v31, $0xF  }
0x40b: {  	v49 =	vadd.f32 v62, v63;
	v62 =	vmul.f32 v53, v18;
	v55 =	vadd.f32 v60, v61  }
0x40c: {  	v63 =	vmul.f32 v53, v22;
	v45 =	vadd.f32 v45, v54;
	v61 =	vmul.f32 v50, v23  }
0x40d: {  	v47 =	vadd.f32 v47, v51;
	v50 =	vmul.f32 v50, v27;
	v51 =	vbroadcast v32, $0xE  }
0x40e: {  	v53 =	vbroadcast v34, $0xE;
	v38 =	vmin.f32 v38, v42;
	v37 =	vmin.f32 v37, v46  }
0x40f: {  	v34 =	vbroadcast v34, $0xF;
	v49 =	vadd.f32 v49, v62;
	v60 =	vadd.f32 v55, v63  }
0x410: {  	v47 =	vadd.f32 v47, v58;
	v62 =	vmin.f32 v42, v46;
	v57 =	vadd.f32 v51, v8  }
0x411: {  	v58 =	vmul.f32 v52, v5;
	v43 =	vmul.f32 v53, v6;
	v36 =	vmin.f32 v36, v45  }
0x412: {  	[tilespmem:s9+$0xC0] =	vst v44;
	v55 =	vadd.f32 v51, v24;
	v48 =	vmin.f32 v62, v45;
	v44 =	vadd.f32 v49, v59  }
0x413: {  	v63 =	vld [tilespmem:s9+$0xD0];
	v49 =	vadd.f32 v60, v61;
	v59 =	vadd.f32 v51, v12;
	v60 =	vmul.f32 v52, v9  }
0x414: {  	v62 =	vmul.f32 v53, v10;
	v47 =	vadd.f32 v47, v50;
	v42 =	vadd.f32 v57, v58  }
0x415: {  	v48 =	vmin.f32 v48, v44;
	v61 =	vadd.f32 v59, v60;
	v60 =	vmul.f32 v52, v13  }
0x416: {  	v42 =	vadd.f32 v42, v43;
	v59 =	vmul.f32 v53, v26;
	v56 =	vmin.f32 v48, v49  }
0x417: {  	v44 =	vmin.f32 v35, v44;
	v48 =	vbroadcast v33, $0xE;
	v41 =	vmin.f32 v56, v47  }
0x418: {  	v40 =	vmin.f32 v40, v49;
	v41 =	vmin.f32 v63, v41;
	v63 =	vadd.f32 v51, v16  }
0x419: {  	v39 =	vmin.f32 v39, v47;
	v46 =	vadd.f32 v61, v62;
	v43 =	vmul.f32 v48, v7  }
0x41a: {  	v62 =	vmul.f32 v53, v14;
	v50 =	vmul.f32 v48, v11;
	v61 =	vadd.f32 v63, v60  }
0x41b: {  	v63 =	vadd.f32 v51, v20;
	v60 =	vmul.f32 v52, v17;
	v42 =	vadd.f32 v42, v43  }
0x41c: {  	v54 =	vmul.f32 v48, v15;
	v43 =	vadd.f32 v46, v50;
	v45 =	vadd.f32 v61, v62  }
0x41d: {  	v61 =	vadd.f32 v63, v60;
	v62 =	vmul.f32 v53, v18;
	v63 =	vmul.f32 v52, v21  }
0x41e: {  	v60 =	vadd.f32 v51, v28;
	v51 =	vbroadcast v32, $0xF;
	v38 =	vmin.f32 v38, v42  }
0x41f: {  	v37 =	vmin.f32 v37, v43;
	v46 =	vadd.f32 v61, v62;
	v61 =	vmul.f32 v52, v25  }
0x420: {  	v62 =	vmul.f32 v48, v19;
	v55 =	vadd.f32 v55, v63;
	v45 =	vadd.f32 v45, v54  }
0x421: {  	v63 =	vmul.f32 v53, v22;
	v58 =	vadd.f32 v51, v8;
	v54 =	vadd.f32 v51, v20  }
0x422: {  	v53 =	vmul.f32 v34, v14;
	v50 =	vadd.f32 v60, v61;
	v46 =	vadd.f32 v46, v62  }
0x423: {  	v60 =	vadd.f32 v55, v63;
	v61 =	vmul.f32 v48, v23;
	v48 =	vmul.f32 v48, v27  }
0x424: {  	v62 =	vmin.f32 v42, v43;
	v36 =	vmin.f32 v36, v45;
	v55 =	vmul.f32 v31, v17  }
0x425: {  	v35 =	vld [tilespmem:s14+$0x10];
	v63 =	vmin.f32 v62, v45;
	v62 =	vadd.f32 v51, v12;
	v50 =	vadd.f32 v50, v59  }
0x426: {  	v52 =	vadd.f32 v60, v61;
	v56 =	vmin.f32 v63, v46;
	v59 =	vmul.f32 v31, v5  }
0x427: {  	v61 =	vmul.f32 v34, v6;
	v63 =	vmul.f32 v31, v9;
	v44 =	vmin.f32 v44, v46  }
0x428: {  	v57 =	vld [tilespmem:s9+$0xE0];
	v48 =	vadd.f32 v50, v48;
	v32 =	vmin.f32 v56, v52;
	v60 =	vadd.f32 v58, v59  }
0x429: {  	v50 =	vbroadcast v33, $0xF;
	v33 =	vadd.f32 v62, v63;
	v58 =	vmul.f32 v34, v10  }
0x42a: {  	v59 =	vadd.f32 v51, v16;
	v40 =	vmin.f32 v40, v52;
	v52 =	vbroadcast v35, $0x1  }
0x42b: {  	v32 =	vmin.f32 v32, v48;
	v56 =	vadd.f32 v60, v61;
	v60 =	vmul.f32 v31, v13  }
0x42c: {  	v61 =	vadd.f32 v33, v58;
	v62 =	vmul.f32 v50, v11;
	v58 =	vadd.f32 v54, v55  }
0x42d: {  	[tilespmem:s9+$0xD0] =	vst v41;
	v39 =	vmin.f32 v39, v48;
	v41 =	vmin.f32 v57, v32;
	v57 =	vmul.f32 v50, v7  }
0x42e: {  	v63 =	vadd.f32 v59, v60;
	v59 =	vmul.f32 v34, v18;
	v60 =	vmul.f32 v50, v15  }
0x42f: {  	v49 =	vadd.f32 v61, v62;
	v61 =	vmul.f32 v34, v22;
	v62 =	vmul.f32 v50, v19  }
0x430: {  	v32 =	vld [tilespmem:s17+$0x10];
	v34 =	vmul.f32 v34, v26;
	v43 =	vadd.f32 v56, v57;
	v56 =	vadd.f32 v51, v24  }
0x431: {  	v57 =	vmul.f32 v31, v21;
	v51 =	vadd.f32 v51, v28;
	v31 =	vmul.f32 v31, v25  }
0x432: {  	v42 =	vadd.f32 v63, v53;
	v45 =	vadd.f32 v58, v59;
	v63 =	vmul.f32 v50, v23  }
0x433: {  	v50 =	vmul.f32 v50, v27;
	v37 =	vmin.f32 v37, v49;
	v33 =	vadd.f32 v56, v57  }
0x434: {  	v31 =	vadd.f32 v51, v31;
	v57 =	vmin.f32 v43, v49;
	v42 =	vadd.f32 v42, v60  }
0x435: {  	v38 =	vmin.f32 v38, v43;
	v54 =	vbroadcast v32, $0x0;
	v53 =	vadd.f32 v33, v61;
	v33 =	vld [tilespmem:s16+$0x10]  }
0x436: {  	[tilespmem:s9+$0xE0] =	vst v41;
	v41 =	vadd.f32 v45, v62;
	v31 =	vadd.f32 v31, v34;
	v58 =	vmin.f32 v57, v42  }
0x437: {  	v34 =	vld [tilespmem:s15+$0x10];
	v62 =	vmul.f32 v54, v5;
	v36 =	vmin.f32 v36, v42;
	v45 =	vadd.f32 v53, v63  }
0x438: {  	v59 =	vld [tilespmem:s9+$0xF0];
	v60 =	vmin.f32 v58, v41;
	v53 =	vbroadcast v35, $0x0;
	v46 =	vadd.f32 v31, v50  }
0x439: {  	v58 =	vmul.f32 v54, v9;
	v41 =	vmin.f32 v44, v41;
	v31 =	vmin.f32 v60, v45  }
0x43a: {  	v61 =	vadd.f32 v53, v8;
	v57 =	vadd.f32 v53, v12;
	v55 =	vbroadcast v33, $0x0  }
0x43b: {  	v40 =	vmin.f32 v40, v45;
	v39 =	vmin.f32 v39, v46;
	v31 =	vmin.f32 v31, v46  }
0x43c: {  	v50 =	vbroadcast v34, $0x0;
	v63 =	vadd.f32 v61, v62;
	v56 =	vmul.f32 v55, v6  }
0x43d: {  	v31 =	vmin.f32 v59, v31;
	v61 =	vadd.f32 v57, v58;
	v62 =	vmul.f32 v55, v10  }
0x43e: {  	v60 =	vmul.f32 v50, v7;
	v58 =	vmul.f32 v50, v11;
	v59 =	vadd.f32 v63, v56  }
0x43f: {  	v63 =	vadd.f32 v53, v16;
	v56 =	vmul.f32 v54, v13;
	v57 =	vadd.f32 v61, v62  }
0x440: {  	v61 =	vadd.f32 v53, v20;
	v62 =	vmul.f32 v54, v17;
	v42 =	vadd.f32 v59, v60  }
0x441: {  	v59 =	vadd.f32 v63, v56;
	v60 =	vmul.f32 v55, v14;
	v43 =	vadd.f32 v57, v58  }
0x442: {  	v63 =	vadd.f32 v53, v24;
	v56 =	vmul.f32 v54, v21;
	v57 =	vadd.f32 v61, v62  }
0x443: {  	v58 =	vmul.f32 v55, v18;
	v61 =	vadd.f32 v53, v28;
	v62 =	vmul.f32 v54, v25  }
0x444: {  	v53 =	vbroadcast v32, $0x1;
	v54 =	vbroadcast v33, $0x1;
	v45 =	vadd.f32 v59, v60  }
0x445: {  	v59 =	vmul.f32 v50, v15;
	v44 =	vadd.f32 v63, v56;
	v60 =	vmul.f32 v55, v22  }
0x446: {  	v47 =	vadd.f32 v57, v58;
	v63 =	vmul.f32 v50, v19;
	v56 =	vmul.f32 v50, v23  }
0x447: {  	v48 =	vadd.f32 v61, v62;
	v57 =	vmul.f32 v55, v26;
	v58 =	vmin.f32 v42, v43  }
0x448: {  	v62 =	vadd.f32 v52, v8;
	v38 =	vmin.f32 v38, v42;
	v44 =	vadd.f32 v44, v60  }
0x449: {  	v45 =	vadd.f32 v45, v59;
	v48 =	vadd.f32 v48, v57;
	v59 =	vmul.f32 v50, v27  }
0x44a: {  	v51 =	vld [tilespmem:s9+$0x100];
	v37 =	vmin.f32 v37, v43;
	v47 =	vadd.f32 v47, v63;
	v63 =	vmul.f32 v53, v5  }
0x44b: {  	v44 =	vadd.f32 v44, v56;
	v60 =	vmin.f32 v58, v45;
	v46 =	vadd.f32 v48, v59  }
0x44c: {  	v49 =	vadd.f32 v62, v63;
	v62 =	vmul.f32 v54, v6;
	v50 =	vmin.f32 v60, v47  }
0x44d: {  	v63 =	vmul.f32 v54, v10;
	v36 =	vmin.f32 v36, v45;
	v61 =	vmin.f32 v50, v44  }
0x44e: {  	v60 =	vadd.f32 v52, v12;
	v48 =	vmin.f32 v61, v46;
	v61 =	vmul.f32 v53, v9  }
0x44f: {  	v41 =	vmin.f32 v41, v47;
	v48 =	vmin.f32 v51, v48;
	v51 =	vbroadcast v34, $0x1  }
0x450: {  	v49 =	vadd.f32 v49, v62;
	v40 =	vmin.f32 v40, v44;
	v55 =	vadd.f32 v60, v61  }
0x451: {  	v60 =	vadd.f32 v52, v16;
	v61 =	vmul.f32 v53, v13;
	v62 =	vmul.f32 v51, v7  }
0x452: {  	v39 =	vmin.f32 v39, v46;
	v55 =	vadd.f32 v55, v63;
	v63 =	vmul.f32 v51, v11  }
0x453: {  	v60 =	vadd.f32 v60, v61;
	v61 =	vmul.f32 v54, v14;
	v43 =	vadd.f32 v49, v62  }
0x454: {  	v56 =	vmul.f32 v51, v15;
	v62 =	vadd.f32 v52, v20;
	v49 =	vadd.f32 v55, v63  }
0x455: {  	v42 =	vadd.f32 v60, v61;
	v63 =	vmul.f32 v53, v17;
	v60 =	vadd.f32 v52, v24  }
0x456: {  	v61 =	vmul.f32 v53, v21;
	v52 =	vadd.f32 v52, v28;
	v53 =	vmul.f32 v53, v25  }
0x457: {  	v55 =	vbroadcast v33, $0x2;
	v38 =	vmin.f32 v38, v43;
	v50 =	vadd.f32 v62, v63  }
0x458: {  	v62 =	vmul.f32 v54, v18;
	v57 =	vadd.f32 v60, v61;
	v63 =	vmul.f32 v54, v22  }
0x459: {  	v42 =	vadd.f32 v42, v56;
	v60 =	vmul.f32 v54, v26;
	v61 =	vmul.f32 v51, v19  }
0x45a: {  	v52 =	vadd.f32 v52, v53;
	v53 =	vbroadcast v35, $0x2;
	v54 =	vbroadcast v32, $0x2  }
0x45b: {  	v47 =	vmul.f32 v55, v6;
	v37 =	vmin.f32 v37, v49;
	v50 =	vadd.f32 v50, v62  }
0x45c: {  	v62 =	vadd.f32 v57, v63;
	v63 =	vmul.f32 v51, v23;
	v52 =	vadd.f32 v52, v60  }
0x45d: {  	v51 =	vmul.f32 v51, v27;
	v60 =	vmin.f32 v43, v49;
	v59 =	vmul.f32 v54, v17  }
0x45e: {  	[tilespmem:s9+$0x100] =	vst v48;
	v57 =	vadd.f32 v53, v24;
	v48 =	vmin.f32 v60, v42;
	v45 =	vadd.f32 v50, v61  }
0x45f: {  	v50 =	vadd.f32 v62, v63;
	v62 =	vadd.f32 v53, v8;
	v63 =	vmul.f32 v54, v5  }
0x460: {  	v36 =	vmin.f32 v36, v42;
	v51 =	vadd.f32 v52, v51;
	v48 =	vmin.f32 v48, v45  }
0x461: {  	v60 =	vadd.f32 v53, v12;
	v46 =	vadd.f32 v62, v63;
	v61 =	vmin.f32 v48, v50  }
0x462: {  	v63 =	vmul.f32 v55, v10;
	v44 =	vmin.f32 v61, v51;
	v61 =	vmul.f32 v54, v9  }
0x463: {  	v52 =	vld [tilespmem:s9+$0x110];
	v41 =	vmin.f32 v41, v45;
	v40 =	vmin.f32 v40, v50;
	v39 =	vmin.f32 v39, v51  }
0x464: {  	v48 =	vbroadcast v34, $0x2;
	v43 =	vadd.f32 v46, v47;
	v62 =	vadd.f32 v60, v61  }
0x465: {  	v51 =	vbroadcast v34, $0x3;
	v60 =	vadd.f32 v53, v16;
	v61 =	vmul.f32 v54, v13  }
0x466: {  	v46 =	vmul.f32 v48, v7;
	v47 =	vadd.f32 v62, v63;
	v62 =	vmul.f32 v48, v11  }
0x467: {  	v63 =	vadd.f32 v60, v61;
	v60 =	vmul.f32 v55, v14;
	v61 =	vadd.f32 v53, v20  }
0x468: {  	v44 =	vmin.f32 v52, v44;
	v43 =	vadd.f32 v43, v46;
	v46 =	vadd.f32 v47, v62  }
0x469: {  	v47 =	vadd.f32 v63, v60;
	v62 =	vadd.f32 v61, v59;
	v63 =	vmul.f32 v55, v18  }
0x46a: {  	v56 =	vmul.f32 v48, v15;
	v38 =	vmin.f32 v38, v43;
	v60 =	vmul.f32 v54, v21  }
0x46b: {  	v61 =	vadd.f32 v53, v28;
	v49 =	vadd.f32 v62, v63;
	v62 =	vmul.f32 v54, v25  }
0x46c: {  	v63 =	vmul.f32 v48, v19;
	v57 =	vadd.f32 v57, v60;
	v60 =	vmul.f32 v55, v22  }
0x46d: {  	v47 =	vadd.f32 v47, v56;
	v58 =	vmin.f32 v43, v46;
	v54 =	vbroadcast v33, $0x3  }
0x46e: {  	v37 =	vmin.f32 v37, v46;
	v52 =	vadd.f32 v61, v62;
	v61 =	vmul.f32 v55, v26  }
0x46f: {  	v49 =	vadd.f32 v49, v63;
	v62 =	vadd.f32 v57, v60;
	v63 =	vmul.f32 v48, v23  }
0x470: {  	v59 =	vld [tilespmem:s9+$0x120];
	v48 =	vmul.f32 v48, v27;
	v57 =	vadd.f32 v52, v61;
	v52 =	vmin.f32 v58, v47  }
0x471: {  	v42 =	vadd.f32 v62, v63;
	v60 =	vmin.f32 v52, v49;
	v52 =	vbroadcast v32, $0x3  }
0x472: {  	[tilespmem:s9+$0x110] =	vst v44;
	v36 =	vmin.f32 v36, v47;
	v44 =	vadd.f32 v57, v48;
	v48 =	vbroadcast v35, $0x3  }
0x473: {  	v45 =	vmin.f32 v60, v42;
	v62 =	vmul.f32 v52, v5;
	v57 =	vmul.f32 v52, v9  }
0x474: {  	v45 =	vmin.f32 v45, v44;
	v61 =	vadd.f32 v48, v8;
	v63 =	vadd.f32 v48, v12  }
0x475: {  	v55 =	vmul.f32 v51, v15;
	v60 =	vmul.f32 v54, v10;
	v45 =	vmin.f32 v59, v45  }
0x476: {  	v59 =	vmul.f32 v54, v6;
	v58 =	vadd.f32 v61, v62;
	v53 =	vadd.f32 v63, v57  }
0x477: {  	v41 =	vmin.f32 v41, v49;
	v61 =	vadd.f32 v48, v16;
	v62 =	vmul.f32 v52, v13  }
0x478: {  	v63 =	vmul.f32 v51, v7;
	v43 =	vadd.f32 v58, v59;
	v53 =	vadd.f32 v53, v60  }
0x479: {  	v60 =	vmul.f32 v51, v11;
	v61 =	vadd.f32 v61, v62;
	v62 =	vmul.f32 v54, v14  }
0x47a: {  	v40 =	vmin.f32 v40, v42;
	v39 =	vmin.f32 v39, v44;
	v43 =	vadd.f32 v43, v63  }
0x47b: {  	v57 =	vmul.f32 v51, v23;
	v47 =	vadd.f32 v53, v60;
	v46 =	vadd.f32 v61, v62  }
0x47c: {  	v63 =	vadd.f32 v48, v20;
	v60 =	vmul.f32 v52, v17;
	v61 =	vadd.f32 v48, v24  }
0x47d: {  	v62 =	vmul.f32 v52, v21;
	v48 =	vadd.f32 v48, v28;
	v52 =	vmul.f32 v52, v25  }
0x47e: {  	v53 =	vbroadcast v32, $0x4;
	v50 =	vadd.f32 v63, v60;
	v63 =	vmul.f32 v54, v18  }
0x47f: {  	v56 =	vadd.f32 v61, v62;
	v60 =	vmul.f32 v54, v22;
	v46 =	vadd.f32 v46, v55  }
0x480: {  	v48 =	vadd.f32 v48, v52;
	v61 =	vmul.f32 v54, v26;
	v62 =	vmul.f32 v51, v19  }
0x481: {  	v51 =	vmul.f32 v51, v27;
	v58 =	vmin.f32 v43, v47;
	v52 =	vbroadcast v35, $0x4  }
0x482: {  	v54 =	vbroadcast v33, $0x4;
	v38 =	vmin.f32 v38, v43;
	v50 =	vadd.f32 v50, v63  }
0x483: {  	v37 =	vmin.f32 v37, v47;
	v63 =	vadd.f32 v56, v60;
	v48 =	vadd.f32 v48, v61  }
0x484: {  	v49 =	vmin.f32 v58, v46;
	v60 =	vadd.f32 v52, v8;
	v61 =	vmul.f32 v53, v5  }
0x485: {  	[tilespmem:s9+$0x120] =	vst v45;
	v44 =	vmul.f32 v54, v6;
	v56 =	vadd.f32 v52, v24;
	v45 =	vadd.f32 v50, v62  }
0x486: {  	v36 =	vmin.f32 v36, v46;
	v50 =	vadd.f32 v63, v57;
	v48 =	vadd.f32 v48, v51  }
0x487: {  	v62 =	vadd.f32 v52, v12;
	v63 =	vmul.f32 v53, v9;
	v43 =	vadd.f32 v60, v61  }
0x488: {  	v61 =	vmul.f32 v54, v10;
	v57 =	vbroadcast v33, $0x5;
	v49 =	vmin.f32 v49, v45  }
0x489: {  	v51 =	vld [tilespmem:s9+$0x130];
	v60 =	vadd.f32 v62, v63;
	v62 =	vadd.f32 v52, v16;
	v63 =	vmul.f32 v53, v13  }
0x48a: {  	v43 =	vadd.f32 v43, v44;
	v41 =	vmin.f32 v41, v45;
	v59 =	vmin.f32 v49, v50  }
0x48b: {  	v39 =	vmin.f32 v39, v48;
	v49 =	vbroadcast v34, $0x4;
	v42 =	vmin.f32 v59, v48  }
0x48c: {  	v47 =	vadd.f32 v60, v61;
	v60 =	vadd.f32 v62, v63;
	v61 =	vmul.f32 v54, v14  }
0x48d: {  	v62 =	vadd.f32 v52, v20;
	v63 =	vmul.f32 v53, v17;
	v48 =	vmul.f32 v57, v14  }
0x48e: {  	v42 =	vmin.f32 v51, v42;
	v44 =	vmul.f32 v49, v7;
	v51 =	vmul.f32 v49, v11  }
0x48f: {  	v40 =	vmin.f32 v40, v50;
	v55 =	vmul.f32 v49, v15;
	v59 =	vmul.f32 v49, v23  }
0x490: {  	v46 =	vadd.f32 v60, v61;
	v60 =	vadd.f32 v62, v63;
	v61 =	vmul.f32 v54, v18  }
0x491: {  	v62 =	vmul.f32 v53, v21;
	v63 =	vadd.f32 v52, v28;
	v43 =	vadd.f32 v43, v44  }
0x492: {  	v52 =	vbroadcast v35, $0x5;
	v44 =	vadd.f32 v47, v51;
	v47 =	vadd.f32 v60, v61  }
0x493: {  	v60 =	vmul.f32 v53, v25;
	v61 =	vmul.f32 v49, v19;
	v56 =	vadd.f32 v56, v62  }
0x494: {  	v62 =	vmul.f32 v54, v22;
	v46 =	vadd.f32 v46, v55;
	v49 =	vmul.f32 v49, v27  }
0x495: {  	v55 =	vbroadcast v32, $0x5;
	v38 =	vmin.f32 v38, v43;
	v37 =	vmin.f32 v37, v44  }
0x496: {  	v51 =	vadd.f32 v63, v60;
	v63 =	vmul.f32 v54, v26;
	v47 =	vadd.f32 v47, v61  }
0x497: {  	v58 =	vadd.f32 v56, v62;
	v60 =	vmin.f32 v43, v44;
	v62 =	vadd.f32 v52, v8  }
0x498: {  	v54 =	vbroadcast v34, $0x5;
	v36 =	vmin.f32 v36, v46;
	v56 =	vbroadcast v33, $0x6  }
0x499: {  	v61 =	vmin.f32 v60, v46;
	v51 =	vadd.f32 v51, v63;
	v53 =	vadd.f32 v58, v59  }
0x49a: {  	[tilespmem:s9+$0x130] =	vst v42;
	v42 =	vmin.f32 v61, v47;
	v63 =	vmul.f32 v55, v5;
	v61 =	vmul.f32 v57, v6  }
0x49b: {  	v45 =	vmul.f32 v54, v7;
	v41 =	vmin.f32 v41, v47;
	v49 =	vadd.f32 v51, v49  }
0x49c: {  	v60 =	vadd.f32 v62, v63;
	v62 =	vadd.f32 v52, v12;
	v63 =	vmul.f32 v55, v9  }
0x49d: {  	v51 =	vld [tilespmem:s9+$0x140];
	v42 =	vmin.f32 v42, v53;
	v40 =	vmin.f32 v40, v53;
	v53 =	vbroadcast v32, $0x7  }
0x49e: {  	v43 =	vadd.f32 v60, v61;
	v60 =	vadd.f32 v62, v63;
	v61 =	vmul.f32 v57, v10  }
0x49f: {  	v42 =	vmin.f32 v42, v49;
	v62 =	vadd.f32 v52, v16;
	v63 =	vmul.f32 v55, v13  }
0x4a0: {  	v39 =	vmin.f32 v39, v49;
	v43 =	vadd.f32 v43, v45;
	v59 =	vadd.f32 v60, v61  }
0x4a1: {  	v60 =	vmul.f32 v54, v11;
	v46 =	vadd.f32 v62, v63;
	v61 =	vadd.f32 v52, v20  }
0x4a2: {  	v62 =	vmul.f32 v55, v17;
	v63 =	vadd.f32 v52, v24;
	v42 =	vmin.f32 v51, v42  }
0x4a3: {  	v51 =	vmul.f32 v54, v15;
	v44 =	vadd.f32 v59, v60;
	v60 =	vmul.f32 v55, v21  }
0x4a4: {  	v46 =	vadd.f32 v46, v48;
	v61 =	vadd.f32 v61, v62;
	v62 =	vmul.f32 v57, v18  }
0x4a5: {  	v59 =	vmul.f32 v57, v26;
	v45 =	vadd.f32 v63, v60;
	v63 =	vmul.f32 v57, v22  }
0x4a6: {  	v48 =	vadd.f32 v61, v62;
	v60 =	vadd.f32 v52, v28;
	v61 =	vmul.f32 v55, v25  }
0x4a7: {  	v38 =	vmin.f32 v38, v43;
	v62 =	vmul.f32 v54, v19;
	v46 =	vadd.f32 v46, v51  }
0x4a8: {  	v55 =	vbroadcast v32, $0x6;
	v45 =	vadd.f32 v45, v63;
	v50 =	vadd.f32 v60, v61  }
0x4a9: {  	[tilespmem:s9+$0x140] =	vst v42;
	v63 =	vmul.f32 v54, v23;
	v42 =	vadd.f32 v48, v62;
	v60 =	vmin.f32 v43, v44  }
0x4aa: {  	v61 =	vmul.f32 v54, v27;
	v62 =	vld [tilespmem:s9+$0x150];
	v54 =	vbroadcast v35, $0x6;
	v50 =	vadd.f32 v50, v59  }
0x4ab: {  	v48 =	vmin.f32 v60, v46;
	v60 =	vmul.f32 v55, v5;
	v45 =	vadd.f32 v45, v63  }
0x4ac: {  	v48 =	vmin.f32 v48, v42;
	v63 =	vadd.f32 v54, v8;
	v47 =	vadd.f32 v50, v61  }
0x4ad: {  	v51 =	vbroadcast v34, $0x6;
	v37 =	vmin.f32 v37, v44;
	v48 =	vmin.f32 v48, v45  }
0x4ae: {  	v57 =	vmul.f32 v55, v9;
	v61 =	vadd.f32 v63, v60;
	v48 =	vmin.f32 v48, v47  }
0x4af: {  	v63 =	vadd.f32 v54, v12;
	v48 =	vmin.f32 v62, v48;
	v62 =	vmul.f32 v56, v6  }
0x4b0: {  	v52 =	vbroadcast v35, $0x7;
	v36 =	vmin.f32 v36, v46;
	v59 =	vmul.f32 v51, v7  }
0x4b1: {  	v41 =	vmin.f32 v41, v42;
	v60 =	vadd.f32 v63, v57;
	v58 =	vadd.f32 v61, v62  }
0x4b2: {  	v63 =	vmul.f32 v55, v13;
	v61 =	vmul.f32 v56, v10;
	v62 =	vadd.f32 v54, v16  }
0x4b3: {  	v40 =	vmin.f32 v40, v45;
	v39 =	vmin.f32 v39, v47;
	v42 =	vadd.f32 v58, v59  }
0x4b4: {  	v57 =	vadd.f32 v60, v61;
	v58 =	vmul.f32 v51, v11;
	v59 =	vadd.f32 v62, v63  }
0x4b5: {  	v60 =	vmul.f32 v56, v14;
	v61 =	vadd.f32 v54, v20;
	v62 =	vmul.f32 v55, v17  }
0x4b6: {  	v63 =	vadd.f32 v54, v24;
	v43 =	vadd.f32 v57, v58;
	v57 =	vmul.f32 v55, v21  }
0x4b7: {  	v45 =	vadd.f32 v59, v60;
	v58 =	vadd.f32 v61, v62;
	v59 =	vmul.f32 v56, v18  }
0x4b8: {  	v60 =	vmul.f32 v51, v15;
	v61 =	vmul.f32 v56, v22;
	v62 =	vadd.f32 v54, v28  }
0x4b9: {  	v54 =	vbroadcast v33, $0x7;
	v38 =	vmin.f32 v38, v42;
	v44 =	vadd.f32 v63, v57  }
0x4ba: {  	v46 =	vadd.f32 v58, v59;
	v63 =	vmul.f32 v55, v25;
	v57 =	vmul.f32 v51, v19  }
0x4bb: {  	v58 =	vmul.f32 v51, v23;
	v45 =	vadd.f32 v45, v60;
	v59 =	vmul.f32 v56, v26  }
0x4bc: {  	v60 =	vmin.f32 v42, v43;
	v37 =	vmin.f32 v37, v43;
	v49 =	vadd.f32 v62, v63  }
0x4bd: {  	v44 =	vadd.f32 v44, v61;
	v46 =	vadd.f32 v46, v57;
	v61 =	vmul.f32 v51, v27  }
0x4be: {  	[tilespmem:s9+$0x150] =	vst v48;
	v48 =	vmin.f32 v60, v45;
	v62 =	vadd.f32 v52, v8;
	v49 =	vadd.f32 v49, v59  }
0x4bf: {  	v51 =	vld [tilespmem:s9+$0x160];
	v63 =	vmul.f32 v53, v5;
	v60 =	vadd.f32 v52, v12;
	v44 =	vadd.f32 v44, v58  }
0x4c0: {  	v36 =	vmin.f32 v36, v45;
	v48 =	vmin.f32 v48, v46;
	v47 =	vadd.f32 v49, v61  }
0x4c1: {  	v41 =	vmin.f32 v41, v46;
	v48 =	vmin.f32 v48, v44;
	v61 =	vmul.f32 v53, v9  }
0x4c2: {  	v49 =	vadd.f32 v62, v63;
	v62 =	vmul.f32 v54, v6;
	v48 =	vmin.f32 v48, v47  }
0x4c3: {  	v55 =	vadd.f32 v60, v61;
	v60 =	vadd.f32 v52, v16;
	v61 =	vmul.f32 v53, v13  }
0x4c4: {  	v63 =	vmul.f32 v54, v10;
	v48 =	vmin.f32 v51, v48;
	v51 =	vbroadcast v34, $0x7  }
0x4c5: {  	v40 =	vmin.f32 v40, v44;
	v60 =	vadd.f32 v60, v61;
	v61 =	vmul.f32 v54, v14  }
0x4c6: {  	v49 =	vadd.f32 v49, v62;
	v55 =	vadd.f32 v55, v63;
	v62 =	vmul.f32 v51, v7  }
0x4c7: {  	v63 =	vmul.f32 v51, v11;
	v56 =	vmul.f32 v51, v15;
	v42 =	vadd.f32 v60, v61  }
0x4c8: {  	v60 =	vadd.f32 v52, v24;
	v61 =	vmul.f32 v53, v21;
	v43 =	vadd.f32 v49, v62  }
0x4c9: {  	v49 =	vadd.f32 v55, v63;
	v62 =	vadd.f32 v52, v20;
	v63 =	vmul.f32 v53, v17  }
0x4ca: {  	v52 =	vadd.f32 v52, v28;
	v53 =	vmul.f32 v53, v25;
	v55 =	vbroadcast v33, $0x8  }
0x4cb: {  	v57 =	vadd.f32 v60, v61;
	v42 =	vadd.f32 v42, v56;
	v60 =	vmul.f32 v54, v26  }
0x4cc: {  	v61 =	vmul.f32 v51, v19;
	v50 =	vadd.f32 v62, v63;
	v62 =	vmul.f32 v54, v18  }
0x4cd: {  	v63 =	vmul.f32 v54, v22;
	v52 =	vadd.f32 v52, v53;
	v53 =	vbroadcast v35, $0x8  }
0x4ce: {  	v39 =	vmin.f32 v39, v47;
	v54 =	vbroadcast v32, $0x8;
	v47 =	vmul.f32 v55, v6  }
0x4cf: {  	v38 =	vmin.f32 v38, v43;
	v37 =	vmin.f32 v37, v49;
	v36 =	vmin.f32 v36, v42  }
0x4d0: {  	v50 =	vadd.f32 v50, v62;
	v62 =	vadd.f32 v57, v63;
	v63 =	vmul.f32 v51, v23  }
0x4d1: {  	v52 =	vadd.f32 v52, v60;
	v51 =	vmul.f32 v51, v27;
	v60 =	vmin.f32 v43, v49  }
0x4d2: {  	[tilespmem:s9+$0x160] =	vst v48;
	v57 =	vadd.f32 v53, v24;
	v48 =	vmin.f32 v60, v42;
	v45 =	vadd.f32 v50, v61  }
0x4d3: {  	v50 =	vadd.f32 v62, v63;
	v62 =	vadd.f32 v53, v8;
	v63 =	vmul.f32 v54, v5  }
0x4d4: {  	v60 =	vadd.f32 v53, v12;
	v51 =	vadd.f32 v52, v51;
	v52 =	vld [tilespmem:s9+$0x170];
	v48 =	vmin.f32 v48, v45  }
0x4d5: {  	v46 =	vadd.f32 v62, v63;
	v63 =	vmul.f32 v55, v10;
	v61 =	vmin.f32 v48, v50  }
0x4d6: {  	v41 =	vmin.f32 v41, v45;
	v44 =	vmin.f32 v61, v51;
	v61 =	vmul.f32 v54, v9  }
0x4d7: {  	v40 =	vmin.f32 v40, v50;
	v39 =	vmin.f32 v39, v51;
	v48 =	vbroadcast v34, $0x8  }
0x4d8: {  	v62 =	vadd.f32 v60, v61;
	v60 =	vadd.f32 v53, v16;
	v61 =	vmul.f32 v54, v13  }
0x4d9: {  	v43 =	vadd.f32 v46, v47;
	v44 =	vmin.f32 v52, v44;
	v46 =	vmul.f32 v48, v7  }
0x4da: {  	v52 =	vmul.f32 v48, v11;
	v47 =	vadd.f32 v62, v63;
	v62 =	vadd.f32 v60, v61  }
0x4db: {  	v63 =	vmul.f32 v55, v14;
	v60 =	vadd.f32 v53, v20;
	v61 =	vmul.f32 v54, v17  }
0x4dc: {  	v51 =	vbroadcast v34, $0x9;
	v43 =	vadd.f32 v43, v46;
	v46 =	vadd.f32 v47, v52  }
0x4dd: {  	v47 =	vadd.f32 v62, v63;
	v62 =	vadd.f32 v60, v61;
	v63 =	vmul.f32 v55, v18  }
0x4de: {  	v56 =	vmul.f32 v48, v15;
	v38 =	vmin.f32 v38, v43;
	v60 =	vmul.f32 v54, v21  }
0x4df: {  	v61 =	vadd.f32 v53, v28;
	v49 =	vadd.f32 v62, v63;
	v62 =	vmul.f32 v54, v25  }
0x4e0: {  	v63 =	vmul.f32 v48, v19;
	v57 =	vadd.f32 v57, v60;
	v60 =	vmul.f32 v55, v22  }
0x4e1: {  	v47 =	vadd.f32 v47, v56;
	v58 =	vmin.f32 v43, v46;
	v54 =	vbroadcast v33, $0x9  }
0x4e2: {  	v37 =	vmin.f32 v37, v46;
	v52 =	vadd.f32 v61, v62;
	v61 =	vmul.f32 v55, v26  }
0x4e3: {  	v49 =	vadd.f32 v49, v63;
	v62 =	vadd.f32 v57, v60;
	v63 =	vmul.f32 v48, v23  }
0x4e4: {  	v59 =	vld [tilespmem:s9+$0x180];
	v48 =	vmul.f32 v48, v27;
	v57 =	vadd.f32 v52, v61;
	v52 =	vmin.f32 v58, v47  }
0x4e5: {  	v42 =	vadd.f32 v62, v63;
	v60 =	vmin.f32 v52, v49;
	v52 =	vbroadcast v32, $0x9  }
0x4e6: {  	[tilespmem:s9+$0x170] =	vst v44;
	v36 =	vmin.f32 v36, v47;
	v44 =	vadd.f32 v57, v48;
	v48 =	vbroadcast v35, $0x9  }
0x4e7: {  	v45 =	vmin.f32 v60, v42;
	v62 =	vmul.f32 v52, v5;
	v57 =	vmul.f32 v52, v9  }
0x4e8: {  	v45 =	vmin.f32 v45, v44;
	v61 =	vadd.f32 v48, v8;
	v63 =	vadd.f32 v48, v12  }
0x4e9: {  	v55 =	vmul.f32 v51, v15;
	v60 =	vmul.f32 v54, v10;
	v45 =	vmin.f32 v59, v45  }
0x4ea: {  	v59 =	vmul.f32 v54, v6;
	v58 =	vadd.f32 v61, v62;
	v53 =	vadd.f32 v63, v57  }
0x4eb: {  	v41 =	vmin.f32 v41, v49;
	v61 =	vadd.f32 v48, v16;
	v62 =	vmul.f32 v52, v13  }
0x4ec: {  	v63 =	vmul.f32 v51, v7;
	v43 =	vadd.f32 v58, v59;
	v53 =	vadd.f32 v53, v60  }
0x4ed: {  	v60 =	vmul.f32 v51, v11;
	v61 =	vadd.f32 v61, v62;
	v62 =	vmul.f32 v54, v14  }
0x4ee: {  	v40 =	vmin.f32 v40, v42;
	v39 =	vmin.f32 v39, v44;
	v43 =	vadd.f32 v43, v63  }
0x4ef: {  	v57 =	vmul.f32 v51, v23;
	v47 =	vadd.f32 v53, v60;
	v46 =	vadd.f32 v61, v62  }
0x4f0: {  	v63 =	vadd.f32 v48, v20;
	v60 =	vmul.f32 v52, v17;
	v61 =	vadd.f32 v48, v24  }
0x4f1: {  	v62 =	vmul.f32 v52, v21;
	v48 =	vadd.f32 v48, v28;
	v52 =	vmul.f32 v52, v25  }
0x4f2: {  	v53 =	vbroadcast v32, $0xA;
	v50 =	vadd.f32 v63, v60;
	v63 =	vmul.f32 v54, v18  }
0x4f3: {  	v56 =	vadd.f32 v61, v62;
	v60 =	vmul.f32 v54, v22;
	v46 =	vadd.f32 v46, v55  }
0x4f4: {  	v48 =	vadd.f32 v48, v52;
	v61 =	vmul.f32 v54, v26;
	v62 =	vmul.f32 v51, v19  }
0x4f5: {  	v51 =	vmul.f32 v51, v27;
	v58 =	vmin.f32 v43, v47;
	v52 =	vbroadcast v35, $0xA  }
0x4f6: {  	v54 =	vbroadcast v33, $0xA;
	v38 =	vmin.f32 v38, v43;
	v50 =	vadd.f32 v50, v63  }
0x4f7: {  	v37 =	vmin.f32 v37, v47;
	v63 =	vadd.f32 v56, v60;
	v48 =	vadd.f32 v48, v61  }
0x4f8: {  	v49 =	vmin.f32 v58, v46;
	v60 =	vadd.f32 v52, v8;
	v61 =	vmul.f32 v53, v5  }
0x4f9: {  	[tilespmem:s9+$0x180] =	vst v45;
	v44 =	vmul.f32 v54, v6;
	v56 =	vadd.f32 v52, v24;
	v45 =	vadd.f32 v50, v62  }
0x4fa: {  	v36 =	vmin.f32 v36, v46;
	v50 =	vadd.f32 v63, v57;
	v48 =	vadd.f32 v48, v51  }
0x4fb: {  	v62 =	vadd.f32 v52, v12;
	v63 =	vmul.f32 v53, v9;
	v43 =	vadd.f32 v60, v61  }
0x4fc: {  	v61 =	vmul.f32 v54, v10;
	v57 =	vbroadcast v33, $0xB;
	v49 =	vmin.f32 v49, v45  }
0x4fd: {  	v51 =	vld [tilespmem:s9+$0x190];
	v60 =	vadd.f32 v62, v63;
	v62 =	vadd.f32 v52, v16;
	v63 =	vmul.f32 v53, v13  }
0x4fe: {  	v43 =	vadd.f32 v43, v44;
	v41 =	vmin.f32 v41, v45;
	v59 =	vmin.f32 v49, v50  }
0x4ff: {  	v39 =	vmin.f32 v39, v48;
	v49 =	vbroadcast v34, $0xA;
	v42 =	vmin.f32 v59, v48  }
0x500: {  	v47 =	vadd.f32 v60, v61;
	v60 =	vadd.f32 v62, v63;
	v61 =	vmul.f32 v54, v14  }
0x501: {  	v62 =	vadd.f32 v52, v20;
	v63 =	vmul.f32 v53, v17;
	v48 =	vmul.f32 v57, v14  }
0x502: {  	v42 =	vmin.f32 v51, v42;
	v44 =	vmul.f32 v49, v7;
	v51 =	vmul.f32 v49, v11  }
0x503: {  	v40 =	vmin.f32 v40, v50;
	v55 =	vmul.f32 v49, v15;
	v59 =	vmul.f32 v49, v23  }
0x504: {  	v46 =	vadd.f32 v60, v61;
	v60 =	vadd.f32 v62, v63;
	v61 =	vmul.f32 v54, v18  }
0x505: {  	v62 =	vmul.f32 v53, v21;
	v63 =	vadd.f32 v52, v28;
	v43 =	vadd.f32 v43, v44  }
0x506: {  	v52 =	vbroadcast v35, $0xB;
	v44 =	vadd.f32 v47, v51;
	v47 =	vadd.f32 v60, v61  }
0x507: {  	v60 =	vmul.f32 v53, v25;
	v61 =	vmul.f32 v49, v19;
	v56 =	vadd.f32 v56, v62  }
0x508: {  	v62 =	vmul.f32 v54, v22;
	v46 =	vadd.f32 v46, v55;
	v49 =	vmul.f32 v49, v27  }
0x509: {  	v55 =	vbroadcast v32, $0xB;
	v38 =	vmin.f32 v38, v43;
	v37 =	vmin.f32 v37, v44  }
0x50a: {  	v51 =	vadd.f32 v63, v60;
	v63 =	vmul.f32 v54, v26;
	v47 =	vadd.f32 v47, v61  }
0x50b: {  	v58 =	vadd.f32 v56, v62;
	v60 =	vmin.f32 v43, v44;
	v62 =	vadd.f32 v52, v8  }
0x50c: {  	v54 =	vbroadcast v34, $0xB;
	v36 =	vmin.f32 v36, v46;
	v61 =	vmin.f32 v60, v46  }
0x50d: {  	v51 =	vadd.f32 v51, v63;
	v53 =	vadd.f32 v58, v59;
	v63 =	vmul.f32 v55, v5  }
0x50e: {  	[tilespmem:s9+$0x190] =	vst v42;
	v42 =	vmin.f32 v61, v47;
	v61 =	vmul.f32 v57, v6;
	v45 =	vmul.f32 v54, v7  }
0x50f: {  	v59 =	vmul.f32 v54, v11;
	v41 =	vmin.f32 v41, v47;
	v49 =	vadd.f32 v51, v49  }
0x510: {  	v60 =	vadd.f32 v62, v63;
	v62 =	vadd.f32 v52, v12;
	v63 =	vmul.f32 v55, v9  }
0x511: {  	v51 =	vld [tilespmem:s9+$0x1A0];
	v42 =	vmin.f32 v42, v53;
	v40 =	vmin.f32 v40, v53;
	v53 =	vbroadcast v34, $0xC  }
0x512: {  	v43 =	vadd.f32 v60, v61;
	v60 =	vadd.f32 v62, v63;
	v61 =	vmul.f32 v57, v10  }
0x513: {  	v42 =	vmin.f32 v42, v49;
	v62 =	vadd.f32 v52, v16;
	v63 =	vmul.f32 v55, v13  }
0x514: {  	v39 =	vmin.f32 v39, v49;
	v43 =	vadd.f32 v43, v45;
	v58 =	vadd.f32 v60, v61  }
0x515: {  	v46 =	vadd.f32 v62, v63;
	v60 =	vadd.f32 v52, v20;
	v61 =	vmul.f32 v55, v17  }
0x516: {  	v62 =	vadd.f32 v52, v24;
	v63 =	vmul.f32 v55, v21;
	v42 =	vmin.f32 v51, v42  }
0x517: {  	v51 =	vmul.f32 v54, v15;
	v44 =	vadd.f32 v58, v59;
	v46 =	vadd.f32 v46, v48  }
0x518: {  	v60 =	vadd.f32 v60, v61;
	v61 =	vmul.f32 v57, v18;
	v45 =	vadd.f32 v62, v63  }
0x519: {  	v62 =	vmul.f32 v57, v22;
	v63 =	vadd.f32 v52, v28;
	v58 =	vmul.f32 v54, v27  }
0x51a: {  	v52 =	vbroadcast v35, $0xC;
	v38 =	vmin.f32 v38, v43;
	v48 =	vadd.f32 v60, v61  }
0x51b: {  	v60 =	vmul.f32 v55, v25;
	v61 =	vmul.f32 v54, v19;
	v45 =	vadd.f32 v45, v62  }
0x51c: {  	v62 =	vmul.f32 v54, v23;
	v46 =	vadd.f32 v46, v51;
	v59 =	vmin.f32 v43, v44  }
0x51d: {  	v54 =	vbroadcast v32, $0xC;
	v55 =	vbroadcast v33, $0xC;
	v37 =	vmin.f32 v37, v44  }
0x51e: {  	v50 =	vadd.f32 v63, v60;
	v63 =	vmul.f32 v57, v26;
	v47 =	vadd.f32 v48, v61  }
0x51f: {  	v45 =	vadd.f32 v45, v62;
	v51 =	vmin.f32 v59, v46;
	v61 =	vadd.f32 v52, v8  }
0x520: {  	v62 =	vmul.f32 v54, v5;
	v59 =	vadd.f32 v52, v20;
	v36 =	vmin.f32 v36, v46  }
0x521: {  	v57 =	vadd.f32 v50, v63;
	v60 =	vmin.f32 v51, v47;
	v63 =	vadd.f32 v52, v12  }
0x522: {  	v50 =	vld [tilespmem:s9+$0x1B0];
	v49 =	vadd.f32 v61, v62;
	v61 =	vmul.f32 v55, v6;
	v62 =	vmul.f32 v55, v10  }
0x523: {  	v41 =	vmin.f32 v41, v47;
	v48 =	vmin.f32 v60, v45;
	v60 =	vmul.f32 v54, v9  }
0x524: {  	[tilespmem:s9+$0x1A0] =	vst v42;
	v40 =	vmin.f32 v40, v45;
	v47 =	vbroadcast v34, $0xD;
	v42 =	vadd.f32 v57, v58  }
0x525: {  	v49 =	vadd.f32 v49, v61;
	v58 =	vmul.f32 v55, v14;
	v56 =	vadd.f32 v63, v60  }
0x526: {  	v63 =	vadd.f32 v52, v16;
	v60 =	vmul.f32 v54, v13;
	v48 =	vmin.f32 v48, v42  }
0x527: {  	v39 =	vmin.f32 v39, v42;
	v48 =	vmin.f32 v50, v48;
	v50 =	vmul.f32 v53, v7  }
0x528: {  	v51 =	vadd.f32 v56, v62;
	v57 =	vadd.f32 v63, v60;
	v60 =	vmul.f32 v54, v17  }
0x529: {  	v56 =	vmul.f32 v53, v11;
	v63 =	vadd.f32 v52, v24;
	v52 =	vadd.f32 v52, v28  }
0x52a: {  	v62 =	vmul.f32 v55, v18;
	v43 =	vadd.f32 v49, v50;
	v61 =	vadd.f32 v59, v60  }
0x52b: {  	v49 =	vadd.f32 v51, v56;
	v50 =	vadd.f32 v57, v58;
	v60 =	vmul.f32 v54, v21  }
0x52c: {  	v57 =	vmul.f32 v53, v15;
	v54 =	vmul.f32 v54, v25;
	v51 =	vadd.f32 v61, v62  }
0x52d: {  	v61 =	vmul.f32 v53, v19;
	v58 =	vadd.f32 v63, v60;
	v62 =	vmul.f32 v55, v22  }
0x52e: {  	v50 =	vadd.f32 v50, v57;
	v52 =	vadd.f32 v52, v54;
	v63 =	vmul.f32 v55, v26  }
0x52f: {  	v57 =	vmin.f32 v43, v49;
	v55 =	vbroadcast v33, $0xD;
	v38 =	vmin.f32 v38, v43  }
0x530: {  	v37 =	vmin.f32 v37, v49;
	v51 =	vadd.f32 v51, v61;
	v60 =	vadd.f32 v58, v62  }
0x531: {  	v61 =	vmul.f32 v53, v23;
	v62 =	vadd.f32 v52, v63;
	v63 =	vmul.f32 v53, v27  }
0x532: {  	v53 =	vmin.f32 v57, v50;
	v52 =	vbroadcast v35, $0xD;
	v54 =	vmul.f32 v55, v6  }
0x533: {  	v58 =	vld [tilespmem:s9+$0x1C0];
	v50 =	vmin.f32 v36, v50;
	v44 =	vadd.f32 v60, v61;
	v46 =	vadd.f32 v62, v63  }
0x534: {  	v59 =	vmin.f32 v53, v51;
	v53 =	vbroadcast v32, $0xD;
	v61 =	vadd.f32 v52, v8  }
0x535: {  	[tilespmem:s9+$0x1B0] =	vst v48;
	v56 =	vadd.f32 v52, v12;
	v41 =	vmin.f32 v41, v51;
	v48 =	vmin.f32 v59, v44  }
0x536: {  	v62 =	vmul.f32 v53, v5;
	v57 =	vmul.f32 v53, v9;
	v36 =	vmin.f32 v40, v44  }
0x537: {  	v59 =	vmul.f32 v47, v7;
	v39 =	vmin.f32 v39, v46;
	v60 =	vmin.f32 v48, v46  }
0x538: {  	v46 =	vmul.f32 v47, v23;
	v42 =	vmin.f32 v58, v60;
	v63 =	vadd.f32 v61, v62  }
0x539: {  	v60 =	vadd.f32 v56, v57;
	v61 =	vmul.f32 v55, v10;
	v62 =	vadd.f32 v52, v16  }
0x53a: {  	v56 =	vmul.f32 v53, v17;
	v57 =	vmul.f32 v47, v11;
	v58 =	vadd.f32 v63, v54  }
0x53b: {  	v63 =	vmul.f32 v53, v13;
	v54 =	vadd.f32 v52, v20;
	v44 =	vadd.f32 v60, v61  }
0x53c: {  	v60 =	vadd.f32 v52, v24;
	v61 =	vmul.f32 v53, v21;
	v40 =	vadd.f32 v58, v59  }
0x53d: {  	v48 =	vadd.f32 v62, v63;
	v58 =	vmul.f32 v55, v14;
	v59 =	vmul.f32 v55, v18  }
0x53e: {  	v44 =	vadd.f32 v44, v57;
	v62 =	vmul.f32 v47, v15;
	v63 =	vmul.f32 v47, v19  }
0x53f: {  	v45 =	vadd.f32 v60, v61;
	v57 =	vmul.f32 v55, v22;
	v60 =	vmul.f32 v55, v26  }
0x540: {  	v43 =	vadd.f32 v54, v56;
	v54 =	vbroadcast v32, $0xE;
	v47 =	vmul.f32 v47, v27  }
0x541: {  	v56 =	vbroadcast v33, $0xE;
	v32 =	vbroadcast v32, $0xF;
	v48 =	vadd.f32 v48, v58  }
0x542: {  	v33 =	vbroadcast v33, $0xF;
	v43 =	vadd.f32 v43, v59;
	v58 =	vadd.f32 v52, v28  }
0x543: {  	v59 =	vmul.f32 v53, v25;
	v45 =	vadd.f32 v45, v57;
	v61 =	vmin.f32 v40, v44  }
0x544: {  	v53 =	vbroadcast v35, $0xE;
	v52 =	vbroadcast v34, $0xE;
	v38 =	vmin.f32 v38, v40  }
0x545: {  	v37 =	vmin.f32 v37, v44;
	v35 =	vbroadcast v35, $0xF;
	v48 =	vadd.f32 v48, v62  }
0x546: {  	v34 =	vbroadcast v34, $0xF;
	v43 =	vadd.f32 v43, v63;
	v49 =	vadd.f32 v58, v59  }
0x547: {  	v45 =	vadd.f32 v45, v46;
	v59 =	vmul.f32 v56, v10;
	v55 =	vmul.f32 v52, v11  }
0x548: {  	v62 =	vadd.f32 v49, v60;
	v63 =	vmin.f32 v61, v48;
	v60 =	vadd.f32 v53, v8  }
0x549: {  	v61 =	vmul.f32 v54, v5;
	v44 =	vmin.f32 v50, v48;
	v48 =	vadd.f32 v53, v16  }
0x54a: {  	v51 =	vld [tilespmem:s9+$0x1D0];
	[tilespmem:s9+$0x1C0] =	vst v42;
	v50 =	vadd.f32 v53, v20;
	v41 =	vmin.f32 v41, v43;
	v42 =	vadd.f32 v62, v47  }
0x54b: {  	v62 =	vmin.f32 v63, v43;
	v63 =	vadd.f32 v60, v61;
	v60 =	vmul.f32 v56, v6  }
0x54c: {  	v36 =	vmin.f32 v36, v45;
	v61 =	vadd.f32 v53, v12;
	v46 =	vmin.f32 v62, v45  }
0x54d: {  	v62 =	vmul.f32 v54, v9;
	v46 =	vmin.f32 v46, v42;
	v47 =	vadd.f32 v63, v60  }
0x54e: {  	v63 =	vmul.f32 v52, v7;
	v60 =	vmul.f32 v54, v13;
	v39 =	vmin.f32 v39, v42  }
0x54f: {  	v46 =	vmin.f32 v51, v46;
	v58 =	vadd.f32 v61, v62;
	v61 =	vmul.f32 v54, v17  }
0x550: {  	v62 =	vadd.f32 v53, v24;
	v53 =	vadd.f32 v53, v28;
	v51 =	vmul.f32 v52, v27  }
0x551: {  	v40 =	vadd.f32 v47, v63;
	v63 =	vmul.f32 v54, v21;
	v48 =	vadd.f32 v48, v60  }
0x552: {  	v60 =	vmul.f32 v56, v14;
	v54 =	vmul.f32 v54, v25;
	v47 =	vadd.f32 v58, v59  }
0x553: {  	v50 =	vadd.f32 v50, v61;
	v61 =	vmul.f32 v56, v18;
	v57 =	vadd.f32 v62, v63  }
0x554: {  	v62 =	vmul.f32 v56, v22;
	v48 =	vadd.f32 v48, v60;
	v63 =	vmul.f32 v52, v15  }
0x555: {  	[tilespmem:s9+$0xFFFFFEF0] =	vst v29;
	v60 =	vmul.f32 v52, v19;
	v29 =	vmin.f32 v38, v40;
	v47 =	vadd.f32 v47, v55  }
0x556: {  	v50 =	vadd.f32 v50, v61;
	v61 =	vadd.f32 v57, v62;
	v62 =	vmul.f32 v52, v23  }
0x557: {  	v43 =	vadd.f32 v48, v63;
	v63 =	vadd.f32 v53, v54;
	v57 =	vmul.f32 v56, v26  }
0x558: {  	v48 =	vadd.f32 v50, v60;
	v58 =	vmin.f32 v40, v47;
	v60 =	vadd.f32 v35, v8  }
0x559: {  	v49 =	vadd.f32 v61, v62;
	v50 =	vadd.f32 v63, v57;
	v59 =	vmin.f32 v58, v43  }
0x55a: {  	v61 =	vmul.f32 v32, v5;
	v62 =	vadd.f32 v35, v12;
	v63 =	vmul.f32 v32, v9  }
0x55b: {  	[tilespmem:s9+$0x1D0] =	vst v46;
	v53 =	vmul.f32 v33, v6;
	v52 =	vmin.f32 v59, v48;
	v46 =	vadd.f32 v50, v51  }
0x55c: {  	v50 =	vmin.f32 v52, v49;
	v51 =	vadd.f32 v60, v61;
	v60 =	vadd.f32 v62, v63  }
0x55d: {  	v52 =	vld [tilespmem:s9+$0x1E0];
	v61 =	vmul.f32 v33, v10;
	v62 =	vadd.f32 v35, v16;
	v63 =	vmul.f32 v32, v13  }
0x55e: {  	v50 =	vmin.f32 v50, v46;
	v51 =	vadd.f32 v51, v53;
	v53 =	vmul.f32 v34, v7  }
0x55f: {  	v54 =	vadd.f32 v60, v61;
	v56 =	vadd.f32 v62, v63;
	v61 =	vmul.f32 v33, v14  }
0x560: {  	v60 =	vmul.f32 v34, v11;
	v62 =	vadd.f32 v35, v20;
	v63 =	vmul.f32 v32, v17  }
0x561: {  	v51 =	vadd.f32 v51, v53;
	v53 =	vadd.f32 v56, v61;
	v61 =	vmul.f32 v33, v18  }
0x562: {  	v56 =	vmul.f32 v34, v15;
	v50 =	vmin.f32 v52, v50;
	v52 =	vadd.f32 v54, v60  }
0x563: {  	v60 =	vadd.f32 v62, v63;
	v62 =	vadd.f32 v35, v24;
	v63 =	vmul.f32 v32, v21  }
0x564: {  	v35 =	vadd.f32 v35, v28;
	v32 =	vmul.f32 v32, v25;
	v53 =	vadd.f32 v53, v56  }
0x565: {  	v54 =	vadd.f32 v60, v61;
	v57 =	vadd.f32 v62, v63;
	v61 =	vmul.f32 v33, v22  }
0x566: {  	v60 =	vmul.f32 v34, v19;
	v32 =	vadd.f32 v35, v32;
	v33 =	vmul.f32 v33, v26  }
0x567: {  	v63 =	vmul.f32 v34, v23;
	v58 =	vmin.f32 v51, v52;
	v62 =	vadd.f32 v57, v61  }
0x568: {  	s13 =	sadd.s32 $0x4, s13;
	v59 =	vld [tilespmem:s9+$0x1F0];
	v35 =	vadd.f32 v54, v60;
	v32 =	vadd.f32 v32, v33;
	v57 =	vmul.f32 v34, v27  }
0x569: {  	p1 =	slt.u32 s13, $0xFC;
	[tilespmem:s9+$0xFFFFFFF0] =	vst v30;
	v30 =	vmin.f32 v44, v43;
	v34 =	vmin.f32 v58, v53;
	v60 =	vadd.f32 v62, v63  }
.Ltmp3:
0x56a: {  	[tilespmem:s9+$0xF0] =	vst v31;
	v31 =	vmin.f32 v36, v49;
	v32 =	vadd.f32 v32, v57;
	v61 =	vmin.f32 v34, v35;
	(pc) =	sbr.rel @p1 .LBB2_9-.Ltmp3, $4  }
0x56b: {  	v39 =	vmin.f32 v39, v46;
	v38 =	vmin.f32 v29, v51;
	v33 =	vmin.f32 v61, v60  }
0x56c: {  	v36 =	vmin.f32 v30, v53;
	v62 =	vmin.f32 v37, v47;
	v33 =	vmin.f32 v33, v32  }
0x56d: {  	s14 =	sadd.s32 $0x40, s14;
	s17 =	sadd.s32 $0x40, s17;
	[tilespmem:s9+$0x1E0] =	vst v50;
	v63 =	vmin.f32 v41, v48;
	v37 =	vmin.f32 v62, v52;
	v33 =	vmin.f32 v59, v33  }
0x56e: {  	s15 =	sadd.s32 $0x40, s15;
	s16 =	sadd.s32 $0x40, s16;
	v35 =	vmin.f32 v63, v35;
	v34 =	vmin.f32 v31, v60;
	[tilespmem:s9+$0x1F0] =	vst v33;
	v33 =	vmin.f32 v39, v32;
	s9 =	sadd.s32 $0x400, s9  }
0x56f: {  	s9 =	sor.u32 s23, s1  }
0x570: {  	s9 =	sor.u32 $0x180, s9  }
0x571: {  	s24 =	sor.u32 s24, s1;
	v5 =	vld [tilespmem:s9+$0x0]  }
0x572: {  	s1 =	sor.u32 $0x180, s24  }
0x573: {  	s26 =	sor.u32 s25, s26;
	v6 =	vld [tilespmem:s1+$0x0]  }
0x574: {  	s1 =	sor.u32 $0x180, s26  }
0x575: {  	v7 =	vmax.f32 v38, $0.0e+00;
	v8 =	vld [tilespmem:s1+$0x0]  }
0x576: {  	v7 =	vmul.f32 v5, v7  }
0x577: {  	v9 =	vmax.f32 v37, $0.0e+00;
	v10 =	vld [tilespmem:s29+$0x180];
	s30 =	sor.u32 s30, s11  }
0x578: {  	s1 =	sor.u32 $0x180, s30;
	v3 =	vadd.f32 v5, v3;
	v5 =	vmul.f32 v6, v9;
	v4 =	vadd.f32 v7, v4  }
0x579: {  	v63 =	vld [tilespmem:s1+$0x0];
	v7 =	vmax.f32 v36, $0.0e+00  }
0x57a: {  	v3 =	vadd.f32 v6, v3;
	v4 =	vadd.f32 v5, v4;
	v5 =	vmul.f32 v8, v7  }
0x57b: {  	v6 =	vmax.f32 v35, $0.0e+00;
	v7 =	vld [tilespmem:s12+$0x180]  }
0x57c: {  	s0 =	sadd.s32 $0x1, s0;
	v3 =	vadd.f32 v8, v3;
	v4 =	vadd.f32 v5, v4;
	v5 =	vmul.f32 v10, v6  }
0x57d: {  	p1 =	sne.s32 s0, $0x9;
	v6 =	vmax.f32 v34, $0.0e+00  }
.Ltmp4:
0x57e: {  	v3 =	vadd.f32 v10, v3;
	v4 =	vadd.f32 v5, v4;
	v5 =	vmul.f32 v63, v6;
	(pc) =	sbr.rel @p1 .LBB2_8-.Ltmp4, $3  }
0x57f: {  	v6 =	vmax.f32 v33, $0.0e+00  }
0x580: {  	v3 =	vadd.f32 v63, v3;
	v4 =	vadd.f32 v5, v4;
	v5 =	vmul.f32 v7, v6;
	_ =	sdelay $0x1  }
0x581: {  	v3 =	vadd.f32 v7, v3;
	v4 =	vadd.f32 v5, v4  }
0x582: {  	s9 =	simm.s32 $0x6280  }
0x583: {  	v5 =	vld [tilespmem:s9+$0x0]  }
0x584: {  	v6 =	vld [tilespmem:s9+$0x10]  }
0x585: {  	v7 =	vld [tilespmem:s9+$0x20]  }
0x586: {  	v8 =	vld [tilespmem:s9+$0x30]  }
0x587: {  	v9 =	vld [tilespmem:s9+$0x40]  }
0x588: {  	v10 =	vld [tilespmem:s9+$0x50];
	(xrf0) =	vmin.scan.msk.f32 $0xffff, v5  }
0x589: {  	v5 =	vld [tilespmem:s9+$0x60];
	(xrf0) =	vmin.scan.msk.f32 $0xffff, v6  }
0x58a: {  	v6 =	vld [tilespmem:s9+$0x70];
	(xrf0) =	vmin.scan.msk.f32 $0xffff, v7  }
0x58b: {  	v7 =	vld [tilespmem:s9+$0x80];
	(xrf0) =	vmin.scan.msk.f32 $0xffff, v8  }
0x58c: {  	v8 =	vld [tilespmem:s9+$0x90];
	(xrf0) =	vmin.scan.msk.f32 $0xffff, v9  }
0x58d: {  	v9 =	vld [tilespmem:s9+$0xA0];
	(xrf0) =	vmin.scan.msk.f32 $0xffff, v10  }
0x58e: {  	v10 =	vld [tilespmem:s9+$0xB0];
	v11, _, _ =	vpop (xrf0);
	(xrf0) =	vmin.scan.msk.f32 $0xffff, v5  }
0x58f: {  	v5 =	vld [tilespmem:s9+$0xC0];
	v12, _, _ =	vpop (xrf0);
	(xrf0) =	vmin.scan.msk.f32 $0xffff, v6  }
0x590: {  	v6 =	vld [tilespmem:s9+$0xD0];
	v13, _, _ =	vpop (xrf0);
	(xrf0) =	vmin.scan.msk.f32 $0xffff, v7;
	v7 =	vbroadcast v11, $0xF;
	v11 =	vbroadcast v12, $0xF  }
0x591: {  	v12 =	vld [tilespmem:s9+$0xE0];
	v14, _, _ =	vpop (xrf0);
	(xrf0) =	vmin.scan.msk.f32 $0xffff, v8;
	v8 =	vbroadcast v13, $0xF  }
0x592: {  	v13 =	vld [tilespmem:s9+$0xFFFFFF10];
	(xrf0) =	vmin.scan.msk.f32 $0xffff, v9;
	v9, _, _ =	vpop (xrf0);
	v7 =	vsel vm0, v7, v11;
	v11 =	vbroadcast v14, $0xF  }
0x593: {  	v14 =	vld [tilespmem:s9+$0xFFFFFF00];
	(xrf0) =	vmin.scan.msk.f32 $0xffff, v10;
	v10, _, _ =	vpop (xrf0);
	v7 =	vsel vm1, v7, v8;
	v8 =	vbroadcast v9, $0xF  }
0x594: {  	v9 =	vld [tilespmem:s9+$0xF0];
	(xrf0) =	vmin.scan.msk.f32 $0xffff, v5;
	v5, _, _ =	vpop (xrf0);
	v7 =	vsel vm2, v7, v11;
	v10 =	vbroadcast v10, $0xF  }
0x595: {  	v11 =	vld [tilespmem:s9+$0xFFFFFF20];
	(xrf0) =	vmin.scan.msk.f32 $0xffff, v6;
	v6, _, _ =	vpop (xrf0);
	v7 =	vsel vm3, v7, v8;
	v5 =	vbroadcast v5, $0xF  }
0x596: {  	v8 =	vld [tilespmem:s9+$0xFFFFFF30];
	(xrf0) =	vmin.scan.msk.f32 $0xffff, v12;
	v12, _, _ =	vpop (xrf0);
	v7 =	vsel vm4, v7, v10;
	v6 =	vbroadcast v6, $0xF  }
0x597: {  	v10 =	vld [tilespmem:s9+$0xFFFFFF40];
	(xrf0) =	vmin.scan.msk.f32 $0xffff, v13;
	v13, _, _ =	vpop (xrf0);
	v5 =	vsel vm5, v7, v5;
	v7 =	vbroadcast v12, $0xF  }
0x598: {  	(xrf0) =	vmin.scan.msk.f32 $0xffff, v14;
	v14, _, _ =	vpop (xrf0);
	v5 =	vsel vm6, v5, v6;
	v6 =	vbroadcast v13, $0xF  }
0x599: {  	v12 =	vld [tilespmem:s9+$0xFFFFFF50];
	(xrf0) =	vmin.scan.msk.f32 $0xffff, v9;
	v9, _, _ =	vpop (xrf0);
	v5 =	vsel vm7, v5, v7;
	v7 =	vbroadcast v14, $0xF  }
0x59a: {  	v13 =	vld [tilespmem:s9+$0xFFFFFF60];
	(xrf0) =	vmin.scan.msk.f32 $0xffff, v11;
	v11, _, _ =	vpop (xrf0);
	v5 =	vsel vm8, v5, v6;
	v6 =	vbroadcast v9, $0xF  }
0x59b: {  	v14 =	vld [tilespmem:s9+$0xFFFFFF70];
	(xrf0) =	vmin.scan.msk.f32 $0xffff, v8;
	v8, _, _ =	vpop (xrf0);
	v5 =	vsel vm9, v5, v7;
	v7 =	vbroadcast v11, $0xF  }
0x59c: {  	v9 =	vld [tilespmem:s9+$0xFFFFFF80];
	(xrf0) =	vmin.scan.msk.f32 $0xffff, v10;
	v10, _, _ =	vpop (xrf0);
	v5 =	vsel vm10, v5, v6;
	v6 =	vbroadcast v8, $0xF  }
0x59d: {  	v11 =	vld [tilespmem:s9+$0xFFFFFF90];
	v8, _, _ =	vpop (xrf0);
	v7 =	vsel vm11, v5, v7;
	v10 =	vbroadcast v10, $0xF  }
0x59e: {  	v15 =	vld [tilespmem:s9+$0xFFFFFFA0];
	(xrf0) =	vmin.scan.msk.f32 $0xffff, v12;
	v12, _, _ =	vpop (xrf0);
	v6 =	vsel vm12, v7, v6  }
0x59f: {  	v5 =	vld [tilespmem:s9+$0xFFFFFFB0];
	(xrf0) =	vmin.scan.msk.f32 $0xffff, v13;
	v13, _, _ =	vpop (xrf0);
	v10 =	vsel vm13, v6, v10  }
0x5a0: {  	v8 =	vbroadcast v8, $0xF;
	v7 =	vld [tilespmem:s9+$0xFFFFFFC0];
	v12 =	vbroadcast v12, $0xF;
	(xrf0) =	vmin.scan.msk.f32 $0xffff, v14;
	v13 =	vsel vm14, v10, v13  }
0x5a1: {  	v6 =	vld [tilespmem:s9+$0xFFFFFFD0];
	(xrf0) =	vmin.scan.msk.f32 $0xffff, v9;
	v9, _, _ =	vpop (xrf0)  }
0x5a2: {  	s0 =	simm.s32 $0x16190;
	v10 =	vsel vm0, v12, v8;
	v8 =	vld [tilespmem:s9+$0xFFFFFFE0];
	v14, _, _ =	vpop (xrf0);
	(xrf0) =	vmin.scan.msk.f32 $0xffff, v11;
	v12 =	vbroadcast v9, $0xF  }
0x5a3: {  	s1 =	simm.s32 $0x0;
	[tilespmem:s0+$0x0] =	vst v13;
	v9 =	vld [tilespmem:s9+$0xFFFFFFF0];
	s9 =	simm.s32 $0x6480;
	v11 =	vbroadcast v14, $0xF;
	(xrf0) =	vmin.scan.msk.f32 $0xffff, v15;
	v13, _, _ =	vpop (xrf0)  }
.LBB2_12:
0x5a4: {  	v14 =	vld [tilespmem:s9+$0x0];
	v10 =	vsel vm1, v10, v12;
	v12 =	vbroadcast v13, $0xF;
	v13, _, _ =	vpop (xrf0);
	(xrf0) =	vmin.scan.msk.f32 $0xffff, v5  }
0x5a5: {  	s1 =	sadd.s32 $0x2, s1;
	v5 =	vld [tilespmem:s9+$0x10];
	v10 =	vsel vm2, v10, v11;
	v11 =	vbroadcast v13, $0xF;
	v13, _, _ =	vpop (xrf0);
	(xrf0) =	vmin.scan.msk.f32 $0xffff, v7  }
0x5a6: {  	p1 =	slt.u32 s1, $0xFE;
	v7 =	vld [tilespmem:s9+$0x20];
	v10 =	vsel vm3, v10, v12;
	v12 =	vbroadcast v13, $0xF;
	v13, _, _ =	vpop (xrf0);
	(xrf0) =	vmin.scan.msk.f32 $0xffff, v6  }
0x5a7: {  	v6 =	vld [tilespmem:s9+$0x30];
	v10 =	vsel vm4, v10, v11;
	v11 =	vbroadcast v13, $0xF;
	v13, _, _ =	vpop (xrf0);
	(xrf0) =	vmin.scan.msk.f32 $0xffff, v8  }
0x5a8: {  	v8 =	vld [tilespmem:s9+$0x40];
	v10 =	vsel vm5, v10, v12;
	v15 =	vbroadcast v13, $0xF;
	v13, _, _ =	vpop (xrf0);
	(xrf0) =	vmin.scan.msk.f32 $0xffff, v9  }
0x5a9: {  	v9 =	vld [tilespmem:s9+$0x50];
	(xrf0) =	vmin.scan.msk.f32 $0xffff, v14;
	v10 =	vsel vm6, v10, v11;
	v16 =	vbroadcast v13, $0xF;
	v13, _, _ =	vpop (xrf0)  }
0x5aa: {  	v14 =	vld [tilespmem:s9+$0x60];
	(xrf0) =	vmin.scan.msk.f32 $0xffff, v5;
	v5 =	vsel vm7, v10, v15;
	v15 =	vbroadcast v13, $0xF;
	v12, _, _ =	vpop (xrf0)  }
0x5ab: {  	v13 =	vld [tilespmem:s9+$0x70];
	(xrf0) =	vmin.scan.msk.f32 $0xffff, v7;
	v5 =	vsel vm8, v5, v16;
	v7 =	vbroadcast v12, $0xF;
	v11, _, _ =	vpop (xrf0)  }
0x5ac: {  	v12 =	vld [tilespmem:s9+$0x80];
	(xrf0) =	vmin.scan.msk.f32 $0xffff, v6;
	v5 =	vsel vm9, v5, v15;
	v6 =	vbroadcast v11, $0xF;
	v10, _, _ =	vpop (xrf0)  }
0x5ad: {  	v11 =	vld [tilespmem:s9+$0x90];
	(xrf0) =	vmin.scan.msk.f32 $0xffff, v8;
	v5 =	vsel vm10, v5, v7;
	v7 =	vbroadcast v10, $0xF;
	v8, _, _ =	vpop (xrf0)  }
0x5ae: {  	v10 =	vld [tilespmem:s9+$0xA0];
	(xrf0) =	vmin.scan.msk.f32 $0xffff, v9;
	v5 =	vsel vm11, v5, v6;
	v6 =	vbroadcast v8, $0xF;
	v8, _, _ =	vpop (xrf0)  }
0x5af: {  	v9 =	vld [tilespmem:s9+$0xB0];
	v15, _, _ =	vpop (xrf0);
	(xrf0) =	vmin.scan.msk.f32 $0xffff, v14;
	v5 =	vsel vm12, v5, v7  }
0x5b0: {  	v7 =	vld [tilespmem:s9+$0xC0];
	v14, _, _ =	vpop (xrf0);
	(xrf0) =	vmin.scan.msk.f32 $0xffff, v13;
	v5 =	vsel vm13, v5, v6  }
0x5b1: {  	v6 =	vbroadcast v15, $0xF;
	v16 =	vbroadcast v14, $0xF;
	v14 =	vld [tilespmem:s9+$0xD0];
	v15, _, _ =	vpop (xrf0);
	(xrf0) =	vmin.scan.msk.f32 $0xffff, v12;
	v5 =	vsel vm14, v5, v8  }
0x5b2: {  	v8 =	vbroadcast v15, $0xF;
	v12 =	vld [tilespmem:s9+$0xE0];
	v15, _, _ =	vpop (xrf0);
	(xrf0) =	vmin.scan.msk.f32 $0xffff, v11;
	[tilespmem:s0+$0xFFFFFFF0] =	vst v5  }
0x5b3: {  	v5 =	vld [tilespmem:s9+$0xFFFFFF10];
	v6 =	vsel vm0, v6, v16;
	v11 =	vbroadcast v15, $0xF;
	v13, _, _ =	vpop (xrf0);
	(xrf0) =	vmin.scan.msk.f32 $0xffff, v10  }
0x5b4: {  	v10 =	vld [tilespmem:s9+$0xFFFFFF00];
	v6 =	vsel vm1, v6, v8;
	v8 =	vbroadcast v13, $0xF;
	v13, _, _ =	vpop (xrf0);
	(xrf0) =	vmin.scan.msk.f32 $0xffff, v9  }
0x5b5: {  	v6 =	vsel vm2, v6, v11;
	v9 =	vbroadcast v13, $0xF;
	v11 =	vld [tilespmem:s9+$0xF0];
	v13, _, _ =	vpop (xrf0);
	(xrf0) =	vmin.scan.msk.f32 $0xffff, v7  }
0x5b6: {  	v7 =	vld [tilespmem:s9+$0xFFFFFF20];
	v6 =	vsel vm3, v6, v8;
	v8 =	vbroadcast v13, $0xF;
	v13, _, _ =	vpop (xrf0);
	(xrf0) =	vmin.scan.msk.f32 $0xffff, v14  }
0x5b7: {  	v14 =	vld [tilespmem:s9+$0xFFFFFF30];
	v6 =	vsel vm4, v6, v9;
	v15 =	vbroadcast v13, $0xF;
	v13, _, _ =	vpop (xrf0);
	(xrf0) =	vmin.scan.msk.f32 $0xffff, v12  }
0x5b8: {  	v12 =	vld [tilespmem:s9+$0xFFFFFF40];
	v6 =	vsel vm5, v6, v8;
	v8 =	vbroadcast v13, $0xF;
	(xrf0) =	vmin.scan.msk.f32 $0xffff, v5;
	v5, _, _ =	vpop (xrf0)  }
0x5b9: {  	v13 =	vld [tilespmem:s9+$0xFFFFFF50];
	v6 =	vsel vm6, v6, v15;
	v5 =	vbroadcast v5, $0xF;
	(xrf0) =	vmin.scan.msk.f32 $0xffff, v10;
	v9, _, _ =	vpop (xrf0)  }
0x5ba: {  	v10 =	vld [tilespmem:s9+$0xFFFFFF60];
	v6 =	vsel vm7, v6, v8;
	v15 =	vbroadcast v9, $0xF;
	v9, _, _ =	vpop (xrf0);
	(xrf0) =	vmin.scan.msk.f32 $0xffff, v11  }
0x5bb: {  	v11 =	vld [tilespmem:s9+$0xFFFFFF70];
	v5 =	vsel vm8, v6, v5;
	v6 =	vbroadcast v9, $0xF;
	(xrf0) =	vmin.scan.msk.f32 $0xffff, v7;
	v7, _, _ =	vpop (xrf0)  }
0x5bc: {  	v9 =	vld [tilespmem:s9+$0xFFFFFF80];
	v17 =	vsel vm9, v5, v15;
	v18 =	vbroadcast v7, $0xF;
	(xrf0) =	vmin.scan.msk.f32 $0xffff, v14;
	v8, _, _ =	vpop (xrf0)  }
0x5bd: {  	v14 =	vld [tilespmem:s9+$0xFFFFFF90];
	v16 =	vsel vm10, v17, v6;
	v6 =	vbroadcast v8, $0xF;
	(xrf0) =	vmin.scan.msk.f32 $0xffff, v12;
	v8, _, _ =	vpop (xrf0)  }
0x5be: {  	v15 =	vld [tilespmem:s9+$0xFFFFFFA0];
	v16 =	vsel vm11, v16, v18;
	v17 =	vbroadcast v8, $0xF;
	v5, _, _ =	vpop (xrf0);
	(xrf0) =	vmin.scan.msk.f32 $0xffff, v13  }
.Ltmp5:
0x5bf: {  	v12 =	vbroadcast v5, $0xF;
	v5 =	vld [tilespmem:s9+$0xFFFFFFB0];
	v6 =	vsel vm12, v16, v6;
	v7, _, _ =	vpop (xrf0);
	(xrf0) =	vmin.scan.msk.f32 $0xffff, v10;
	(pc) =	sbr.rel @p1 .LBB2_12-.Ltmp5, $4  }
0x5c0: {  	v10 =	vbroadcast v7, $0xF;
	v7 =	vld [tilespmem:s9+$0xFFFFFFC0];
	v13 =	vsel vm13, v6, v17;
	(xrf0) =	vmin.scan.msk.f32 $0xffff, v11;
	v11, _, _ =	vpop (xrf0)  }
0x5c1: {  	s0 =	sadd.s32 $0x20, s0;
	v6 =	vld [tilespmem:s9+$0xFFFFFFD0];
	v11 =	vsel vm14, v13, v11;
	v8, _, _ =	vpop (xrf0);
	(xrf0) =	vmin.scan.msk.f32 $0xffff, v9  }
0x5c2: {  	v10 =	vsel vm0, v10, v12;
	v12 =	vbroadcast v8, $0xF;
	v8 =	vld [tilespmem:s9+$0xFFFFFFE0];
	[tilespmem:s0+$0x0] =	vst v11;
	v9, _, _ =	vpop (xrf0);
	(xrf0) =	vmin.scan.msk.f32 $0xffff, v14  }
0x5c3: {  	v11 =	vbroadcast v9, $0xF;
	v9 =	vld [tilespmem:s9+$0xFFFFFFF0];
	s9 =	sadd.s32 $0x200, s9;
	v13, _, _ =	vpop (xrf0);
	(xrf0) =	vmin.scan.msk.f32 $0xffff, v15  }
0x5c4: {  	v10 =	vsel vm1, v10, v12;
	v52 =	vbroadcast v13, $0xF;
	v53, _, _ =	vpop (xrf0);
	(xrf0) =	vmin.scan.msk.f32 $0xffff, v5  }
0x5c5: {  	v5 =	vsel vm2, v10, v11;
	v54 =	vbroadcast v53, $0xF;
	v55, _, _ =	vpop (xrf0);
	(xrf0) =	vmin.scan.msk.f32 $0xffff, v7  }
0x5c6: {  	v5 =	vsel vm3, v5, v52;
	v7 =	vbroadcast v55, $0xF;
	v56, _, _ =	vpop (xrf0);
	(xrf0) =	vmin.scan.msk.f32 $0xffff, v6  }
0x5c7: {  	v5 =	vsel vm4, v5, v54;
	v6 =	vbroadcast v56, $0xF;
	v57, _, _ =	vpop (xrf0)  }
0x5c8: {  	(xrf0) =	vmin.scan.msk.f32 $0xffff, v8;
	v5 =	vsel vm5, v5, v7;
	v7 =	vbroadcast v57, $0xF;
	v58, _, _ =	vpop (xrf0)  }
0x5c9: {  	v5 =	vsel vm6, v5, v6;
	v6 =	vbroadcast v58, $0xF;
	v59, _, _ =	vpop (xrf0)  }
0x5ca: {  	v5 =	vsel vm7, v5, v7;
	v7 =	vbroadcast v59, $0xF;
	v60, _, _ =	vpop (xrf0)  }
0x5cb: {  	(xrf0) =	vmin.scan.msk.f32 $0xffff, v9;
	v5 =	vsel vm8, v5, v6;
	v6 =	vbroadcast v60, $0xF;
	v61, _, _ =	vpop (xrf0)  }
0x5cc: {  	v5 =	vsel vm9, v5, v7;
	v62, _, _ =	vpop (xrf0)  }
0x5cd: {  	v7 =	vbroadcast v61, $0xF;
	v5 =	vsel vm10, v5, v6;
	v6 =	vbroadcast v62, $0xF  }
0x5ce: {  	v63, _, _ =	vpop (xrf0)  }
0x5cf: {  	v5 =	vsel vm11, v5, v7;
	v7 =	vbroadcast v63, $0xF  }
0x5d0: {  	v5 =	vsel vm12, v5, v6  }
0x5d1: {  	v5 =	vsel vm13, v5, v7;
	v6, _, _ =	vpop (xrf0)  }
0x5d2: {  	v5 =	vsel vm14, v5, v6  }
0x5d3: {  	s29 =	simm.s32 $0x16180;
	[tilespmem:s0+$0xFFFFFFF0] =	vst v5  }
0x5d4: {  	[spmem:s8] =	stream.strided.scatter [tilespmem:s29], [sflag:$0x1], $0x1000, s28, s21, $0x38;
	[tilespmem:$0x18580] =	vst v63  }
0x5d5: {  	_ =	swait.ge [sflag:s20], $0x1000  }
0x5d6: {  	[sflag:s20] =	ssyncset.done $0x0  }
0x5d7: {  	[sflag:s20] =	ssyncadd.s32 $0xFFFFF000  }
0x5d8: {  	[bflag:$0x0] =	sbarrier.arrive $0xFFFF  }
0x5d9: {  	s30 =	sld [smem:$0x7FC];
	_ =	sdelay $0x2  }
0x5da: {  	p1 =	seq.s32 s30, $0x1  }
.Ltmp6:
0x5db: {  	_ = 	snop;
	(pc) =	sbr.rel @p1 .LBB2_17-.Ltmp6, $1  }
0x5dc: {  	_ =	sdelay $0x3  }
0x5dd: {  	s1 =	simm.s32 $0x17180;
	s0 =	rddreg [dreg:$0x3]  }
0x5de: {  	[tilespmem:s1], [sflag:$0x1] =	stream.strided.gather [spmem:s0], $0x200, s28, s21, $0x38;
	[tilespmem:$0x18580] =	vst v63  }
0x5df: {  	s30 =	simm.s32 $0x0;
	_ =	swait.ge [sflag:s20], $0x200  }
0x5e0: {  	s9 =	sand.u32 $0x180, s30;
	[sflag:s20] =	ssyncset.done $0x0  }
0x5e1: {  	s0 =	sand.u32 $0x70, s30;
	s9 =	sadd.s32 s9, s10;
	[sflag:s20] =	ssyncadd.s32 $0xFFFFFE00  }
0x5e2: {  	s0 =	sadd.s32 s0, s9;
	v5 =	vld [tilespmem:s1+$0x0]  }
0x5e3: {  	v6 =	vld [tilespmem:s0+$0x0];
	_ =	sdelay $0x3  }
0x5e4: {  	s11 =	simm.s32 $0x10  }
0x5e5: {  	s12 =	sand.u32 $0x180, s11;
	s9 =	simm.s32 $0x20;
	s1 =	simm.s32 $0x17190;
	v5 =	vmin.f32 v6, v5  }
.LBB2_15:
0x5e6: {  	p1 =	sne.s32 s9, $0x1F0;
	s11 =	sand.u32 $0x70, s11;
	s12 =	sadd.s32 s12, s10;
	[tilespmem:s0+$0x0] =	vst v5  }
0x5e7: {  	s0 =	sadd.s32 s11, s12;
	v5 =	vld [tilespmem:s1+$0x0];
	s11 =	smov.u32 s9  }
0x5e8: {  	v6 =	vld [tilespmem:s0+$0x0]  }
.Ltmp7:
0x5e9: {  	(pc) =	sbr.rel @p1 .LBB2_15-.Ltmp7, $2  }
0x5ea: {  	_ =	sdelay $0x2  }
0x5eb: {  	s9 =	sadd.s32 $0x10, s9;
	s1 =	sadd.s32 $0x10, s1;
	s12 =	sand.u32 $0x180, s11;
	v5 =	vmin.f32 v6, v5  }
0x5ec: {  	s9 =	sand.u32 $0x70, s11;
	s29 =	sadd.s32 s12, s10;
	[tilespmem:s0+$0x0] =	vst v5  }
0x5ed: {  	s30 =	sadd.s32 s9, s29;
	v5 =	vld [tilespmem:s1+$0x0]  }
0x5ee: {  	v6 =	vld [tilespmem:s30+$0x0];
	_ =	sdelay $0x4  }
0x5ef: {  	v5 =	vmin.f32 v6, v5  }
0x5f0: {  	[tilespmem:s30+$0x0] =	vst v5  }
.LBB2_17:
0x5f1: {  	s0 =	sld [smem:$0x7FD];
	_ =	sdelay $0x2  }
0x5f2: {  	p1 =	seq.s32 s0, $0x1  }
.Ltmp8:
0x5f3: {  	_ = 	snop;
	(pc) =	sbr.rel @p1 .LBB2_21-.Ltmp8, $1  }
0x5f4: {  	_ =	sdelay $0x3  }
0x5f5: {  	s1 =	simm.s32 $0x17180;
	s0 =	rddreg [dreg:$0x4]  }
0x5f6: {  	[tilespmem:s1], [sflag:$0x1] =	stream.strided.gather [spmem:s0], $0x200, s28, s21, $0x38;
	[tilespmem:$0x18580] =	vst v63  }
0x5f7: {  	s30 =	simm.s32 $0x0;
	_ =	swait.ge [sflag:s20], $0x200  }
0x5f8: {  	s9 =	sand.u32 $0x180, s30;
	[sflag:s20] =	ssyncset.done $0x0  }
0x5f9: {  	s0 =	sand.u32 $0x70, s30;
	s9 =	sadd.s32 s9, s10;
	[sflag:s20] =	ssyncadd.s32 $0xFFFFFE00  }
0x5fa: {  	s0 =	sadd.s32 s0, s9;
	v5 =	vld [tilespmem:s1+$0x0]  }
0x5fb: {  	v6 =	vld [tilespmem:s0+$0x0];
	_ =	sdelay $0x3  }
0x5fc: {  	s11 =	simm.s32 $0x10  }
0x5fd: {  	s12 =	sand.u32 $0x180, s11;
	s9 =	simm.s32 $0x20;
	s1 =	simm.s32 $0x17190;
	v5 =	vmin.f32 v6, v5  }
.LBB2_19:
0x5fe: {  	p1 =	sne.s32 s9, $0x1F0;
	s11 =	sand.u32 $0x70, s11;
	s12 =	sadd.s32 s12, s10;
	[tilespmem:s0+$0x0] =	vst v5  }
0x5ff: {  	s0 =	sadd.s32 s11, s12;
	v5 =	vld [tilespmem:s1+$0x0];
	s11 =	smov.u32 s9  }
0x600: {  	v6 =	vld [tilespmem:s0+$0x0]  }
.Ltmp9:
0x601: {  	(pc) =	sbr.rel @p1 .LBB2_19-.Ltmp9, $2  }
0x602: {  	_ =	sdelay $0x2  }
0x603: {  	s9 =	sadd.s32 $0x10, s9;
	s1 =	sadd.s32 $0x10, s1;
	s12 =	sand.u32 $0x180, s11;
	v5 =	vmin.f32 v6, v5  }
0x604: {  	s9 =	sand.u32 $0x70, s11;
	s29 =	sadd.s32 s12, s10;
	[tilespmem:s0+$0x0] =	vst v5  }
0x605: {  	s30 =	sadd.s32 s9, s29;
	v5 =	vld [tilespmem:s1+$0x0]  }
0x606: {  	v6 =	vld [tilespmem:s30+$0x0];
	_ =	sdelay $0x4  }
0x607: {  	v5 =	vmin.f32 v6, v5  }
0x608: {  	[tilespmem:s30+$0x0] =	vst v5  }
.LBB2_21:
.Ltmp10:
0x609: {  	(pc) =	sbr.rel @p2 .LBB2_25-.Ltmp10, $1  }
0x60a: {  	_ =	sdelay $0x3  }
0x60b: {  	s1 =	simm.s32 $0x17180;
	s0 =	rddreg [dreg:$0x5]  }
0x60c: {  	[tilespmem:s1], [sflag:$0x1] =	stream.strided.gather [spmem:s0], $0x200, s28, s21, $0x38;
	[tilespmem:$0x18580] =	vst v63  }
0x60d: {  	s30 =	simm.s32 $0x0;
	_ =	swait.ge [sflag:s20], $0x200  }
0x60e: {  	s9 =	sand.u32 $0x180, s30;
	[sflag:s20] =	ssyncset.done $0x0  }
0x60f: {  	s0 =	sand.u32 $0x70, s30;
	s9 =	sadd.s32 s9, s10;
	[sflag:s20] =	ssyncadd.s32 $0xFFFFFE00  }
0x610: {  	s0 =	sadd.s32 s0, s9;
	v5 =	vld [tilespmem:s1+$0x0]  }
0x611: {  	v6 =	vld [tilespmem:s0+$0x0];
	_ =	sdelay $0x3  }
0x612: {  	s11 =	simm.s32 $0x10  }
0x613: {  	s12 =	sand.u32 $0x180, s11;
	s9 =	simm.s32 $0x20;
	s1 =	simm.s32 $0x17190;
	v5 =	vmin.f32 v6, v5  }
.LBB2_23:
0x614: {  	p1 =	sne.s32 s9, $0x1F0;
	s11 =	sand.u32 $0x70, s11;
	s12 =	sadd.s32 s12, s10;
	[tilespmem:s0+$0x0] =	vst v5  }
0x615: {  	s0 =	sadd.s32 s11, s12;
	v5 =	vld [tilespmem:s1+$0x0];
	s11 =	smov.u32 s9  }
0x616: {  	v6 =	vld [tilespmem:s0+$0x0]  }
.Ltmp11:
0x617: {  	(pc) =	sbr.rel @p1 .LBB2_23-.Ltmp11, $2  }
0x618: {  	_ =	sdelay $0x2  }
0x619: {  	s9 =	sadd.s32 $0x10, s9;
	s1 =	sadd.s32 $0x10, s1;
	s12 =	sand.u32 $0x180, s11;
	v5 =	vmin.f32 v6, v5  }
0x61a: {  	s9 =	sand.u32 $0x70, s11;
	s29 =	sadd.s32 s12, s10;
	[tilespmem:s0+$0x0] =	vst v5  }
0x61b: {  	s30 =	sadd.s32 s9, s29;
	v5 =	vld [tilespmem:s1+$0x0]  }
0x61c: {  	v6 =	vld [tilespmem:s30+$0x0];
	_ =	sdelay $0x4  }
0x61d: {  	v5 =	vmin.f32 v6, v5  }
0x61e: {  	[tilespmem:s30+$0x0] =	vst v5  }
.LBB2_25:
.Ltmp12:
0x61f: {  	(pc) =	sbr.rel @p3 .LBB2_29-.Ltmp12, $1  }
0x620: {  	_ =	sdelay $0x3  }
0x621: {  	s1 =	simm.s32 $0x17180;
	s0 =	rddreg [dreg:$0x6]  }
0x622: {  	[tilespmem:s1], [sflag:$0x1] =	stream.strided.gather [spmem:s0], $0x200, s28, s21, $0x38;
	[tilespmem:$0x18580] =	vst v63  }
0x623: {  	s30 =	simm.s32 $0x0;
	_ =	swait.ge [sflag:s20], $0x200  }
0x624: {  	s9 =	sand.u32 $0x180, s30;
	[sflag:s20] =	ssyncset.done $0x0  }
0x625: {  	s0 =	sand.u32 $0x70, s30;
	s9 =	sadd.s32 s9, s10;
	[sflag:s20] =	ssyncadd.s32 $0xFFFFFE00  }
0x626: {  	s0 =	sadd.s32 s0, s9;
	v5 =	vld [tilespmem:s1+$0x0]  }
0x627: {  	v6 =	vld [tilespmem:s0+$0x0];
	_ =	sdelay $0x3  }
0x628: {  	s11 =	simm.s32 $0x10  }
0x629: {  	s12 =	sand.u32 $0x180, s11;
	s9 =	simm.s32 $0x20;
	s1 =	simm.s32 $0x17190;
	v5 =	vmin.f32 v6, v5  }
.LBB2_27:
0x62a: {  	p1 =	sne.s32 s9, $0x1F0;
	s11 =	sand.u32 $0x70, s11;
	s12 =	sadd.s32 s12, s10;
	[tilespmem:s0+$0x0] =	vst v5  }
0x62b: {  	s0 =	sadd.s32 s11, s12;
	v5 =	vld [tilespmem:s1+$0x0];
	s11 =	smov.u32 s9  }
0x62c: {  	v6 =	vld [tilespmem:s0+$0x0]  }
.Ltmp13:
0x62d: {  	(pc) =	sbr.rel @p1 .LBB2_27-.Ltmp13, $2  }
0x62e: {  	_ =	sdelay $0x2  }
0x62f: {  	s9 =	sadd.s32 $0x10, s9;
	s1 =	sadd.s32 $0x10, s1;
	s12 =	sand.u32 $0x180, s11;
	v5 =	vmin.f32 v6, v5  }
0x630: {  	s9 =	sand.u32 $0x70, s11;
	s29 =	sadd.s32 s12, s10;
	[tilespmem:s0+$0x0] =	vst v5  }
0x631: {  	s30 =	sadd.s32 s9, s29;
	v5 =	vld [tilespmem:s1+$0x0]  }
0x632: {  	v6 =	vld [tilespmem:s30+$0x0];
	_ =	sdelay $0x4  }
0x633: {  	v5 =	vmin.f32 v6, v5  }
0x634: {  	[tilespmem:s30+$0x0] =	vst v5  }
.LBB2_29:
.Ltmp14:
0x635: {  	(pc) =	sbr.rel @p4 .LBB2_33-.Ltmp14, $1  }
0x636: {  	_ =	sdelay $0x3  }
0x637: {  	s1 =	simm.s32 $0x17180;
	s0 =	rddreg [dreg:$0x7]  }
0x638: {  	[tilespmem:s1], [sflag:$0x1] =	stream.strided.gather [spmem:s0], $0x200, s28, s21, $0x38;
	[tilespmem:$0x18580] =	vst v63  }
0x639: {  	s30 =	simm.s32 $0x0;
	_ =	swait.ge [sflag:s20], $0x200  }
0x63a: {  	s9 =	sand.u32 $0x180, s30;
	[sflag:s20] =	ssyncset.done $0x0  }
0x63b: {  	s0 =	sand.u32 $0x70, s30;
	s9 =	sadd.s32 s9, s10;
	[sflag:s20] =	ssyncadd.s32 $0xFFFFFE00  }
0x63c: {  	s0 =	sadd.s32 s0, s9;
	v5 =	vld [tilespmem:s1+$0x0]  }
0x63d: {  	v6 =	vld [tilespmem:s0+$0x0];
	_ =	sdelay $0x3  }
0x63e: {  	s11 =	simm.s32 $0x10  }
0x63f: {  	s12 =	sand.u32 $0x180, s11;
	s9 =	simm.s32 $0x20;
	s1 =	simm.s32 $0x17190;
	v5 =	vmin.f32 v6, v5  }
.LBB2_31:
0x640: {  	p1 =	sne.s32 s9, $0x1F0;
	s11 =	sand.u32 $0x70, s11;
	s12 =	sadd.s32 s12, s10;
	[tilespmem:s0+$0x0] =	vst v5  }
0x641: {  	s0 =	sadd.s32 s11, s12;
	v5 =	vld [tilespmem:s1+$0x0];
	s11 =	smov.u32 s9  }
0x642: {  	v6 =	vld [tilespmem:s0+$0x0]  }
.Ltmp15:
0x643: {  	(pc) =	sbr.rel @p1 .LBB2_31-.Ltmp15, $2  }
0x644: {  	_ =	sdelay $0x2  }
0x645: {  	s9 =	sadd.s32 $0x10, s9;
	s1 =	sadd.s32 $0x10, s1;
	s12 =	sand.u32 $0x180, s11;
	v5 =	vmin.f32 v6, v5  }
0x646: {  	s9 =	sand.u32 $0x70, s11;
	s29 =	sadd.s32 s12, s10;
	[tilespmem:s0+$0x0] =	vst v5  }
0x647: {  	s30 =	sadd.s32 s9, s29;
	v5 =	vld [tilespmem:s1+$0x0]  }
0x648: {  	v6 =	vld [tilespmem:s30+$0x0];
	_ =	sdelay $0x4  }
0x649: {  	v5 =	vmin.f32 v6, v5  }
0x64a: {  	[tilespmem:s30+$0x0] =	vst v5  }
.LBB2_33:
.Ltmp16:
0x64b: {  	(pc) =	sbr.rel @p5 .LBB2_37-.Ltmp16, $1  }
0x64c: {  	_ =	sdelay $0x3  }
0x64d: {  	s1 =	simm.s32 $0x17180;
	s0 =	rddreg [dreg:$0x8]  }
0x64e: {  	[tilespmem:s1], [sflag:$0x1] =	stream.strided.gather [spmem:s0], $0x200, s28, s21, $0x38;
	[tilespmem:$0x18580] =	vst v63  }
0x64f: {  	s30 =	simm.s32 $0x0;
	_ =	swait.ge [sflag:s20], $0x200  }
0x650: {  	s9 =	sand.u32 $0x180, s30;
	[sflag:s20] =	ssyncset.done $0x0  }
0x651: {  	s0 =	sand.u32 $0x70, s30;
	s9 =	sadd.s32 s9, s10;
	[sflag:s20] =	ssyncadd.s32 $0xFFFFFE00  }
0x652: {  	s0 =	sadd.s32 s0, s9;
	v5 =	vld [tilespmem:s1+$0x0]  }
0x653: {  	v6 =	vld [tilespmem:s0+$0x0];
	_ =	sdelay $0x3  }
0x654: {  	s11 =	simm.s32 $0x10  }
0x655: {  	s12 =	sand.u32 $0x180, s11;
	s9 =	simm.s32 $0x20;
	s1 =	simm.s32 $0x17190;
	v5 =	vmin.f32 v6, v5  }
.LBB2_35:
0x656: {  	p1 =	sne.s32 s9, $0x1F0;
	s11 =	sand.u32 $0x70, s11;
	s12 =	sadd.s32 s12, s10;
	[tilespmem:s0+$0x0] =	vst v5  }
0x657: {  	s0 =	sadd.s32 s11, s12;
	v5 =	vld [tilespmem:s1+$0x0];
	s11 =	smov.u32 s9  }
0x658: {  	v6 =	vld [tilespmem:s0+$0x0]  }
.Ltmp17:
0x659: {  	(pc) =	sbr.rel @p1 .LBB2_35-.Ltmp17, $2  }
0x65a: {  	_ =	sdelay $0x2  }
0x65b: {  	s9 =	sadd.s32 $0x10, s9;
	s1 =	sadd.s32 $0x10, s1;
	s12 =	sand.u32 $0x180, s11;
	v5 =	vmin.f32 v6, v5  }
0x65c: {  	s9 =	sand.u32 $0x70, s11;
	s29 =	sadd.s32 s12, s10;
	[tilespmem:s0+$0x0] =	vst v5  }
0x65d: {  	s30 =	sadd.s32 s9, s29;
	v5 =	vld [tilespmem:s1+$0x0]  }
0x65e: {  	v6 =	vld [tilespmem:s30+$0x0];
	_ =	sdelay $0x4  }
0x65f: {  	v5 =	vmin.f32 v6, v5  }
0x660: {  	[tilespmem:s30+$0x0] =	vst v5  }
.LBB2_37:
.Ltmp18:
0x661: {  	(pc) =	sbr.rel @p6 .LBB2_41-.Ltmp18, $1  }
0x662: {  	_ =	sdelay $0x3  }
0x663: {  	s1 =	simm.s32 $0x17180;
	s0 =	rddreg [dreg:$0x9]  }
0x664: {  	[tilespmem:s1], [sflag:$0x1] =	stream.strided.gather [spmem:s0], $0x200, s28, s21, $0x38;
	[tilespmem:$0x18580] =	vst v63  }
0x665: {  	s30 =	simm.s32 $0x0;
	_ =	swait.ge [sflag:s20], $0x200  }
0x666: {  	s9 =	sand.u32 $0x180, s30;
	[sflag:s20] =	ssyncset.done $0x0  }
0x667: {  	s0 =	sand.u32 $0x70, s30;
	s9 =	sadd.s32 s9, s10;
	[sflag:s20] =	ssyncadd.s32 $0xFFFFFE00  }
0x668: {  	s0 =	sadd.s32 s0, s9;
	v5 =	vld [tilespmem:s1+$0x0]  }
0x669: {  	v6 =	vld [tilespmem:s0+$0x0];
	_ =	sdelay $0x3  }
0x66a: {  	s11 =	simm.s32 $0x10  }
0x66b: {  	s12 =	sand.u32 $0x180, s11;
	s9 =	simm.s32 $0x20;
	s1 =	simm.s32 $0x17190;
	v5 =	vmin.f32 v6, v5  }
.LBB2_39:
0x66c: {  	p1 =	sne.s32 s9, $0x1F0;
	s11 =	sand.u32 $0x70, s11;
	s12 =	sadd.s32 s12, s10;
	[tilespmem:s0+$0x0] =	vst v5  }
0x66d: {  	s0 =	sadd.s32 s11, s12;
	v5 =	vld [tilespmem:s1+$0x0];
	s11 =	smov.u32 s9  }
0x66e: {  	v6 =	vld [tilespmem:s0+$0x0]  }
.Ltmp19:
0x66f: {  	(pc) =	sbr.rel @p1 .LBB2_39-.Ltmp19, $2  }
0x670: {  	_ =	sdelay $0x2  }
0x671: {  	s9 =	sadd.s32 $0x10, s9;
	s1 =	sadd.s32 $0x10, s1;
	s12 =	sand.u32 $0x180, s11;
	v5 =	vmin.f32 v6, v5  }
0x672: {  	s9 =	sand.u32 $0x70, s11;
	s29 =	sadd.s32 s12, s10;
	[tilespmem:s0+$0x0] =	vst v5  }
0x673: {  	s30 =	sadd.s32 s9, s29;
	v5 =	vld [tilespmem:s1+$0x0]  }
0x674: {  	v6 =	vld [tilespmem:s30+$0x0];
	_ =	sdelay $0x4  }
0x675: {  	v5 =	vmin.f32 v6, v5  }
0x676: {  	[tilespmem:s30+$0x0] =	vst v5  }
.LBB2_41:
.Ltmp20:
0x677: {  	(pc) =	sbr.rel @p0 .LBB2_45-.Ltmp20, $1  }
0x678: {  	_ =	sdelay $0x3  }
0x679: {  	s1 =	simm.s32 $0x17180;
	s0 =	rddreg [dreg:$0xa]  }
0x67a: {  	[tilespmem:s1], [sflag:$0x1] =	stream.strided.gather [spmem:s0], $0x200, s28, s21, $0x38;
	[tilespmem:$0x18580] =	vst v63  }
0x67b: {  	s30 =	simm.s32 $0x0;
	_ =	swait.ge [sflag:s20], $0x200  }
0x67c: {  	s9 =	sand.u32 $0x180, s30;
	[sflag:s20] =	ssyncset.done $0x0  }
0x67d: {  	s0 =	sand.u32 $0x70, s30;
	s9 =	sadd.s32 s9, s10;
	[sflag:s20] =	ssyncadd.s32 $0xFFFFFE00  }
0x67e: {  	s0 =	sadd.s32 s0, s9;
	v5 =	vld [tilespmem:s1+$0x0]  }
0x67f: {  	v6 =	vld [tilespmem:s0+$0x0];
	_ =	sdelay $0x3  }
0x680: {  	s11 =	simm.s32 $0x10  }
0x681: {  	s12 =	sand.u32 $0x180, s11;
	s9 =	simm.s32 $0x20;
	s1 =	simm.s32 $0x17190;
	v5 =	vmin.f32 v6, v5  }
.LBB2_43:
0x682: {  	p1 =	sne.s32 s9, $0x1F0;
	s11 =	sand.u32 $0x70, s11;
	s12 =	sadd.s32 s12, s10;
	[tilespmem:s0+$0x0] =	vst v5  }
0x683: {  	s0 =	sadd.s32 s11, s12;
	v5 =	vld [tilespmem:s1+$0x0];
	s11 =	smov.u32 s9  }
0x684: {  	v6 =	vld [tilespmem:s0+$0x0]  }
.Ltmp21:
0x685: {  	(pc) =	sbr.rel @p1 .LBB2_43-.Ltmp21, $2  }
0x686: {  	_ =	sdelay $0x2  }
0x687: {  	s9 =	sadd.s32 $0x10, s9;
	s1 =	sadd.s32 $0x10, s1;
	s12 =	sand.u32 $0x180, s11;
	v5 =	vmin.f32 v6, v5  }
0x688: {  	s9 =	sand.u32 $0x70, s11;
	s29 =	sadd.s32 s12, s10;
	[tilespmem:s0+$0x0] =	vst v5  }
0x689: {  	s30 =	sadd.s32 s9, s29;
	v5 =	vld [tilespmem:s1+$0x0]  }
0x68a: {  	v6 =	vld [tilespmem:s30+$0x0];
	_ =	sdelay $0x4  }
0x68b: {  	v5 =	vmin.f32 v6, v5  }
0x68c: {  	[tilespmem:s30+$0x0] =	vst v5  }
.LBB2_45:
0x68d: {  	_ =	sdelay $0x2  }
0x68e: {  	s1 =	simm.s32 $0x0  }
0x68f: {  	v7 =	vld.idx.msk [tilespmem:v2+s1+$0x0 ss:$0x1], $0xffff  }
0x690: {  	v6 =	vld.idx.msk [tilespmem:v0+s1+$0x0 ss:$0x1], $0xffff  }
0x691: {  	v5 =	vimm.f32 $0.0e+00;
	s0 =	simm.s32 $0x40;
	v8 =	vimm.f32 $0.0e+00  }
.LBB2_46:
0x692: {  	p1 =	sne.s32 s0, $0x7C0  }
.Ltmp22:
0x693: {  	s1 =	sshra.s32 s0, $0x2;
	s0 =	sadd.s32 $0x40, s0;
	(pc) =	sbr.rel @p1 .LBB2_46-.Ltmp22, $3  }
0x694: {  	v9 =	vmax.f32 v7, $0.0e+00;
	v7 =	vld.idx.msk [tilespmem:v2+s1+$0x0 ss:$0x1], $0xffff  }
0x695: {  	v9 =	vmul.f32 v9, v6;
	v5 =	vadd.f32 v6, v5;
	v6 =	vld.idx.msk [tilespmem:v0+s1+$0x0 ss:$0x1], $0xffff;
	_ =	sdelay $0x1  }
0x696: {  	v8 =	vadd.f32 v9, v8  }
0x697: {  	_ = 	snop  }
0x698: {  	v7 =	vmax.f32 v7, $0.0e+00  }
0x699: {  	v7 =	vmul.f32 v7, v6  }
0x69a: {  	[tilespmem:$0x18380] =	vst v4;
	v63 =	vadd.f32 v6, v5  }
0x69b: {  	[tilespmem:$0x18400] =	vst v3;
	s31 =	sadd.s32 $0x1, s31;
	v7 =	vadd.f32 v7, v8  }
0x69c: {  	p1 =	sne.s32 s31, s19;
	[tilespmem:$0x18500] =	vst v63  }
.Ltmp23:
0x69d: {  	s0 =	simm.s32 $0x18380;
	[tilespmem:$0x18480] =	vst v7;
	(pc) =	sbr.rel @p1 .LBB2_1-.Ltmp23, $4  }
0x69e: {  	[hbm4b:s18+s2] =	stream.linear.scatter [tilespmem:s0], [sflag:$0x1], $0x200, $0x38;
	[tilespmem:$0x18580] =	vst v63  }
0x69f: {  	_ =	swait.ge [sflag:s20], $0x200  }
0x6a0: {  	[sflag:s20] =	ssyncset.done $0x0  }
0x6a1: {  	[sflag:s20] =	ssyncadd.s32 $0xFFFFFE00  }
0x6a2: {  	_ =	sfence.sel $0x180000  }
0x6a3: {  	[bflag:$0x0] =	sbarrier.arrive $0xFFFF  }
0x6a4: {  	_ =	strace $0x90000047  }
0x6a5: {  	s0 =	stileid.u32;
	[bflag:$0x2] =	sbarrier.arrive $0xFFFF  }
0x6a6: {  	p0 =	sne.s32 s0, $0x0;
	s0 =	rddreg [dreg:$0x2]  }
0x6a7: {  	s0 =	sadd.s32 @!p0 $0x100000, s0  }
0x6a8: {  	[sflag:s0] =	ssyncadd.tile.s32 @!p0 $0x1;
	_ =	shalt  }
.Lfunc_end2:
_tile_overlayer_lowered:
.L_overlay_start_2:
0x6a9: {  	(tag) =	ssettag $0x2  }
0x6aa: {  	s0 =	rddreg [dreg:$0x0];
	s2 =	stileid.u32  }
0x6ab: {  	s1 =	rddreg [dreg:$0x1];
	p0 =	sne.s32 s2, $0x0  }
0x6ac: {  	s3 =	rddreg [dreg:$0x2];
	[bflag:$0x3] =	sbarrier.arrive $0xFFFF;
	s2 =	simm.s32 @!p0 $0x1C01  }
0x6ad: {  	[timem:s3], [sflag:s2] =	dma.local @!p0 [hbm:s0], s1  }
0x6ae: {  	s0 =	simm.s32 @!p0 $0x1  }
0x6af: {  	_ =	swait.ge @!p0 [sflag:s0], s1  }
0x6b0: {  	s1 =	ssub.s32 @!p0 $0x0, s1;
	[sflag:s0] =	ssyncset.done @!p0 $0x0  }
0x6b1: {  	[sflag:s0] =	ssyncadd.s32 @!p0 s1  }
0x6b2: {  	[bflag:$0x3] =	sbarrier.arrive $0xFFFF  }
0x6b3: {  	_ =	shalt  }

</sc_bundles>
